<compile_context>
chip_gen: v7x
topology: tpu7x:2x2x1
jax: 0.10.2.dev20260603
libtpu: 0.0.44.dev20260713+nightly
codegen_flags: <defaults>
</compile_context>

<pallas_src>
import jax
import jax.numpy as jnp
from jax import lax
from jax.experimental import pallas as pl
from jax.experimental.pallas import tpu as pltpu
from jax.experimental.pallas import tpu_sc as plsc

_NC = 2
_NS = 16
_NW = _NC * _NS
_L = 16
_D = 32
_B = 16384
_BPW = _B // _NW
_CH = 128
_NCH = _BPW // _CH
_GPC = _CH // _L
_CHD = _CH * _D


def _dot_body(p1_hbm, p2_hbm, Pf_hbm, Qf_hbm, out_hbm,
              idx1_v, idx2_v, ip_v, iq_v, pg_v, qg_v, out_v,
              semp0, semp1, semq0, semq1):
    wid = lax.axis_index("s") * _NC + lax.axis_index("c")
    base = wid * _BPW
    psems = (semp0, semp1)
    qsems = (semq0, semq1)

    pltpu.sync_copy(p1_hbm.at[pl.ds(base, _BPW)], idx1_v)
    pltpu.sync_copy(p2_hbm.at[pl.ds(base, _BPW)], idx2_v)

    def build(c):
        buf = c % 2

        def row(j, carry):
            for k in range(_GPC):
                sl = pl.ds(c * _CH + k * _L, _L)
                dst = pl.ds(j * _CH + k * _L, _L)
                ip_v[buf, dst] = idx1_v[sl] * _D + j
                iq_v[buf, dst] = idx2_v[sl] * _D + j
            return carry

        lax.fori_loop(0, _D, row, 0)

    def fire(c):
        buf = c % 2

        def row(j, carry):
            sl = pl.ds(j * _CH, _CH)
            pltpu.async_copy(Pf_hbm.at[ip_v.at[buf].at[sl]],
                             pg_v.at[buf].at[sl], psems[buf])
            pltpu.async_copy(Qf_hbm.at[iq_v.at[buf].at[sl]],
                             qg_v.at[buf].at[sl], qsems[buf])
            return carry

        lax.fori_loop(0, _D, row, 0)

    def drain(c):
        buf = c % 2
        pltpu.make_async_copy(Pf_hbm.at[pl.ds(0, _CHD)], pg_v.at[buf],
                              psems[buf]).wait()
        pltpu.make_async_copy(Qf_hbm.at[pl.ds(0, _CHD)], qg_v.at[buf],
                              qsems[buf]).wait()

    build(0)
    fire(0)
    build(1)
    fire(1)

    for c in range(_NCH):
        buf = c % 2
        drain(c)

        def group(g, carry):
            e0 = g * _L
            acc = pg_v[buf, pl.ds(e0, _L)] * qg_v[buf, pl.ds(e0, _L)]
            for j in range(1, _D):
                sl = pl.ds(j * _CH + e0, _L)
                acc = acc + pg_v[buf, sl] * qg_v[buf, sl]
            out_v[pl.ds(c * _CH + e0, _L)] = acc
            return carry

        lax.fori_loop(0, _GPC, group, 0)

        if c + 2 < _NCH:
            build(c + 2)
            fire(c + 2)

    pltpu.sync_copy(out_v, out_hbm.at[pl.ds(base, _BPW)])


def _bias_body(p1_hbm, p2_hbm, b1_hbm, b2_hbm, out_hbm,
               idx1_v, idx2_v, b1_v, b2_v, out_v, sem):
    wid = lax.axis_index("s") * _NC + lax.axis_index("c")
    nrow = _BPW // 128

    pltpu.sync_copy(p1_hbm.at[pl.ds(wid * nrow, nrow)], idx1_v)
    pltpu.sync_copy(p2_hbm.at[pl.ds(wid * nrow, nrow)], idx2_v)

    copies = []
    for c in range(nrow):
        sl = pl.ds(c * 128, 128)
        copies.append(pltpu.async_copy(b1_hbm.at[idx1_v.at[c]], b1_v.at[sl], sem))
        copies.append(pltpu.async_copy(b2_hbm.at[idx2_v.at[c]], b2_v.at[sl], sem))
    for cp in copies:
        cp.wait()

    for g in range(_BPW // _L):
        sl = pl.ds(g * _L, _L)
        out_v[sl] = b1_v[sl] + b2_v[sl]

    pltpu.sync_copy(out_v, out_hbm.at[pl.ds(wid * _BPW, _BPW)])


@jax.jit
def kernel(player1, player2, P, Q, player1_bias, player2_bias):
    p1 = player1.astype(jnp.int32)
    p2 = player2.astype(jnp.int32)
    b1 = player1_bias.reshape(-1)
    b2 = player2_bias.reshape(-1)
    mesh = plsc.VectorSubcoreMesh(core_axis_name="c", subcore_axis_name="s")

    dot_f = pl.kernel(
        _dot_body,
        out_type=jax.ShapeDtypeStruct((_B,), jnp.float32),
        mesh=mesh,
        compiler_params=pltpu.CompilerParams(
            needs_layout_passes=False, use_tc_tiling_on_sc=False),
        scratch_types=[
            pltpu.VMEM((_BPW,), jnp.int32),
            pltpu.VMEM((_BPW,), jnp.int32),
            pltpu.VMEM((2, _CHD), jnp.int32),
            pltpu.VMEM((2, _CHD), jnp.int32),
            pltpu.VMEM((2, _CHD), jnp.float32),
            pltpu.VMEM((2, _CHD), jnp.float32),
            pltpu.VMEM((_BPW,), jnp.float32),
            pltpu.SemaphoreType.DMA,
            pltpu.SemaphoreType.DMA,
            pltpu.SemaphoreType.DMA,
            pltpu.SemaphoreType.DMA,
        ],
    )

    bias_f = pl.kernel(
        _bias_body,
        out_type=jax.ShapeDtypeStruct((_B,), jnp.float32),
        mesh=mesh,
        compiler_params=pltpu.CompilerParams(
            needs_layout_passes=False, use_tc_tiling_on_sc=False),
        scratch_types=[
            pltpu.VMEM((_BPW // 128, 128), jnp.int32),
            pltpu.VMEM((_BPW // 128, 128), jnp.int32),
            pltpu.VMEM((_BPW,), jnp.float32),
            pltpu.VMEM((_BPW,), jnp.float32),
            pltpu.VMEM((_BPW,), jnp.float32),
            pltpu.SemaphoreType.DMA,
        ],
    )

    dots = dot_f(p1, p2, P.reshape(-1), Q.reshape(-1))
    biases = bias_f(p1.reshape(_NW * (_BPW // 128), 128),
                    p2.reshape(_NW * (_BPW // 128), 128), b1, b2)
    return dots + biases

# --- scband reference (transcript-rebuilt; emitter-appended) ---
"""Pipeline reference for scband-mf-89988154785841 (READ-ONLY COPY).

The authoritative reference and input builder live on the scoring server;
editing this copy changes nothing except your own understanding.
"""

import jax, jax.numpy as jnp
import numpy as np

NUM_FACTORS = 32
NUM_P1 = 1000000
NUM_P2 = 1000000
BATCH = 16384

def setup_inputs(seed: int = 0) -> dict:
    key = jax.random.key(seed)
    k1, k2, k3, k4, k5, k6 = jax.random.split(key, 6)
    player1 = jax.random.randint(k1, (BATCH,), 0, NUM_P1, dtype=jnp.int64 if jax.config.jax_enable_x64 else jnp.int32)
    player2 = jax.random.randint(k2, (BATCH,), 0, NUM_P2, dtype=jnp.int64 if jax.config.jax_enable_x64 else jnp.int32)
    P = jax.random.normal(k3, (NUM_P1, NUM_FACTORS), dtype=jnp.float32)
    Q = jax.random.normal(k4, (NUM_P2, NUM_FACTORS), dtype=jnp.float32)
    player1_bias = jax.random.normal(k5, (NUM_P1, 1), dtype=jnp.float32)
    player2_bias = jax.random.normal(k6, (NUM_P2, 1), dtype=jnp.float32)
    return {"player1": player1, "player2": player2, "P": P, "Q": Q, "player1_bias": player1_bias, "player2_bias": player2_bias}

def reference(player1, player2, P, Q, player1_bias, player2_bias):
    P_p1 = jnp.take(P, player1, axis=0)
    Q_p2 = jnp.take(Q, player2, axis=0)
    b_p1 = jnp.take(player1_bias, player1, axis=0)
    b_p2 = jnp.take(player2_bias, player2, axis=0)
    outputs = jnp.sum(P_p1 * Q_p2, axis=1) + jnp.squeeze(b_p1) + jnp.squeeze(b_p2)
    return outputs.flatten()

if __name__ == "__main__":
    import jax
    _d = setup_inputs()
    print(jax.jit(kernel)(*tuple(_d.values())))

</pallas_src>

<mosaic_0001>
#map = affine_map<(d0, d1) -> (0)>
module attributes {stable_mosaic.version = 14 : i64} {
  func.func @_dot_body(%arg0: i32, %arg1: i32, %arg2: memref<16384xi32, #tpu.memory_space<hbm>>, %arg3: memref<16384xi32, #tpu.memory_space<hbm>>, %arg4: memref<32000000xf32, #tpu.memory_space<hbm>>, %arg5: memref<32000000xf32, #tpu.memory_space<hbm>>, %arg6: memref<16384xf32, #tpu.memory_space<hbm>>, %arg7: memref<512xi32, #tpu.memory_space<vmem>>, %arg8: memref<512xi32, #tpu.memory_space<vmem>>, %arg9: memref<2x4096xi32, #tpu.memory_space<vmem>>, %arg10: memref<2x4096xi32, #tpu.memory_space<vmem>>, %arg11: memref<2x4096xf32, #tpu.memory_space<vmem>>, %arg12: memref<2x4096xf32, #tpu.memory_space<vmem>>, %arg13: memref<512xf32, #tpu.memory_space<vmem>>, %arg14: memref<!tpu.dma_semaphore, #tpu.memory_space<semaphore_mem>>, %arg15: memref<!tpu.dma_semaphore, #tpu.memory_space<semaphore_mem>>, %arg16: memref<!tpu.dma_semaphore, #tpu.memory_space<semaphore_mem>>, %arg17: memref<!tpu.dma_semaphore, #tpu.memory_space<semaphore_mem>>) attributes {dimension_semantics = [#tpu.dimension_semantics<core_parallel>, #tpu.dimension_semantics<subcore_parallel>], iteration_bounds = array<i64: 2, 16>, scalar_prefetch = 0 : i64, scratch_operands = 11 : i64, tpu.core_type = #tpu.core_type<sc_vector_subcore>, window_params = [{transform_indices = #map}, {transform_indices = #map}, {transform_indices = #map}, {transform_indices = #map}, {transform_indices = #map}]} {
    %mul3A = arith.constant 2 : i32
    %mul3A_0 = arith.muli %arg1, %mul3A : i32
    %add3A = arith.addi %mul3A_0, %arg0 : i32
    %mul3A_1 = arith.constant 512 : i32
    %mul3A_2 = arith.muli %add3A, %mul3A_1 : i32
    "tpu.region"() ({
      %run_scoped3A = tpu.sem_alloc : memref<!tpu.dma_semaphore, #tpu.memory_space<semaphore_mem>>
      %dma_start3A = tpu.memref_slice %arg2[%mul3A_2] : memref<16384xi32, #tpu.memory_space<hbm>> -> memref<512xi32, #tpu.memory_space<hbm>>
      %dma_start3A_161 = tpu.memref_slice %arg2[%mul3A_2] : memref<16384xi32, #tpu.memory_space<hbm>> -> memref<512xi32, #tpu.memory_space<hbm>>
      tpu.enqueue_dma source(%dma_start3A_161 : memref<512xi32, #tpu.memory_space<hbm>>) target(%arg7 : memref<512xi32, #tpu.memory_space<vmem>>) target_semaphore(%run_scoped3A : memref<!tpu.dma_semaphore, #tpu.memory_space<semaphore_mem>>)
      %dma_wait3A_162 = tpu.memref_slice %arg2[%mul3A_2] : memref<16384xi32, #tpu.memory_space<hbm>> -> memref<512xi32, #tpu.memory_space<hbm>>
      %dma_wait3A_163 = tpu.memref_slice %arg2[%mul3A_2] : memref<16384xi32, #tpu.memory_space<hbm>> -> memref<512xi32, #tpu.memory_space<hbm>>
      tpu.wait_dma2 semaphore(%run_scoped3A : memref<!tpu.dma_semaphore, #tpu.memory_space<semaphore_mem>>) src(%dma_wait3A_163 : memref<512xi32, #tpu.memory_space<hbm>>) dst(%arg7 : memref<512xi32, #tpu.memory_space<vmem>>)
      tpu.yield
    }) : () -> ()
    "tpu.region"() ({
      %run_scoped3A = tpu.sem_alloc : memref<!tpu.dma_semaphore, #tpu.memory_space<semaphore_mem>>
      %dma_start3A = tpu.memref_slice %arg3[%mul3A_2] : memref<16384xi32, #tpu.memory_space<hbm>> -> memref<512xi32, #tpu.memory_space<hbm>>
      %dma_start3A_161 = tpu.memref_slice %arg3[%mul3A_2] : memref<16384xi32, #tpu.memory_space<hbm>> -> memref<512xi32, #tpu.memory_space<hbm>>
      tpu.enqueue_dma source(%dma_start3A_161 : memref<512xi32, #tpu.memory_space<hbm>>) target(%arg8 : memref<512xi32, #tpu.memory_space<vmem>>) target_semaphore(%run_scoped3A : memref<!tpu.dma_semaphore, #tpu.memory_space<semaphore_mem>>)
      %dma_wait3A_162 = tpu.memref_slice %arg3[%mul3A_2] : memref<16384xi32, #tpu.memory_space<hbm>> -> memref<512xi32, #tpu.memory_space<hbm>>
      %dma_wait3A_163 = tpu.memref_slice %arg3[%mul3A_2] : memref<16384xi32, #tpu.memory_space<hbm>> -> memref<512xi32, #tpu.memory_space<hbm>>
      tpu.wait_dma2 semaphore(%run_scoped3A : memref<!tpu.dma_semaphore, #tpu.memory_space<semaphore_mem>>) src(%dma_wait3A_163 : memref<512xi32, #tpu.memory_space<hbm>>) dst(%arg8 : memref<512xi32, #tpu.memory_space<vmem>>)
      tpu.yield
    }) : () -> ()
    %scan3A = arith.constant 0 : i32
    %scan3A_3 = arith.constant 0 : i32
    %scan3A_4 = arith.constant 32 : i32
    %scan3A_5 = arith.addi %scan3A_3, %scan3A_4 : i32
    %scan3A_6 = arith.constant 1 : i32
    scf.for %scan3A_161 = %scan3A_3 to %scan3A_5 step %scan3A_6  : i32 {
      %mul3A_162 = arith.constant 128 : i32
      %mul3A_163 = arith.muli %scan3A_161, %mul3A_162 : i32
      %add3A_164 = arith.constant 0 : i32
      %add3A_165 = arith.addi %mul3A_163, %add3A_164 : i32
      %get3A = arith.constant 0 : index
      %get3A_166 = tpu.vector_load %arg7[%get3A] {strides = array<i32>} : memref<512xi32, #tpu.memory_space<vmem>>, vector<16xi32>,
      %mul3A_167 = arith.constant 32 : i32
      %mul3A_168 = vector.broadcast %mul3A_167 : i32 to vector<16xi32>
      %mul3A_169 = arith.muli %get3A_166, %mul3A_168 : vector<16xi32>
      %add3A_170 = vector.broadcast %scan3A_161 : i32 to vector<16xi32>
      %add3A_171 = arith.addi %mul3A_169, %add3A_170 : vector<16xi32>
      %swap3A = arith.constant 0 : i32
      %swap3A_172 = arith.index_cast %swap3A : i32 to index
      %swap3A_173 = arith.index_cast %add3A_165 : i32 to index
      %swap3A_174 = tpu.vector_load %arg9[%swap3A_172, %swap3A_173] {strides = array<i32>} : memref<2x4096xi32, #tpu.memory_space<vmem>>, vector<16xi32>,
      tpu.vector_store %arg9[%swap3A_172, %swap3A_173], %add3A_171 {strides = array<i32>} : memref<2x4096xi32, #tpu.memory_space<vmem>>, vector<16xi32>,
      %get3A_175 = arith.constant 0 : index
      %get3A_176 = tpu.vector_load %arg8[%get3A_175] {strides = array<i32>} : memref<512xi32, #tpu.memory_space<vmem>>, vector<16xi32>,
      %mul3A_177 = arith.constant 32 : i32
      %mul3A_178 = vector.broadcast %mul3A_177 : i32 to vector<16xi32>
      %mul3A_179 = arith.muli %get3A_176, %mul3A_178 : vector<16xi32>
      %add3A_180 = vector.broadcast %scan3A_161 : i32 to vector<16xi32>
      %add3A_181 = arith.addi %mul3A_179, %add3A_180 : vector<16xi32>
      %swap3A_182 = arith.constant 0 : i32
      %swap3A_183 = arith.index_cast %swap3A_182 : i32 to index
      %swap3A_184 = arith.index_cast %add3A_165 : i32 to index
      %swap3A_185 = tpu.vector_load %arg10[%swap3A_183, %swap3A_184] {strides = array<i32>} : memref<2x4096xi32, #tpu.memory_space<vmem>>, vector<16xi32>,
      tpu.vector_store %arg10[%swap3A_183, %swap3A_184], %add3A_181 {strides = array<i32>} : memref<2x4096xi32, #tpu.memory_space<vmem>>, vector<16xi32>,
      %mul3A_186 = arith.constant 128 : i32
      %mul3A_187 = arith.muli %scan3A_161, %mul3A_186 : i32
      %add3A_188 = arith.constant 16 : i32
      %add3A_189 = arith.addi %mul3A_187, %add3A_188 : i32
      %get3A_190 = arith.constant 16 : index
      %get3A_191 = tpu.vector_load %arg7[%get3A_190] {strides = array<i32>} : memref<512xi32, #tpu.memory_space<vmem>>, vector<16xi32>,
      %mul3A_192 = arith.constant 32 : i32
      %mul3A_193 = vector.broadcast %mul3A_192 : i32 to vector<16xi32>
      %mul3A_194 = arith.muli %get3A_191, %mul3A_193 : vector<16xi32>
      %add3A_195 = vector.broadcast %scan3A_161 : i32 to vector<16xi32>
      %add3A_196 = arith.addi %mul3A_194, %add3A_195 : vector<16xi32>
      %swap3A_197 = arith.constant 0 : i32
      %swap3A_198 = arith.index_cast %swap3A_197 : i32 to index
      %swap3A_199 = arith.index_cast %add3A_189 : i32 to index
      %swap3A_200 = tpu.vector_load %arg9[%swap3A_198, %swap3A_199] {strides = array<i32>} : memref<2x4096xi32, #tpu.memory_space<vmem>>, vector<16xi32>,
      tpu.vector_store %arg9[%swap3A_198, %swap3A_199], %add3A_196 {strides = array<i32>} : memref<2x4096xi32, #tpu.memory_space<vmem>>, vector<16xi32>,
      %get3A_201 = arith.constant 16 : index
      %get3A_202 = tpu.vector_load %arg8[%get3A_201] {strides = array<i32>} : memref<512xi32, #tpu.memory_space<vmem>>, vector<16xi32>,
      %mul3A_203 = arith.constant 32 : i32
      %mul3A_204 = vector.broadcast %mul3A_203 : i32 to vector<16xi32>
      %mul3A_205 = arith.muli %get3A_202, %mul3A_204 : vector<16xi32>
      %add3A_206 = vector.broadcast %scan3A_161 : i32 to vector<16xi32>
      %add3A_207 = arith.addi %mul3A_205, %add3A_206 : vector<16xi32>
      %swap3A_208 = arith.constant 0 : i32
      %swap3A_209 = arith.index_cast %swap3A_208 : i32 to index
      %swap3A_210 = arith.index_cast %add3A_189 : i32 to index
      %swap3A_211 = tpu.vector_load %arg10[%swap3A_209, %swap3A_210] {strides = array<i32>} : memref<2x4096xi32, #tpu.memory_space<vmem>>, vector<16xi32>,
      tpu.vector_store %arg10[%swap3A_209, %swap3A_210], %add3A_207 {strides = array<i32>} : memref<2x4096xi32, #tpu.memory_space<vmem>>, vector<16xi32>,
      %mul3A_212 = arith.constant 128 : i32
      %mul3A_213 = arith.muli %scan3A_161, %mul3A_212 : i32
      %add3A_214 = arith.constant 32 : i32
      %add3A_215 = arith.addi %mul3A_213, %add3A_214 : i32
      %get3A_216 = arith.constant 32 : index
      %get3A_217 = tpu.vector_load %arg7[%get3A_216] {strides = array<i32>} : memref<512xi32, #tpu.memory_space<vmem>>, vector<16xi32>,
      %mul3A_218 = arith.constant 32 : i32
      %mul3A_219 = vector.broadcast %mul3A_218 : i32 to vector<16xi32>
      %mul3A_220 = arith.muli %get3A_217, %mul3A_219 : vector<16xi32>
      %add3A_221 = vector.broadcast %scan3A_161 : i32 to vector<16xi32>
      %add3A_222 = arith.addi %mul3A_220, %add3A_221 : vector<16xi32>
      %swap3A_223 = arith.constant 0 : i32
      %swap3A_224 = arith.index_cast %swap3A_223 : i32 to index
      %swap3A_225 = arith.index_cast %add3A_215 : i32 to index
      %swap3A_226 = tpu.vector_load %arg9[%swap3A_224, %swap3A_225] {strides = array<i32>} : memref<2x4096xi32, #tpu.memory_space<vmem>>, vector<16xi32>,
      tpu.vector_store %arg9[%swap3A_224, %swap3A_225], %add3A_222 {strides = array<i32>} : memref<2x4096xi32, #tpu.memory_space<vmem>>, vector<16xi32>,
      %get3A_227 = arith.constant 32 : index
      %get3A_228 = tpu.vector_load %arg8[%get3A_227] {strides = array<i32>} : memref<512xi32, #tpu.memory_space<vmem>>, vector<16xi32>,
      %mul3A_229 = arith.constant 32 : i32
      %mul3A_230 = vector.broadcast %mul3A_229 : i32 to vector<16xi32>
      %mul3A_231 = arith.muli %get3A_228, %mul3A_230 : vector<16xi32>
      %add3A_232 = vector.broadcast %scan3A_161 : i32 to vector<16xi32>
      %add3A_233 = arith.addi %mul3A_231, %add3A_232 : vector<16xi32>
      %swap3A_234 = arith.constant 0 : i32
      %swap3A_235 = arith.index_cast %swap3A_234 : i32 to index
      %swap3A_236 = arith.index_cast %add3A_215 : i32 to index
      %swap3A_237 = tpu.vector_load %arg10[%swap3A_235, %swap3A_236] {strides = array<i32>} : memref<2x4096xi32, #tpu.memory_space<vmem>>, vector<16xi32>,
      tpu.vector_store %arg10[%swap3A_235, %swap3A_236], %add3A_233 {strides = array<i32>} : memref<2x4096xi32, #tpu.memory_space<vmem>>, vector<16xi32>,
      %mul3A_238 = arith.constant 128 : i32
      %mul3A_239 = arith.muli %scan3A_161, %mul3A_238 : i32
      %add3A_240 = arith.constant 48 : i32
      %add3A_241 = arith.addi %mul3A_239, %add3A_240 : i32
      %get3A_242 = arith.constant 48 : index
      %get3A_243 = tpu.vector_load %arg7[%get3A_242] {strides = array<i32>} : memref<512xi32, #tpu.memory_space<vmem>>, vector<16xi32>,
      %mul3A_244 = arith.constant 32 : i32
      %mul3A_245 = vector.broadcast %mul3A_244 : i32 to vector<16xi32>
      %mul3A_246 = arith.muli %get3A_243, %mul3A_245 : vector<16xi32>
      %add3A_247 = vector.broadcast %scan3A_161 : i32 to vector<16xi32>
      %add3A_248 = arith.addi %mul3A_246, %add3A_247 : vector<16xi32>
      %swap3A_249 = arith.constant 0 : i32
      %swap3A_250 = arith.index_cast %swap3A_249 : i32 to index
      %swap3A_251 = arith.index_cast %add3A_241 : i32 to index
      %swap3A_252 = tpu.vector_load %arg9[%swap3A_250, %swap3A_251] {strides = array<i32>} : memref<2x4096xi32, #tpu.memory_space<vmem>>, vector<16xi32>,
      tpu.vector_store %arg9[%swap3A_250, %swap3A_251], %add3A_248 {strides = array<i32>} : memref<2x4096xi32, #tpu.memory_space<vmem>>, vector<16xi32>,
      %get3A_253 = arith.constant 48 : index
      %get3A_254 = tpu.vector_load %arg8[%get3A_253] {strides = array<i32>} : memref<512xi32, #tpu.memory_space<vmem>>, vector<16xi32>,
      %mul3A_255 = arith.constant 32 : i32
      %mul3A_256 = vector.broadcast %mul3A_255 : i32 to vector<16xi32>
      %mul3A_257 = arith.muli %get3A_254, %mul3A_256 : vector<16xi32>
      %add3A_258 = vector.broadcast %scan3A_161 : i32 to vector<16xi32>
      %add3A_259 = arith.addi %mul3A_257, %add3A_258 : vector<16xi32>
      %swap3A_260 = arith.constant 0 : i32
      %swap3A_261 = arith.index_cast %swap3A_260 : i32 to index
      %swap3A_262 = arith.index_cast %add3A_241 : i32 to index
      %swap3A_263 = tpu.vector_load %arg10[%swap3A_261, %swap3A_262] {strides = array<i32>} : memref<2x4096xi32, #tpu.memory_space<vmem>>, vector<16xi32>,
      tpu.vector_store %arg10[%swap3A_261, %swap3A_262], %add3A_259 {strides = array<i32>} : memref<2x4096xi32, #tpu.memory_space<vmem>>, vector<16xi32>,
      %mul3A_264 = arith.constant 128 : i32
      %mul3A_265 = arith.muli %scan3A_161, %mul3A_264 : i32
      %add3A_266 = arith.constant 64 : i32
      %add3A_267 = arith.addi %mul3A_265, %add3A_266 : i32
      %get3A_268 = arith.constant 64 : index
      %get3A_269 = tpu.vector_load %arg7[%get3A_268] {strides = array<i32>} : memref<512xi32, #tpu.memory_space<vmem>>, vector<16xi32>,
      %mul3A_270 = arith.constant 32 : i32
      %mul3A_271 = vector.broadcast %mul3A_270 : i32 to vector<16xi32>
      %mul3A_272 = arith.muli %get3A_269, %mul3A_271 : vector<16xi32>
      %add3A_273 = vector.broadcast %scan3A_161 : i32 to vector<16xi32>
      %add3A_274 = arith.addi %mul3A_272, %add3A_273 : vector<16xi32>
      %swap3A_275 = arith.constant 0 : i32
      %swap3A_276 = arith.index_cast %swap3A_275 : i32 to index
      %swap3A_277 = arith.index_cast %add3A_267 : i32 to index
      %swap3A_278 = tpu.vector_load %arg9[%swap3A_276, %swap3A_277] {strides = array<i32>} : memref<2x4096xi32, #tpu.memory_space<vmem>>, vector<16xi32>,
      tpu.vector_store %arg9[%swap3A_276, %swap3A_277], %add3A_274 {strides = array<i32>} : memref<2x4096xi32, #tpu.memory_space<vmem>>, vector<16xi32>,
      %get3A_279 = arith.constant 64 : index
      %get3A_280 = tpu.vector_load %arg8[%get3A_279] {strides = array<i32>} : memref<512xi32, #tpu.memory_space<vmem>>, vector<16xi32>,
      %mul3A_281 = arith.constant 32 : i32
      %mul3A_282 = vector.broadcast %mul3A_281 : i32 to vector<16xi32>
      %mul3A_283 = arith.muli %get3A_280, %mul3A_282 : vector<16xi32>
      %add3A_284 = vector.broadcast %scan3A_161 : i32 to vector<16xi32>
      %add3A_285 = arith.addi %mul3A_283, %add3A_284 : vector<16xi32>
      %swap3A_286 = arith.constant 0 : i32
      %swap3A_287 = arith.index_cast %swap3A_286 : i32 to index
      %swap3A_288 = arith.index_cast %add3A_267 : i32 to index
      %swap3A_289 = tpu.vector_load %arg10[%swap3A_287, %swap3A_288] {strides = array<i32>} : memref<2x4096xi32, #tpu.memory_space<vmem>>, vector<16xi32>,
      tpu.vector_store %arg10[%swap3A_287, %swap3A_288], %add3A_285 {strides = array<i32>} : memref<2x4096xi32, #tpu.memory_space<vmem>>, vector<16xi32>,
      %mul3A_290 = arith.constant 128 : i32
      %mul3A_291 = arith.muli %scan3A_161, %mul3A_290 : i32
      %add3A_292 = arith.constant 80 : i32
      %add3A_293 = arith.addi %mul3A_291, %add3A_292 : i32
      %get3A_294 = arith.constant 80 : index
      %get3A_295 = tpu.vector_load %arg7[%get3A_294] {strides = array<i32>} : memref<512xi32, #tpu.memory_space<vmem>>, vector<16xi32>,
      %mul3A_296 = arith.constant 32 : i32
      %mul3A_297 = vector.broadcast %mul3A_296 : i32 to vector<16xi32>
      %mul3A_298 = arith.muli %get3A_295, %mul3A_297 : vector<16xi32>
      %add3A_299 = vector.broadcast %scan3A_161 : i32 to vector<16xi32>
      %add3A_300 = arith.addi %mul3A_298, %add3A_299 : vector<16xi32>
      %swap3A_301 = arith.constant 0 : i32
      %swap3A_302 = arith.index_cast %swap3A_301 : i32 to index
      %swap3A_303 = arith.index_cast %add3A_293 : i32 to index
      %swap3A_304 = tpu.vector_load %arg9[%swap3A_302, %swap3A_303] {strides = array<i32>} : memref<2x4096xi32, #tpu.memory_space<vmem>>, vector<16xi32>,
      tpu.vector_store %arg9[%swap3A_302, %swap3A_303], %add3A_300 {strides = array<i32>} : memref<2x4096xi32, #tpu.memory_space<vmem>>, vector<16xi32>,
      %get3A_305 = arith.constant 80 : index
      %get3A_306 = tpu.vector_load %arg8[%get3A_305] {strides = array<i32>} : memref<512xi32, #tpu.memory_space<vmem>>, vector<16xi32>,
      %mul3A_307 = arith.constant 32 : i32
      %mul3A_308 = vector.broadcast %mul3A_307 : i32 to vector<16xi32>
      %mul3A_309 = arith.muli %get3A_306, %mul3A_308 : vector<16xi32>
      %add3A_310 = vector.broadcast %scan3A_161 : i32 to vector<16xi32>
      %add3A_311 = arith.addi %mul3A_309, %add3A_310 : vector<16xi32>
      %swap3A_312 = arith.constant 0 : i32
      %swap3A_313 = arith.index_cast %swap3A_312 : i32 to index
      %swap3A_314 = arith.index_cast %add3A_293 : i32 to index
      %swap3A_315 = tpu.vector_load %arg10[%swap3A_313, %swap3A_314] {strides = array<i32>} : memref<2x4096xi32, #tpu.memory_space<vmem>>, vector<16xi32>,
      tpu.vector_store %arg10[%swap3A_313, %swap3A_314], %add3A_311 {strides = array<i32>} : memref<2x4096xi32, #tpu.memory_space<vmem>>, vector<16xi32>,
      %mul3A_316 = arith.constant 128 : i32
      %mul3A_317 = arith.muli %scan3A_161, %mul3A_316 : i32
      %add3A_318 = arith.constant 96 : i32
      %add3A_319 = arith.addi %mul3A_317, %add3A_318 : i32
      %get3A_320 = arith.constant 96 : index
      %get3A_321 = tpu.vector_load %arg7[%get3A_320] {strides = array<i32>} : memref<512xi32, #tpu.memory_space<vmem>>, vector<16xi32>,
      %mul3A_322 = arith.constant 32 : i32
      %mul3A_323 = vector.broadcast %mul3A_322 : i32 to vector<16xi32>
      %mul3A_324 = arith.muli %get3A_321, %mul3A_323 : vector<16xi32>
      %add3A_325 = vector.broadcast %scan3A_161 : i32 to vector<16xi32>
      %add3A_326 = arith.addi %mul3A_324, %add3A_325 : vector<16xi32>
      %swap3A_327 = arith.constant 0 : i32
      %swap3A_328 = arith.index_cast %swap3A_327 : i32 to index
      %swap3A_329 = arith.index_cast %add3A_319 : i32 to index
      %swap3A_330 = tpu.vector_load %arg9[%swap3A_328, %swap3A_329] {strides = array<i32>} : memref<2x4096xi32, #tpu.memory_space<vmem>>, vector<16xi32>,
      tpu.vector_store %arg9[%swap3A_328, %swap3A_329], %add3A_326 {strides = array<i32>} : memref<2x4096xi32, #tpu.memory_space<vmem>>, vector<16xi32>,
      %get3A_331 = arith.constant 96 : index
      %get3A_332 = tpu.vector_load %arg8[%get3A_331] {strides = array<i32>} : memref<512xi32, #tpu.memory_space<vmem>>, vector<16xi32>,
      %mul3A_333 = arith.constant 32 : i32
      %mul3A_334 = vector.broadcast %mul3A_333 : i32 to vector<16xi32>
      %mul3A_335 = arith.muli %get3A_332, %mul3A_334 : vector<16xi32>
      %add3A_336 = vector.broadcast %scan3A_161 : i32 to vector<16xi32>
      %add3A_337 = arith.addi %mul3A_335, %add3A_336 : vector<16xi32>
      %swap3A_338 = arith.constant 0 : i32
      %swap3A_339 = arith.index_cast %swap3A_338 : i32 to index
      %swap3A_340 = arith.index_cast %add3A_319 : i32 to index
      %swap3A_341 = tpu.vector_load %arg10[%swap3A_339, %swap3A_340] {strides = array<i32>} : memref<2x4096xi32, #tpu.memory_space<vmem>>, vector<16xi32>,
      tpu.vector_store %arg10[%swap3A_339, %swap3A_340], %add3A_337 {strides = array<i32>} : memref<2x4096xi32, #tpu.memory_space<vmem>>, vector<16xi32>,
      %mul3A_342 = arith.constant 128 : i32
      %mul3A_343 = arith.muli %scan3A_161, %mul3A_342 : i32
      %add3A_344 = arith.constant 112 : i32
      %add3A_345 = arith.addi %mul3A_343, %add3A_344 : i32
      %get3A_346 = arith.constant 112 : index
      %get3A_347 = tpu.vector_load %arg7[%get3A_346] {strides = array<i32>} : memref<512xi32, #tpu.memory_space<vmem>>, vector<16xi32>,
      %mul3A_348 = arith.constant 32 : i32
      %mul3A_349 = vector.broadcast %mul3A_348 : i32 to vector<16xi32>
      %mul3A_350 = arith.muli %get3A_347, %mul3A_349 : vector<16xi32>
      %add3A_351 = vector.broadcast %scan3A_161 : i32 to vector<16xi32>
      %add3A_352 = arith.addi %mul3A_350, %add3A_351 : vector<16xi32>
      %swap3A_353 = arith.constant 0 : i32
      %swap3A_354 = arith.index_cast %swap3A_353 : i32 to index
      %swap3A_355 = arith.index_cast %add3A_345 : i32 to index
      %swap3A_356 = tpu.vector_load %arg9[%swap3A_354, %swap3A_355] {strides = array<i32>} : memref<2x4096xi32, #tpu.memory_space<vmem>>, vector<16xi32>,
      tpu.vector_store %arg9[%swap3A_354, %swap3A_355], %add3A_352 {strides = array<i32>} : memref<2x4096xi32, #tpu.memory_space<vmem>>, vector<16xi32>,
      %get3A_357 = arith.constant 112 : index
      %get3A_358 = tpu.vector_load %arg8[%get3A_357] {strides = array<i32>} : memref<512xi32, #tpu.memory_space<vmem>>, vector<16xi32>,
      %mul3A_359 = arith.constant 32 : i32
      %mul3A_360 = vector.broadcast %mul3A_359 : i32 to vector<16xi32>
      %mul3A_361 = arith.muli %get3A_358, %mul3A_360 : vector<16xi32>
      %add3A_362 = vector.broadcast %scan3A_161 : i32 to vector<16xi32>
      %add3A_363 = arith.addi %mul3A_361, %add3A_362 : vector<16xi32>
      %swap3A_364 = arith.constant 0 : i32
      %swap3A_365 = arith.index_cast %swap3A_364 : i32 to index
      %swap3A_366 = arith.index_cast %add3A_345 : i32 to index
      %swap3A_367 = tpu.vector_load %arg10[%swap3A_365, %swap3A_366] {strides = array<i32>} : memref<2x4096xi32, #tpu.memory_space<vmem>>, vector<16xi32>,
      tpu.vector_store %arg10[%swap3A_365, %swap3A_366], %add3A_363 {strides = array<i32>} : memref<2x4096xi32, #tpu.memory_space<vmem>>, vector<16xi32>,
    }
    %scan3A_7 = arith.constant 32 : i32
    %scan3A_8 = arith.constant 0 : i32
    %scan3A_9 = arith.constant 0 : i32
    %scan3A_10 = arith.constant 32 : i32
    %scan3A_11 = arith.addi %scan3A_9, %scan3A_10 : i32
    %scan3A_12 = arith.constant 1 : i32
    scf.for %scan3A_161 = %scan3A_9 to %scan3A_11 step %scan3A_12  : i32 {
      %mul3A_162 = arith.constant 128 : i32
      %mul3A_163 = arith.muli %scan3A_161, %mul3A_162 : i32
      %dma_start3A = arith.constant 0 : i32
      %dma_start3A_164 = arith.constant 0 : i32
      %dma_start3A_165 = arith.constant 0 : i32
      %dma_start3A_166 = tpu.memref_slice %arg11[%dma_start3A_164, %dma_start3A_165] : memref<2x4096xf32, #tpu.memory_space<vmem>> -> memref<1x4096xf32, #tpu.memory_space<vmem>>
      %dma_start3A_167 = tpu.memref_squeeze %dma_start3A_166 : memref<1x4096xf32, #tpu.memory_space<vmem>> -> memref<4096xf32, #tpu.memory_space<vmem>>
      %dma_start3A_168 = tpu.memref_slice %dma_start3A_167[%mul3A_163] : memref<4096xf32, #tpu.memory_space<vmem>> -> memref<128xf32, #tpu.memory_space<vmem>>
      %dma_start3A_169 = arith.constant 0 : i32
      %dma_start3A_170 = tpu.memref_slice %arg9[%dma_start3A, %dma_start3A_169] : memref<2x4096xi32, #tpu.memory_space<vmem>> -> memref<1x4096xi32, #tpu.memory_space<vmem>>
      %dma_start3A_171 = tpu.memref_squeeze %dma_start3A_170 : memref<1x4096xi32, #tpu.memory_space<vmem>> -> memref<4096xi32, #tpu.memory_space<vmem>>
      %dma_start3A_172 = tpu.memref_slice %dma_start3A_171[%mul3A_163] : memref<4096xi32, #tpu.memory_space<vmem>> -> memref<128xi32, #tpu.memory_space<vmem>>
      %dma_start3A_173 = arith.constant 0 : i32
      %dma_start3A_174 = tpu.memref_slice %arg4[%dma_start3A_173] : memref<32000000xf32, #tpu.memory_space<hbm>> -> memref<32000000xf32, #tpu.memory_space<hbm>>
      tpu.enqueue_indirect_dma source(%dma_start3A_174 : memref<32000000xf32, #tpu.memory_space<hbm>>) target(%dma_start3A_168 : memref<128xf32, #tpu.memory_space<vmem>>) offsets(%dma_start3A_172 : memref<128xi32, #tpu.memory_space<vmem>>) semaphore(%arg14 : memref<!tpu.dma_semaphore, #tpu.memory_space<semaphore_mem>>)
      %dma_start3A_175 = arith.constant 0 : i32
      %dma_start3A_176 = arith.constant 0 : i32
      %dma_start3A_177 = arith.constant 0 : i32
      %dma_start3A_178 = tpu.memref_slice %arg12[%dma_start3A_176, %dma_start3A_177] : memref<2x4096xf32, #tpu.memory_space<vmem>> -> memref<1x4096xf32, #tpu.memory_space<vmem>>
      %dma_start3A_179 = tpu.memref_squeeze %dma_start3A_178 : memref<1x4096xf32, #tpu.memory_space<vmem>> -> memref<4096xf32, #tpu.memory_space<vmem>>
      %dma_start3A_180 = tpu.memref_slice %dma_start3A_179[%mul3A_163] : memref<4096xf32, #tpu.memory_space<vmem>> -> memref<128xf32, #tpu.memory_space<vmem>>
      %dma_start3A_181 = arith.constant 0 : i32
      %dma_start3A_182 = tpu.memref_slice %arg10[%dma_start3A_175, %dma_start3A_181] : memref<2x4096xi32, #tpu.memory_space<vmem>> -> memref<1x4096xi32, #tpu.memory_space<vmem>>
      %dma_start3A_183 = tpu.memref_squeeze %dma_start3A_182 : memref<1x4096xi32, #tpu.memory_space<vmem>> -> memref<4096xi32, #tpu.memory_space<vmem>>
      %dma_start3A_184 = tpu.memref_slice %dma_start3A_183[%mul3A_163] : memref<4096xi32, #tpu.memory_space<vmem>> -> memref<128xi32, #tpu.memory_space<vmem>>
      %dma_start3A_185 = arith.constant 0 : i32
      %dma_start3A_186 = tpu.memref_slice %arg5[%dma_start3A_185] : memref<32000000xf32, #tpu.memory_space<hbm>> -> memref<32000000xf32, #tpu.memory_space<hbm>>
      tpu.enqueue_indirect_dma source(%dma_start3A_186 : memref<32000000xf32, #tpu.memory_space<hbm>>) target(%dma_start3A_180 : memref<128xf32, #tpu.memory_space<vmem>>) offsets(%dma_start3A_184 : memref<128xi32, #tpu.memory_space<vmem>>) semaphore(%arg16 : memref<!tpu.dma_semaphore, #tpu.memory_space<semaphore_mem>>)
    }
    %scan3A_13 = arith.constant 32 : i32
    %scan3A_14 = arith.constant 0 : i32
    %scan3A_15 = arith.constant 0 : i32
    %scan3A_16 = arith.constant 32 : i32
    %scan3A_17 = arith.addi %scan3A_15, %scan3A_16 : i32
    %scan3A_18 = arith.constant 1 : i32
    scf.for %scan3A_161 = %scan3A_15 to %scan3A_17 step %scan3A_18  : i32 {
      %mul3A_162 = arith.constant 128 : i32
      %mul3A_163 = arith.muli %scan3A_161, %mul3A_162 : i32
      %add3A_164 = arith.constant 0 : i32
      %add3A_165 = arith.addi %mul3A_163, %add3A_164 : i32
      %get3A = arith.constant 128 : index
      %get3A_166 = tpu.vector_load %arg7[%get3A] {strides = array<i32>} : memref<512xi32, #tpu.memory_space<vmem>>, vector<16xi32>,
      %mul3A_167 = arith.constant 32 : i32
      %mul3A_168 = vector.broadcast %mul3A_167 : i32 to vector<16xi32>
      %mul3A_169 = arith.muli %get3A_166, %mul3A_168 : vector<16xi32>
      %add3A_170 = vector.broadcast %scan3A_161 : i32 to vector<16xi32>
      %add3A_171 = arith.addi %mul3A_169, %add3A_170 : vector<16xi32>
      %swap3A = arith.constant 1 : i32
      %swap3A_172 = arith.index_cast %swap3A : i32 to index
      %swap3A_173 = arith.index_cast %add3A_165 : i32 to index
      %swap3A_174 = tpu.vector_load %arg9[%swap3A_172, %swap3A_173] {strides = array<i32>} : memref<2x4096xi32, #tpu.memory_space<vmem>>, vector<16xi32>,
      tpu.vector_store %arg9[%swap3A_172, %swap3A_173], %add3A_171 {strides = array<i32>} : memref<2x4096xi32, #tpu.memory_space<vmem>>, vector<16xi32>,
      %get3A_175 = arith.constant 128 : index
      %get3A_176 = tpu.vector_load %arg8[%get3A_175] {strides = array<i32>} : memref<512xi32, #tpu.memory_space<vmem>>, vector<16xi32>,
      %mul3A_177 = arith.constant 32 : i32
      %mul3A_178 = vector.broadcast %mul3A_177 : i32 to vector<16xi32>
      %mul3A_179 = arith.muli %get3A_176, %mul3A_178 : vector<16xi32>
      %add3A_180 = vector.broadcast %scan3A_161 : i32 to vector<16xi32>
      %add3A_181 = arith.addi %mul3A_179, %add3A_180 : vector<16xi32>
      %swap3A_182 = arith.constant 1 : i32
      %swap3A_183 = arith.index_cast %swap3A_182 : i32 to index
      %swap3A_184 = arith.index_cast %add3A_165 : i32 to index
      %swap3A_185 = tpu.vector_load %arg10[%swap3A_183, %swap3A_184] {strides = array<i32>} : memref<2x4096xi32, #tpu.memory_space<vmem>>, vector<16xi32>,
      tpu.vector_store %arg10[%swap3A_183, %swap3A_184], %add3A_181 {strides = array<i32>} : memref<2x4096xi32, #tpu.memory_space<vmem>>, vector<16xi32>,
      %mul3A_186 = arith.constant 128 : i32
      %mul3A_187 = arith.muli %scan3A_161, %mul3A_186 : i32
      %add3A_188 = arith.constant 16 : i32
      %add3A_189 = arith.addi %mul3A_187, %add3A_188 : i32
      %get3A_190 = arith.constant 144 : index
      %get3A_191 = tpu.vector_load %arg7[%get3A_190] {strides = array<i32>} : memref<512xi32, #tpu.memory_space<vmem>>, vector<16xi32>,
      %mul3A_192 = arith.constant 32 : i32
      %mul3A_193 = vector.broadcast %mul3A_192 : i32 to vector<16xi32>
      %mul3A_194 = arith.muli %get3A_191, %mul3A_193 : vector<16xi32>
      %add3A_195 = vector.broadcast %scan3A_161 : i32 to vector<16xi32>
      %add3A_196 = arith.addi %mul3A_194, %add3A_195 : vector<16xi32>
      %swap3A_197 = arith.constant 1 : i32
      %swap3A_198 = arith.index_cast %swap3A_197 : i32 to index
      %swap3A_199 = arith.index_cast %add3A_189 : i32 to index
      %swap3A_200 = tpu.vector_load %arg9[%swap3A_198, %swap3A_199] {strides = array<i32>} : memref<2x4096xi32, #tpu.memory_space<vmem>>, vector<16xi32>,
      tpu.vector_store %arg9[%swap3A_198, %swap3A_199], %add3A_196 {strides = array<i32>} : memref<2x4096xi32, #tpu.memory_space<vmem>>, vector<16xi32>,
      %get3A_201 = arith.constant 144 : index
      %get3A_202 = tpu.vector_load %arg8[%get3A_201] {strides = array<i32>} : memref<512xi32, #tpu.memory_space<vmem>>, vector<16xi32>,
      %mul3A_203 = arith.constant 32 : i32
      %mul3A_204 = vector.broadcast %mul3A_203 : i32 to vector<16xi32>
      %mul3A_205 = arith.muli %get3A_202, %mul3A_204 : vector<16xi32>
      %add3A_206 = vector.broadcast %scan3A_161 : i32 to vector<16xi32>
      %add3A_207 = arith.addi %mul3A_205, %add3A_206 : vector<16xi32>
      %swap3A_208 = arith.constant 1 : i32
      %swap3A_209 = arith.index_cast %swap3A_208 : i32 to index
      %swap3A_210 = arith.index_cast %add3A_189 : i32 to index
      %swap3A_211 = tpu.vector_load %arg10[%swap3A_209, %swap3A_210] {strides = array<i32>} : memref<2x4096xi32, #tpu.memory_space<vmem>>, vector<16xi32>,
      tpu.vector_store %arg10[%swap3A_209, %swap3A_210], %add3A_207 {strides = array<i32>} : memref<2x4096xi32, #tpu.memory_space<vmem>>, vector<16xi32>,
      %mul3A_212 = arith.constant 128 : i32
      %mul3A_213 = arith.muli %scan3A_161, %mul3A_212 : i32
      %add3A_214 = arith.constant 32 : i32
      %add3A_215 = arith.addi %mul3A_213, %add3A_214 : i32
      %get3A_216 = arith.constant 160 : index
      %get3A_217 = tpu.vector_load %arg7[%get3A_216] {strides = array<i32>} : memref<512xi32, #tpu.memory_space<vmem>>, vector<16xi32>,
      %mul3A_218 = arith.constant 32 : i32
      %mul3A_219 = vector.broadcast %mul3A_218 : i32 to vector<16xi32>
      %mul3A_220 = arith.muli %get3A_217, %mul3A_219 : vector<16xi32>
      %add3A_221 = vector.broadcast %scan3A_161 : i32 to vector<16xi32>
      %add3A_222 = arith.addi %mul3A_220, %add3A_221 : vector<16xi32>
      %swap3A_223 = arith.constant 1 : i32
      %swap3A_224 = arith.index_cast %swap3A_223 : i32 to index
      %swap3A_225 = arith.index_cast %add3A_215 : i32 to index
      %swap3A_226 = tpu.vector_load %arg9[%swap3A_224, %swap3A_225] {strides = array<i32>} : memref<2x4096xi32, #tpu.memory_space<vmem>>, vector<16xi32>,
      tpu.vector_store %arg9[%swap3A_224, %swap3A_225], %add3A_222 {strides = array<i32>} : memref<2x4096xi32, #tpu.memory_space<vmem>>, vector<16xi32>,
      %get3A_227 = arith.constant 160 : index
      %get3A_228 = tpu.vector_load %arg8[%get3A_227] {strides = array<i32>} : memref<512xi32, #tpu.memory_space<vmem>>, vector<16xi32>,
      %mul3A_229 = arith.constant 32 : i32
      %mul3A_230 = vector.broadcast %mul3A_229 : i32 to vector<16xi32>
      %mul3A_231 = arith.muli %get3A_228, %mul3A_230 : vector<16xi32>
      %add3A_232 = vector.broadcast %scan3A_161 : i32 to vector<16xi32>
      %add3A_233 = arith.addi %mul3A_231, %add3A_232 : vector<16xi32>
      %swap3A_234 = arith.constant 1 : i32
      %swap3A_235 = arith.index_cast %swap3A_234 : i32 to index
      %swap3A_236 = arith.index_cast %add3A_215 : i32 to index
      %swap3A_237 = tpu.vector_load %arg10[%swap3A_235, %swap3A_236] {strides = array<i32>} : memref<2x4096xi32, #tpu.memory_space<vmem>>, vector<16xi32>,
      tpu.vector_store %arg10[%swap3A_235, %swap3A_236], %add3A_233 {strides = array<i32>} : memref<2x4096xi32, #tpu.memory_space<vmem>>, vector<16xi32>,
      %mul3A_238 = arith.constant 128 : i32
      %mul3A_239 = arith.muli %scan3A_161, %mul3A_238 : i32
      %add3A_240 = arith.constant 48 : i32
      %add3A_241 = arith.addi %mul3A_239, %add3A_240 : i32
      %get3A_242 = arith.constant 176 : index
      %get3A_243 = tpu.vector_load %arg7[%get3A_242] {strides = array<i32>} : memref<512xi32, #tpu.memory_space<vmem>>, vector<16xi32>,
      %mul3A_244 = arith.constant 32 : i32
      %mul3A_245 = vector.broadcast %mul3A_244 : i32 to vector<16xi32>
      %mul3A_246 = arith.muli %get3A_243, %mul3A_245 : vector<16xi32>
      %add3A_247 = vector.broadcast %scan3A_161 : i32 to vector<16xi32>
      %add3A_248 = arith.addi %mul3A_246, %add3A_247 : vector<16xi32>
      %swap3A_249 = arith.constant 1 : i32
      %swap3A_250 = arith.index_cast %swap3A_249 : i32 to index
      %swap3A_251 = arith.index_cast %add3A_241 : i32 to index
      %swap3A_252 = tpu.vector_load %arg9[%swap3A_250, %swap3A_251] {strides = array<i32>} : memref<2x4096xi32, #tpu.memory_space<vmem>>, vector<16xi32>,
      tpu.vector_store %arg9[%swap3A_250, %swap3A_251], %add3A_248 {strides = array<i32>} : memref<2x4096xi32, #tpu.memory_space<vmem>>, vector<16xi32>,
      %get3A_253 = arith.constant 176 : index
      %get3A_254 = tpu.vector_load %arg8[%get3A_253] {strides = array<i32>} : memref<512xi32, #tpu.memory_space<vmem>>, vector<16xi32>,
      %mul3A_255 = arith.constant 32 : i32
      %mul3A_256 = vector.broadcast %mul3A_255 : i32 to vector<16xi32>
      %mul3A_257 = arith.muli %get3A_254, %mul3A_256 : vector<16xi32>
      %add3A_258 = vector.broadcast %scan3A_161 : i32 to vector<16xi32>
      %add3A_259 = arith.addi %mul3A_257, %add3A_258 : vector<16xi32>
      %swap3A_260 = arith.constant 1 : i32
      %swap3A_261 = arith.index_cast %swap3A_260 : i32 to index
      %swap3A_262 = arith.index_cast %add3A_241 : i32 to index
      %swap3A_263 = tpu.vector_load %arg10[%swap3A_261, %swap3A_262] {strides = array<i32>} : memref<2x4096xi32, #tpu.memory_space<vmem>>, vector<16xi32>,
      tpu.vector_store %arg10[%swap3A_261, %swap3A_262], %add3A_259 {strides = array<i32>} : memref<2x4096xi32, #tpu.memory_space<vmem>>, vector<16xi32>,
      %mul3A_264 = arith.constant 128 : i32
      %mul3A_265 = arith.muli %scan3A_161, %mul3A_264 : i32
      %add3A_266 = arith.constant 64 : i32
      %add3A_267 = arith.addi %mul3A_265, %add3A_266 : i32
      %get3A_268 = arith.constant 192 : index
      %get3A_269 = tpu.vector_load %arg7[%get3A_268] {strides = array<i32>} : memref<512xi32, #tpu.memory_space<vmem>>, vector<16xi32>,
      %mul3A_270 = arith.constant 32 : i32
      %mul3A_271 = vector.broadcast %mul3A_270 : i32 to vector<16xi32>
      %mul3A_272 = arith.muli %get3A_269, %mul3A_271 : vector<16xi32>
      %add3A_273 = vector.broadcast %scan3A_161 : i32 to vector<16xi32>
      %add3A_274 = arith.addi %mul3A_272, %add3A_273 : vector<16xi32>
      %swap3A_275 = arith.constant 1 : i32
      %swap3A_276 = arith.index_cast %swap3A_275 : i32 to index
      %swap3A_277 = arith.index_cast %add3A_267 : i32 to index
      %swap3A_278 = tpu.vector_load %arg9[%swap3A_276, %swap3A_277] {strides = array<i32>} : memref<2x4096xi32, #tpu.memory_space<vmem>>, vector<16xi32>,
      tpu.vector_store %arg9[%swap3A_276, %swap3A_277], %add3A_274 {strides = array<i32>} : memref<2x4096xi32, #tpu.memory_space<vmem>>, vector<16xi32>,
      %get3A_279 = arith.constant 192 : index
      %get3A_280 = tpu.vector_load %arg8[%get3A_279] {strides = array<i32>} : memref<512xi32, #tpu.memory_space<vmem>>, vector<16xi32>,
      %mul3A_281 = arith.constant 32 : i32
      %mul3A_282 = vector.broadcast %mul3A_281 : i32 to vector<16xi32>
      %mul3A_283 = arith.muli %get3A_280, %mul3A_282 : vector<16xi32>
      %add3A_284 = vector.broadcast %scan3A_161 : i32 to vector<16xi32>
      %add3A_285 = arith.addi %mul3A_283, %add3A_284 : vector<16xi32>
      %swap3A_286 = arith.constant 1 : i32
      %swap3A_287 = arith.index_cast %swap3A_286 : i32 to index
      %swap3A_288 = arith.index_cast %add3A_267 : i32 to index
      %swap3A_289 = tpu.vector_load %arg10[%swap3A_287, %swap3A_288] {strides = array<i32>} : memref<2x4096xi32, #tpu.memory_space<vmem>>, vector<16xi32>,
      tpu.vector_store %arg10[%swap3A_287, %swap3A_288], %add3A_285 {strides = array<i32>} : memref<2x4096xi32, #tpu.memory_space<vmem>>, vector<16xi32>,
      %mul3A_290 = arith.constant 128 : i32
      %mul3A_291 = arith.muli %scan3A_161, %mul3A_290 : i32
      %add3A_292 = arith.constant 80 : i32
      %add3A_293 = arith.addi %mul3A_291, %add3A_292 : i32
      %get3A_294 = arith.constant 208 : index
      %get3A_295 = tpu.vector_load %arg7[%get3A_294] {strides = array<i32>} : memref<512xi32, #tpu.memory_space<vmem>>, vector<16xi32>,
      %mul3A_296 = arith.constant 32 : i32
      %mul3A_297 = vector.broadcast %mul3A_296 : i32 to vector<16xi32>
      %mul3A_298 = arith.muli %get3A_295, %mul3A_297 : vector<16xi32>
      %add3A_299 = vector.broadcast %scan3A_161 : i32 to vector<16xi32>
      %add3A_300 = arith.addi %mul3A_298, %add3A_299 : vector<16xi32>
      %swap3A_301 = arith.constant 1 : i32
      %swap3A_302 = arith.index_cast %swap3A_301 : i32 to index
      %swap3A_303 = arith.index_cast %add3A_293 : i32 to index
      %swap3A_304 = tpu.vector_load %arg9[%swap3A_302, %swap3A_303] {strides = array<i32>} : memref<2x4096xi32, #tpu.memory_space<vmem>>, vector<16xi32>,
      tpu.vector_store %arg9[%swap3A_302, %swap3A_303], %add3A_300 {strides = array<i32>} : memref<2x4096xi32, #tpu.memory_space<vmem>>, vector<16xi32>,
      %get3A_305 = arith.constant 208 : index
      %get3A_306 = tpu.vector_load %arg8[%get3A_305] {strides = array<i32>} : memref<512xi32, #tpu.memory_space<vmem>>, vector<16xi32>,
      %mul3A_307 = arith.constant 32 : i32
      %mul3A_308 = vector.broadcast %mul3A_307 : i32 to vector<16xi32>
      %mul3A_309 = arith.muli %get3A_306, %mul3A_308 : vector<16xi32>
      %add3A_310 = vector.broadcast %scan3A_161 : i32 to vector<16xi32>
      %add3A_311 = arith.addi %mul3A_309, %add3A_310 : vector<16xi32>
      %swap3A_312 = arith.constant 1 : i32
      %swap3A_313 = arith.index_cast %swap3A_312 : i32 to index
      %swap3A_314 = arith.index_cast %add3A_293 : i32 to index
      %swap3A_315 = tpu.vector_load %arg10[%swap3A_313, %swap3A_314] {strides = array<i32>} : memref<2x4096xi32, #tpu.memory_space<vmem>>, vector<16xi32>,
      tpu.vector_store %arg10[%swap3A_313, %swap3A_314], %add3A_311 {strides = array<i32>} : memref<2x4096xi32, #tpu.memory_space<vmem>>, vector<16xi32>,
      %mul3A_316 = arith.constant 128 : i32
      %mul3A_317 = arith.muli %scan3A_161, %mul3A_316 : i32
      %add3A_318 = arith.constant 96 : i32
      %add3A_319 = arith.addi %mul3A_317, %add3A_318 : i32
      %get3A_320 = arith.constant 224 : index
      %get3A_321 = tpu.vector_load %arg7[%get3A_320] {strides = array<i32>} : memref<512xi32, #tpu.memory_space<vmem>>, vector<16xi32>,
      %mul3A_322 = arith.constant 32 : i32
      %mul3A_323 = vector.broadcast %mul3A_322 : i32 to vector<16xi32>
      %mul3A_324 = arith.muli %get3A_321, %mul3A_323 : vector<16xi32>
      %add3A_325 = vector.broadcast %scan3A_161 : i32 to vector<16xi32>
      %add3A_326 = arith.addi %mul3A_324, %add3A_325 : vector<16xi32>
      %swap3A_327 = arith.constant 1 : i32
      %swap3A_328 = arith.index_cast %swap3A_327 : i32 to index
      %swap3A_329 = arith.index_cast %add3A_319 : i32 to index
      %swap3A_330 = tpu.vector_load %arg9[%swap3A_328, %swap3A_329] {strides = array<i32>} : memref<2x4096xi32, #tpu.memory_space<vmem>>, vector<16xi32>,
      tpu.vector_store %arg9[%swap3A_328, %swap3A_329], %add3A_326 {strides = array<i32>} : memref<2x4096xi32, #tpu.memory_space<vmem>>, vector<16xi32>,
      %get3A_331 = arith.constant 224 : index
      %get3A_332 = tpu.vector_load %arg8[%get3A_331] {strides = array<i32>} : memref<512xi32, #tpu.memory_space<vmem>>, vector<16xi32>,
      %mul3A_333 = arith.constant 32 : i32
      %mul3A_334 = vector.broadcast %mul3A_333 : i32 to vector<16xi32>
      %mul3A_335 = arith.muli %get3A_332, %mul3A_334 : vector<16xi32>
      %add3A_336 = vector.broadcast %scan3A_161 : i32 to vector<16xi32>
      %add3A_337 = arith.addi %mul3A_335, %add3A_336 : vector<16xi32>
      %swap3A_338 = arith.constant 1 : i32
      %swap3A_339 = arith.index_cast %swap3A_338 : i32 to index
      %swap3A_340 = arith.index_cast %add3A_319 : i32 to index
      %swap3A_341 = tpu.vector_load %arg10[%swap3A_339, %swap3A_340] {strides = array<i32>} : memref<2x4096xi32, #tpu.memory_space<vmem>>, vector<16xi32>,
      tpu.vector_store %arg10[%swap3A_339, %swap3A_340], %add3A_337 {strides = array<i32>} : memref<2x4096xi32, #tpu.memory_space<vmem>>, vector<16xi32>,
      %mul3A_342 = arith.constant 128 : i32
      %mul3A_343 = arith.muli %scan3A_161, %mul3A_342 : i32
      %add3A_344 = arith.constant 112 : i32
      %add3A_345 = arith.addi %mul3A_343, %add3A_344 : i32
      %get3A_346 = arith.constant 240 : index
      %get3A_347 = tpu.vector_load %arg7[%get3A_346] {strides = array<i32>} : memref<512xi32, #tpu.memory_space<vmem>>, vector<16xi32>,
      %mul3A_348 = arith.constant 32 : i32
      %mul3A_349 = vector.broadcast %mul3A_348 : i32 to vector<16xi32>
      %mul3A_350 = arith.muli %get3A_347, %mul3A_349 : vector<16xi32>
      %add3A_351 = vector.broadcast %scan3A_161 : i32 to vector<16xi32>
      %add3A_352 = arith.addi %mul3A_350, %add3A_351 : vector<16xi32>
      %swap3A_353 = arith.constant 1 : i32
      %swap3A_354 = arith.index_cast %swap3A_353 : i32 to index
      %swap3A_355 = arith.index_cast %add3A_345 : i32 to index
      %swap3A_356 = tpu.vector_load %arg9[%swap3A_354, %swap3A_355] {strides = array<i32>} : memref<2x4096xi32, #tpu.memory_space<vmem>>, vector<16xi32>,
      tpu.vector_store %arg9[%swap3A_354, %swap3A_355], %add3A_352 {strides = array<i32>} : memref<2x4096xi32, #tpu.memory_space<vmem>>, vector<16xi32>,
      %get3A_357 = arith.constant 240 : index
      %get3A_358 = tpu.vector_load %arg8[%get3A_357] {strides = array<i32>} : memref<512xi32, #tpu.memory_space<vmem>>, vector<16xi32>,
      %mul3A_359 = arith.constant 32 : i32
      %mul3A_360 = vector.broadcast %mul3A_359 : i32 to vector<16xi32>
      %mul3A_361 = arith.muli %get3A_358, %mul3A_360 : vector<16xi32>
      %add3A_362 = vector.broadcast %scan3A_161 : i32 to vector<16xi32>
      %add3A_363 = arith.addi %mul3A_361, %add3A_362 : vector<16xi32>
      %swap3A_364 = arith.constant 1 : i32
      %swap3A_365 = arith.index_cast %swap3A_364 : i32 to index
      %swap3A_366 = arith.index_cast %add3A_345 : i32 to index
      %swap3A_367 = tpu.vector_load %arg10[%swap3A_365, %swap3A_366] {strides = array<i32>} : memref<2x4096xi32, #tpu.memory_space<vmem>>, vector<16xi32>,
      tpu.vector_store %arg10[%swap3A_365, %swap3A_366], %add3A_363 {strides = array<i32>} : memref<2x4096xi32, #tpu.memory_space<vmem>>, vector<16xi32>,
    }
    %scan3A_19 = arith.constant 32 : i32
    %scan3A_20 = arith.constant 0 : i32
    %scan3A_21 = arith.constant 0 : i32
    %scan3A_22 = arith.constant 32 : i32
    %scan3A_23 = arith.addi %scan3A_21, %scan3A_22 : i32
    %scan3A_24 = arith.constant 1 : i32
    scf.for %scan3A_161 = %scan3A_21 to %scan3A_23 step %scan3A_24  : i32 {
      %mul3A_162 = arith.constant 128 : i32
      %mul3A_163 = arith.muli %scan3A_161, %mul3A_162 : i32
      %dma_start3A = arith.constant 1 : i32
      %dma_start3A_164 = arith.constant 1 : i32
      %dma_start3A_165 = arith.constant 0 : i32
      %dma_start3A_166 = tpu.memref_slice %arg11[%dma_start3A_164, %dma_start3A_165] : memref<2x4096xf32, #tpu.memory_space<vmem>> -> memref<1x4096xf32, #tpu.memory_space<vmem>>
      %dma_start3A_167 = tpu.memref_squeeze %dma_start3A_166 : memref<1x4096xf32, #tpu.memory_space<vmem>> -> memref<4096xf32, #tpu.memory_space<vmem>>
      %dma_start3A_168 = tpu.memref_slice %dma_start3A_167[%mul3A_163] : memref<4096xf32, #tpu.memory_space<vmem>> -> memref<128xf32, #tpu.memory_space<vmem>>
      %dma_start3A_169 = arith.constant 0 : i32
      %dma_start3A_170 = tpu.memref_slice %arg9[%dma_start3A, %dma_start3A_169] : memref<2x4096xi32, #tpu.memory_space<vmem>> -> memref<1x4096xi32, #tpu.memory_space<vmem>>
      %dma_start3A_171 = tpu.memref_squeeze %dma_start3A_170 : memref<1x4096xi32, #tpu.memory_space<vmem>> -> memref<4096xi32, #tpu.memory_space<vmem>>
      %dma_start3A_172 = tpu.memref_slice %dma_start3A_171[%mul3A_163] : memref<4096xi32, #tpu.memory_space<vmem>> -> memref<128xi32, #tpu.memory_space<vmem>>
      %dma_start3A_173 = arith.constant 0 : i32
      %dma_start3A_174 = tpu.memref_slice %arg4[%dma_start3A_173] : memref<32000000xf32, #tpu.memory_space<hbm>> -> memref<32000000xf32, #tpu.memory_space<hbm>>
      tpu.enqueue_indirect_dma source(%dma_start3A_174 : memref<32000000xf32, #tpu.memory_space<hbm>>) target(%dma_start3A_168 : memref<128xf32, #tpu.memory_space<vmem>>) offsets(%dma_start3A_172 : memref<128xi32, #tpu.memory_space<vmem>>) semaphore(%arg15 : memref<!tpu.dma_semaphore, #tpu.memory_space<semaphore_mem>>)
      %dma_start3A_175 = arith.constant 1 : i32
      %dma_start3A_176 = arith.constant 1 : i32
      %dma_start3A_177 = arith.constant 0 : i32
      %dma_start3A_178 = tpu.memref_slice %arg12[%dma_start3A_176, %dma_start3A_177] : memref<2x4096xf32, #tpu.memory_space<vmem>> -> memref<1x4096xf32, #tpu.memory_space<vmem>>
      %dma_start3A_179 = tpu.memref_squeeze %dma_start3A_178 : memref<1x4096xf32, #tpu.memory_space<vmem>> -> memref<4096xf32, #tpu.memory_space<vmem>>
      %dma_start3A_180 = tpu.memref_slice %dma_start3A_179[%mul3A_163] : memref<4096xf32, #tpu.memory_space<vmem>> -> memref<128xf32, #tpu.memory_space<vmem>>
      %dma_start3A_181 = arith.constant 0 : i32
      %dma_start3A_182 = tpu.memref_slice %arg10[%dma_start3A_175, %dma_start3A_181] : memref<2x4096xi32, #tpu.memory_space<vmem>> -> memref<1x4096xi32, #tpu.memory_space<vmem>>
      %dma_start3A_183 = tpu.memref_squeeze %dma_start3A_182 : memref<1x4096xi32, #tpu.memory_space<vmem>> -> memref<4096xi32, #tpu.memory_space<vmem>>
      %dma_start3A_184 = tpu.memref_slice %dma_start3A_183[%mul3A_163] : memref<4096xi32, #tpu.memory_space<vmem>> -> memref<128xi32, #tpu.memory_space<vmem>>
      %dma_start3A_185 = arith.constant 0 : i32
      %dma_start3A_186 = tpu.memref_slice %arg5[%dma_start3A_185] : memref<32000000xf32, #tpu.memory_space<hbm>> -> memref<32000000xf32, #tpu.memory_space<hbm>>
      tpu.enqueue_indirect_dma source(%dma_start3A_186 : memref<32000000xf32, #tpu.memory_space<hbm>>) target(%dma_start3A_180 : memref<128xf32, #tpu.memory_space<vmem>>) offsets(%dma_start3A_184 : memref<128xi32, #tpu.memory_space<vmem>>) semaphore(%arg17 : memref<!tpu.dma_semaphore, #tpu.memory_space<semaphore_mem>>)
    }
    %scan3A_25 = arith.constant 32 : i32
    %dma_wait3A = arith.constant 0 : i32
    %dma_wait3A_26 = arith.constant 0 : i32
    %dma_wait3A_27 = tpu.memref_slice %arg11[%dma_wait3A, %dma_wait3A_26] : memref<2x4096xf32, #tpu.memory_space<vmem>> -> memref<1x4096xf32, #tpu.memory_space<vmem>>
    %dma_wait3A_28 = tpu.memref_squeeze %dma_wait3A_27 : memref<1x4096xf32, #tpu.memory_space<vmem>> -> memref<4096xf32, #tpu.memory_space<vmem>>
    %dma_wait3A_29 = arith.constant 0 : i32
    %dma_wait3A_30 = tpu.memref_slice %arg4[%dma_wait3A_29] : memref<32000000xf32, #tpu.memory_space<hbm>> -> memref<4096xf32, #tpu.memory_space<hbm>>
    %dma_wait3A_31 = arith.constant 0 : i32
    %dma_wait3A_32 = tpu.memref_slice %arg11[%dma_wait3A, %dma_wait3A_31] : memref<2x4096xf32, #tpu.memory_space<vmem>> -> memref<1x4096xf32, #tpu.memory_space<vmem>>
    %dma_wait3A_33 = tpu.memref_squeeze %dma_wait3A_32 : memref<1x4096xf32, #tpu.memory_space<vmem>> -> memref<4096xf32, #tpu.memory_space<vmem>>
    %dma_wait3A_34 = arith.constant 0 : i32
    %dma_wait3A_35 = tpu.memref_slice %arg4[%dma_wait3A_34] : memref<32000000xf32, #tpu.memory_space<hbm>> -> memref<4096xf32, #tpu.memory_space<hbm>>
    tpu.wait_dma2 semaphore(%arg14 : memref<!tpu.dma_semaphore, #tpu.memory_space<semaphore_mem>>) src(%dma_wait3A_35 : memref<4096xf32, #tpu.memory_space<hbm>>) dst(%dma_wait3A_33 : memref<4096xf32, #tpu.memory_space<vmem>>)
    %dma_wait3A_36 = arith.constant 0 : i32
    %dma_wait3A_37 = arith.constant 0 : i32
    %dma_wait3A_38 = tpu.memref_slice %arg12[%dma_wait3A_36, %dma_wait3A_37] : memref<2x4096xf32, #tpu.memory_space<vmem>> -> memref<1x4096xf32, #tpu.memory_space<vmem>>
    %dma_wait3A_39 = tpu.memref_squeeze %dma_wait3A_38 : memref<1x4096xf32, #tpu.memory_space<vmem>> -> memref<4096xf32, #tpu.memory_space<vmem>>
    %dma_wait3A_40 = arith.constant 0 : i32
    %dma_wait3A_41 = tpu.memref_slice %arg5[%dma_wait3A_40] : memref<32000000xf32, #tpu.memory_space<hbm>> -> memref<4096xf32, #tpu.memory_space<hbm>>
    %dma_wait3A_42 = arith.constant 0 : i32
    %dma_wait3A_43 = tpu.memref_slice %arg12[%dma_wait3A_36, %dma_wait3A_42] : memref<2x4096xf32, #tpu.memory_space<vmem>> -> memref<1x4096xf32, #tpu.memory_space<vmem>>
    %dma_wait3A_44 = tpu.memref_squeeze %dma_wait3A_43 : memref<1x4096xf32, #tpu.memory_space<vmem>> -> memref<4096xf32, #tpu.memory_space<vmem>>
    %dma_wait3A_45 = arith.constant 0 : i32
    %dma_wait3A_46 = tpu.memref_slice %arg5[%dma_wait3A_45] : memref<32000000xf32, #tpu.memory_space<hbm>> -> memref<4096xf32, #tpu.memory_space<hbm>>
    tpu.wait_dma2 semaphore(%arg16 : memref<!tpu.dma_semaphore, #tpu.memory_space<semaphore_mem>>) src(%dma_wait3A_46 : memref<4096xf32, #tpu.memory_space<hbm>>) dst(%dma_wait3A_44 : memref<4096xf32, #tpu.memory_space<vmem>>)
    %scan3A_47 = arith.constant 0 : i32
    %scan3A_48 = arith.constant 0 : i32
    %scan3A_49 = arith.constant 8 : i32
    %scan3A_50 = arith.addi %scan3A_48, %scan3A_49 : i32
    %scan3A_51 = arith.constant 1 : i32
    scf.for %scan3A_161 = %scan3A_48 to %scan3A_50 step %scan3A_51  : i32 {
      %mul3A_162 = arith.constant 16 : i32
      %mul3A_163 = arith.muli %scan3A_161, %mul3A_162 : i32
      %get3A = arith.constant 0 : i32
      %get3A_164 = arith.index_cast %get3A : i32 to index
      %get3A_165 = arith.index_cast %mul3A_163 : i32 to index
      %get3A_166 = tpu.vector_load %arg11[%get3A_164, %get3A_165] {strides = array<i32>} : memref<2x4096xf32, #tpu.memory_space<vmem>>, vector<16xf32>,
      %get3A_167 = arith.constant 0 : i32
      %get3A_168 = arith.index_cast %get3A_167 : i32 to index
      %get3A_169 = arith.index_cast %mul3A_163 : i32 to index
      %get3A_170 = tpu.vector_load %arg12[%get3A_168, %get3A_169] {strides = array<i32>} : memref<2x4096xf32, #tpu.memory_space<vmem>>, vector<16xf32>,
      %mul3A_171 = arith.mulf %get3A_166, %get3A_170 : vector<16xf32>
      %add3A_172 = arith.constant 128 : i32
      %add3A_173 = arith.addi %add3A_172, %mul3A_163 : i32
      %get3A_174 = arith.constant 0 : i32
      %get3A_175 = arith.index_cast %get3A_174 : i32 to index
      %get3A_176 = arith.index_cast %add3A_173 : i32 to index
      %get3A_177 = tpu.vector_load %arg11[%get3A_175, %get3A_176] {strides = array<i32>} : memref<2x4096xf32, #tpu.memory_space<vmem>>, vector<16xf32>,
      %get3A_178 = arith.constant 0 : i32
      %get3A_179 = arith.index_cast %get3A_178 : i32 to index
      %get3A_180 = arith.index_cast %add3A_173 : i32 to index
      %get3A_181 = tpu.vector_load %arg12[%get3A_179, %get3A_180] {strides = array<i32>} : memref<2x4096xf32, #tpu.memory_space<vmem>>, vector<16xf32>,
      %mul3A_182 = arith.mulf %get3A_177, %get3A_181 : vector<16xf32>
      %add3A_183 = arith.addf %mul3A_171, %mul3A_182 : vector<16xf32>
      %add3A_184 = arith.constant 256 : i32
      %add3A_185 = arith.addi %add3A_184, %mul3A_163 : i32
      %get3A_186 = arith.constant 0 : i32
      %get3A_187 = arith.index_cast %get3A_186 : i32 to index
      %get3A_188 = arith.index_cast %add3A_185 : i32 to index
      %get3A_189 = tpu.vector_load %arg11[%get3A_187, %get3A_188] {strides = array<i32>} : memref<2x4096xf32, #tpu.memory_space<vmem>>, vector<16xf32>,
      %get3A_190 = arith.constant 0 : i32
      %get3A_191 = arith.index_cast %get3A_190 : i32 to index
      %get3A_192 = arith.index_cast %add3A_185 : i32 to index
      %get3A_193 = tpu.vector_load %arg12[%get3A_191, %get3A_192] {strides = array<i32>} : memref<2x4096xf32, #tpu.memory_space<vmem>>, vector<16xf32>,
      %mul3A_194 = arith.mulf %get3A_189, %get3A_193 : vector<16xf32>
      %add3A_195 = arith.addf %add3A_183, %mul3A_194 : vector<16xf32>
      %add3A_196 = arith.constant 384 : i32
      %add3A_197 = arith.addi %add3A_196, %mul3A_163 : i32
      %get3A_198 = arith.constant 0 : i32
      %get3A_199 = arith.index_cast %get3A_198 : i32 to index
      %get3A_200 = arith.index_cast %add3A_197 : i32 to index
      %get3A_201 = tpu.vector_load %arg11[%get3A_199, %get3A_200] {strides = array<i32>} : memref<2x4096xf32, #tpu.memory_space<vmem>>, vector<16xf32>,
      %get3A_202 = arith.constant 0 : i32
      %get3A_203 = arith.index_cast %get3A_202 : i32 to index
      %get3A_204 = arith.index_cast %add3A_197 : i32 to index
      %get3A_205 = tpu.vector_load %arg12[%get3A_203, %get3A_204] {strides = array<i32>} : memref<2x4096xf32, #tpu.memory_space<vmem>>, vector<16xf32>,
      %mul3A_206 = arith.mulf %get3A_201, %get3A_205 : vector<16xf32>
      %add3A_207 = arith.addf %add3A_195, %mul3A_206 : vector<16xf32>
      %add3A_208 = arith.constant 512 : i32
      %add3A_209 = arith.addi %add3A_208, %mul3A_163 : i32
      %get3A_210 = arith.constant 0 : i32
      %get3A_211 = arith.index_cast %get3A_210 : i32 to index
      %get3A_212 = arith.index_cast %add3A_209 : i32 to index
      %get3A_213 = tpu.vector_load %arg11[%get3A_211, %get3A_212] {strides = array<i32>} : memref<2x4096xf32, #tpu.memory_space<vmem>>, vector<16xf32>,
      %get3A_214 = arith.constant 0 : i32
      %get3A_215 = arith.index_cast %get3A_214 : i32 to index
      %get3A_216 = arith.index_cast %add3A_209 : i32 to index
      %get3A_217 = tpu.vector_load %arg12[%get3A_215, %get3A_216] {strides = array<i32>} : memref<2x4096xf32, #tpu.memory_space<vmem>>, vector<16xf32>,
      %mul3A_218 = arith.mulf %get3A_213, %get3A_217 : vector<16xf32>
      %add3A_219 = arith.addf %add3A_207, %mul3A_218 : vector<16xf32>
      %add3A_220 = arith.constant 640 : i32
      %add3A_221 = arith.addi %add3A_220, %mul3A_163 : i32
      %get3A_222 = arith.constant 0 : i32
      %get3A_223 = arith.index_cast %get3A_222 : i32 to index
      %get3A_224 = arith.index_cast %add3A_221 : i32 to index
      %get3A_225 = tpu.vector_load %arg11[%get3A_223, %get3A_224] {strides = array<i32>} : memref<2x4096xf32, #tpu.memory_space<vmem>>, vector<16xf32>,
      %get3A_226 = arith.constant 0 : i32
      %get3A_227 = arith.index_cast %get3A_226 : i32 to index
      %get3A_228 = arith.index_cast %add3A_221 : i32 to index
      %get3A_229 = tpu.vector_load %arg12[%get3A_227, %get3A_228] {strides = array<i32>} : memref<2x4096xf32, #tpu.memory_space<vmem>>, vector<16xf32>,
      %mul3A_230 = arith.mulf %get3A_225, %get3A_229 : vector<16xf32>
      %add3A_231 = arith.addf %add3A_219, %mul3A_230 : vector<16xf32>
      %add3A_232 = arith.constant 768 : i32
      %add3A_233 = arith.addi %add3A_232, %mul3A_163 : i32
      %get3A_234 = arith.constant 0 : i32
      %get3A_235 = arith.index_cast %get3A_234 : i32 to index
      %get3A_236 = arith.index_cast %add3A_233 : i32 to index
      %get3A_237 = tpu.vector_load %arg11[%get3A_235, %get3A_236] {strides = array<i32>} : memref<2x4096xf32, #tpu.memory_space<vmem>>, vector<16xf32>,
      %get3A_238 = arith.constant 0 : i32
      %get3A_239 = arith.index_cast %get3A_238 : i32 to index
      %get3A_240 = arith.index_cast %add3A_233 : i32 to index
      %get3A_241 = tpu.vector_load %arg12[%get3A_239, %get3A_240] {strides = array<i32>} : memref<2x4096xf32, #tpu.memory_space<vmem>>, vector<16xf32>,
      %mul3A_242 = arith.mulf %get3A_237, %get3A_241 : vector<16xf32>
      %add3A_243 = arith.addf %add3A_231, %mul3A_242 : vector<16xf32>
      %add3A_244 = arith.constant 896 : i32
      %add3A_245 = arith.addi %add3A_244, %mul3A_163 : i32
      %get3A_246 = arith.constant 0 : i32
      %get3A_247 = arith.index_cast %get3A_246 : i32 to index
      %get3A_248 = arith.index_cast %add3A_245 : i32 to index
      %get3A_249 = tpu.vector_load %arg11[%get3A_247, %get3A_248] {strides = array<i32>} : memref<2x4096xf32, #tpu.memory_space<vmem>>, vector<16xf32>,
      %get3A_250 = arith.constant 0 : i32
      %get3A_251 = arith.index_cast %get3A_250 : i32 to index
      %get3A_252 = arith.index_cast %add3A_245 : i32 to index
      %get3A_253 = tpu.vector_load %arg12[%get3A_251, %get3A_252] {strides = array<i32>} : memref<2x4096xf32, #tpu.memory_space<vmem>>, vector<16xf32>,
      %mul3A_254 = arith.mulf %get3A_249, %get3A_253 : vector<16xf32>
      %add3A_255 = arith.addf %add3A_243, %mul3A_254 : vector<16xf32>
      %add3A_256 = arith.constant 1024 : i32
      %add3A_257 = arith.addi %add3A_256, %mul3A_163 : i32
      %get3A_258 = arith.constant 0 : i32
      %get3A_259 = arith.index_cast %get3A_258 : i32 to index
      %get3A_260 = arith.index_cast %add3A_257 : i32 to index
      %get3A_261 = tpu.vector_load %arg11[%get3A_259, %get3A_260] {strides = array<i32>} : memref<2x4096xf32, #tpu.memory_space<vmem>>, vector<16xf32>,
      %get3A_262 = arith.constant 0 : i32
      %get3A_263 = arith.index_cast %get3A_262 : i32 to index
      %get3A_264 = arith.index_cast %add3A_257 : i32 to index
      %get3A_265 = tpu.vector_load %arg12[%get3A_263, %get3A_264] {strides = array<i32>} : memref<2x4096xf32, #tpu.memory_space<vmem>>, vector<16xf32>,
      %mul3A_266 = arith.mulf %get3A_261, %get3A_265 : vector<16xf32>
      %add3A_267 = arith.addf %add3A_255, %mul3A_266 : vector<16xf32>
      %add3A_268 = arith.constant 1152 : i32
      %add3A_269 = arith.addi %add3A_268, %mul3A_163 : i32
      %get3A_270 = arith.constant 0 : i32
      %get3A_271 = arith.index_cast %get3A_270 : i32 to index
      %get3A_272 = arith.index_cast %add3A_269 : i32 to index
      %get3A_273 = tpu.vector_load %arg11[%get3A_271, %get3A_272] {strides = array<i32>} : memref<2x4096xf32, #tpu.memory_space<vmem>>, vector<16xf32>,
      %get3A_274 = arith.constant 0 : i32
      %get3A_275 = arith.index_cast %get3A_274 : i32 to index
      %get3A_276 = arith.index_cast %add3A_269 : i32 to index
      %get3A_277 = tpu.vector_load %arg12[%get3A_275, %get3A_276] {strides = array<i32>} : memref<2x4096xf32, #tpu.memory_space<vmem>>, vector<16xf32>,
      %mul3A_278 = arith.mulf %get3A_273, %get3A_277 : vector<16xf32>
      %add3A_279 = arith.addf %add3A_267, %mul3A_278 : vector<16xf32>
      %add3A_280 = arith.constant 1280 : i32
      %add3A_281 = arith.addi %add3A_280, %mul3A_163 : i32
      %get3A_282 = arith.constant 0 : i32
      %get3A_283 = arith.index_cast %get3A_282 : i32 to index
      %get3A_284 = arith.index_cast %add3A_281 : i32 to index
      %get3A_285 = tpu.vector_load %arg11[%get3A_283, %get3A_284] {strides = array<i32>} : memref<2x4096xf32, #tpu.memory_space<vmem>>, vector<16xf32>,
      %get3A_286 = arith.constant 0 : i32
      %get3A_287 = arith.index_cast %get3A_286 : i32 to index
      %get3A_288 = arith.index_cast %add3A_281 : i32 to index
      %get3A_289 = tpu.vector_load %arg12[%get3A_287, %get3A_288] {strides = array<i32>} : memref<2x4096xf32, #tpu.memory_space<vmem>>, vector<16xf32>,
      %mul3A_290 = arith.mulf %get3A_285, %get3A_289 : vector<16xf32>
      %add3A_291 = arith.addf %add3A_279, %mul3A_290 : vector<16xf32>
      %add3A_292 = arith.constant 1408 : i32
      %add3A_293 = arith.addi %add3A_292, %mul3A_163 : i32
      %get3A_294 = arith.constant 0 : i32
      %get3A_295 = arith.index_cast %get3A_294 : i32 to index
      %get3A_296 = arith.index_cast %add3A_293 : i32 to index
      %get3A_297 = tpu.vector_load %arg11[%get3A_295, %get3A_296] {strides = array<i32>} : memref<2x4096xf32, #tpu.memory_space<vmem>>, vector<16xf32>,
      %get3A_298 = arith.constant 0 : i32
      %get3A_299 = arith.index_cast %get3A_298 : i32 to index
      %get3A_300 = arith.index_cast %add3A_293 : i32 to index
      %get3A_301 = tpu.vector_load %arg12[%get3A_299, %get3A_300] {strides = array<i32>} : memref<2x4096xf32, #tpu.memory_space<vmem>>, vector<16xf32>,
      %mul3A_302 = arith.mulf %get3A_297, %get3A_301 : vector<16xf32>
      %add3A_303 = arith.addf %add3A_291, %mul3A_302 : vector<16xf32>
      %add3A_304 = arith.constant 1536 : i32
      %add3A_305 = arith.addi %add3A_304, %mul3A_163 : i32
      %get3A_306 = arith.constant 0 : i32
      %get3A_307 = arith.index_cast %get3A_306 : i32 to index
      %get3A_308 = arith.index_cast %add3A_305 : i32 to index
      %get3A_309 = tpu.vector_load %arg11[%get3A_307, %get3A_308] {strides = array<i32>} : memref<2x4096xf32, #tpu.memory_space<vmem>>, vector<16xf32>,
      %get3A_310 = arith.constant 0 : i32
      %get3A_311 = arith.index_cast %get3A_310 : i32 to index
      %get3A_312 = arith.index_cast %add3A_305 : i32 to index
      %get3A_313 = tpu.vector_load %arg12[%get3A_311, %get3A_312] {strides = array<i32>} : memref<2x4096xf32, #tpu.memory_space<vmem>>, vector<16xf32>,
      %mul3A_314 = arith.mulf %get3A_309, %get3A_313 : vector<16xf32>
      %add3A_315 = arith.addf %add3A_303, %mul3A_314 : vector<16xf32>
      %add3A_316 = arith.constant 1664 : i32
      %add3A_317 = arith.addi %add3A_316, %mul3A_163 : i32
      %get3A_318 = arith.constant 0 : i32
      %get3A_319 = arith.index_cast %get3A_318 : i32 to index
      %get3A_320 = arith.index_cast %add3A_317 : i32 to index
      %get3A_321 = tpu.vector_load %arg11[%get3A_319, %get3A_320] {strides = array<i32>} : memref<2x4096xf32, #tpu.memory_space<vmem>>, vector<16xf32>,
      %get3A_322 = arith.constant 0 : i32
      %get3A_323 = arith.index_cast %get3A_322 : i32 to index
      %get3A_324 = arith.index_cast %add3A_317 : i32 to index
      %get3A_325 = tpu.vector_load %arg12[%get3A_323, %get3A_324] {strides = array<i32>} : memref<2x4096xf32, #tpu.memory_space<vmem>>, vector<16xf32>,
      %mul3A_326 = arith.mulf %get3A_321, %get3A_325 : vector<16xf32>
      %add3A_327 = arith.addf %add3A_315, %mul3A_326 : vector<16xf32>
      %add3A_328 = arith.constant 1792 : i32
      %add3A_329 = arith.addi %add3A_328, %mul3A_163 : i32
      %get3A_330 = arith.constant 0 : i32
      %get3A_331 = arith.index_cast %get3A_330 : i32 to index
      %get3A_332 = arith.index_cast %add3A_329 : i32 to index
      %get3A_333 = tpu.vector_load %arg11[%get3A_331, %get3A_332] {strides = array<i32>} : memref<2x4096xf32, #tpu.memory_space<vmem>>, vector<16xf32>,
      %get3A_334 = arith.constant 0 : i32
      %get3A_335 = arith.index_cast %get3A_334 : i32 to index
      %get3A_336 = arith.index_cast %add3A_329 : i32 to index
      %get3A_337 = tpu.vector_load %arg12[%get3A_335, %get3A_336] {strides = array<i32>} : memref<2x4096xf32, #tpu.memory_space<vmem>>, vector<16xf32>,
      %mul3A_338 = arith.mulf %get3A_333, %get3A_337 : vector<16xf32>
      %add3A_339 = arith.addf %add3A_327, %mul3A_338 : vector<16xf32>
      %add3A_340 = arith.constant 1920 : i32
      %add3A_341 = arith.addi %add3A_340, %mul3A_163 : i32
      %get3A_342 = arith.constant 0 : i32
      %get3A_343 = arith.index_cast %get3A_342 : i32 to index
      %get3A_344 = arith.index_cast %add3A_341 : i32 to index
      %get3A_345 = tpu.vector_load %arg11[%get3A_343, %get3A_344] {strides = array<i32>} : memref<2x4096xf32, #tpu.memory_space<vmem>>, vector<16xf32>,
      %get3A_346 = arith.constant 0 : i32
      %get3A_347 = arith.index_cast %get3A_346 : i32 to index
      %get3A_348 = arith.index_cast %add3A_341 : i32 to index
      %get3A_349 = tpu.vector_load %arg12[%get3A_347, %get3A_348] {strides = array<i32>} : memref<2x4096xf32, #tpu.memory_space<vmem>>, vector<16xf32>,
      %mul3A_350 = arith.mulf %get3A_345, %get3A_349 : vector<16xf32>
      %add3A_351 = arith.addf %add3A_339, %mul3A_350 : vector<16xf32>
      %add3A_352 = arith.constant 2048 : i32
      %add3A_353 = arith.addi %add3A_352, %mul3A_163 : i32
      %get3A_354 = arith.constant 0 : i32
      %get3A_355 = arith.index_cast %get3A_354 : i32 to index
      %get3A_356 = arith.index_cast %add3A_353 : i32 to index
      %get3A_357 = tpu.vector_load %arg11[%get3A_355, %get3A_356] {strides = array<i32>} : memref<2x4096xf32, #tpu.memory_space<vmem>>, vector<16xf32>,
      %get3A_358 = arith.constant 0 : i32
      %get3A_359 = arith.index_cast %get3A_358 : i32 to index
      %get3A_360 = arith.index_cast %add3A_353 : i32 to index
      %get3A_361 = tpu.vector_load %arg12[%get3A_359, %get3A_360] {strides = array<i32>} : memref<2x4096xf32, #tpu.memory_space<vmem>>, vector<16xf32>,
      %mul3A_362 = arith.mulf %get3A_357, %get3A_361 : vector<16xf32>
      %add3A_363 = arith.addf %add3A_351, %mul3A_362 : vector<16xf32>
      %add3A_364 = arith.constant 2176 : i32
      %add3A_365 = arith.addi %add3A_364, %mul3A_163 : i32
      %get3A_366 = arith.constant 0 : i32
      %get3A_367 = arith.index_cast %get3A_366 : i32 to index
      %get3A_368 = arith.index_cast %add3A_365 : i32 to index
      %get3A_369 = tpu.vector_load %arg11[%get3A_367, %get3A_368] {strides = array<i32>} : memref<2x4096xf32, #tpu.memory_space<vmem>>, vector<16xf32>,
      %get3A_370 = arith.constant 0 : i32
      %get3A_371 = arith.index_cast %get3A_370 : i32 to index
      %get3A_372 = arith.index_cast %add3A_365 : i32 to index
      %get3A_373 = tpu.vector_load %arg12[%get3A_371, %get3A_372] {strides = array<i32>} : memref<2x4096xf32, #tpu.memory_space<vmem>>, vector<16xf32>,
      %mul3A_374 = arith.mulf %get3A_369, %get3A_373 : vector<16xf32>
      %add3A_375 = arith.addf %add3A_363, %mul3A_374 : vector<16xf32>
      %add3A_376 = arith.constant 2304 : i32
      %add3A_377 = arith.addi %add3A_376, %mul3A_163 : i32
      %get3A_378 = arith.constant 0 : i32
      %get3A_379 = arith.index_cast %get3A_378 : i32 to index
      %get3A_380 = arith.index_cast %add3A_377 : i32 to index
      %get3A_381 = tpu.vector_load %arg11[%get3A_379, %get3A_380] {strides = array<i32>} : memref<2x4096xf32, #tpu.memory_space<vmem>>, vector<16xf32>,
      %get3A_382 = arith.constant 0 : i32
      %get3A_383 = arith.index_cast %get3A_382 : i32 to index
      %get3A_384 = arith.index_cast %add3A_377 : i32 to index
      %get3A_385 = tpu.vector_load %arg12[%get3A_383, %get3A_384] {strides = array<i32>} : memref<2x4096xf32, #tpu.memory_space<vmem>>, vector<16xf32>,
      %mul3A_386 = arith.mulf %get3A_381, %get3A_385 : vector<16xf32>
      %add3A_387 = arith.addf %add3A_375, %mul3A_386 : vector<16xf32>
      %add3A_388 = arith.constant 2432 : i32
      %add3A_389 = arith.addi %add3A_388, %mul3A_163 : i32
      %get3A_390 = arith.constant 0 : i32
      %get3A_391 = arith.index_cast %get3A_390 : i32 to index
      %get3A_392 = arith.index_cast %add3A_389 : i32 to index
      %get3A_393 = tpu.vector_load %arg11[%get3A_391, %get3A_392] {strides = array<i32>} : memref<2x4096xf32, #tpu.memory_space<vmem>>, vector<16xf32>,
      %get3A_394 = arith.constant 0 : i32
      %get3A_395 = arith.index_cast %get3A_394 : i32 to index
      %get3A_396 = arith.index_cast %add3A_389 : i32 to index
      %get3A_397 = tpu.vector_load %arg12[%get3A_395, %get3A_396] {strides = array<i32>} : memref<2x4096xf32, #tpu.memory_space<vmem>>, vector<16xf32>,
      %mul3A_398 = arith.mulf %get3A_393, %get3A_397 : vector<16xf32>
      %add3A_399 = arith.addf %add3A_387, %mul3A_398 : vector<16xf32>
      %add3A_400 = arith.constant 2560 : i32
      %add3A_401 = arith.addi %add3A_400, %mul3A_163 : i32
      %get3A_402 = arith.constant 0 : i32
      %get3A_403 = arith.index_cast %get3A_402 : i32 to index
      %get3A_404 = arith.index_cast %add3A_401 : i32 to index
      %get3A_405 = tpu.vector_load %arg11[%get3A_403, %get3A_404] {strides = array<i32>} : memref<2x4096xf32, #tpu.memory_space<vmem>>, vector<16xf32>,
      %get3A_406 = arith.constant 0 : i32
      %get3A_407 = arith.index_cast %get3A_406 : i32 to index
      %get3A_408 = arith.index_cast %add3A_401 : i32 to index
      %get3A_409 = tpu.vector_load %arg12[%get3A_407, %get3A_408] {strides = array<i32>} : memref<2x4096xf32, #tpu.memory_space<vmem>>, vector<16xf32>,
      %mul3A_410 = arith.mulf %get3A_405, %get3A_409 : vector<16xf32>
      %add3A_411 = arith.addf %add3A_399, %mul3A_410 : vector<16xf32>
      %add3A_412 = arith.constant 2688 : i32
      %add3A_413 = arith.addi %add3A_412, %mul3A_163 : i32
      %get3A_414 = arith.constant 0 : i32
      %get3A_415 = arith.index_cast %get3A_414 : i32 to index
      %get3A_416 = arith.index_cast %add3A_413 : i32 to index
      %get3A_417 = tpu.vector_load %arg11[%get3A_415, %get3A_416] {strides = array<i32>} : memref<2x4096xf32, #tpu.memory_space<vmem>>, vector<16xf32>,
      %get3A_418 = arith.constant 0 : i32
      %get3A_419 = arith.index_cast %get3A_418 : i32 to index
      %get3A_420 = arith.index_cast %add3A_413 : i32 to index
      %get3A_421 = tpu.vector_load %arg12[%get3A_419, %get3A_420] {strides = array<i32>} : memref<2x4096xf32, #tpu.memory_space<vmem>>, vector<16xf32>,
      %mul3A_422 = arith.mulf %get3A_417, %get3A_421 : vector<16xf32>
      %add3A_423 = arith.addf %add3A_411, %mul3A_422 : vector<16xf32>
      %add3A_424 = arith.constant 2816 : i32
      %add3A_425 = arith.addi %add3A_424, %mul3A_163 : i32
      %get3A_426 = arith.constant 0 : i32
      %get3A_427 = arith.index_cast %get3A_426 : i32 to index
      %get3A_428 = arith.index_cast %add3A_425 : i32 to index
      %get3A_429 = tpu.vector_load %arg11[%get3A_427, %get3A_428] {strides = array<i32>} : memref<2x4096xf32, #tpu.memory_space<vmem>>, vector<16xf32>,
      %get3A_430 = arith.constant 0 : i32
      %get3A_431 = arith.index_cast %get3A_430 : i32 to index
      %get3A_432 = arith.index_cast %add3A_425 : i32 to index
      %get3A_433 = tpu.vector_load %arg12[%get3A_431, %get3A_432] {strides = array<i32>} : memref<2x4096xf32, #tpu.memory_space<vmem>>, vector<16xf32>,
      %mul3A_434 = arith.mulf %get3A_429, %get3A_433 : vector<16xf32>
      %add3A_435 = arith.addf %add3A_423, %mul3A_434 : vector<16xf32>
      %add3A_436 = arith.constant 2944 : i32
      %add3A_437 = arith.addi %add3A_436, %mul3A_163 : i32
      %get3A_438 = arith.constant 0 : i32
      %get3A_439 = arith.index_cast %get3A_438 : i32 to index
      %get3A_440 = arith.index_cast %add3A_437 : i32 to index
      %get3A_441 = tpu.vector_load %arg11[%get3A_439, %get3A_440] {strides = array<i32>} : memref<2x4096xf32, #tpu.memory_space<vmem>>, vector<16xf32>,
      %get3A_442 = arith.constant 0 : i32
      %get3A_443 = arith.index_cast %get3A_442 : i32 to index
      %get3A_444 = arith.index_cast %add3A_437 : i32 to index
      %get3A_445 = tpu.vector_load %arg12[%get3A_443, %get3A_444] {strides = array<i32>} : memref<2x4096xf32, #tpu.memory_space<vmem>>, vector<16xf32>,
      %mul3A_446 = arith.mulf %get3A_441, %get3A_445 : vector<16xf32>
      %add3A_447 = arith.addf %add3A_435, %mul3A_446 : vector<16xf32>
      %add3A_448 = arith.constant 3072 : i32
      %add3A_449 = arith.addi %add3A_448, %mul3A_163 : i32
      %get3A_450 = arith.constant 0 : i32
      %get3A_451 = arith.index_cast %get3A_450 : i32 to index
      %get3A_452 = arith.index_cast %add3A_449 : i32 to index
      %get3A_453 = tpu.vector_load %arg11[%get3A_451, %get3A_452] {strides = array<i32>} : memref<2x4096xf32, #tpu.memory_space<vmem>>, vector<16xf32>,
      %get3A_454 = arith.constant 0 : i32
      %get3A_455 = arith.index_cast %get3A_454 : i32 to index
      %get3A_456 = arith.index_cast %add3A_449 : i32 to index
      %get3A_457 = tpu.vector_load %arg12[%get3A_455, %get3A_456] {strides = array<i32>} : memref<2x4096xf32, #tpu.memory_space<vmem>>, vector<16xf32>,
      %mul3A_458 = arith.mulf %get3A_453, %get3A_457 : vector<16xf32>
      %add3A_459 = arith.addf %add3A_447, %mul3A_458 : vector<16xf32>
      %add3A_460 = arith.constant 3200 : i32
      %add3A_461 = arith.addi %add3A_460, %mul3A_163 : i32
      %get3A_462 = arith.constant 0 : i32
      %get3A_463 = arith.index_cast %get3A_462 : i32 to index
      %get3A_464 = arith.index_cast %add3A_461 : i32 to index
      %get3A_465 = tpu.vector_load %arg11[%get3A_463, %get3A_464] {strides = array<i32>} : memref<2x4096xf32, #tpu.memory_space<vmem>>, vector<16xf32>,
      %get3A_466 = arith.constant 0 : i32
      %get3A_467 = arith.index_cast %get3A_466 : i32 to index
      %get3A_468 = arith.index_cast %add3A_461 : i32 to index
      %get3A_469 = tpu.vector_load %arg12[%get3A_467, %get3A_468] {strides = array<i32>} : memref<2x4096xf32, #tpu.memory_space<vmem>>, vector<16xf32>,
      %mul3A_470 = arith.mulf %get3A_465, %get3A_469 : vector<16xf32>
      %add3A_471 = arith.addf %add3A_459, %mul3A_470 : vector<16xf32>
      %add3A_472 = arith.constant 3328 : i32
      %add3A_473 = arith.addi %add3A_472, %mul3A_163 : i32
      %get3A_474 = arith.constant 0 : i32
      %get3A_475 = arith.index_cast %get3A_474 : i32 to index
      %get3A_476 = arith.index_cast %add3A_473 : i32 to index
      %get3A_477 = tpu.vector_load %arg11[%get3A_475, %get3A_476] {strides = array<i32>} : memref<2x4096xf32, #tpu.memory_space<vmem>>, vector<16xf32>,
      %get3A_478 = arith.constant 0 : i32
      %get3A_479 = arith.index_cast %get3A_478 : i32 to index
      %get3A_480 = arith.index_cast %add3A_473 : i32 to index
      %get3A_481 = tpu.vector_load %arg12[%get3A_479, %get3A_480] {strides = array<i32>} : memref<2x4096xf32, #tpu.memory_space<vmem>>, vector<16xf32>,
      %mul3A_482 = arith.mulf %get3A_477, %get3A_481 : vector<16xf32>
      %add3A_483 = arith.addf %add3A_471, %mul3A_482 : vector<16xf32>
      %add3A_484 = arith.constant 3456 : i32
      %add3A_485 = arith.addi %add3A_484, %mul3A_163 : i32
      %get3A_486 = arith.constant 0 : i32
      %get3A_487 = arith.index_cast %get3A_486 : i32 to index
      %get3A_488 = arith.index_cast %add3A_485 : i32 to index
      %get3A_489 = tpu.vector_load %arg11[%get3A_487, %get3A_488] {strides = array<i32>} : memref<2x4096xf32, #tpu.memory_space<vmem>>, vector<16xf32>,
      %get3A_490 = arith.constant 0 : i32
      %get3A_491 = arith.index_cast %get3A_490 : i32 to index
      %get3A_492 = arith.index_cast %add3A_485 : i32 to index
      %get3A_493 = tpu.vector_load %arg12[%get3A_491, %get3A_492] {strides = array<i32>} : memref<2x4096xf32, #tpu.memory_space<vmem>>, vector<16xf32>,
      %mul3A_494 = arith.mulf %get3A_489, %get3A_493 : vector<16xf32>
      %add3A_495 = arith.addf %add3A_483, %mul3A_494 : vector<16xf32>
      %add3A_496 = arith.constant 3584 : i32
      %add3A_497 = arith.addi %add3A_496, %mul3A_163 : i32
      %get3A_498 = arith.constant 0 : i32
      %get3A_499 = arith.index_cast %get3A_498 : i32 to index
      %get3A_500 = arith.index_cast %add3A_497 : i32 to index
      %get3A_501 = tpu.vector_load %arg11[%get3A_499, %get3A_500] {strides = array<i32>} : memref<2x4096xf32, #tpu.memory_space<vmem>>, vector<16xf32>,
      %get3A_502 = arith.constant 0 : i32
      %get3A_503 = arith.index_cast %get3A_502 : i32 to index
      %get3A_504 = arith.index_cast %add3A_497 : i32 to index
      %get3A_505 = tpu.vector_load %arg12[%get3A_503, %get3A_504] {strides = array<i32>} : memref<2x4096xf32, #tpu.memory_space<vmem>>, vector<16xf32>,
      %mul3A_506 = arith.mulf %get3A_501, %get3A_505 : vector<16xf32>
      %add3A_507 = arith.addf %add3A_495, %mul3A_506 : vector<16xf32>
      %add3A_508 = arith.constant 3712 : i32
      %add3A_509 = arith.addi %add3A_508, %mul3A_163 : i32
      %get3A_510 = arith.constant 0 : i32
      %get3A_511 = arith.index_cast %get3A_510 : i32 to index
      %get3A_512 = arith.index_cast %add3A_509 : i32 to index
      %get3A_513 = tpu.vector_load %arg11[%get3A_511, %get3A_512] {strides = array<i32>} : memref<2x4096xf32, #tpu.memory_space<vmem>>, vector<16xf32>,
      %get3A_514 = arith.constant 0 : i32
      %get3A_515 = arith.index_cast %get3A_514 : i32 to index
      %get3A_516 = arith.index_cast %add3A_509 : i32 to index
      %get3A_517 = tpu.vector_load %arg12[%get3A_515, %get3A_516] {strides = array<i32>} : memref<2x4096xf32, #tpu.memory_space<vmem>>, vector<16xf32>,
      %mul3A_518 = arith.mulf %get3A_513, %get3A_517 : vector<16xf32>
      %add3A_519 = arith.addf %add3A_507, %mul3A_518 : vector<16xf32>
      %add3A_520 = arith.constant 3840 : i32
      %add3A_521 = arith.addi %add3A_520, %mul3A_163 : i32
      %get3A_522 = arith.constant 0 : i32
      %get3A_523 = arith.index_cast %get3A_522 : i32 to index
      %get3A_524 = arith.index_cast %add3A_521 : i32 to index
      %get3A_525 = tpu.vector_load %arg11[%get3A_523, %get3A_524] {strides = array<i32>} : memref<2x4096xf32, #tpu.memory_space<vmem>>, vector<16xf32>,
      %get3A_526 = arith.constant 0 : i32
      %get3A_527 = arith.index_cast %get3A_526 : i32 to index
      %get3A_528 = arith.index_cast %add3A_521 : i32 to index
      %get3A_529 = tpu.vector_load %arg12[%get3A_527, %get3A_528] {strides = array<i32>} : memref<2x4096xf32, #tpu.memory_space<vmem>>, vector<16xf32>,
      %mul3A_530 = arith.mulf %get3A_525, %get3A_529 : vector<16xf32>
      %add3A_531 = arith.addf %add3A_519, %mul3A_530 : vector<16xf32>
      %add3A_532 = arith.constant 3968 : i32
      %add3A_533 = arith.addi %add3A_532, %mul3A_163 : i32
      %get3A_534 = arith.constant 0 : i32
      %get3A_535 = arith.index_cast %get3A_534 : i32 to index
      %get3A_536 = arith.index_cast %add3A_533 : i32 to index
      %get3A_537 = tpu.vector_load %arg11[%get3A_535, %get3A_536] {strides = array<i32>} : memref<2x4096xf32, #tpu.memory_space<vmem>>, vector<16xf32>,
      %get3A_538 = arith.constant 0 : i32
      %get3A_539 = arith.index_cast %get3A_538 : i32 to index
      %get3A_540 = arith.index_cast %add3A_533 : i32 to index
      %get3A_541 = tpu.vector_load %arg12[%get3A_539, %get3A_540] {strides = array<i32>} : memref<2x4096xf32, #tpu.memory_space<vmem>>, vector<16xf32>,
      %mul3A_542 = arith.mulf %get3A_537, %get3A_541 : vector<16xf32>
      %add3A_543 = arith.addf %add3A_531, %mul3A_542 : vector<16xf32>
      %add3A_544 = arith.constant 0 : i32
      %add3A_545 = arith.addi %add3A_544, %mul3A_163 : i32
      %swap3A = arith.index_cast %add3A_545 : i32 to index
      %swap3A_546 = tpu.vector_load %arg13[%swap3A] {strides = array<i32>} : memref<512xf32, #tpu.memory_space<vmem>>, vector<16xf32>,
      tpu.vector_store %arg13[%swap3A], %add3A_543 {strides = array<i32>} : memref<512xf32, #tpu.memory_space<vmem>>, vector<16xf32>,
    }
    %scan3A_52 = arith.constant 8 : i32
    %scan3A_53 = arith.constant 0 : i32
    %scan3A_54 = arith.constant 0 : i32
    %scan3A_55 = arith.constant 32 : i32
    %scan3A_56 = arith.addi %scan3A_54, %scan3A_55 : i32
    %scan3A_57 = arith.constant 1 : i32
    scf.for %scan3A_161 = %scan3A_54 to %scan3A_56 step %scan3A_57  : i32 {
      %mul3A_162 = arith.constant 128 : i32
      %mul3A_163 = arith.muli %scan3A_161, %mul3A_162 : i32
      %add3A_164 = arith.constant 0 : i32
      %add3A_165 = arith.addi %mul3A_163, %add3A_164 : i32
      %get3A = arith.constant 256 : index
      %get3A_166 = tpu.vector_load %arg7[%get3A] {strides = array<i32>} : memref<512xi32, #tpu.memory_space<vmem>>, vector<16xi32>,
      %mul3A_167 = arith.constant 32 : i32
      %mul3A_168 = vector.broadcast %mul3A_167 : i32 to vector<16xi32>
      %mul3A_169 = arith.muli %get3A_166, %mul3A_168 : vector<16xi32>
      %add3A_170 = vector.broadcast %scan3A_161 : i32 to vector<16xi32>
      %add3A_171 = arith.addi %mul3A_169, %add3A_170 : vector<16xi32>
      %swap3A = arith.constant 0 : i32
      %swap3A_172 = arith.index_cast %swap3A : i32 to index
      %swap3A_173 = arith.index_cast %add3A_165 : i32 to index
      %swap3A_174 = tpu.vector_load %arg9[%swap3A_172, %swap3A_173] {strides = array<i32>} : memref<2x4096xi32, #tpu.memory_space<vmem>>, vector<16xi32>,
      tpu.vector_store %arg9[%swap3A_172, %swap3A_173], %add3A_171 {strides = array<i32>} : memref<2x4096xi32, #tpu.memory_space<vmem>>, vector<16xi32>,
      %get3A_175 = arith.constant 256 : index
      %get3A_176 = tpu.vector_load %arg8[%get3A_175] {strides = array<i32>} : memref<512xi32, #tpu.memory_space<vmem>>, vector<16xi32>,
      %mul3A_177 = arith.constant 32 : i32
      %mul3A_178 = vector.broadcast %mul3A_177 : i32 to vector<16xi32>
      %mul3A_179 = arith.muli %get3A_176, %mul3A_178 : vector<16xi32>
      %add3A_180 = vector.broadcast %scan3A_161 : i32 to vector<16xi32>
      %add3A_181 = arith.addi %mul3A_179, %add3A_180 : vector<16xi32>
      %swap3A_182 = arith.constant 0 : i32
      %swap3A_183 = arith.index_cast %swap3A_182 : i32 to index
      %swap3A_184 = arith.index_cast %add3A_165 : i32 to index
      %swap3A_185 = tpu.vector_load %arg10[%swap3A_183, %swap3A_184] {strides = array<i32>} : memref<2x4096xi32, #tpu.memory_space<vmem>>, vector<16xi32>,
      tpu.vector_store %arg10[%swap3A_183, %swap3A_184], %add3A_181 {strides = array<i32>} : memref<2x4096xi32, #tpu.memory_space<vmem>>, vector<16xi32>,
      %mul3A_186 = arith.constant 128 : i32
      %mul3A_187 = arith.muli %scan3A_161, %mul3A_186 : i32
      %add3A_188 = arith.constant 16 : i32
      %add3A_189 = arith.addi %mul3A_187, %add3A_188 : i32
      %get3A_190 = arith.constant 272 : index
      %get3A_191 = tpu.vector_load %arg7[%get3A_190] {strides = array<i32>} : memref<512xi32, #tpu.memory_space<vmem>>, vector<16xi32>,
      %mul3A_192 = arith.constant 32 : i32
      %mul3A_193 = vector.broadcast %mul3A_192 : i32 to vector<16xi32>
      %mul3A_194 = arith.muli %get3A_191, %mul3A_193 : vector<16xi32>
      %add3A_195 = vector.broadcast %scan3A_161 : i32 to vector<16xi32>
      %add3A_196 = arith.addi %mul3A_194, %add3A_195 : vector<16xi32>
      %swap3A_197 = arith.constant 0 : i32
      %swap3A_198 = arith.index_cast %swap3A_197 : i32 to index
      %swap3A_199 = arith.index_cast %add3A_189 : i32 to index
      %swap3A_200 = tpu.vector_load %arg9[%swap3A_198, %swap3A_199] {strides = array<i32>} : memref<2x4096xi32, #tpu.memory_space<vmem>>, vector<16xi32>,
      tpu.vector_store %arg9[%swap3A_198, %swap3A_199], %add3A_196 {strides = array<i32>} : memref<2x4096xi32, #tpu.memory_space<vmem>>, vector<16xi32>,
      %get3A_201 = arith.constant 272 : index
      %get3A_202 = tpu.vector_load %arg8[%get3A_201] {strides = array<i32>} : memref<512xi32, #tpu.memory_space<vmem>>, vector<16xi32>,
      %mul3A_203 = arith.constant 32 : i32
      %mul3A_204 = vector.broadcast %mul3A_203 : i32 to vector<16xi32>
      %mul3A_205 = arith.muli %get3A_202, %mul3A_204 : vector<16xi32>
      %add3A_206 = vector.broadcast %scan3A_161 : i32 to vector<16xi32>
      %add3A_207 = arith.addi %mul3A_205, %add3A_206 : vector<16xi32>
      %swap3A_208 = arith.constant 0 : i32
      %swap3A_209 = arith.index_cast %swap3A_208 : i32 to index
      %swap3A_210 = arith.index_cast %add3A_189 : i32 to index
      %swap3A_211 = tpu.vector_load %arg10[%swap3A_209, %swap3A_210] {strides = array<i32>} : memref<2x4096xi32, #tpu.memory_space<vmem>>, vector<16xi32>,
      tpu.vector_store %arg10[%swap3A_209, %swap3A_210], %add3A_207 {strides = array<i32>} : memref<2x4096xi32, #tpu.memory_space<vmem>>, vector<16xi32>,
      %mul3A_212 = arith.constant 128 : i32
      %mul3A_213 = arith.muli %scan3A_161, %mul3A_212 : i32
      %add3A_214 = arith.constant 32 : i32
      %add3A_215 = arith.addi %mul3A_213, %add3A_214 : i32
      %get3A_216 = arith.constant 288 : index
      %get3A_217 = tpu.vector_load %arg7[%get3A_216] {strides = array<i32>} : memref<512xi32, #tpu.memory_space<vmem>>, vector<16xi32>,
      %mul3A_218 = arith.constant 32 : i32
      %mul3A_219 = vector.broadcast %mul3A_218 : i32 to vector<16xi32>
      %mul3A_220 = arith.muli %get3A_217, %mul3A_219 : vector<16xi32>
      %add3A_221 = vector.broadcast %scan3A_161 : i32 to vector<16xi32>
      %add3A_222 = arith.addi %mul3A_220, %add3A_221 : vector<16xi32>
      %swap3A_223 = arith.constant 0 : i32
      %swap3A_224 = arith.index_cast %swap3A_223 : i32 to index
      %swap3A_225 = arith.index_cast %add3A_215 : i32 to index
      %swap3A_226 = tpu.vector_load %arg9[%swap3A_224, %swap3A_225] {strides = array<i32>} : memref<2x4096xi32, #tpu.memory_space<vmem>>, vector<16xi32>,
      tpu.vector_store %arg9[%swap3A_224, %swap3A_225], %add3A_222 {strides = array<i32>} : memref<2x4096xi32, #tpu.memory_space<vmem>>, vector<16xi32>,
      %get3A_227 = arith.constant 288 : index
      %get3A_228 = tpu.vector_load %arg8[%get3A_227] {strides = array<i32>} : memref<512xi32, #tpu.memory_space<vmem>>, vector<16xi32>,
      %mul3A_229 = arith.constant 32 : i32
      %mul3A_230 = vector.broadcast %mul3A_229 : i32 to vector<16xi32>
      %mul3A_231 = arith.muli %get3A_228, %mul3A_230 : vector<16xi32>
      %add3A_232 = vector.broadcast %scan3A_161 : i32 to vector<16xi32>
      %add3A_233 = arith.addi %mul3A_231, %add3A_232 : vector<16xi32>
      %swap3A_234 = arith.constant 0 : i32
      %swap3A_235 = arith.index_cast %swap3A_234 : i32 to index
      %swap3A_236 = arith.index_cast %add3A_215 : i32 to index
      %swap3A_237 = tpu.vector_load %arg10[%swap3A_235, %swap3A_236] {strides = array<i32>} : memref<2x4096xi32, #tpu.memory_space<vmem>>, vector<16xi32>,
      tpu.vector_store %arg10[%swap3A_235, %swap3A_236], %add3A_233 {strides = array<i32>} : memref<2x4096xi32, #tpu.memory_space<vmem>>, vector<16xi32>,
      %mul3A_238 = arith.constant 128 : i32
      %mul3A_239 = arith.muli %scan3A_161, %mul3A_238 : i32
      %add3A_240 = arith.constant 48 : i32
      %add3A_241 = arith.addi %mul3A_239, %add3A_240 : i32
      %get3A_242 = arith.constant 304 : index
      %get3A_243 = tpu.vector_load %arg7[%get3A_242] {strides = array<i32>} : memref<512xi32, #tpu.memory_space<vmem>>, vector<16xi32>,
      %mul3A_244 = arith.constant 32 : i32
      %mul3A_245 = vector.broadcast %mul3A_244 : i32 to vector<16xi32>
      %mul3A_246 = arith.muli %get3A_243, %mul3A_245 : vector<16xi32>
      %add3A_247 = vector.broadcast %scan3A_161 : i32 to vector<16xi32>
      %add3A_248 = arith.addi %mul3A_246, %add3A_247 : vector<16xi32>
      %swap3A_249 = arith.constant 0 : i32
      %swap3A_250 = arith.index_cast %swap3A_249 : i32 to index
      %swap3A_251 = arith.index_cast %add3A_241 : i32 to index
      %swap3A_252 = tpu.vector_load %arg9[%swap3A_250, %swap3A_251] {strides = array<i32>} : memref<2x4096xi32, #tpu.memory_space<vmem>>, vector<16xi32>,
      tpu.vector_store %arg9[%swap3A_250, %swap3A_251], %add3A_248 {strides = array<i32>} : memref<2x4096xi32, #tpu.memory_space<vmem>>, vector<16xi32>,
      %get3A_253 = arith.constant 304 : index
      %get3A_254 = tpu.vector_load %arg8[%get3A_253] {strides = array<i32>} : memref<512xi32, #tpu.memory_space<vmem>>, vector<16xi32>,
      %mul3A_255 = arith.constant 32 : i32
      %mul3A_256 = vector.broadcast %mul3A_255 : i32 to vector<16xi32>
      %mul3A_257 = arith.muli %get3A_254, %mul3A_256 : vector<16xi32>
      %add3A_258 = vector.broadcast %scan3A_161 : i32 to vector<16xi32>
      %add3A_259 = arith.addi %mul3A_257, %add3A_258 : vector<16xi32>
      %swap3A_260 = arith.constant 0 : i32
      %swap3A_261 = arith.index_cast %swap3A_260 : i32 to index
      %swap3A_262 = arith.index_cast %add3A_241 : i32 to index
      %swap3A_263 = tpu.vector_load %arg10[%swap3A_261, %swap3A_262] {strides = array<i32>} : memref<2x4096xi32, #tpu.memory_space<vmem>>, vector<16xi32>,
      tpu.vector_store %arg10[%swap3A_261, %swap3A_262], %add3A_259 {strides = array<i32>} : memref<2x4096xi32, #tpu.memory_space<vmem>>, vector<16xi32>,
      %mul3A_264 = arith.constant 128 : i32
      %mul3A_265 = arith.muli %scan3A_161, %mul3A_264 : i32
      %add3A_266 = arith.constant 64 : i32
      %add3A_267 = arith.addi %mul3A_265, %add3A_266 : i32
      %get3A_268 = arith.constant 320 : index
      %get3A_269 = tpu.vector_load %arg7[%get3A_268] {strides = array<i32>} : memref<512xi32, #tpu.memory_space<vmem>>, vector<16xi32>,
      %mul3A_270 = arith.constant 32 : i32
      %mul3A_271 = vector.broadcast %mul3A_270 : i32 to vector<16xi32>
      %mul3A_272 = arith.muli %get3A_269, %mul3A_271 : vector<16xi32>
      %add3A_273 = vector.broadcast %scan3A_161 : i32 to vector<16xi32>
      %add3A_274 = arith.addi %mul3A_272, %add3A_273 : vector<16xi32>
      %swap3A_275 = arith.constant 0 : i32
      %swap3A_276 = arith.index_cast %swap3A_275 : i32 to index
      %swap3A_277 = arith.index_cast %add3A_267 : i32 to index
      %swap3A_278 = tpu.vector_load %arg9[%swap3A_276, %swap3A_277] {strides = array<i32>} : memref<2x4096xi32, #tpu.memory_space<vmem>>, vector<16xi32>,
      tpu.vector_store %arg9[%swap3A_276, %swap3A_277], %add3A_274 {strides = array<i32>} : memref<2x4096xi32, #tpu.memory_space<vmem>>, vector<16xi32>,
      %get3A_279 = arith.constant 320 : index
      %get3A_280 = tpu.vector_load %arg8[%get3A_279] {strides = array<i32>} : memref<512xi32, #tpu.memory_space<vmem>>, vector<16xi32>,
      %mul3A_281 = arith.constant 32 : i32
      %mul3A_282 = vector.broadcast %mul3A_281 : i32 to vector<16xi32>
      %mul3A_283 = arith.muli %get3A_280, %mul3A_282 : vector<16xi32>
      %add3A_284 = vector.broadcast %scan3A_161 : i32 to vector<16xi32>
      %add3A_285 = arith.addi %mul3A_283, %add3A_284 : vector<16xi32>
      %swap3A_286 = arith.constant 0 : i32
      %swap3A_287 = arith.index_cast %swap3A_286 : i32 to index
      %swap3A_288 = arith.index_cast %add3A_267 : i32 to index
      %swap3A_289 = tpu.vector_load %arg10[%swap3A_287, %swap3A_288] {strides = array<i32>} : memref<2x4096xi32, #tpu.memory_space<vmem>>, vector<16xi32>,
      tpu.vector_store %arg10[%swap3A_287, %swap3A_288], %add3A_285 {strides = array<i32>} : memref<2x4096xi32, #tpu.memory_space<vmem>>, vector<16xi32>,
      %mul3A_290 = arith.constant 128 : i32
      %mul3A_291 = arith.muli %scan3A_161, %mul3A_290 : i32
      %add3A_292 = arith.constant 80 : i32
      %add3A_293 = arith.addi %mul3A_291, %add3A_292 : i32
      %get3A_294 = arith.constant 336 : index
      %get3A_295 = tpu.vector_load %arg7[%get3A_294] {strides = array<i32>} : memref<512xi32, #tpu.memory_space<vmem>>, vector<16xi32>,
      %mul3A_296 = arith.constant 32 : i32
      %mul3A_297 = vector.broadcast %mul3A_296 : i32 to vector<16xi32>
      %mul3A_298 = arith.muli %get3A_295, %mul3A_297 : vector<16xi32>
      %add3A_299 = vector.broadcast %scan3A_161 : i32 to vector<16xi32>
      %add3A_300 = arith.addi %mul3A_298, %add3A_299 : vector<16xi32>
      %swap3A_301 = arith.constant 0 : i32
      %swap3A_302 = arith.index_cast %swap3A_301 : i32 to index
      %swap3A_303 = arith.index_cast %add3A_293 : i32 to index
      %swap3A_304 = tpu.vector_load %arg9[%swap3A_302, %swap3A_303] {strides = array<i32>} : memref<2x4096xi32, #tpu.memory_space<vmem>>, vector<16xi32>,
      tpu.vector_store %arg9[%swap3A_302, %swap3A_303], %add3A_300 {strides = array<i32>} : memref<2x4096xi32, #tpu.memory_space<vmem>>, vector<16xi32>,
      %get3A_305 = arith.constant 336 : index
      %get3A_306 = tpu.vector_load %arg8[%get3A_305] {strides = array<i32>} : memref<512xi32, #tpu.memory_space<vmem>>, vector<16xi32>,
      %mul3A_307 = arith.constant 32 : i32
      %mul3A_308 = vector.broadcast %mul3A_307 : i32 to vector<16xi32>
      %mul3A_309 = arith.muli %get3A_306, %mul3A_308 : vector<16xi32>
      %add3A_310 = vector.broadcast %scan3A_161 : i32 to vector<16xi32>
      %add3A_311 = arith.addi %mul3A_309, %add3A_310 : vector<16xi32>
      %swap3A_312 = arith.constant 0 : i32
      %swap3A_313 = arith.index_cast %swap3A_312 : i32 to index
      %swap3A_314 = arith.index_cast %add3A_293 : i32 to index
      %swap3A_315 = tpu.vector_load %arg10[%swap3A_313, %swap3A_314] {strides = array<i32>} : memref<2x4096xi32, #tpu.memory_space<vmem>>, vector<16xi32>,
      tpu.vector_store %arg10[%swap3A_313, %swap3A_314], %add3A_311 {strides = array<i32>} : memref<2x4096xi32, #tpu.memory_space<vmem>>, vector<16xi32>,
      %mul3A_316 = arith.constant 128 : i32
      %mul3A_317 = arith.muli %scan3A_161, %mul3A_316 : i32
      %add3A_318 = arith.constant 96 : i32
      %add3A_319 = arith.addi %mul3A_317, %add3A_318 : i32
      %get3A_320 = arith.constant 352 : index
      %get3A_321 = tpu.vector_load %arg7[%get3A_320] {strides = array<i32>} : memref<512xi32, #tpu.memory_space<vmem>>, vector<16xi32>,
      %mul3A_322 = arith.constant 32 : i32
      %mul3A_323 = vector.broadcast %mul3A_322 : i32 to vector<16xi32>
      %mul3A_324 = arith.muli %get3A_321, %mul3A_323 : vector<16xi32>
      %add3A_325 = vector.broadcast %scan3A_161 : i32 to vector<16xi32>
      %add3A_326 = arith.addi %mul3A_324, %add3A_325 : vector<16xi32>
      %swap3A_327 = arith.constant 0 : i32
      %swap3A_328 = arith.index_cast %swap3A_327 : i32 to index
      %swap3A_329 = arith.index_cast %add3A_319 : i32 to index
      %swap3A_330 = tpu.vector_load %arg9[%swap3A_328, %swap3A_329] {strides = array<i32>} : memref<2x4096xi32, #tpu.memory_space<vmem>>, vector<16xi32>,
      tpu.vector_store %arg9[%swap3A_328, %swap3A_329], %add3A_326 {strides = array<i32>} : memref<2x4096xi32, #tpu.memory_space<vmem>>, vector<16xi32>,
      %get3A_331 = arith.constant 352 : index
      %get3A_332 = tpu.vector_load %arg8[%get3A_331] {strides = array<i32>} : memref<512xi32, #tpu.memory_space<vmem>>, vector<16xi32>,
      %mul3A_333 = arith.constant 32 : i32
      %mul3A_334 = vector.broadcast %mul3A_333 : i32 to vector<16xi32>
      %mul3A_335 = arith.muli %get3A_332, %mul3A_334 : vector<16xi32>
      %add3A_336 = vector.broadcast %scan3A_161 : i32 to vector<16xi32>
      %add3A_337 = arith.addi %mul3A_335, %add3A_336 : vector<16xi32>
      %swap3A_338 = arith.constant 0 : i32
      %swap3A_339 = arith.index_cast %swap3A_338 : i32 to index
      %swap3A_340 = arith.index_cast %add3A_319 : i32 to index
      %swap3A_341 = tpu.vector_load %arg10[%swap3A_339, %swap3A_340] {strides = array<i32>} : memref<2x4096xi32, #tpu.memory_space<vmem>>, vector<16xi32>,
      tpu.vector_store %arg10[%swap3A_339, %swap3A_340], %add3A_337 {strides = array<i32>} : memref<2x4096xi32, #tpu.memory_space<vmem>>, vector<16xi32>,
      %mul3A_342 = arith.constant 128 : i32
      %mul3A_343 = arith.muli %scan3A_161, %mul3A_342 : i32
      %add3A_344 = arith.constant 112 : i32
      %add3A_345 = arith.addi %mul3A_343, %add3A_344 : i32
      %get3A_346 = arith.constant 368 : index
      %get3A_347 = tpu.vector_load %arg7[%get3A_346] {strides = array<i32>} : memref<512xi32, #tpu.memory_space<vmem>>, vector<16xi32>,
      %mul3A_348 = arith.constant 32 : i32
      %mul3A_349 = vector.broadcast %mul3A_348 : i32 to vector<16xi32>
      %mul3A_350 = arith.muli %get3A_347, %mul3A_349 : vector<16xi32>
      %add3A_351 = vector.broadcast %scan3A_161 : i32 to vector<16xi32>
      %add3A_352 = arith.addi %mul3A_350, %add3A_351 : vector<16xi32>
      %swap3A_353 = arith.constant 0 : i32
      %swap3A_354 = arith.index_cast %swap3A_353 : i32 to index
      %swap3A_355 = arith.index_cast %add3A_345 : i32 to index
      %swap3A_356 = tpu.vector_load %arg9[%swap3A_354, %swap3A_355] {strides = array<i32>} : memref<2x4096xi32, #tpu.memory_space<vmem>>, vector<16xi32>,
      tpu.vector_store %arg9[%swap3A_354, %swap3A_355], %add3A_352 {strides = array<i32>} : memref<2x4096xi32, #tpu.memory_space<vmem>>, vector<16xi32>,
      %get3A_357 = arith.constant 368 : index
      %get3A_358 = tpu.vector_load %arg8[%get3A_357] {strides = array<i32>} : memref<512xi32, #tpu.memory_space<vmem>>, vector<16xi32>,
      %mul3A_359 = arith.constant 32 : i32
      %mul3A_360 = vector.broadcast %mul3A_359 : i32 to vector<16xi32>
      %mul3A_361 = arith.muli %get3A_358, %mul3A_360 : vector<16xi32>
      %add3A_362 = vector.broadcast %scan3A_161 : i32 to vector<16xi32>
      %add3A_363 = arith.addi %mul3A_361, %add3A_362 : vector<16xi32>
      %swap3A_364 = arith.constant 0 : i32
      %swap3A_365 = arith.index_cast %swap3A_364 : i32 to index
      %swap3A_366 = arith.index_cast %add3A_345 : i32 to index
      %swap3A_367 = tpu.vector_load %arg10[%swap3A_365, %swap3A_366] {strides = array<i32>} : memref<2x4096xi32, #tpu.memory_space<vmem>>, vector<16xi32>,
      tpu.vector_store %arg10[%swap3A_365, %swap3A_366], %add3A_363 {strides = array<i32>} : memref<2x4096xi32, #tpu.memory_space<vmem>>, vector<16xi32>,
    }
    %scan3A_58 = arith.constant 32 : i32
    %scan3A_59 = arith.constant 0 : i32
    %scan3A_60 = arith.constant 0 : i32
    %scan3A_61 = arith.constant 32 : i32
    %scan3A_62 = arith.addi %scan3A_60, %scan3A_61 : i32
    %scan3A_63 = arith.constant 1 : i32
    scf.for %scan3A_161 = %scan3A_60 to %scan3A_62 step %scan3A_63  : i32 {
      %mul3A_162 = arith.constant 128 : i32
      %mul3A_163 = arith.muli %scan3A_161, %mul3A_162 : i32
      %dma_start3A = arith.constant 0 : i32
      %dma_start3A_164 = arith.constant 0 : i32
      %dma_start3A_165 = arith.constant 0 : i32
      %dma_start3A_166 = tpu.memref_slice %arg11[%dma_start3A_164, %dma_start3A_165] : memref<2x4096xf32, #tpu.memory_space<vmem>> -> memref<1x4096xf32, #tpu.memory_space<vmem>>
      %dma_start3A_167 = tpu.memref_squeeze %dma_start3A_166 : memref<1x4096xf32, #tpu.memory_space<vmem>> -> memref<4096xf32, #tpu.memory_space<vmem>>
      %dma_start3A_168 = tpu.memref_slice %dma_start3A_167[%mul3A_163] : memref<4096xf32, #tpu.memory_space<vmem>> -> memref<128xf32, #tpu.memory_space<vmem>>
      %dma_start3A_169 = arith.constant 0 : i32
      %dma_start3A_170 = tpu.memref_slice %arg9[%dma_start3A, %dma_start3A_169] : memref<2x4096xi32, #tpu.memory_space<vmem>> -> memref<1x4096xi32, #tpu.memory_space<vmem>>
      %dma_start3A_171 = tpu.memref_squeeze %dma_start3A_170 : memref<1x4096xi32, #tpu.memory_space<vmem>> -> memref<4096xi32, #tpu.memory_space<vmem>>
      %dma_start3A_172 = tpu.memref_slice %dma_start3A_171[%mul3A_163] : memref<4096xi32, #tpu.memory_space<vmem>> -> memref<128xi32, #tpu.memory_space<vmem>>
      %dma_start3A_173 = arith.constant 0 : i32
      %dma_start3A_174 = tpu.memref_slice %arg4[%dma_start3A_173] : memref<32000000xf32, #tpu.memory_space<hbm>> -> memref<32000000xf32, #tpu.memory_space<hbm>>
      tpu.enqueue_indirect_dma source(%dma_start3A_174 : memref<32000000xf32, #tpu.memory_space<hbm>>) target(%dma_start3A_168 : memref<128xf32, #tpu.memory_space<vmem>>) offsets(%dma_start3A_172 : memref<128xi32, #tpu.memory_space<vmem>>) semaphore(%arg14 : memref<!tpu.dma_semaphore, #tpu.memory_space<semaphore_mem>>)
      %dma_start3A_175 = arith.constant 0 : i32
      %dma_start3A_176 = arith.constant 0 : i32
      %dma_start3A_177 = arith.constant 0 : i32
      %dma_start3A_178 = tpu.memref_slice %arg12[%dma_start3A_176, %dma_start3A_177] : memref<2x4096xf32, #tpu.memory_space<vmem>> -> memref<1x4096xf32, #tpu.memory_space<vmem>>
      %dma_start3A_179 = tpu.memref_squeeze %dma_start3A_178 : memref<1x4096xf32, #tpu.memory_space<vmem>> -> memref<4096xf32, #tpu.memory_space<vmem>>
      %dma_start3A_180 = tpu.memref_slice %dma_start3A_179[%mul3A_163] : memref<4096xf32, #tpu.memory_space<vmem>> -> memref<128xf32, #tpu.memory_space<vmem>>
      %dma_start3A_181 = arith.constant 0 : i32
      %dma_start3A_182 = tpu.memref_slice %arg10[%dma_start3A_175, %dma_start3A_181] : memref<2x4096xi32, #tpu.memory_space<vmem>> -> memref<1x4096xi32, #tpu.memory_space<vmem>>
      %dma_start3A_183 = tpu.memref_squeeze %dma_start3A_182 : memref<1x4096xi32, #tpu.memory_space<vmem>> -> memref<4096xi32, #tpu.memory_space<vmem>>
      %dma_start3A_184 = tpu.memref_slice %dma_start3A_183[%mul3A_163] : memref<4096xi32, #tpu.memory_space<vmem>> -> memref<128xi32, #tpu.memory_space<vmem>>
      %dma_start3A_185 = arith.constant 0 : i32
      %dma_start3A_186 = tpu.memref_slice %arg5[%dma_start3A_185] : memref<32000000xf32, #tpu.memory_space<hbm>> -> memref<32000000xf32, #tpu.memory_space<hbm>>
      tpu.enqueue_indirect_dma source(%dma_start3A_186 : memref<32000000xf32, #tpu.memory_space<hbm>>) target(%dma_start3A_180 : memref<128xf32, #tpu.memory_space<vmem>>) offsets(%dma_start3A_184 : memref<128xi32, #tpu.memory_space<vmem>>) semaphore(%arg16 : memref<!tpu.dma_semaphore, #tpu.memory_space<semaphore_mem>>)
    }
    %scan3A_64 = arith.constant 32 : i32
    %dma_wait3A_65 = arith.constant 1 : i32
    %dma_wait3A_66 = arith.constant 0 : i32
    %dma_wait3A_67 = tpu.memref_slice %arg11[%dma_wait3A_65, %dma_wait3A_66] : memref<2x4096xf32, #tpu.memory_space<vmem>> -> memref<1x4096xf32, #tpu.memory_space<vmem>>
    %dma_wait3A_68 = tpu.memref_squeeze %dma_wait3A_67 : memref<1x4096xf32, #tpu.memory_space<vmem>> -> memref<4096xf32, #tpu.memory_space<vmem>>
    %dma_wait3A_69 = arith.constant 0 : i32
    %dma_wait3A_70 = tpu.memref_slice %arg4[%dma_wait3A_69] : memref<32000000xf32, #tpu.memory_space<hbm>> -> memref<4096xf32, #tpu.memory_space<hbm>>
    %dma_wait3A_71 = arith.constant 0 : i32
    %dma_wait3A_72 = tpu.memref_slice %arg11[%dma_wait3A_65, %dma_wait3A_71] : memref<2x4096xf32, #tpu.memory_space<vmem>> -> memref<1x4096xf32, #tpu.memory_space<vmem>>
    %dma_wait3A_73 = tpu.memref_squeeze %dma_wait3A_72 : memref<1x4096xf32, #tpu.memory_space<vmem>> -> memref<4096xf32, #tpu.memory_space<vmem>>
    %dma_wait3A_74 = arith.constant 0 : i32
    %dma_wait3A_75 = tpu.memref_slice %arg4[%dma_wait3A_74] : memref<32000000xf32, #tpu.memory_space<hbm>> -> memref<4096xf32, #tpu.memory_space<hbm>>
    tpu.wait_dma2 semaphore(%arg15 : memref<!tpu.dma_semaphore, #tpu.memory_space<semaphore_mem>>) src(%dma_wait3A_75 : memref<4096xf32, #tpu.memory_space<hbm>>) dst(%dma_wait3A_73 : memref<4096xf32, #tpu.memory_space<vmem>>)
    %dma_wait3A_76 = arith.constant 1 : i32
    %dma_wait3A_77 = arith.constant 0 : i32
    %dma_wait3A_78 = tpu.memref_slice %arg12[%dma_wait3A_76, %dma_wait3A_77] : memref<2x4096xf32, #tpu.memory_space<vmem>> -> memref<1x4096xf32, #tpu.memory_space<vmem>>
    %dma_wait3A_79 = tpu.memref_squeeze %dma_wait3A_78 : memref<1x4096xf32, #tpu.memory_space<vmem>> -> memref<4096xf32, #tpu.memory_space<vmem>>
    %dma_wait3A_80 = arith.constant 0 : i32
    %dma_wait3A_81 = tpu.memref_slice %arg5[%dma_wait3A_80] : memref<32000000xf32, #tpu.memory_space<hbm>> -> memref<4096xf32, #tpu.memory_space<hbm>>
    %dma_wait3A_82 = arith.constant 0 : i32
    %dma_wait3A_83 = tpu.memref_slice %arg12[%dma_wait3A_76, %dma_wait3A_82] : memref<2x4096xf32, #tpu.memory_space<vmem>> -> memref<1x4096xf32, #tpu.memory_space<vmem>>
    %dma_wait3A_84 = tpu.memref_squeeze %dma_wait3A_83 : memref<1x4096xf32, #tpu.memory_space<vmem>> -> memref<4096xf32, #tpu.memory_space<vmem>>
    %dma_wait3A_85 = arith.constant 0 : i32
    %dma_wait3A_86 = tpu.memref_slice %arg5[%dma_wait3A_85] : memref<32000000xf32, #tpu.memory_space<hbm>> -> memref<4096xf32, #tpu.memory_space<hbm>>
    tpu.wait_dma2 semaphore(%arg17 : memref<!tpu.dma_semaphore, #tpu.memory_space<semaphore_mem>>) src(%dma_wait3A_86 : memref<4096xf32, #tpu.memory_space<hbm>>) dst(%dma_wait3A_84 : memref<4096xf32, #tpu.memory_space<vmem>>)
    %scan3A_87 = arith.constant 0 : i32
    %scan3A_88 = arith.constant 0 : i32
    %scan3A_89 = arith.constant 8 : i32
    %scan3A_90 = arith.addi %scan3A_88, %scan3A_89 : i32
    %scan3A_91 = arith.constant 1 : i32
    scf.for %scan3A_161 = %scan3A_88 to %scan3A_90 step %scan3A_91  : i32 {
      %mul3A_162 = arith.constant 16 : i32
      %mul3A_163 = arith.muli %scan3A_161, %mul3A_162 : i32
      %get3A = arith.constant 1 : i32
      %get3A_164 = arith.index_cast %get3A : i32 to index
      %get3A_165 = arith.index_cast %mul3A_163 : i32 to index
      %get3A_166 = tpu.vector_load %arg11[%get3A_164, %get3A_165] {strides = array<i32>} : memref<2x4096xf32, #tpu.memory_space<vmem>>, vector<16xf32>,
      %get3A_167 = arith.constant 1 : i32
      %get3A_168 = arith.index_cast %get3A_167 : i32 to index
      %get3A_169 = arith.index_cast %mul3A_163 : i32 to index
      %get3A_170 = tpu.vector_load %arg12[%get3A_168, %get3A_169] {strides = array<i32>} : memref<2x4096xf32, #tpu.memory_space<vmem>>, vector<16xf32>,
      %mul3A_171 = arith.mulf %get3A_166, %get3A_170 : vector<16xf32>
      %add3A_172 = arith.constant 128 : i32
      %add3A_173 = arith.addi %add3A_172, %mul3A_163 : i32
      %get3A_174 = arith.constant 1 : i32
      %get3A_175 = arith.index_cast %get3A_174 : i32 to index
      %get3A_176 = arith.index_cast %add3A_173 : i32 to index
      %get3A_177 = tpu.vector_load %arg11[%get3A_175, %get3A_176] {strides = array<i32>} : memref<2x4096xf32, #tpu.memory_space<vmem>>, vector<16xf32>,
      %get3A_178 = arith.constant 1 : i32
      %get3A_179 = arith.index_cast %get3A_178 : i32 to index
      %get3A_180 = arith.index_cast %add3A_173 : i32 to index
      %get3A_181 = tpu.vector_load %arg12[%get3A_179, %get3A_180] {strides = array<i32>} : memref<2x4096xf32, #tpu.memory_space<vmem>>, vector<16xf32>,
      %mul3A_182 = arith.mulf %get3A_177, %get3A_181 : vector<16xf32>
      %add3A_183 = arith.addf %mul3A_171, %mul3A_182 : vector<16xf32>
      %add3A_184 = arith.constant 256 : i32
      %add3A_185 = arith.addi %add3A_184, %mul3A_163 : i32
      %get3A_186 = arith.constant 1 : i32
      %get3A_187 = arith.index_cast %get3A_186 : i32 to index
      %get3A_188 = arith.index_cast %add3A_185 : i32 to index
      %get3A_189 = tpu.vector_load %arg11[%get3A_187, %get3A_188] {strides = array<i32>} : memref<2x4096xf32, #tpu.memory_space<vmem>>, vector<16xf32>,
      %get3A_190 = arith.constant 1 : i32
      %get3A_191 = arith.index_cast %get3A_190 : i32 to index
      %get3A_192 = arith.index_cast %add3A_185 : i32 to index
      %get3A_193 = tpu.vector_load %arg12[%get3A_191, %get3A_192] {strides = array<i32>} : memref<2x4096xf32, #tpu.memory_space<vmem>>, vector<16xf32>,
      %mul3A_194 = arith.mulf %get3A_189, %get3A_193 : vector<16xf32>
      %add3A_195 = arith.addf %add3A_183, %mul3A_194 : vector<16xf32>
      %add3A_196 = arith.constant 384 : i32
      %add3A_197 = arith.addi %add3A_196, %mul3A_163 : i32
      %get3A_198 = arith.constant 1 : i32
      %get3A_199 = arith.index_cast %get3A_198 : i32 to index
      %get3A_200 = arith.index_cast %add3A_197 : i32 to index
      %get3A_201 = tpu.vector_load %arg11[%get3A_199, %get3A_200] {strides = array<i32>} : memref<2x4096xf32, #tpu.memory_space<vmem>>, vector<16xf32>,
      %get3A_202 = arith.constant 1 : i32
      %get3A_203 = arith.index_cast %get3A_202 : i32 to index
      %get3A_204 = arith.index_cast %add3A_197 : i32 to index
      %get3A_205 = tpu.vector_load %arg12[%get3A_203, %get3A_204] {strides = array<i32>} : memref<2x4096xf32, #tpu.memory_space<vmem>>, vector<16xf32>,
      %mul3A_206 = arith.mulf %get3A_201, %get3A_205 : vector<16xf32>
      %add3A_207 = arith.addf %add3A_195, %mul3A_206 : vector<16xf32>
      %add3A_208 = arith.constant 512 : i32
      %add3A_209 = arith.addi %add3A_208, %mul3A_163 : i32
      %get3A_210 = arith.constant 1 : i32
      %get3A_211 = arith.index_cast %get3A_210 : i32 to index
      %get3A_212 = arith.index_cast %add3A_209 : i32 to index
      %get3A_213 = tpu.vector_load %arg11[%get3A_211, %get3A_212] {strides = array<i32>} : memref<2x4096xf32, #tpu.memory_space<vmem>>, vector<16xf32>,
      %get3A_214 = arith.constant 1 : i32
      %get3A_215 = arith.index_cast %get3A_214 : i32 to index
      %get3A_216 = arith.index_cast %add3A_209 : i32 to index
      %get3A_217 = tpu.vector_load %arg12[%get3A_215, %get3A_216] {strides = array<i32>} : memref<2x4096xf32, #tpu.memory_space<vmem>>, vector<16xf32>,
      %mul3A_218 = arith.mulf %get3A_213, %get3A_217 : vector<16xf32>
      %add3A_219 = arith.addf %add3A_207, %mul3A_218 : vector<16xf32>
      %add3A_220 = arith.constant 640 : i32
      %add3A_221 = arith.addi %add3A_220, %mul3A_163 : i32
      %get3A_222 = arith.constant 1 : i32
      %get3A_223 = arith.index_cast %get3A_222 : i32 to index
      %get3A_224 = arith.index_cast %add3A_221 : i32 to index
      %get3A_225 = tpu.vector_load %arg11[%get3A_223, %get3A_224] {strides = array<i32>} : memref<2x4096xf32, #tpu.memory_space<vmem>>, vector<16xf32>,
      %get3A_226 = arith.constant 1 : i32
      %get3A_227 = arith.index_cast %get3A_226 : i32 to index
      %get3A_228 = arith.index_cast %add3A_221 : i32 to index
      %get3A_229 = tpu.vector_load %arg12[%get3A_227, %get3A_228] {strides = array<i32>} : memref<2x4096xf32, #tpu.memory_space<vmem>>, vector<16xf32>,
      %mul3A_230 = arith.mulf %get3A_225, %get3A_229 : vector<16xf32>
      %add3A_231 = arith.addf %add3A_219, %mul3A_230 : vector<16xf32>
      %add3A_232 = arith.constant 768 : i32
      %add3A_233 = arith.addi %add3A_232, %mul3A_163 : i32
      %get3A_234 = arith.constant 1 : i32
      %get3A_235 = arith.index_cast %get3A_234 : i32 to index
      %get3A_236 = arith.index_cast %add3A_233 : i32 to index
      %get3A_237 = tpu.vector_load %arg11[%get3A_235, %get3A_236] {strides = array<i32>} : memref<2x4096xf32, #tpu.memory_space<vmem>>, vector<16xf32>,
      %get3A_238 = arith.constant 1 : i32
      %get3A_239 = arith.index_cast %get3A_238 : i32 to index
      %get3A_240 = arith.index_cast %add3A_233 : i32 to index
      %get3A_241 = tpu.vector_load %arg12[%get3A_239, %get3A_240] {strides = array<i32>} : memref<2x4096xf32, #tpu.memory_space<vmem>>, vector<16xf32>,
      %mul3A_242 = arith.mulf %get3A_237, %get3A_241 : vector<16xf32>
      %add3A_243 = arith.addf %add3A_231, %mul3A_242 : vector<16xf32>
      %add3A_244 = arith.constant 896 : i32
      %add3A_245 = arith.addi %add3A_244, %mul3A_163 : i32
      %get3A_246 = arith.constant 1 : i32
      %get3A_247 = arith.index_cast %get3A_246 : i32 to index
      %get3A_248 = arith.index_cast %add3A_245 : i32 to index
      %get3A_249 = tpu.vector_load %arg11[%get3A_247, %get3A_248] {strides = array<i32>} : memref<2x4096xf32, #tpu.memory_space<vmem>>, vector<16xf32>,
      %get3A_250 = arith.constant 1 : i32
      %get3A_251 = arith.index_cast %get3A_250 : i32 to index
      %get3A_252 = arith.index_cast %add3A_245 : i32 to index
      %get3A_253 = tpu.vector_load %arg12[%get3A_251, %get3A_252] {strides = array<i32>} : memref<2x4096xf32, #tpu.memory_space<vmem>>, vector<16xf32>,
      %mul3A_254 = arith.mulf %get3A_249, %get3A_253 : vector<16xf32>
      %add3A_255 = arith.addf %add3A_243, %mul3A_254 : vector<16xf32>
      %add3A_256 = arith.constant 1024 : i32
      %add3A_257 = arith.addi %add3A_256, %mul3A_163 : i32
      %get3A_258 = arith.constant 1 : i32
      %get3A_259 = arith.index_cast %get3A_258 : i32 to index
      %get3A_260 = arith.index_cast %add3A_257 : i32 to index
      %get3A_261 = tpu.vector_load %arg11[%get3A_259, %get3A_260] {strides = array<i32>} : memref<2x4096xf32, #tpu.memory_space<vmem>>, vector<16xf32>,
      %get3A_262 = arith.constant 1 : i32
      %get3A_263 = arith.index_cast %get3A_262 : i32 to index
      %get3A_264 = arith.index_cast %add3A_257 : i32 to index
      %get3A_265 = tpu.vector_load %arg12[%get3A_263, %get3A_264] {strides = array<i32>} : memref<2x4096xf32, #tpu.memory_space<vmem>>, vector<16xf32>,
      %mul3A_266 = arith.mulf %get3A_261, %get3A_265 : vector<16xf32>
      %add3A_267 = arith.addf %add3A_255, %mul3A_266 : vector<16xf32>
      %add3A_268 = arith.constant 1152 : i32
      %add3A_269 = arith.addi %add3A_268, %mul3A_163 : i32
      %get3A_270 = arith.constant 1 : i32
      %get3A_271 = arith.index_cast %get3A_270 : i32 to index
      %get3A_272 = arith.index_cast %add3A_269 : i32 to index
      %get3A_273 = tpu.vector_load %arg11[%get3A_271, %get3A_272] {strides = array<i32>} : memref<2x4096xf32, #tpu.memory_space<vmem>>, vector<16xf32>,
      %get3A_274 = arith.constant 1 : i32
      %get3A_275 = arith.index_cast %get3A_274 : i32 to index
      %get3A_276 = arith.index_cast %add3A_269 : i32 to index
      %get3A_277 = tpu.vector_load %arg12[%get3A_275, %get3A_276] {strides = array<i32>} : memref<2x4096xf32, #tpu.memory_space<vmem>>, vector<16xf32>,
      %mul3A_278 = arith.mulf %get3A_273, %get3A_277 : vector<16xf32>
      %add3A_279 = arith.addf %add3A_267, %mul3A_278 : vector<16xf32>
      %add3A_280 = arith.constant 1280 : i32
      %add3A_281 = arith.addi %add3A_280, %mul3A_163 : i32
      %get3A_282 = arith.constant 1 : i32
      %get3A_283 = arith.index_cast %get3A_282 : i32 to index
      %get3A_284 = arith.index_cast %add3A_281 : i32 to index
      %get3A_285 = tpu.vector_load %arg11[%get3A_283, %get3A_284] {strides = array<i32>} : memref<2x4096xf32, #tpu.memory_space<vmem>>, vector<16xf32>,
      %get3A_286 = arith.constant 1 : i32
      %get3A_287 = arith.index_cast %get3A_286 : i32 to index
      %get3A_288 = arith.index_cast %add3A_281 : i32 to index
      %get3A_289 = tpu.vector_load %arg12[%get3A_287, %get3A_288] {strides = array<i32>} : memref<2x4096xf32, #tpu.memory_space<vmem>>, vector<16xf32>,
      %mul3A_290 = arith.mulf %get3A_285, %get3A_289 : vector<16xf32>
      %add3A_291 = arith.addf %add3A_279, %mul3A_290 : vector<16xf32>
      %add3A_292 = arith.constant 1408 : i32
      %add3A_293 = arith.addi %add3A_292, %mul3A_163 : i32
      %get3A_294 = arith.constant 1 : i32
      %get3A_295 = arith.index_cast %get3A_294 : i32 to index
      %get3A_296 = arith.index_cast %add3A_293 : i32 to index
      %get3A_297 = tpu.vector_load %arg11[%get3A_295, %get3A_296] {strides = array<i32>} : memref<2x4096xf32, #tpu.memory_space<vmem>>, vector<16xf32>,
      %get3A_298 = arith.constant 1 : i32
      %get3A_299 = arith.index_cast %get3A_298 : i32 to index
      %get3A_300 = arith.index_cast %add3A_293 : i32 to index
      %get3A_301 = tpu.vector_load %arg12[%get3A_299, %get3A_300] {strides = array<i32>} : memref<2x4096xf32, #tpu.memory_space<vmem>>, vector<16xf32>,
      %mul3A_302 = arith.mulf %get3A_297, %get3A_301 : vector<16xf32>
      %add3A_303 = arith.addf %add3A_291, %mul3A_302 : vector<16xf32>
      %add3A_304 = arith.constant 1536 : i32
      %add3A_305 = arith.addi %add3A_304, %mul3A_163 : i32
      %get3A_306 = arith.constant 1 : i32
      %get3A_307 = arith.index_cast %get3A_306 : i32 to index
      %get3A_308 = arith.index_cast %add3A_305 : i32 to index
      %get3A_309 = tpu.vector_load %arg11[%get3A_307, %get3A_308] {strides = array<i32>} : memref<2x4096xf32, #tpu.memory_space<vmem>>, vector<16xf32>,
      %get3A_310 = arith.constant 1 : i32
      %get3A_311 = arith.index_cast %get3A_310 : i32 to index
      %get3A_312 = arith.index_cast %add3A_305 : i32 to index
      %get3A_313 = tpu.vector_load %arg12[%get3A_311, %get3A_312] {strides = array<i32>} : memref<2x4096xf32, #tpu.memory_space<vmem>>, vector<16xf32>,
      %mul3A_314 = arith.mulf %get3A_309, %get3A_313 : vector<16xf32>
      %add3A_315 = arith.addf %add3A_303, %mul3A_314 : vector<16xf32>
      %add3A_316 = arith.constant 1664 : i32
      %add3A_317 = arith.addi %add3A_316, %mul3A_163 : i32
      %get3A_318 = arith.constant 1 : i32
      %get3A_319 = arith.index_cast %get3A_318 : i32 to index
      %get3A_320 = arith.index_cast %add3A_317 : i32 to index
      %get3A_321 = tpu.vector_load %arg11[%get3A_319, %get3A_320] {strides = array<i32>} : memref<2x4096xf32, #tpu.memory_space<vmem>>, vector<16xf32>,
      %get3A_322 = arith.constant 1 : i32
      %get3A_323 = arith.index_cast %get3A_322 : i32 to index
      %get3A_324 = arith.index_cast %add3A_317 : i32 to index
      %get3A_325 = tpu.vector_load %arg12[%get3A_323, %get3A_324] {strides = array<i32>} : memref<2x4096xf32, #tpu.memory_space<vmem>>, vector<16xf32>,
      %mul3A_326 = arith.mulf %get3A_321, %get3A_325 : vector<16xf32>
      %add3A_327 = arith.addf %add3A_315, %mul3A_326 : vector<16xf32>
      %add3A_328 = arith.constant 1792 : i32
      %add3A_329 = arith.addi %add3A_328, %mul3A_163 : i32
      %get3A_330 = arith.constant 1 : i32
      %get3A_331 = arith.index_cast %get3A_330 : i32 to index
      %get3A_332 = arith.index_cast %add3A_329 : i32 to index
      %get3A_333 = tpu.vector_load %arg11[%get3A_331, %get3A_332] {strides = array<i32>} : memref<2x4096xf32, #tpu.memory_space<vmem>>, vector<16xf32>,
      %get3A_334 = arith.constant 1 : i32
      %get3A_335 = arith.index_cast %get3A_334 : i32 to index
      %get3A_336 = arith.index_cast %add3A_329 : i32 to index
      %get3A_337 = tpu.vector_load %arg12[%get3A_335, %get3A_336] {strides = array<i32>} : memref<2x4096xf32, #tpu.memory_space<vmem>>, vector<16xf32>,
      %mul3A_338 = arith.mulf %get3A_333, %get3A_337 : vector<16xf32>
      %add3A_339 = arith.addf %add3A_327, %mul3A_338 : vector<16xf32>
      %add3A_340 = arith.constant 1920 : i32
      %add3A_341 = arith.addi %add3A_340, %mul3A_163 : i32
      %get3A_342 = arith.constant 1 : i32
      %get3A_343 = arith.index_cast %get3A_342 : i32 to index
      %get3A_344 = arith.index_cast %add3A_341 : i32 to index
      %get3A_345 = tpu.vector_load %arg11[%get3A_343, %get3A_344] {strides = array<i32>} : memref<2x4096xf32, #tpu.memory_space<vmem>>, vector<16xf32>,
      %get3A_346 = arith.constant 1 : i32
      %get3A_347 = arith.index_cast %get3A_346 : i32 to index
      %get3A_348 = arith.index_cast %add3A_341 : i32 to index
      %get3A_349 = tpu.vector_load %arg12[%get3A_347, %get3A_348] {strides = array<i32>} : memref<2x4096xf32, #tpu.memory_space<vmem>>, vector<16xf32>,
      %mul3A_350 = arith.mulf %get3A_345, %get3A_349 : vector<16xf32>
      %add3A_351 = arith.addf %add3A_339, %mul3A_350 : vector<16xf32>
      %add3A_352 = arith.constant 2048 : i32
      %add3A_353 = arith.addi %add3A_352, %mul3A_163 : i32
      %get3A_354 = arith.constant 1 : i32
      %get3A_355 = arith.index_cast %get3A_354 : i32 to index
      %get3A_356 = arith.index_cast %add3A_353 : i32 to index
      %get3A_357 = tpu.vector_load %arg11[%get3A_355, %get3A_356] {strides = array<i32>} : memref<2x4096xf32, #tpu.memory_space<vmem>>, vector<16xf32>,
      %get3A_358 = arith.constant 1 : i32
      %get3A_359 = arith.index_cast %get3A_358 : i32 to index
      %get3A_360 = arith.index_cast %add3A_353 : i32 to index
      %get3A_361 = tpu.vector_load %arg12[%get3A_359, %get3A_360] {strides = array<i32>} : memref<2x4096xf32, #tpu.memory_space<vmem>>, vector<16xf32>,
      %mul3A_362 = arith.mulf %get3A_357, %get3A_361 : vector<16xf32>
      %add3A_363 = arith.addf %add3A_351, %mul3A_362 : vector<16xf32>
      %add3A_364 = arith.constant 2176 : i32
      %add3A_365 = arith.addi %add3A_364, %mul3A_163 : i32
      %get3A_366 = arith.constant 1 : i32
      %get3A_367 = arith.index_cast %get3A_366 : i32 to index
      %get3A_368 = arith.index_cast %add3A_365 : i32 to index
      %get3A_369 = tpu.vector_load %arg11[%get3A_367, %get3A_368] {strides = array<i32>} : memref<2x4096xf32, #tpu.memory_space<vmem>>, vector<16xf32>,
      %get3A_370 = arith.constant 1 : i32
      %get3A_371 = arith.index_cast %get3A_370 : i32 to index
      %get3A_372 = arith.index_cast %add3A_365 : i32 to index
      %get3A_373 = tpu.vector_load %arg12[%get3A_371, %get3A_372] {strides = array<i32>} : memref<2x4096xf32, #tpu.memory_space<vmem>>, vector<16xf32>,
      %mul3A_374 = arith.mulf %get3A_369, %get3A_373 : vector<16xf32>
      %add3A_375 = arith.addf %add3A_363, %mul3A_374 : vector<16xf32>
      %add3A_376 = arith.constant 2304 : i32
      %add3A_377 = arith.addi %add3A_376, %mul3A_163 : i32
      %get3A_378 = arith.constant 1 : i32
      %get3A_379 = arith.index_cast %get3A_378 : i32 to index
      %get3A_380 = arith.index_cast %add3A_377 : i32 to index
      %get3A_381 = tpu.vector_load %arg11[%get3A_379, %get3A_380] {strides = array<i32>} : memref<2x4096xf32, #tpu.memory_space<vmem>>, vector<16xf32>,
      %get3A_382 = arith.constant 1 : i32
      %get3A_383 = arith.index_cast %get3A_382 : i32 to index
      %get3A_384 = arith.index_cast %add3A_377 : i32 to index
      %get3A_385 = tpu.vector_load %arg12[%get3A_383, %get3A_384] {strides = array<i32>} : memref<2x4096xf32, #tpu.memory_space<vmem>>, vector<16xf32>,
      %mul3A_386 = arith.mulf %get3A_381, %get3A_385 : vector<16xf32>
      %add3A_387 = arith.addf %add3A_375, %mul3A_386 : vector<16xf32>
      %add3A_388 = arith.constant 2432 : i32
      %add3A_389 = arith.addi %add3A_388, %mul3A_163 : i32
      %get3A_390 = arith.constant 1 : i32
      %get3A_391 = arith.index_cast %get3A_390 : i32 to index
      %get3A_392 = arith.index_cast %add3A_389 : i32 to index
      %get3A_393 = tpu.vector_load %arg11[%get3A_391, %get3A_392] {strides = array<i32>} : memref<2x4096xf32, #tpu.memory_space<vmem>>, vector<16xf32>,
      %get3A_394 = arith.constant 1 : i32
      %get3A_395 = arith.index_cast %get3A_394 : i32 to index
      %get3A_396 = arith.index_cast %add3A_389 : i32 to index
      %get3A_397 = tpu.vector_load %arg12[%get3A_395, %get3A_396] {strides = array<i32>} : memref<2x4096xf32, #tpu.memory_space<vmem>>, vector<16xf32>,
      %mul3A_398 = arith.mulf %get3A_393, %get3A_397 : vector<16xf32>
      %add3A_399 = arith.addf %add3A_387, %mul3A_398 : vector<16xf32>
      %add3A_400 = arith.constant 2560 : i32
      %add3A_401 = arith.addi %add3A_400, %mul3A_163 : i32
      %get3A_402 = arith.constant 1 : i32
      %get3A_403 = arith.index_cast %get3A_402 : i32 to index
      %get3A_404 = arith.index_cast %add3A_401 : i32 to index
      %get3A_405 = tpu.vector_load %arg11[%get3A_403, %get3A_404] {strides = array<i32>} : memref<2x4096xf32, #tpu.memory_space<vmem>>, vector<16xf32>,
      %get3A_406 = arith.constant 1 : i32
      %get3A_407 = arith.index_cast %get3A_406 : i32 to index
      %get3A_408 = arith.index_cast %add3A_401 : i32 to index
      %get3A_409 = tpu.vector_load %arg12[%get3A_407, %get3A_408] {strides = array<i32>} : memref<2x4096xf32, #tpu.memory_space<vmem>>, vector<16xf32>,
      %mul3A_410 = arith.mulf %get3A_405, %get3A_409 : vector<16xf32>
      %add3A_411 = arith.addf %add3A_399, %mul3A_410 : vector<16xf32>
      %add3A_412 = arith.constant 2688 : i32
      %add3A_413 = arith.addi %add3A_412, %mul3A_163 : i32
      %get3A_414 = arith.constant 1 : i32
      %get3A_415 = arith.index_cast %get3A_414 : i32 to index
      %get3A_416 = arith.index_cast %add3A_413 : i32 to index
      %get3A_417 = tpu.vector_load %arg11[%get3A_415, %get3A_416] {strides = array<i32>} : memref<2x4096xf32, #tpu.memory_space<vmem>>, vector<16xf32>,
      %get3A_418 = arith.constant 1 : i32
      %get3A_419 = arith.index_cast %get3A_418 : i32 to index
      %get3A_420 = arith.index_cast %add3A_413 : i32 to index
      %get3A_421 = tpu.vector_load %arg12[%get3A_419, %get3A_420] {strides = array<i32>} : memref<2x4096xf32, #tpu.memory_space<vmem>>, vector<16xf32>,
      %mul3A_422 = arith.mulf %get3A_417, %get3A_421 : vector<16xf32>
      %add3A_423 = arith.addf %add3A_411, %mul3A_422 : vector<16xf32>
      %add3A_424 = arith.constant 2816 : i32
      %add3A_425 = arith.addi %add3A_424, %mul3A_163 : i32
      %get3A_426 = arith.constant 1 : i32
      %get3A_427 = arith.index_cast %get3A_426 : i32 to index
      %get3A_428 = arith.index_cast %add3A_425 : i32 to index
      %get3A_429 = tpu.vector_load %arg11[%get3A_427, %get3A_428] {strides = array<i32>} : memref<2x4096xf32, #tpu.memory_space<vmem>>, vector<16xf32>,
      %get3A_430 = arith.constant 1 : i32
      %get3A_431 = arith.index_cast %get3A_430 : i32 to index
      %get3A_432 = arith.index_cast %add3A_425 : i32 to index
      %get3A_433 = tpu.vector_load %arg12[%get3A_431, %get3A_432] {strides = array<i32>} : memref<2x4096xf32, #tpu.memory_space<vmem>>, vector<16xf32>,
      %mul3A_434 = arith.mulf %get3A_429, %get3A_433 : vector<16xf32>
      %add3A_435 = arith.addf %add3A_423, %mul3A_434 : vector<16xf32>
      %add3A_436 = arith.constant 2944 : i32
      %add3A_437 = arith.addi %add3A_436, %mul3A_163 : i32
      %get3A_438 = arith.constant 1 : i32
      %get3A_439 = arith.index_cast %get3A_438 : i32 to index
      %get3A_440 = arith.index_cast %add3A_437 : i32 to index
      %get3A_441 = tpu.vector_load %arg11[%get3A_439, %get3A_440] {strides = array<i32>} : memref<2x4096xf32, #tpu.memory_space<vmem>>, vector<16xf32>,
      %get3A_442 = arith.constant 1 : i32
      %get3A_443 = arith.index_cast %get3A_442 : i32 to index
      %get3A_444 = arith.index_cast %add3A_437 : i32 to index
      %get3A_445 = tpu.vector_load %arg12[%get3A_443, %get3A_444] {strides = array<i32>} : memref<2x4096xf32, #tpu.memory_space<vmem>>, vector<16xf32>,
      %mul3A_446 = arith.mulf %get3A_441, %get3A_445 : vector<16xf32>
      %add3A_447 = arith.addf %add3A_435, %mul3A_446 : vector<16xf32>
      %add3A_448 = arith.constant 3072 : i32
      %add3A_449 = arith.addi %add3A_448, %mul3A_163 : i32
      %get3A_450 = arith.constant 1 : i32
      %get3A_451 = arith.index_cast %get3A_450 : i32 to index
      %get3A_452 = arith.index_cast %add3A_449 : i32 to index
      %get3A_453 = tpu.vector_load %arg11[%get3A_451, %get3A_452] {strides = array<i32>} : memref<2x4096xf32, #tpu.memory_space<vmem>>, vector<16xf32>,
      %get3A_454 = arith.constant 1 : i32
      %get3A_455 = arith.index_cast %get3A_454 : i32 to index
      %get3A_456 = arith.index_cast %add3A_449 : i32 to index
      %get3A_457 = tpu.vector_load %arg12[%get3A_455, %get3A_456] {strides = array<i32>} : memref<2x4096xf32, #tpu.memory_space<vmem>>, vector<16xf32>,
      %mul3A_458 = arith.mulf %get3A_453, %get3A_457 : vector<16xf32>
      %add3A_459 = arith.addf %add3A_447, %mul3A_458 : vector<16xf32>
      %add3A_460 = arith.constant 3200 : i32
      %add3A_461 = arith.addi %add3A_460, %mul3A_163 : i32
      %get3A_462 = arith.constant 1 : i32
      %get3A_463 = arith.index_cast %get3A_462 : i32 to index
      %get3A_464 = arith.index_cast %add3A_461 : i32 to index
      %get3A_465 = tpu.vector_load %arg11[%get3A_463, %get3A_464] {strides = array<i32>} : memref<2x4096xf32, #tpu.memory_space<vmem>>, vector<16xf32>,
      %get3A_466 = arith.constant 1 : i32
      %get3A_467 = arith.index_cast %get3A_466 : i32 to index
      %get3A_468 = arith.index_cast %add3A_461 : i32 to index
      %get3A_469 = tpu.vector_load %arg12[%get3A_467, %get3A_468] {strides = array<i32>} : memref<2x4096xf32, #tpu.memory_space<vmem>>, vector<16xf32>,
      %mul3A_470 = arith.mulf %get3A_465, %get3A_469 : vector<16xf32>
      %add3A_471 = arith.addf %add3A_459, %mul3A_470 : vector<16xf32>
      %add3A_472 = arith.constant 3328 : i32
      %add3A_473 = arith.addi %add3A_472, %mul3A_163 : i32
      %get3A_474 = arith.constant 1 : i32
      %get3A_475 = arith.index_cast %get3A_474 : i32 to index
      %get3A_476 = arith.index_cast %add3A_473 : i32 to index
      %get3A_477 = tpu.vector_load %arg11[%get3A_475, %get3A_476] {strides = array<i32>} : memref<2x4096xf32, #tpu.memory_space<vmem>>, vector<16xf32>,
      %get3A_478 = arith.constant 1 : i32
      %get3A_479 = arith.index_cast %get3A_478 : i32 to index
      %get3A_480 = arith.index_cast %add3A_473 : i32 to index
      %get3A_481 = tpu.vector_load %arg12[%get3A_479, %get3A_480] {strides = array<i32>} : memref<2x4096xf32, #tpu.memory_space<vmem>>, vector<16xf32>,
      %mul3A_482 = arith.mulf %get3A_477, %get3A_481 : vector<16xf32>
      %add3A_483 = arith.addf %add3A_471, %mul3A_482 : vector<16xf32>
      %add3A_484 = arith.constant 3456 : i32
      %add3A_485 = arith.addi %add3A_484, %mul3A_163 : i32
      %get3A_486 = arith.constant 1 : i32
      %get3A_487 = arith.index_cast %get3A_486 : i32 to index
      %get3A_488 = arith.index_cast %add3A_485 : i32 to index
      %get3A_489 = tpu.vector_load %arg11[%get3A_487, %get3A_488] {strides = array<i32>} : memref<2x4096xf32, #tpu.memory_space<vmem>>, vector<16xf32>,
      %get3A_490 = arith.constant 1 : i32
      %get3A_491 = arith.index_cast %get3A_490 : i32 to index
      %get3A_492 = arith.index_cast %add3A_485 : i32 to index
      %get3A_493 = tpu.vector_load %arg12[%get3A_491, %get3A_492] {strides = array<i32>} : memref<2x4096xf32, #tpu.memory_space<vmem>>, vector<16xf32>,
      %mul3A_494 = arith.mulf %get3A_489, %get3A_493 : vector<16xf32>
      %add3A_495 = arith.addf %add3A_483, %mul3A_494 : vector<16xf32>
      %add3A_496 = arith.constant 3584 : i32
      %add3A_497 = arith.addi %add3A_496, %mul3A_163 : i32
      %get3A_498 = arith.constant 1 : i32
      %get3A_499 = arith.index_cast %get3A_498 : i32 to index
      %get3A_500 = arith.index_cast %add3A_497 : i32 to index
      %get3A_501 = tpu.vector_load %arg11[%get3A_499, %get3A_500] {strides = array<i32>} : memref<2x4096xf32, #tpu.memory_space<vmem>>, vector<16xf32>,
      %get3A_502 = arith.constant 1 : i32
      %get3A_503 = arith.index_cast %get3A_502 : i32 to index
      %get3A_504 = arith.index_cast %add3A_497 : i32 to index
      %get3A_505 = tpu.vector_load %arg12[%get3A_503, %get3A_504] {strides = array<i32>} : memref<2x4096xf32, #tpu.memory_space<vmem>>, vector<16xf32>,
      %mul3A_506 = arith.mulf %get3A_501, %get3A_505 : vector<16xf32>
      %add3A_507 = arith.addf %add3A_495, %mul3A_506 : vector<16xf32>
      %add3A_508 = arith.constant 3712 : i32
      %add3A_509 = arith.addi %add3A_508, %mul3A_163 : i32
      %get3A_510 = arith.constant 1 : i32
      %get3A_511 = arith.index_cast %get3A_510 : i32 to index
      %get3A_512 = arith.index_cast %add3A_509 : i32 to index
      %get3A_513 = tpu.vector_load %arg11[%get3A_511, %get3A_512] {strides = array<i32>} : memref<2x4096xf32, #tpu.memory_space<vmem>>, vector<16xf32>,
      %get3A_514 = arith.constant 1 : i32
      %get3A_515 = arith.index_cast %get3A_514 : i32 to index
      %get3A_516 = arith.index_cast %add3A_509 : i32 to index
      %get3A_517 = tpu.vector_load %arg12[%get3A_515, %get3A_516] {strides = array<i32>} : memref<2x4096xf32, #tpu.memory_space<vmem>>, vector<16xf32>,
      %mul3A_518 = arith.mulf %get3A_513, %get3A_517 : vector<16xf32>
      %add3A_519 = arith.addf %add3A_507, %mul3A_518 : vector<16xf32>
      %add3A_520 = arith.constant 3840 : i32
      %add3A_521 = arith.addi %add3A_520, %mul3A_163 : i32
      %get3A_522 = arith.constant 1 : i32
      %get3A_523 = arith.index_cast %get3A_522 : i32 to index
      %get3A_524 = arith.index_cast %add3A_521 : i32 to index
      %get3A_525 = tpu.vector_load %arg11[%get3A_523, %get3A_524] {strides = array<i32>} : memref<2x4096xf32, #tpu.memory_space<vmem>>, vector<16xf32>,
      %get3A_526 = arith.constant 1 : i32
      %get3A_527 = arith.index_cast %get3A_526 : i32 to index
      %get3A_528 = arith.index_cast %add3A_521 : i32 to index
      %get3A_529 = tpu.vector_load %arg12[%get3A_527, %get3A_528] {strides = array<i32>} : memref<2x4096xf32, #tpu.memory_space<vmem>>, vector<16xf32>,
      %mul3A_530 = arith.mulf %get3A_525, %get3A_529 : vector<16xf32>
      %add3A_531 = arith.addf %add3A_519, %mul3A_530 : vector<16xf32>
      %add3A_532 = arith.constant 3968 : i32
      %add3A_533 = arith.addi %add3A_532, %mul3A_163 : i32
      %get3A_534 = arith.constant 1 : i32
      %get3A_535 = arith.index_cast %get3A_534 : i32 to index
      %get3A_536 = arith.index_cast %add3A_533 : i32 to index
      %get3A_537 = tpu.vector_load %arg11[%get3A_535, %get3A_536] {strides = array<i32>} : memref<2x4096xf32, #tpu.memory_space<vmem>>, vector<16xf32>,
      %get3A_538 = arith.constant 1 : i32
      %get3A_539 = arith.index_cast %get3A_538 : i32 to index
      %get3A_540 = arith.index_cast %add3A_533 : i32 to index
      %get3A_541 = tpu.vector_load %arg12[%get3A_539, %get3A_540] {strides = array<i32>} : memref<2x4096xf32, #tpu.memory_space<vmem>>, vector<16xf32>,
      %mul3A_542 = arith.mulf %get3A_537, %get3A_541 : vector<16xf32>
      %add3A_543 = arith.addf %add3A_531, %mul3A_542 : vector<16xf32>
      %add3A_544 = arith.constant 128 : i32
      %add3A_545 = arith.addi %add3A_544, %mul3A_163 : i32
      %swap3A = arith.index_cast %add3A_545 : i32 to index
      %swap3A_546 = tpu.vector_load %arg13[%swap3A] {strides = array<i32>} : memref<512xf32, #tpu.memory_space<vmem>>, vector<16xf32>,
      tpu.vector_store %arg13[%swap3A], %add3A_543 {strides = array<i32>} : memref<512xf32, #tpu.memory_space<vmem>>, vector<16xf32>,
    }
    %scan3A_92 = arith.constant 8 : i32
    %scan3A_93 = arith.constant 0 : i32
    %scan3A_94 = arith.constant 0 : i32
    %scan3A_95 = arith.constant 32 : i32
    %scan3A_96 = arith.addi %scan3A_94, %scan3A_95 : i32
    %scan3A_97 = arith.constant 1 : i32
    scf.for %scan3A_161 = %scan3A_94 to %scan3A_96 step %scan3A_97  : i32 {
      %mul3A_162 = arith.constant 128 : i32
      %mul3A_163 = arith.muli %scan3A_161, %mul3A_162 : i32
      %add3A_164 = arith.constant 0 : i32
      %add3A_165 = arith.addi %mul3A_163, %add3A_164 : i32
      %get3A = arith.constant 384 : index
      %get3A_166 = tpu.vector_load %arg7[%get3A] {strides = array<i32>} : memref<512xi32, #tpu.memory_space<vmem>>, vector<16xi32>,
      %mul3A_167 = arith.constant 32 : i32
      %mul3A_168 = vector.broadcast %mul3A_167 : i32 to vector<16xi32>
      %mul3A_169 = arith.muli %get3A_166, %mul3A_168 : vector<16xi32>
      %add3A_170 = vector.broadcast %scan3A_161 : i32 to vector<16xi32>
      %add3A_171 = arith.addi %mul3A_169, %add3A_170 : vector<16xi32>
      %swap3A = arith.constant 1 : i32
      %swap3A_172 = arith.index_cast %swap3A : i32 to index
      %swap3A_173 = arith.index_cast %add3A_165 : i32 to index
      %swap3A_174 = tpu.vector_load %arg9[%swap3A_172, %swap3A_173] {strides = array<i32>} : memref<2x4096xi32, #tpu.memory_space<vmem>>, vector<16xi32>,
      tpu.vector_store %arg9[%swap3A_172, %swap3A_173], %add3A_171 {strides = array<i32>} : memref<2x4096xi32, #tpu.memory_space<vmem>>, vector<16xi32>,
      %get3A_175 = arith.constant 384 : index
      %get3A_176 = tpu.vector_load %arg8[%get3A_175] {strides = array<i32>} : memref<512xi32, #tpu.memory_space<vmem>>, vector<16xi32>,
      %mul3A_177 = arith.constant 32 : i32
      %mul3A_178 = vector.broadcast %mul3A_177 : i32 to vector<16xi32>
      %mul3A_179 = arith.muli %get3A_176, %mul3A_178 : vector<16xi32>
      %add3A_180 = vector.broadcast %scan3A_161 : i32 to vector<16xi32>
      %add3A_181 = arith.addi %mul3A_179, %add3A_180 : vector<16xi32>
      %swap3A_182 = arith.constant 1 : i32
      %swap3A_183 = arith.index_cast %swap3A_182 : i32 to index
      %swap3A_184 = arith.index_cast %add3A_165 : i32 to index
      %swap3A_185 = tpu.vector_load %arg10[%swap3A_183, %swap3A_184] {strides = array<i32>} : memref<2x4096xi32, #tpu.memory_space<vmem>>, vector<16xi32>,
      tpu.vector_store %arg10[%swap3A_183, %swap3A_184], %add3A_181 {strides = array<i32>} : memref<2x4096xi32, #tpu.memory_space<vmem>>, vector<16xi32>,
      %mul3A_186 = arith.constant 128 : i32
      %mul3A_187 = arith.muli %scan3A_161, %mul3A_186 : i32
      %add3A_188 = arith.constant 16 : i32
      %add3A_189 = arith.addi %mul3A_187, %add3A_188 : i32
      %get3A_190 = arith.constant 400 : index
      %get3A_191 = tpu.vector_load %arg7[%get3A_190] {strides = array<i32>} : memref<512xi32, #tpu.memory_space<vmem>>, vector<16xi32>,
      %mul3A_192 = arith.constant 32 : i32
      %mul3A_193 = vector.broadcast %mul3A_192 : i32 to vector<16xi32>
      %mul3A_194 = arith.muli %get3A_191, %mul3A_193 : vector<16xi32>
      %add3A_195 = vector.broadcast %scan3A_161 : i32 to vector<16xi32>
      %add3A_196 = arith.addi %mul3A_194, %add3A_195 : vector<16xi32>
      %swap3A_197 = arith.constant 1 : i32
      %swap3A_198 = arith.index_cast %swap3A_197 : i32 to index
      %swap3A_199 = arith.index_cast %add3A_189 : i32 to index
      %swap3A_200 = tpu.vector_load %arg9[%swap3A_198, %swap3A_199] {strides = array<i32>} : memref<2x4096xi32, #tpu.memory_space<vmem>>, vector<16xi32>,
      tpu.vector_store %arg9[%swap3A_198, %swap3A_199], %add3A_196 {strides = array<i32>} : memref<2x4096xi32, #tpu.memory_space<vmem>>, vector<16xi32>,
      %get3A_201 = arith.constant 400 : index
      %get3A_202 = tpu.vector_load %arg8[%get3A_201] {strides = array<i32>} : memref<512xi32, #tpu.memory_space<vmem>>, vector<16xi32>,
      %mul3A_203 = arith.constant 32 : i32
      %mul3A_204 = vector.broadcast %mul3A_203 : i32 to vector<16xi32>
      %mul3A_205 = arith.muli %get3A_202, %mul3A_204 : vector<16xi32>
      %add3A_206 = vector.broadcast %scan3A_161 : i32 to vector<16xi32>
      %add3A_207 = arith.addi %mul3A_205, %add3A_206 : vector<16xi32>
      %swap3A_208 = arith.constant 1 : i32
      %swap3A_209 = arith.index_cast %swap3A_208 : i32 to index
      %swap3A_210 = arith.index_cast %add3A_189 : i32 to index
      %swap3A_211 = tpu.vector_load %arg10[%swap3A_209, %swap3A_210] {strides = array<i32>} : memref<2x4096xi32, #tpu.memory_space<vmem>>, vector<16xi32>,
      tpu.vector_store %arg10[%swap3A_209, %swap3A_210], %add3A_207 {strides = array<i32>} : memref<2x4096xi32, #tpu.memory_space<vmem>>, vector<16xi32>,
      %mul3A_212 = arith.constant 128 : i32
      %mul3A_213 = arith.muli %scan3A_161, %mul3A_212 : i32
      %add3A_214 = arith.constant 32 : i32
      %add3A_215 = arith.addi %mul3A_213, %add3A_214 : i32
      %get3A_216 = arith.constant 416 : index
      %get3A_217 = tpu.vector_load %arg7[%get3A_216] {strides = array<i32>} : memref<512xi32, #tpu.memory_space<vmem>>, vector<16xi32>,
      %mul3A_218 = arith.constant 32 : i32
      %mul3A_219 = vector.broadcast %mul3A_218 : i32 to vector<16xi32>
      %mul3A_220 = arith.muli %get3A_217, %mul3A_219 : vector<16xi32>
      %add3A_221 = vector.broadcast %scan3A_161 : i32 to vector<16xi32>
      %add3A_222 = arith.addi %mul3A_220, %add3A_221 : vector<16xi32>
      %swap3A_223 = arith.constant 1 : i32
      %swap3A_224 = arith.index_cast %swap3A_223 : i32 to index
      %swap3A_225 = arith.index_cast %add3A_215 : i32 to index
      %swap3A_226 = tpu.vector_load %arg9[%swap3A_224, %swap3A_225] {strides = array<i32>} : memref<2x4096xi32, #tpu.memory_space<vmem>>, vector<16xi32>,
      tpu.vector_store %arg9[%swap3A_224, %swap3A_225], %add3A_222 {strides = array<i32>} : memref<2x4096xi32, #tpu.memory_space<vmem>>, vector<16xi32>,
      %get3A_227 = arith.constant 416 : index
      %get3A_228 = tpu.vector_load %arg8[%get3A_227] {strides = array<i32>} : memref<512xi32, #tpu.memory_space<vmem>>, vector<16xi32>,
      %mul3A_229 = arith.constant 32 : i32
      %mul3A_230 = vector.broadcast %mul3A_229 : i32 to vector<16xi32>
      %mul3A_231 = arith.muli %get3A_228, %mul3A_230 : vector<16xi32>
      %add3A_232 = vector.broadcast %scan3A_161 : i32 to vector<16xi32>
      %add3A_233 = arith.addi %mul3A_231, %add3A_232 : vector<16xi32>
      %swap3A_234 = arith.constant 1 : i32
      %swap3A_235 = arith.index_cast %swap3A_234 : i32 to index
      %swap3A_236 = arith.index_cast %add3A_215 : i32 to index
      %swap3A_237 = tpu.vector_load %arg10[%swap3A_235, %swap3A_236] {strides = array<i32>} : memref<2x4096xi32, #tpu.memory_space<vmem>>, vector<16xi32>,
      tpu.vector_store %arg10[%swap3A_235, %swap3A_236], %add3A_233 {strides = array<i32>} : memref<2x4096xi32, #tpu.memory_space<vmem>>, vector<16xi32>,
      %mul3A_238 = arith.constant 128 : i32
      %mul3A_239 = arith.muli %scan3A_161, %mul3A_238 : i32
      %add3A_240 = arith.constant 48 : i32
      %add3A_241 = arith.addi %mul3A_239, %add3A_240 : i32
      %get3A_242 = arith.constant 432 : index
      %get3A_243 = tpu.vector_load %arg7[%get3A_242] {strides = array<i32>} : memref<512xi32, #tpu.memory_space<vmem>>, vector<16xi32>,
      %mul3A_244 = arith.constant 32 : i32
      %mul3A_245 = vector.broadcast %mul3A_244 : i32 to vector<16xi32>
      %mul3A_246 = arith.muli %get3A_243, %mul3A_245 : vector<16xi32>
      %add3A_247 = vector.broadcast %scan3A_161 : i32 to vector<16xi32>
      %add3A_248 = arith.addi %mul3A_246, %add3A_247 : vector<16xi32>
      %swap3A_249 = arith.constant 1 : i32
      %swap3A_250 = arith.index_cast %swap3A_249 : i32 to index
      %swap3A_251 = arith.index_cast %add3A_241 : i32 to index
      %swap3A_252 = tpu.vector_load %arg9[%swap3A_250, %swap3A_251] {strides = array<i32>} : memref<2x4096xi32, #tpu.memory_space<vmem>>, vector<16xi32>,
      tpu.vector_store %arg9[%swap3A_250, %swap3A_251], %add3A_248 {strides = array<i32>} : memref<2x4096xi32, #tpu.memory_space<vmem>>, vector<16xi32>,
      %get3A_253 = arith.constant 432 : index
      %get3A_254 = tpu.vector_load %arg8[%get3A_253] {strides = array<i32>} : memref<512xi32, #tpu.memory_space<vmem>>, vector<16xi32>,
      %mul3A_255 = arith.constant 32 : i32
      %mul3A_256 = vector.broadcast %mul3A_255 : i32 to vector<16xi32>
      %mul3A_257 = arith.muli %get3A_254, %mul3A_256 : vector<16xi32>
      %add3A_258 = vector.broadcast %scan3A_161 : i32 to vector<16xi32>
      %add3A_259 = arith.addi %mul3A_257, %add3A_258 : vector<16xi32>
      %swap3A_260 = arith.constant 1 : i32
      %swap3A_261 = arith.index_cast %swap3A_260 : i32 to index
      %swap3A_262 = arith.index_cast %add3A_241 : i32 to index
      %swap3A_263 = tpu.vector_load %arg10[%swap3A_261, %swap3A_262] {strides = array<i32>} : memref<2x4096xi32, #tpu.memory_space<vmem>>, vector<16xi32>,
      tpu.vector_store %arg10[%swap3A_261, %swap3A_262], %add3A_259 {strides = array<i32>} : memref<2x4096xi32, #tpu.memory_space<vmem>>, vector<16xi32>,
      %mul3A_264 = arith.constant 128 : i32
      %mul3A_265 = arith.muli %scan3A_161, %mul3A_264 : i32
      %add3A_266 = arith.constant 64 : i32
      %add3A_267 = arith.addi %mul3A_265, %add3A_266 : i32
      %get3A_268 = arith.constant 448 : index
      %get3A_269 = tpu.vector_load %arg7[%get3A_268] {strides = array<i32>} : memref<512xi32, #tpu.memory_space<vmem>>, vector<16xi32>,
      %mul3A_270 = arith.constant 32 : i32
      %mul3A_271 = vector.broadcast %mul3A_270 : i32 to vector<16xi32>
      %mul3A_272 = arith.muli %get3A_269, %mul3A_271 : vector<16xi32>
      %add3A_273 = vector.broadcast %scan3A_161 : i32 to vector<16xi32>
      %add3A_274 = arith.addi %mul3A_272, %add3A_273 : vector<16xi32>
      %swap3A_275 = arith.constant 1 : i32
      %swap3A_276 = arith.index_cast %swap3A_275 : i32 to index
      %swap3A_277 = arith.index_cast %add3A_267 : i32 to index
      %swap3A_278 = tpu.vector_load %arg9[%swap3A_276, %swap3A_277] {strides = array<i32>} : memref<2x4096xi32, #tpu.memory_space<vmem>>, vector<16xi32>,
      tpu.vector_store %arg9[%swap3A_276, %swap3A_277], %add3A_274 {strides = array<i32>} : memref<2x4096xi32, #tpu.memory_space<vmem>>, vector<16xi32>,
      %get3A_279 = arith.constant 448 : index
      %get3A_280 = tpu.vector_load %arg8[%get3A_279] {strides = array<i32>} : memref<512xi32, #tpu.memory_space<vmem>>, vector<16xi32>,
      %mul3A_281 = arith.constant 32 : i32
      %mul3A_282 = vector.broadcast %mul3A_281 : i32 to vector<16xi32>
      %mul3A_283 = arith.muli %get3A_280, %mul3A_282 : vector<16xi32>
      %add3A_284 = vector.broadcast %scan3A_161 : i32 to vector<16xi32>
      %add3A_285 = arith.addi %mul3A_283, %add3A_284 : vector<16xi32>
      %swap3A_286 = arith.constant 1 : i32
      %swap3A_287 = arith.index_cast %swap3A_286 : i32 to index
      %swap3A_288 = arith.index_cast %add3A_267 : i32 to index
      %swap3A_289 = tpu.vector_load %arg10[%swap3A_287, %swap3A_288] {strides = array<i32>} : memref<2x4096xi32, #tpu.memory_space<vmem>>, vector<16xi32>,
      tpu.vector_store %arg10[%swap3A_287, %swap3A_288], %add3A_285 {strides = array<i32>} : memref<2x4096xi32, #tpu.memory_space<vmem>>, vector<16xi32>,
      %mul3A_290 = arith.constant 128 : i32
      %mul3A_291 = arith.muli %scan3A_161, %mul3A_290 : i32
      %add3A_292 = arith.constant 80 : i32
      %add3A_293 = arith.addi %mul3A_291, %add3A_292 : i32
      %get3A_294 = arith.constant 464 : index
      %get3A_295 = tpu.vector_load %arg7[%get3A_294] {strides = array<i32>} : memref<512xi32, #tpu.memory_space<vmem>>, vector<16xi32>,
      %mul3A_296 = arith.constant 32 : i32
      %mul3A_297 = vector.broadcast %mul3A_296 : i32 to vector<16xi32>
      %mul3A_298 = arith.muli %get3A_295, %mul3A_297 : vector<16xi32>
      %add3A_299 = vector.broadcast %scan3A_161 : i32 to vector<16xi32>
      %add3A_300 = arith.addi %mul3A_298, %add3A_299 : vector<16xi32>
      %swap3A_301 = arith.constant 1 : i32
      %swap3A_302 = arith.index_cast %swap3A_301 : i32 to index
      %swap3A_303 = arith.index_cast %add3A_293 : i32 to index
      %swap3A_304 = tpu.vector_load %arg9[%swap3A_302, %swap3A_303] {strides = array<i32>} : memref<2x4096xi32, #tpu.memory_space<vmem>>, vector<16xi32>,
      tpu.vector_store %arg9[%swap3A_302, %swap3A_303], %add3A_300 {strides = array<i32>} : memref<2x4096xi32, #tpu.memory_space<vmem>>, vector<16xi32>,
      %get3A_305 = arith.constant 464 : index
      %get3A_306 = tpu.vector_load %arg8[%get3A_305] {strides = array<i32>} : memref<512xi32, #tpu.memory_space<vmem>>, vector<16xi32>,
      %mul3A_307 = arith.constant 32 : i32
      %mul3A_308 = vector.broadcast %mul3A_307 : i32 to vector<16xi32>
      %mul3A_309 = arith.muli %get3A_306, %mul3A_308 : vector<16xi32>
      %add3A_310 = vector.broadcast %scan3A_161 : i32 to vector<16xi32>
      %add3A_311 = arith.addi %mul3A_309, %add3A_310 : vector<16xi32>
      %swap3A_312 = arith.constant 1 : i32
      %swap3A_313 = arith.index_cast %swap3A_312 : i32 to index
      %swap3A_314 = arith.index_cast %add3A_293 : i32 to index
      %swap3A_315 = tpu.vector_load %arg10[%swap3A_313, %swap3A_314] {strides = array<i32>} : memref<2x4096xi32, #tpu.memory_space<vmem>>, vector<16xi32>,
      tpu.vector_store %arg10[%swap3A_313, %swap3A_314], %add3A_311 {strides = array<i32>} : memref<2x4096xi32, #tpu.memory_space<vmem>>, vector<16xi32>,
      %mul3A_316 = arith.constant 128 : i32
      %mul3A_317 = arith.muli %scan3A_161, %mul3A_316 : i32
      %add3A_318 = arith.constant 96 : i32
      %add3A_319 = arith.addi %mul3A_317, %add3A_318 : i32
      %get3A_320 = arith.constant 480 : index
      %get3A_321 = tpu.vector_load %arg7[%get3A_320] {strides = array<i32>} : memref<512xi32, #tpu.memory_space<vmem>>, vector<16xi32>,
      %mul3A_322 = arith.constant 32 : i32
      %mul3A_323 = vector.broadcast %mul3A_322 : i32 to vector<16xi32>
      %mul3A_324 = arith.muli %get3A_321, %mul3A_323 : vector<16xi32>
      %add3A_325 = vector.broadcast %scan3A_161 : i32 to vector<16xi32>
      %add3A_326 = arith.addi %mul3A_324, %add3A_325 : vector<16xi32>
      %swap3A_327 = arith.constant 1 : i32
      %swap3A_328 = arith.index_cast %swap3A_327 : i32 to index
      %swap3A_329 = arith.index_cast %add3A_319 : i32 to index
      %swap3A_330 = tpu.vector_load %arg9[%swap3A_328, %swap3A_329] {strides = array<i32>} : memref<2x4096xi32, #tpu.memory_space<vmem>>, vector<16xi32>,
      tpu.vector_store %arg9[%swap3A_328, %swap3A_329], %add3A_326 {strides = array<i32>} : memref<2x4096xi32, #tpu.memory_space<vmem>>, vector<16xi32>,
      %get3A_331 = arith.constant 480 : index
      %get3A_332 = tpu.vector_load %arg8[%get3A_331] {strides = array<i32>} : memref<512xi32, #tpu.memory_space<vmem>>, vector<16xi32>,
      %mul3A_333 = arith.constant 32 : i32
      %mul3A_334 = vector.broadcast %mul3A_333 : i32 to vector<16xi32>
      %mul3A_335 = arith.muli %get3A_332, %mul3A_334 : vector<16xi32>
      %add3A_336 = vector.broadcast %scan3A_161 : i32 to vector<16xi32>
      %add3A_337 = arith.addi %mul3A_335, %add3A_336 : vector<16xi32>
      %swap3A_338 = arith.constant 1 : i32
      %swap3A_339 = arith.index_cast %swap3A_338 : i32 to index
      %swap3A_340 = arith.index_cast %add3A_319 : i32 to index
      %swap3A_341 = tpu.vector_load %arg10[%swap3A_339, %swap3A_340] {strides = array<i32>} : memref<2x4096xi32, #tpu.memory_space<vmem>>, vector<16xi32>,
      tpu.vector_store %arg10[%swap3A_339, %swap3A_340], %add3A_337 {strides = array<i32>} : memref<2x4096xi32, #tpu.memory_space<vmem>>, vector<16xi32>,
      %mul3A_342 = arith.constant 128 : i32
      %mul3A_343 = arith.muli %scan3A_161, %mul3A_342 : i32
      %add3A_344 = arith.constant 112 : i32
      %add3A_345 = arith.addi %mul3A_343, %add3A_344 : i32
      %get3A_346 = arith.constant 496 : index
      %get3A_347 = tpu.vector_load %arg7[%get3A_346] {strides = array<i32>} : memref<512xi32, #tpu.memory_space<vmem>>, vector<16xi32>,
      %mul3A_348 = arith.constant 32 : i32
      %mul3A_349 = vector.broadcast %mul3A_348 : i32 to vector<16xi32>
      %mul3A_350 = arith.muli %get3A_347, %mul3A_349 : vector<16xi32>
      %add3A_351 = vector.broadcast %scan3A_161 : i32 to vector<16xi32>
      %add3A_352 = arith.addi %mul3A_350, %add3A_351 : vector<16xi32>
      %swap3A_353 = arith.constant 1 : i32
      %swap3A_354 = arith.index_cast %swap3A_353 : i32 to index
      %swap3A_355 = arith.index_cast %add3A_345 : i32 to index
      %swap3A_356 = tpu.vector_load %arg9[%swap3A_354, %swap3A_355] {strides = array<i32>} : memref<2x4096xi32, #tpu.memory_space<vmem>>, vector<16xi32>,
      tpu.vector_store %arg9[%swap3A_354, %swap3A_355], %add3A_352 {strides = array<i32>} : memref<2x4096xi32, #tpu.memory_space<vmem>>, vector<16xi32>,
      %get3A_357 = arith.constant 496 : index
      %get3A_358 = tpu.vector_load %arg8[%get3A_357] {strides = array<i32>} : memref<512xi32, #tpu.memory_space<vmem>>, vector<16xi32>,
      %mul3A_359 = arith.constant 32 : i32
      %mul3A_360 = vector.broadcast %mul3A_359 : i32 to vector<16xi32>
      %mul3A_361 = arith.muli %get3A_358, %mul3A_360 : vector<16xi32>
      %add3A_362 = vector.broadcast %scan3A_161 : i32 to vector<16xi32>
      %add3A_363 = arith.addi %mul3A_361, %add3A_362 : vector<16xi32>
      %swap3A_364 = arith.constant 1 : i32
      %swap3A_365 = arith.index_cast %swap3A_364 : i32 to index
      %swap3A_366 = arith.index_cast %add3A_345 : i32 to index
      %swap3A_367 = tpu.vector_load %arg10[%swap3A_365, %swap3A_366] {strides = array<i32>} : memref<2x4096xi32, #tpu.memory_space<vmem>>, vector<16xi32>,
      tpu.vector_store %arg10[%swap3A_365, %swap3A_366], %add3A_363 {strides = array<i32>} : memref<2x4096xi32, #tpu.memory_space<vmem>>, vector<16xi32>,
    }
    %scan3A_98 = arith.constant 32 : i32
    %scan3A_99 = arith.constant 0 : i32
    %scan3A_100 = arith.constant 0 : i32
    %scan3A_101 = arith.constant 32 : i32
    %scan3A_102 = arith.addi %scan3A_100, %scan3A_101 : i32
    %scan3A_103 = arith.constant 1 : i32
    scf.for %scan3A_161 = %scan3A_100 to %scan3A_102 step %scan3A_103  : i32 {
      %mul3A_162 = arith.constant 128 : i32
      %mul3A_163 = arith.muli %scan3A_161, %mul3A_162 : i32
      %dma_start3A = arith.constant 1 : i32
      %dma_start3A_164 = arith.constant 1 : i32
      %dma_start3A_165 = arith.constant 0 : i32
      %dma_start3A_166 = tpu.memref_slice %arg11[%dma_start3A_164, %dma_start3A_165] : memref<2x4096xf32, #tpu.memory_space<vmem>> -> memref<1x4096xf32, #tpu.memory_space<vmem>>
      %dma_start3A_167 = tpu.memref_squeeze %dma_start3A_166 : memref<1x4096xf32, #tpu.memory_space<vmem>> -> memref<4096xf32, #tpu.memory_space<vmem>>
      %dma_start3A_168 = tpu.memref_slice %dma_start3A_167[%mul3A_163] : memref<4096xf32, #tpu.memory_space<vmem>> -> memref<128xf32, #tpu.memory_space<vmem>>
      %dma_start3A_169 = arith.constant 0 : i32
      %dma_start3A_170 = tpu.memref_slice %arg9[%dma_start3A, %dma_start3A_169] : memref<2x4096xi32, #tpu.memory_space<vmem>> -> memref<1x4096xi32, #tpu.memory_space<vmem>>
      %dma_start3A_171 = tpu.memref_squeeze %dma_start3A_170 : memref<1x4096xi32, #tpu.memory_space<vmem>> -> memref<4096xi32, #tpu.memory_space<vmem>>
      %dma_start3A_172 = tpu.memref_slice %dma_start3A_171[%mul3A_163] : memref<4096xi32, #tpu.memory_space<vmem>> -> memref<128xi32, #tpu.memory_space<vmem>>
      %dma_start3A_173 = arith.constant 0 : i32
      %dma_start3A_174 = tpu.memref_slice %arg4[%dma_start3A_173] : memref<32000000xf32, #tpu.memory_space<hbm>> -> memref<32000000xf32, #tpu.memory_space<hbm>>
      tpu.enqueue_indirect_dma source(%dma_start3A_174 : memref<32000000xf32, #tpu.memory_space<hbm>>) target(%dma_start3A_168 : memref<128xf32, #tpu.memory_space<vmem>>) offsets(%dma_start3A_172 : memref<128xi32, #tpu.memory_space<vmem>>) semaphore(%arg15 : memref<!tpu.dma_semaphore, #tpu.memory_space<semaphore_mem>>)
      %dma_start3A_175 = arith.constant 1 : i32
      %dma_start3A_176 = arith.constant 1 : i32
      %dma_start3A_177 = arith.constant 0 : i32
      %dma_start3A_178 = tpu.memref_slice %arg12[%dma_start3A_176, %dma_start3A_177] : memref<2x4096xf32, #tpu.memory_space<vmem>> -> memref<1x4096xf32, #tpu.memory_space<vmem>>
      %dma_start3A_179 = tpu.memref_squeeze %dma_start3A_178 : memref<1x4096xf32, #tpu.memory_space<vmem>> -> memref<4096xf32, #tpu.memory_space<vmem>>
      %dma_start3A_180 = tpu.memref_slice %dma_start3A_179[%mul3A_163] : memref<4096xf32, #tpu.memory_space<vmem>> -> memref<128xf32, #tpu.memory_space<vmem>>
      %dma_start3A_181 = arith.constant 0 : i32
      %dma_start3A_182 = tpu.memref_slice %arg10[%dma_start3A_175, %dma_start3A_181] : memref<2x4096xi32, #tpu.memory_space<vmem>> -> memref<1x4096xi32, #tpu.memory_space<vmem>>
      %dma_start3A_183 = tpu.memref_squeeze %dma_start3A_182 : memref<1x4096xi32, #tpu.memory_space<vmem>> -> memref<4096xi32, #tpu.memory_space<vmem>>
      %dma_start3A_184 = tpu.memref_slice %dma_start3A_183[%mul3A_163] : memref<4096xi32, #tpu.memory_space<vmem>> -> memref<128xi32, #tpu.memory_space<vmem>>
      %dma_start3A_185 = arith.constant 0 : i32
      %dma_start3A_186 = tpu.memref_slice %arg5[%dma_start3A_185] : memref<32000000xf32, #tpu.memory_space<hbm>> -> memref<32000000xf32, #tpu.memory_space<hbm>>
      tpu.enqueue_indirect_dma source(%dma_start3A_186 : memref<32000000xf32, #tpu.memory_space<hbm>>) target(%dma_start3A_180 : memref<128xf32, #tpu.memory_space<vmem>>) offsets(%dma_start3A_184 : memref<128xi32, #tpu.memory_space<vmem>>) semaphore(%arg17 : memref<!tpu.dma_semaphore, #tpu.memory_space<semaphore_mem>>)
    }
    %scan3A_104 = arith.constant 32 : i32
    %dma_wait3A_105 = arith.constant 0 : i32
    %dma_wait3A_106 = arith.constant 0 : i32
    %dma_wait3A_107 = tpu.memref_slice %arg11[%dma_wait3A_105, %dma_wait3A_106] : memref<2x4096xf32, #tpu.memory_space<vmem>> -> memref<1x4096xf32, #tpu.memory_space<vmem>>
    %dma_wait3A_108 = tpu.memref_squeeze %dma_wait3A_107 : memref<1x4096xf32, #tpu.memory_space<vmem>> -> memref<4096xf32, #tpu.memory_space<vmem>>
    %dma_wait3A_109 = arith.constant 0 : i32
    %dma_wait3A_110 = tpu.memref_slice %arg4[%dma_wait3A_109] : memref<32000000xf32, #tpu.memory_space<hbm>> -> memref<4096xf32, #tpu.memory_space<hbm>>
    %dma_wait3A_111 = arith.constant 0 : i32
    %dma_wait3A_112 = tpu.memref_slice %arg11[%dma_wait3A_105, %dma_wait3A_111] : memref<2x4096xf32, #tpu.memory_space<vmem>> -> memref<1x4096xf32, #tpu.memory_space<vmem>>
    %dma_wait3A_113 = tpu.memref_squeeze %dma_wait3A_112 : memref<1x4096xf32, #tpu.memory_space<vmem>> -> memref<4096xf32, #tpu.memory_space<vmem>>
    %dma_wait3A_114 = arith.constant 0 : i32
    %dma_wait3A_115 = tpu.memref_slice %arg4[%dma_wait3A_114] : memref<32000000xf32, #tpu.memory_space<hbm>> -> memref<4096xf32, #tpu.memory_space<hbm>>
    tpu.wait_dma2 semaphore(%arg14 : memref<!tpu.dma_semaphore, #tpu.memory_space<semaphore_mem>>) src(%dma_wait3A_115 : memref<4096xf32, #tpu.memory_space<hbm>>) dst(%dma_wait3A_113 : memref<4096xf32, #tpu.memory_space<vmem>>)
    %dma_wait3A_116 = arith.constant 0 : i32
    %dma_wait3A_117 = arith.constant 0 : i32
    %dma_wait3A_118 = tpu.memref_slice %arg12[%dma_wait3A_116, %dma_wait3A_117] : memref<2x4096xf32, #tpu.memory_space<vmem>> -> memref<1x4096xf32, #tpu.memory_space<vmem>>
    %dma_wait3A_119 = tpu.memref_squeeze %dma_wait3A_118 : memref<1x4096xf32, #tpu.memory_space<vmem>> -> memref<4096xf32, #tpu.memory_space<vmem>>
    %dma_wait3A_120 = arith.constant 0 : i32
    %dma_wait3A_121 = tpu.memref_slice %arg5[%dma_wait3A_120] : memref<32000000xf32, #tpu.memory_space<hbm>> -> memref<4096xf32, #tpu.memory_space<hbm>>
    %dma_wait3A_122 = arith.constant 0 : i32
    %dma_wait3A_123 = tpu.memref_slice %arg12[%dma_wait3A_116, %dma_wait3A_122] : memref<2x4096xf32, #tpu.memory_space<vmem>> -> memref<1x4096xf32, #tpu.memory_space<vmem>>
    %dma_wait3A_124 = tpu.memref_squeeze %dma_wait3A_123 : memref<1x4096xf32, #tpu.memory_space<vmem>> -> memref<4096xf32, #tpu.memory_space<vmem>>
    %dma_wait3A_125 = arith.constant 0 : i32
    %dma_wait3A_126 = tpu.memref_slice %arg5[%dma_wait3A_125] : memref<32000000xf32, #tpu.memory_space<hbm>> -> memref<4096xf32, #tpu.memory_space<hbm>>
    tpu.wait_dma2 semaphore(%arg16 : memref<!tpu.dma_semaphore, #tpu.memory_space<semaphore_mem>>) src(%dma_wait3A_126 : memref<4096xf32, #tpu.memory_space<hbm>>) dst(%dma_wait3A_124 : memref<4096xf32, #tpu.memory_space<vmem>>)
    %scan3A_127 = arith.constant 0 : i32
    %scan3A_128 = arith.constant 0 : i32
    %scan3A_129 = arith.constant 8 : i32
    %scan3A_130 = arith.addi %scan3A_128, %scan3A_129 : i32
    %scan3A_131 = arith.constant 1 : i32
    scf.for %scan3A_161 = %scan3A_128 to %scan3A_130 step %scan3A_131  : i32 {
      %mul3A_162 = arith.constant 16 : i32
      %mul3A_163 = arith.muli %scan3A_161, %mul3A_162 : i32
      %get3A = arith.constant 0 : i32
      %get3A_164 = arith.index_cast %get3A : i32 to index
      %get3A_165 = arith.index_cast %mul3A_163 : i32 to index
      %get3A_166 = tpu.vector_load %arg11[%get3A_164, %get3A_165] {strides = array<i32>} : memref<2x4096xf32, #tpu.memory_space<vmem>>, vector<16xf32>,
      %get3A_167 = arith.constant 0 : i32
      %get3A_168 = arith.index_cast %get3A_167 : i32 to index
      %get3A_169 = arith.index_cast %mul3A_163 : i32 to index
      %get3A_170 = tpu.vector_load %arg12[%get3A_168, %get3A_169] {strides = array<i32>} : memref<2x4096xf32, #tpu.memory_space<vmem>>, vector<16xf32>,
      %mul3A_171 = arith.mulf %get3A_166, %get3A_170 : vector<16xf32>
      %add3A_172 = arith.constant 128 : i32
      %add3A_173 = arith.addi %add3A_172, %mul3A_163 : i32
      %get3A_174 = arith.constant 0 : i32
      %get3A_175 = arith.index_cast %get3A_174 : i32 to index
      %get3A_176 = arith.index_cast %add3A_173 : i32 to index
      %get3A_177 = tpu.vector_load %arg11[%get3A_175, %get3A_176] {strides = array<i32>} : memref<2x4096xf32, #tpu.memory_space<vmem>>, vector<16xf32>,
      %get3A_178 = arith.constant 0 : i32
      %get3A_179 = arith.index_cast %get3A_178 : i32 to index
      %get3A_180 = arith.index_cast %add3A_173 : i32 to index
      %get3A_181 = tpu.vector_load %arg12[%get3A_179, %get3A_180] {strides = array<i32>} : memref<2x4096xf32, #tpu.memory_space<vmem>>, vector<16xf32>,
      %mul3A_182 = arith.mulf %get3A_177, %get3A_181 : vector<16xf32>
      %add3A_183 = arith.addf %mul3A_171, %mul3A_182 : vector<16xf32>
      %add3A_184 = arith.constant 256 : i32
      %add3A_185 = arith.addi %add3A_184, %mul3A_163 : i32
      %get3A_186 = arith.constant 0 : i32
      %get3A_187 = arith.index_cast %get3A_186 : i32 to index
      %get3A_188 = arith.index_cast %add3A_185 : i32 to index
      %get3A_189 = tpu.vector_load %arg11[%get3A_187, %get3A_188] {strides = array<i32>} : memref<2x4096xf32, #tpu.memory_space<vmem>>, vector<16xf32>,
      %get3A_190 = arith.constant 0 : i32
      %get3A_191 = arith.index_cast %get3A_190 : i32 to index
      %get3A_192 = arith.index_cast %add3A_185 : i32 to index
      %get3A_193 = tpu.vector_load %arg12[%get3A_191, %get3A_192] {strides = array<i32>} : memref<2x4096xf32, #tpu.memory_space<vmem>>, vector<16xf32>,
      %mul3A_194 = arith.mulf %get3A_189, %get3A_193 : vector<16xf32>
      %add3A_195 = arith.addf %add3A_183, %mul3A_194 : vector<16xf32>
      %add3A_196 = arith.constant 384 : i32
      %add3A_197 = arith.addi %add3A_196, %mul3A_163 : i32
      %get3A_198 = arith.constant 0 : i32
      %get3A_199 = arith.index_cast %get3A_198 : i32 to index
      %get3A_200 = arith.index_cast %add3A_197 : i32 to index
      %get3A_201 = tpu.vector_load %arg11[%get3A_199, %get3A_200] {strides = array<i32>} : memref<2x4096xf32, #tpu.memory_space<vmem>>, vector<16xf32>,
      %get3A_202 = arith.constant 0 : i32
      %get3A_203 = arith.index_cast %get3A_202 : i32 to index
      %get3A_204 = arith.index_cast %add3A_197 : i32 to index
      %get3A_205 = tpu.vector_load %arg12[%get3A_203, %get3A_204] {strides = array<i32>} : memref<2x4096xf32, #tpu.memory_space<vmem>>, vector<16xf32>,
      %mul3A_206 = arith.mulf %get3A_201, %get3A_205 : vector<16xf32>
      %add3A_207 = arith.addf %add3A_195, %mul3A_206 : vector<16xf32>
      %add3A_208 = arith.constant 512 : i32
      %add3A_209 = arith.addi %add3A_208, %mul3A_163 : i32
      %get3A_210 = arith.constant 0 : i32
      %get3A_211 = arith.index_cast %get3A_210 : i32 to index
      %get3A_212 = arith.index_cast %add3A_209 : i32 to index
      %get3A_213 = tpu.vector_load %arg11[%get3A_211, %get3A_212] {strides = array<i32>} : memref<2x4096xf32, #tpu.memory_space<vmem>>, vector<16xf32>,
      %get3A_214 = arith.constant 0 : i32
      %get3A_215 = arith.index_cast %get3A_214 : i32 to index
      %get3A_216 = arith.index_cast %add3A_209 : i32 to index
      %get3A_217 = tpu.vector_load %arg12[%get3A_215, %get3A_216] {strides = array<i32>} : memref<2x4096xf32, #tpu.memory_space<vmem>>, vector<16xf32>,
      %mul3A_218 = arith.mulf %get3A_213, %get3A_217 : vector<16xf32>
      %add3A_219 = arith.addf %add3A_207, %mul3A_218 : vector<16xf32>
      %add3A_220 = arith.constant 640 : i32
      %add3A_221 = arith.addi %add3A_220, %mul3A_163 : i32
      %get3A_222 = arith.constant 0 : i32
      %get3A_223 = arith.index_cast %get3A_222 : i32 to index
      %get3A_224 = arith.index_cast %add3A_221 : i32 to index
      %get3A_225 = tpu.vector_load %arg11[%get3A_223, %get3A_224] {strides = array<i32>} : memref<2x4096xf32, #tpu.memory_space<vmem>>, vector<16xf32>,
      %get3A_226 = arith.constant 0 : i32
      %get3A_227 = arith.index_cast %get3A_226 : i32 to index
      %get3A_228 = arith.index_cast %add3A_221 : i32 to index
      %get3A_229 = tpu.vector_load %arg12[%get3A_227, %get3A_228] {strides = array<i32>} : memref<2x4096xf32, #tpu.memory_space<vmem>>, vector<16xf32>,
      %mul3A_230 = arith.mulf %get3A_225, %get3A_229 : vector<16xf32>
      %add3A_231 = arith.addf %add3A_219, %mul3A_230 : vector<16xf32>
      %add3A_232 = arith.constant 768 : i32
      %add3A_233 = arith.addi %add3A_232, %mul3A_163 : i32
      %get3A_234 = arith.constant 0 : i32
      %get3A_235 = arith.index_cast %get3A_234 : i32 to index
      %get3A_236 = arith.index_cast %add3A_233 : i32 to index
      %get3A_237 = tpu.vector_load %arg11[%get3A_235, %get3A_236] {strides = array<i32>} : memref<2x4096xf32, #tpu.memory_space<vmem>>, vector<16xf32>,
      %get3A_238 = arith.constant 0 : i32
      %get3A_239 = arith.index_cast %get3A_238 : i32 to index
      %get3A_240 = arith.index_cast %add3A_233 : i32 to index
      %get3A_241 = tpu.vector_load %arg12[%get3A_239, %get3A_240] {strides = array<i32>} : memref<2x4096xf32, #tpu.memory_space<vmem>>, vector<16xf32>,
      %mul3A_242 = arith.mulf %get3A_237, %get3A_241 : vector<16xf32>
      %add3A_243 = arith.addf %add3A_231, %mul3A_242 : vector<16xf32>
      %add3A_244 = arith.constant 896 : i32
      %add3A_245 = arith.addi %add3A_244, %mul3A_163 : i32
      %get3A_246 = arith.constant 0 : i32
      %get3A_247 = arith.index_cast %get3A_246 : i32 to index
      %get3A_248 = arith.index_cast %add3A_245 : i32 to index
      %get3A_249 = tpu.vector_load %arg11[%get3A_247, %get3A_248] {strides = array<i32>} : memref<2x4096xf32, #tpu.memory_space<vmem>>, vector<16xf32>,
      %get3A_250 = arith.constant 0 : i32
      %get3A_251 = arith.index_cast %get3A_250 : i32 to index
      %get3A_252 = arith.index_cast %add3A_245 : i32 to index
      %get3A_253 = tpu.vector_load %arg12[%get3A_251, %get3A_252] {strides = array<i32>} : memref<2x4096xf32, #tpu.memory_space<vmem>>, vector<16xf32>,
      %mul3A_254 = arith.mulf %get3A_249, %get3A_253 : vector<16xf32>
      %add3A_255 = arith.addf %add3A_243, %mul3A_254 : vector<16xf32>
      %add3A_256 = arith.constant 1024 : i32
      %add3A_257 = arith.addi %add3A_256, %mul3A_163 : i32
      %get3A_258 = arith.constant 0 : i32
      %get3A_259 = arith.index_cast %get3A_258 : i32 to index
      %get3A_260 = arith.index_cast %add3A_257 : i32 to index
      %get3A_261 = tpu.vector_load %arg11[%get3A_259, %get3A_260] {strides = array<i32>} : memref<2x4096xf32, #tpu.memory_space<vmem>>, vector<16xf32>,
      %get3A_262 = arith.constant 0 : i32
      %get3A_263 = arith.index_cast %get3A_262 : i32 to index
      %get3A_264 = arith.index_cast %add3A_257 : i32 to index
      %get3A_265 = tpu.vector_load %arg12[%get3A_263, %get3A_264] {strides = array<i32>} : memref<2x4096xf32, #tpu.memory_space<vmem>>, vector<16xf32>,
      %mul3A_266 = arith.mulf %get3A_261, %get3A_265 : vector<16xf32>
      %add3A_267 = arith.addf %add3A_255, %mul3A_266 : vector<16xf32>
      %add3A_268 = arith.constant 1152 : i32
      %add3A_269 = arith.addi %add3A_268, %mul3A_163 : i32
      %get3A_270 = arith.constant 0 : i32
      %get3A_271 = arith.index_cast %get3A_270 : i32 to index
      %get3A_272 = arith.index_cast %add3A_269 : i32 to index
      %get3A_273 = tpu.vector_load %arg11[%get3A_271, %get3A_272] {strides = array<i32>} : memref<2x4096xf32, #tpu.memory_space<vmem>>, vector<16xf32>,
      %get3A_274 = arith.constant 0 : i32
      %get3A_275 = arith.index_cast %get3A_274 : i32 to index
      %get3A_276 = arith.index_cast %add3A_269 : i32 to index
      %get3A_277 = tpu.vector_load %arg12[%get3A_275, %get3A_276] {strides = array<i32>} : memref<2x4096xf32, #tpu.memory_space<vmem>>, vector<16xf32>,
      %mul3A_278 = arith.mulf %get3A_273, %get3A_277 : vector<16xf32>
      %add3A_279 = arith.addf %add3A_267, %mul3A_278 : vector<16xf32>
      %add3A_280 = arith.constant 1280 : i32
      %add3A_281 = arith.addi %add3A_280, %mul3A_163 : i32
      %get3A_282 = arith.constant 0 : i32
      %get3A_283 = arith.index_cast %get3A_282 : i32 to index
      %get3A_284 = arith.index_cast %add3A_281 : i32 to index
      %get3A_285 = tpu.vector_load %arg11[%get3A_283, %get3A_284] {strides = array<i32>} : memref<2x4096xf32, #tpu.memory_space<vmem>>, vector<16xf32>,
      %get3A_286 = arith.constant 0 : i32
      %get3A_287 = arith.index_cast %get3A_286 : i32 to index
      %get3A_288 = arith.index_cast %add3A_281 : i32 to index
      %get3A_289 = tpu.vector_load %arg12[%get3A_287, %get3A_288] {strides = array<i32>} : memref<2x4096xf32, #tpu.memory_space<vmem>>, vector<16xf32>,
      %mul3A_290 = arith.mulf %get3A_285, %get3A_289 : vector<16xf32>
      %add3A_291 = arith.addf %add3A_279, %mul3A_290 : vector<16xf32>
      %add3A_292 = arith.constant 1408 : i32
      %add3A_293 = arith.addi %add3A_292, %mul3A_163 : i32
      %get3A_294 = arith.constant 0 : i32
      %get3A_295 = arith.index_cast %get3A_294 : i32 to index
      %get3A_296 = arith.index_cast %add3A_293 : i32 to index
      %get3A_297 = tpu.vector_load %arg11[%get3A_295, %get3A_296] {strides = array<i32>} : memref<2x4096xf32, #tpu.memory_space<vmem>>, vector<16xf32>,
      %get3A_298 = arith.constant 0 : i32
      %get3A_299 = arith.index_cast %get3A_298 : i32 to index
      %get3A_300 = arith.index_cast %add3A_293 : i32 to index
      %get3A_301 = tpu.vector_load %arg12[%get3A_299, %get3A_300] {strides = array<i32>} : memref<2x4096xf32, #tpu.memory_space<vmem>>, vector<16xf32>,
      %mul3A_302 = arith.mulf %get3A_297, %get3A_301 : vector<16xf32>
      %add3A_303 = arith.addf %add3A_291, %mul3A_302 : vector<16xf32>
      %add3A_304 = arith.constant 1536 : i32
      %add3A_305 = arith.addi %add3A_304, %mul3A_163 : i32
      %get3A_306 = arith.constant 0 : i32
      %get3A_307 = arith.index_cast %get3A_306 : i32 to index
      %get3A_308 = arith.index_cast %add3A_305 : i32 to index
      %get3A_309 = tpu.vector_load %arg11[%get3A_307, %get3A_308] {strides = array<i32>} : memref<2x4096xf32, #tpu.memory_space<vmem>>, vector<16xf32>,
      %get3A_310 = arith.constant 0 : i32
      %get3A_311 = arith.index_cast %get3A_310 : i32 to index
      %get3A_312 = arith.index_cast %add3A_305 : i32 to index
      %get3A_313 = tpu.vector_load %arg12[%get3A_311, %get3A_312] {strides = array<i32>} : memref<2x4096xf32, #tpu.memory_space<vmem>>, vector<16xf32>,
      %mul3A_314 = arith.mulf %get3A_309, %get3A_313 : vector<16xf32>
      %add3A_315 = arith.addf %add3A_303, %mul3A_314 : vector<16xf32>
      %add3A_316 = arith.constant 1664 : i32
      %add3A_317 = arith.addi %add3A_316, %mul3A_163 : i32
      %get3A_318 = arith.constant 0 : i32
      %get3A_319 = arith.index_cast %get3A_318 : i32 to index
      %get3A_320 = arith.index_cast %add3A_317 : i32 to index
      %get3A_321 = tpu.vector_load %arg11[%get3A_319, %get3A_320] {strides = array<i32>} : memref<2x4096xf32, #tpu.memory_space<vmem>>, vector<16xf32>,
      %get3A_322 = arith.constant 0 : i32
      %get3A_323 = arith.index_cast %get3A_322 : i32 to index
      %get3A_324 = arith.index_cast %add3A_317 : i32 to index
      %get3A_325 = tpu.vector_load %arg12[%get3A_323, %get3A_324] {strides = array<i32>} : memref<2x4096xf32, #tpu.memory_space<vmem>>, vector<16xf32>,
      %mul3A_326 = arith.mulf %get3A_321, %get3A_325 : vector<16xf32>
      %add3A_327 = arith.addf %add3A_315, %mul3A_326 : vector<16xf32>
      %add3A_328 = arith.constant 1792 : i32
      %add3A_329 = arith.addi %add3A_328, %mul3A_163 : i32
      %get3A_330 = arith.constant 0 : i32
      %get3A_331 = arith.index_cast %get3A_330 : i32 to index
      %get3A_332 = arith.index_cast %add3A_329 : i32 to index
      %get3A_333 = tpu.vector_load %arg11[%get3A_331, %get3A_332] {strides = array<i32>} : memref<2x4096xf32, #tpu.memory_space<vmem>>, vector<16xf32>,
      %get3A_334 = arith.constant 0 : i32
      %get3A_335 = arith.index_cast %get3A_334 : i32 to index
      %get3A_336 = arith.index_cast %add3A_329 : i32 to index
      %get3A_337 = tpu.vector_load %arg12[%get3A_335, %get3A_336] {strides = array<i32>} : memref<2x4096xf32, #tpu.memory_space<vmem>>, vector<16xf32>,
      %mul3A_338 = arith.mulf %get3A_333, %get3A_337 : vector<16xf32>
      %add3A_339 = arith.addf %add3A_327, %mul3A_338 : vector<16xf32>
      %add3A_340 = arith.constant 1920 : i32
      %add3A_341 = arith.addi %add3A_340, %mul3A_163 : i32
      %get3A_342 = arith.constant 0 : i32
      %get3A_343 = arith.index_cast %get3A_342 : i32 to index
      %get3A_344 = arith.index_cast %add3A_341 : i32 to index
      %get3A_345 = tpu.vector_load %arg11[%get3A_343, %get3A_344] {strides = array<i32>} : memref<2x4096xf32, #tpu.memory_space<vmem>>, vector<16xf32>,
      %get3A_346 = arith.constant 0 : i32
      %get3A_347 = arith.index_cast %get3A_346 : i32 to index
      %get3A_348 = arith.index_cast %add3A_341 : i32 to index
      %get3A_349 = tpu.vector_load %arg12[%get3A_347, %get3A_348] {strides = array<i32>} : memref<2x4096xf32, #tpu.memory_space<vmem>>, vector<16xf32>,
      %mul3A_350 = arith.mulf %get3A_345, %get3A_349 : vector<16xf32>
      %add3A_351 = arith.addf %add3A_339, %mul3A_350 : vector<16xf32>
      %add3A_352 = arith.constant 2048 : i32
      %add3A_353 = arith.addi %add3A_352, %mul3A_163 : i32
      %get3A_354 = arith.constant 0 : i32
      %get3A_355 = arith.index_cast %get3A_354 : i32 to index
      %get3A_356 = arith.index_cast %add3A_353 : i32 to index
      %get3A_357 = tpu.vector_load %arg11[%get3A_355, %get3A_356] {strides = array<i32>} : memref<2x4096xf32, #tpu.memory_space<vmem>>, vector<16xf32>,
      %get3A_358 = arith.constant 0 : i32
      %get3A_359 = arith.index_cast %get3A_358 : i32 to index
      %get3A_360 = arith.index_cast %add3A_353 : i32 to index
      %get3A_361 = tpu.vector_load %arg12[%get3A_359, %get3A_360] {strides = array<i32>} : memref<2x4096xf32, #tpu.memory_space<vmem>>, vector<16xf32>,
      %mul3A_362 = arith.mulf %get3A_357, %get3A_361 : vector<16xf32>
      %add3A_363 = arith.addf %add3A_351, %mul3A_362 : vector<16xf32>
      %add3A_364 = arith.constant 2176 : i32
      %add3A_365 = arith.addi %add3A_364, %mul3A_163 : i32
      %get3A_366 = arith.constant 0 : i32
      %get3A_367 = arith.index_cast %get3A_366 : i32 to index
      %get3A_368 = arith.index_cast %add3A_365 : i32 to index
      %get3A_369 = tpu.vector_load %arg11[%get3A_367, %get3A_368] {strides = array<i32>} : memref<2x4096xf32, #tpu.memory_space<vmem>>, vector<16xf32>,
      %get3A_370 = arith.constant 0 : i32
      %get3A_371 = arith.index_cast %get3A_370 : i32 to index
      %get3A_372 = arith.index_cast %add3A_365 : i32 to index
      %get3A_373 = tpu.vector_load %arg12[%get3A_371, %get3A_372] {strides = array<i32>} : memref<2x4096xf32, #tpu.memory_space<vmem>>, vector<16xf32>,
      %mul3A_374 = arith.mulf %get3A_369, %get3A_373 : vector<16xf32>
      %add3A_375 = arith.addf %add3A_363, %mul3A_374 : vector<16xf32>
      %add3A_376 = arith.constant 2304 : i32
      %add3A_377 = arith.addi %add3A_376, %mul3A_163 : i32
      %get3A_378 = arith.constant 0 : i32
      %get3A_379 = arith.index_cast %get3A_378 : i32 to index
      %get3A_380 = arith.index_cast %add3A_377 : i32 to index
      %get3A_381 = tpu.vector_load %arg11[%get3A_379, %get3A_380] {strides = array<i32>} : memref<2x4096xf32, #tpu.memory_space<vmem>>, vector<16xf32>,
      %get3A_382 = arith.constant 0 : i32
      %get3A_383 = arith.index_cast %get3A_382 : i32 to index
      %get3A_384 = arith.index_cast %add3A_377 : i32 to index
      %get3A_385 = tpu.vector_load %arg12[%get3A_383, %get3A_384] {strides = array<i32>} : memref<2x4096xf32, #tpu.memory_space<vmem>>, vector<16xf32>,
      %mul3A_386 = arith.mulf %get3A_381, %get3A_385 : vector<16xf32>
      %add3A_387 = arith.addf %add3A_375, %mul3A_386 : vector<16xf32>
      %add3A_388 = arith.constant 2432 : i32
      %add3A_389 = arith.addi %add3A_388, %mul3A_163 : i32
      %get3A_390 = arith.constant 0 : i32
      %get3A_391 = arith.index_cast %get3A_390 : i32 to index
      %get3A_392 = arith.index_cast %add3A_389 : i32 to index
      %get3A_393 = tpu.vector_load %arg11[%get3A_391, %get3A_392] {strides = array<i32>} : memref<2x4096xf32, #tpu.memory_space<vmem>>, vector<16xf32>,
      %get3A_394 = arith.constant 0 : i32
      %get3A_395 = arith.index_cast %get3A_394 : i32 to index
      %get3A_396 = arith.index_cast %add3A_389 : i32 to index
      %get3A_397 = tpu.vector_load %arg12[%get3A_395, %get3A_396] {strides = array<i32>} : memref<2x4096xf32, #tpu.memory_space<vmem>>, vector<16xf32>,
      %mul3A_398 = arith.mulf %get3A_393, %get3A_397 : vector<16xf32>
      %add3A_399 = arith.addf %add3A_387, %mul3A_398 : vector<16xf32>
      %add3A_400 = arith.constant 2560 : i32
      %add3A_401 = arith.addi %add3A_400, %mul3A_163 : i32
      %get3A_402 = arith.constant 0 : i32
      %get3A_403 = arith.index_cast %get3A_402 : i32 to index
      %get3A_404 = arith.index_cast %add3A_401 : i32 to index
      %get3A_405 = tpu.vector_load %arg11[%get3A_403, %get3A_404] {strides = array<i32>} : memref<2x4096xf32, #tpu.memory_space<vmem>>, vector<16xf32>,
      %get3A_406 = arith.constant 0 : i32
      %get3A_407 = arith.index_cast %get3A_406 : i32 to index
      %get3A_408 = arith.index_cast %add3A_401 : i32 to index
      %get3A_409 = tpu.vector_load %arg12[%get3A_407, %get3A_408] {strides = array<i32>} : memref<2x4096xf32, #tpu.memory_space<vmem>>, vector<16xf32>,
      %mul3A_410 = arith.mulf %get3A_405, %get3A_409 : vector<16xf32>
      %add3A_411 = arith.addf %add3A_399, %mul3A_410 : vector<16xf32>
      %add3A_412 = arith.constant 2688 : i32
      %add3A_413 = arith.addi %add3A_412, %mul3A_163 : i32
      %get3A_414 = arith.constant 0 : i32
      %get3A_415 = arith.index_cast %get3A_414 : i32 to index
      %get3A_416 = arith.index_cast %add3A_413 : i32 to index
      %get3A_417 = tpu.vector_load %arg11[%get3A_415, %get3A_416] {strides = array<i32>} : memref<2x4096xf32, #tpu.memory_space<vmem>>, vector<16xf32>,
      %get3A_418 = arith.constant 0 : i32
      %get3A_419 = arith.index_cast %get3A_418 : i32 to index
      %get3A_420 = arith.index_cast %add3A_413 : i32 to index
      %get3A_421 = tpu.vector_load %arg12[%get3A_419, %get3A_420] {strides = array<i32>} : memref<2x4096xf32, #tpu.memory_space<vmem>>, vector<16xf32>,
      %mul3A_422 = arith.mulf %get3A_417, %get3A_421 : vector<16xf32>
      %add3A_423 = arith.addf %add3A_411, %mul3A_422 : vector<16xf32>
      %add3A_424 = arith.constant 2816 : i32
      %add3A_425 = arith.addi %add3A_424, %mul3A_163 : i32
      %get3A_426 = arith.constant 0 : i32
      %get3A_427 = arith.index_cast %get3A_426 : i32 to index
      %get3A_428 = arith.index_cast %add3A_425 : i32 to index
      %get3A_429 = tpu.vector_load %arg11[%get3A_427, %get3A_428] {strides = array<i32>} : memref<2x4096xf32, #tpu.memory_space<vmem>>, vector<16xf32>,
      %get3A_430 = arith.constant 0 : i32
      %get3A_431 = arith.index_cast %get3A_430 : i32 to index
      %get3A_432 = arith.index_cast %add3A_425 : i32 to index
      %get3A_433 = tpu.vector_load %arg12[%get3A_431, %get3A_432] {strides = array<i32>} : memref<2x4096xf32, #tpu.memory_space<vmem>>, vector<16xf32>,
      %mul3A_434 = arith.mulf %get3A_429, %get3A_433 : vector<16xf32>
      %add3A_435 = arith.addf %add3A_423, %mul3A_434 : vector<16xf32>
      %add3A_436 = arith.constant 2944 : i32
      %add3A_437 = arith.addi %add3A_436, %mul3A_163 : i32
      %get3A_438 = arith.constant 0 : i32
      %get3A_439 = arith.index_cast %get3A_438 : i32 to index
      %get3A_440 = arith.index_cast %add3A_437 : i32 to index
      %get3A_441 = tpu.vector_load %arg11[%get3A_439, %get3A_440] {strides = array<i32>} : memref<2x4096xf32, #tpu.memory_space<vmem>>, vector<16xf32>,
      %get3A_442 = arith.constant 0 : i32
      %get3A_443 = arith.index_cast %get3A_442 : i32 to index
      %get3A_444 = arith.index_cast %add3A_437 : i32 to index
      %get3A_445 = tpu.vector_load %arg12[%get3A_443, %get3A_444] {strides = array<i32>} : memref<2x4096xf32, #tpu.memory_space<vmem>>, vector<16xf32>,
      %mul3A_446 = arith.mulf %get3A_441, %get3A_445 : vector<16xf32>
      %add3A_447 = arith.addf %add3A_435, %mul3A_446 : vector<16xf32>
      %add3A_448 = arith.constant 3072 : i32
      %add3A_449 = arith.addi %add3A_448, %mul3A_163 : i32
      %get3A_450 = arith.constant 0 : i32
      %get3A_451 = arith.index_cast %get3A_450 : i32 to index
      %get3A_452 = arith.index_cast %add3A_449 : i32 to index
      %get3A_453 = tpu.vector_load %arg11[%get3A_451, %get3A_452] {strides = array<i32>} : memref<2x4096xf32, #tpu.memory_space<vmem>>, vector<16xf32>,
      %get3A_454 = arith.constant 0 : i32
      %get3A_455 = arith.index_cast %get3A_454 : i32 to index
      %get3A_456 = arith.index_cast %add3A_449 : i32 to index
      %get3A_457 = tpu.vector_load %arg12[%get3A_455, %get3A_456] {strides = array<i32>} : memref<2x4096xf32, #tpu.memory_space<vmem>>, vector<16xf32>,
      %mul3A_458 = arith.mulf %get3A_453, %get3A_457 : vector<16xf32>
      %add3A_459 = arith.addf %add3A_447, %mul3A_458 : vector<16xf32>
      %add3A_460 = arith.constant 3200 : i32
      %add3A_461 = arith.addi %add3A_460, %mul3A_163 : i32
      %get3A_462 = arith.constant 0 : i32
      %get3A_463 = arith.index_cast %get3A_462 : i32 to index
      %get3A_464 = arith.index_cast %add3A_461 : i32 to index
      %get3A_465 = tpu.vector_load %arg11[%get3A_463, %get3A_464] {strides = array<i32>} : memref<2x4096xf32, #tpu.memory_space<vmem>>, vector<16xf32>,
      %get3A_466 = arith.constant 0 : i32
      %get3A_467 = arith.index_cast %get3A_466 : i32 to index
      %get3A_468 = arith.index_cast %add3A_461 : i32 to index
      %get3A_469 = tpu.vector_load %arg12[%get3A_467, %get3A_468] {strides = array<i32>} : memref<2x4096xf32, #tpu.memory_space<vmem>>, vector<16xf32>,
      %mul3A_470 = arith.mulf %get3A_465, %get3A_469 : vector<16xf32>
      %add3A_471 = arith.addf %add3A_459, %mul3A_470 : vector<16xf32>
      %add3A_472 = arith.constant 3328 : i32
      %add3A_473 = arith.addi %add3A_472, %mul3A_163 : i32
      %get3A_474 = arith.constant 0 : i32
      %get3A_475 = arith.index_cast %get3A_474 : i32 to index
      %get3A_476 = arith.index_cast %add3A_473 : i32 to index
      %get3A_477 = tpu.vector_load %arg11[%get3A_475, %get3A_476] {strides = array<i32>} : memref<2x4096xf32, #tpu.memory_space<vmem>>, vector<16xf32>,
      %get3A_478 = arith.constant 0 : i32
      %get3A_479 = arith.index_cast %get3A_478 : i32 to index
      %get3A_480 = arith.index_cast %add3A_473 : i32 to index
      %get3A_481 = tpu.vector_load %arg12[%get3A_479, %get3A_480] {strides = array<i32>} : memref<2x4096xf32, #tpu.memory_space<vmem>>, vector<16xf32>,
      %mul3A_482 = arith.mulf %get3A_477, %get3A_481 : vector<16xf32>
      %add3A_483 = arith.addf %add3A_471, %mul3A_482 : vector<16xf32>
      %add3A_484 = arith.constant 3456 : i32
      %add3A_485 = arith.addi %add3A_484, %mul3A_163 : i32
      %get3A_486 = arith.constant 0 : i32
      %get3A_487 = arith.index_cast %get3A_486 : i32 to index
      %get3A_488 = arith.index_cast %add3A_485 : i32 to index
      %get3A_489 = tpu.vector_load %arg11[%get3A_487, %get3A_488] {strides = array<i32>} : memref<2x4096xf32, #tpu.memory_space<vmem>>, vector<16xf32>,
      %get3A_490 = arith.constant 0 : i32
      %get3A_491 = arith.index_cast %get3A_490 : i32 to index
      %get3A_492 = arith.index_cast %add3A_485 : i32 to index
      %get3A_493 = tpu.vector_load %arg12[%get3A_491, %get3A_492] {strides = array<i32>} : memref<2x4096xf32, #tpu.memory_space<vmem>>, vector<16xf32>,
      %mul3A_494 = arith.mulf %get3A_489, %get3A_493 : vector<16xf32>
      %add3A_495 = arith.addf %add3A_483, %mul3A_494 : vector<16xf32>
      %add3A_496 = arith.constant 3584 : i32
      %add3A_497 = arith.addi %add3A_496, %mul3A_163 : i32
      %get3A_498 = arith.constant 0 : i32
      %get3A_499 = arith.index_cast %get3A_498 : i32 to index
      %get3A_500 = arith.index_cast %add3A_497 : i32 to index
      %get3A_501 = tpu.vector_load %arg11[%get3A_499, %get3A_500] {strides = array<i32>} : memref<2x4096xf32, #tpu.memory_space<vmem>>, vector<16xf32>,
      %get3A_502 = arith.constant 0 : i32
      %get3A_503 = arith.index_cast %get3A_502 : i32 to index
      %get3A_504 = arith.index_cast %add3A_497 : i32 to index
      %get3A_505 = tpu.vector_load %arg12[%get3A_503, %get3A_504] {strides = array<i32>} : memref<2x4096xf32, #tpu.memory_space<vmem>>, vector<16xf32>,
      %mul3A_506 = arith.mulf %get3A_501, %get3A_505 : vector<16xf32>
      %add3A_507 = arith.addf %add3A_495, %mul3A_506 : vector<16xf32>
      %add3A_508 = arith.constant 3712 : i32
      %add3A_509 = arith.addi %add3A_508, %mul3A_163 : i32
      %get3A_510 = arith.constant 0 : i32
      %get3A_511 = arith.index_cast %get3A_510 : i32 to index
      %get3A_512 = arith.index_cast %add3A_509 : i32 to index
      %get3A_513 = tpu.vector_load %arg11[%get3A_511, %get3A_512] {strides = array<i32>} : memref<2x4096xf32, #tpu.memory_space<vmem>>, vector<16xf32>,
      %get3A_514 = arith.constant 0 : i32
      %get3A_515 = arith.index_cast %get3A_514 : i32 to index
      %get3A_516 = arith.index_cast %add3A_509 : i32 to index
      %get3A_517 = tpu.vector_load %arg12[%get3A_515, %get3A_516] {strides = array<i32>} : memref<2x4096xf32, #tpu.memory_space<vmem>>, vector<16xf32>,
      %mul3A_518 = arith.mulf %get3A_513, %get3A_517 : vector<16xf32>
      %add3A_519 = arith.addf %add3A_507, %mul3A_518 : vector<16xf32>
      %add3A_520 = arith.constant 3840 : i32
      %add3A_521 = arith.addi %add3A_520, %mul3A_163 : i32
      %get3A_522 = arith.constant 0 : i32
      %get3A_523 = arith.index_cast %get3A_522 : i32 to index
      %get3A_524 = arith.index_cast %add3A_521 : i32 to index
      %get3A_525 = tpu.vector_load %arg11[%get3A_523, %get3A_524] {strides = array<i32>} : memref<2x4096xf32, #tpu.memory_space<vmem>>, vector<16xf32>,
      %get3A_526 = arith.constant 0 : i32
      %get3A_527 = arith.index_cast %get3A_526 : i32 to index
      %get3A_528 = arith.index_cast %add3A_521 : i32 to index
      %get3A_529 = tpu.vector_load %arg12[%get3A_527, %get3A_528] {strides = array<i32>} : memref<2x4096xf32, #tpu.memory_space<vmem>>, vector<16xf32>,
      %mul3A_530 = arith.mulf %get3A_525, %get3A_529 : vector<16xf32>
      %add3A_531 = arith.addf %add3A_519, %mul3A_530 : vector<16xf32>
      %add3A_532 = arith.constant 3968 : i32
      %add3A_533 = arith.addi %add3A_532, %mul3A_163 : i32
      %get3A_534 = arith.constant 0 : i32
      %get3A_535 = arith.index_cast %get3A_534 : i32 to index
      %get3A_536 = arith.index_cast %add3A_533 : i32 to index
      %get3A_537 = tpu.vector_load %arg11[%get3A_535, %get3A_536] {strides = array<i32>} : memref<2x4096xf32, #tpu.memory_space<vmem>>, vector<16xf32>,
      %get3A_538 = arith.constant 0 : i32
      %get3A_539 = arith.index_cast %get3A_538 : i32 to index
      %get3A_540 = arith.index_cast %add3A_533 : i32 to index
      %get3A_541 = tpu.vector_load %arg12[%get3A_539, %get3A_540] {strides = array<i32>} : memref<2x4096xf32, #tpu.memory_space<vmem>>, vector<16xf32>,
      %mul3A_542 = arith.mulf %get3A_537, %get3A_541 : vector<16xf32>
      %add3A_543 = arith.addf %add3A_531, %mul3A_542 : vector<16xf32>
      %add3A_544 = arith.constant 256 : i32
      %add3A_545 = arith.addi %add3A_544, %mul3A_163 : i32
      %swap3A = arith.index_cast %add3A_545 : i32 to index
      %swap3A_546 = tpu.vector_load %arg13[%swap3A] {strides = array<i32>} : memref<512xf32, #tpu.memory_space<vmem>>, vector<16xf32>,
      tpu.vector_store %arg13[%swap3A], %add3A_543 {strides = array<i32>} : memref<512xf32, #tpu.memory_space<vmem>>, vector<16xf32>,
    }
    %scan3A_132 = arith.constant 8 : i32
    %dma_wait3A_133 = arith.constant 1 : i32
    %dma_wait3A_134 = arith.constant 0 : i32
    %dma_wait3A_135 = tpu.memref_slice %arg11[%dma_wait3A_133, %dma_wait3A_134] : memref<2x4096xf32, #tpu.memory_space<vmem>> -> memref<1x4096xf32, #tpu.memory_space<vmem>>
    %dma_wait3A_136 = tpu.memref_squeeze %dma_wait3A_135 : memref<1x4096xf32, #tpu.memory_space<vmem>> -> memref<4096xf32, #tpu.memory_space<vmem>>
    %dma_wait3A_137 = arith.constant 0 : i32
    %dma_wait3A_138 = tpu.memref_slice %arg4[%dma_wait3A_137] : memref<32000000xf32, #tpu.memory_space<hbm>> -> memref<4096xf32, #tpu.memory_space<hbm>>
    %dma_wait3A_139 = arith.constant 0 : i32
    %dma_wait3A_140 = tpu.memref_slice %arg11[%dma_wait3A_133, %dma_wait3A_139] : memref<2x4096xf32, #tpu.memory_space<vmem>> -> memref<1x4096xf32, #tpu.memory_space<vmem>>
    %dma_wait3A_141 = tpu.memref_squeeze %dma_wait3A_140 : memref<1x4096xf32, #tpu.memory_space<vmem>> -> memref<4096xf32, #tpu.memory_space<vmem>>
    %dma_wait3A_142 = arith.constant 0 : i32
    %dma_wait3A_143 = tpu.memref_slice %arg4[%dma_wait3A_142] : memref<32000000xf32, #tpu.memory_space<hbm>> -> memref<4096xf32, #tpu.memory_space<hbm>>
    tpu.wait_dma2 semaphore(%arg15 : memref<!tpu.dma_semaphore, #tpu.memory_space<semaphore_mem>>) src(%dma_wait3A_143 : memref<4096xf32, #tpu.memory_space<hbm>>) dst(%dma_wait3A_141 : memref<4096xf32, #tpu.memory_space<vmem>>)
    %dma_wait3A_144 = arith.constant 1 : i32
    %dma_wait3A_145 = arith.constant 0 : i32
    %dma_wait3A_146 = tpu.memref_slice %arg12[%dma_wait3A_144, %dma_wait3A_145] : memref<2x4096xf32, #tpu.memory_space<vmem>> -> memref<1x4096xf32, #tpu.memory_space<vmem>>
    %dma_wait3A_147 = tpu.memref_squeeze %dma_wait3A_146 : memref<1x4096xf32, #tpu.memory_space<vmem>> -> memref<4096xf32, #tpu.memory_space<vmem>>
    %dma_wait3A_148 = arith.constant 0 : i32
    %dma_wait3A_149 = tpu.memref_slice %arg5[%dma_wait3A_148] : memref<32000000xf32, #tpu.memory_space<hbm>> -> memref<4096xf32, #tpu.memory_space<hbm>>
    %dma_wait3A_150 = arith.constant 0 : i32
    %dma_wait3A_151 = tpu.memref_slice %arg12[%dma_wait3A_144, %dma_wait3A_150] : memref<2x4096xf32, #tpu.memory_space<vmem>> -> memref<1x4096xf32, #tpu.memory_space<vmem>>
    %dma_wait3A_152 = tpu.memref_squeeze %dma_wait3A_151 : memref<1x4096xf32, #tpu.memory_space<vmem>> -> memref<4096xf32, #tpu.memory_space<vmem>>
    %dma_wait3A_153 = arith.constant 0 : i32
    %dma_wait3A_154 = tpu.memref_slice %arg5[%dma_wait3A_153] : memref<32000000xf32, #tpu.memory_space<hbm>> -> memref<4096xf32, #tpu.memory_space<hbm>>
    tpu.wait_dma2 semaphore(%arg17 : memref<!tpu.dma_semaphore, #tpu.memory_space<semaphore_mem>>) src(%dma_wait3A_154 : memref<4096xf32, #tpu.memory_space<hbm>>) dst(%dma_wait3A_152 : memref<4096xf32, #tpu.memory_space<vmem>>)
    %scan3A_155 = arith.constant 0 : i32
    %scan3A_156 = arith.constant 0 : i32
    %scan3A_157 = arith.constant 8 : i32
    %scan3A_158 = arith.addi %scan3A_156, %scan3A_157 : i32
    %scan3A_159 = arith.constant 1 : i32
    scf.for %scan3A_161 = %scan3A_156 to %scan3A_158 step %scan3A_159  : i32 {
      %mul3A_162 = arith.constant 16 : i32
      %mul3A_163 = arith.muli %scan3A_161, %mul3A_162 : i32
      %get3A = arith.constant 1 : i32
      %get3A_164 = arith.index_cast %get3A : i32 to index
      %get3A_165 = arith.index_cast %mul3A_163 : i32 to index
      %get3A_166 = tpu.vector_load %arg11[%get3A_164, %get3A_165] {strides = array<i32>} : memref<2x4096xf32, #tpu.memory_space<vmem>>, vector<16xf32>,
      %get3A_167 = arith.constant 1 : i32
      %get3A_168 = arith.index_cast %get3A_167 : i32 to index
      %get3A_169 = arith.index_cast %mul3A_163 : i32 to index
      %get3A_170 = tpu.vector_load %arg12[%get3A_168, %get3A_169] {strides = array<i32>} : memref<2x4096xf32, #tpu.memory_space<vmem>>, vector<16xf32>,
      %mul3A_171 = arith.mulf %get3A_166, %get3A_170 : vector<16xf32>
      %add3A_172 = arith.constant 128 : i32
      %add3A_173 = arith.addi %add3A_172, %mul3A_163 : i32
      %get3A_174 = arith.constant 1 : i32
      %get3A_175 = arith.index_cast %get3A_174 : i32 to index
      %get3A_176 = arith.index_cast %add3A_173 : i32 to index
      %get3A_177 = tpu.vector_load %arg11[%get3A_175, %get3A_176] {strides = array<i32>} : memref<2x4096xf32, #tpu.memory_space<vmem>>, vector<16xf32>,
      %get3A_178 = arith.constant 1 : i32
      %get3A_179 = arith.index_cast %get3A_178 : i32 to index
      %get3A_180 = arith.index_cast %add3A_173 : i32 to index
      %get3A_181 = tpu.vector_load %arg12[%get3A_179, %get3A_180] {strides = array<i32>} : memref<2x4096xf32, #tpu.memory_space<vmem>>, vector<16xf32>,
      %mul3A_182 = arith.mulf %get3A_177, %get3A_181 : vector<16xf32>
      %add3A_183 = arith.addf %mul3A_171, %mul3A_182 : vector<16xf32>
      %add3A_184 = arith.constant 256 : i32
      %add3A_185 = arith.addi %add3A_184, %mul3A_163 : i32
      %get3A_186 = arith.constant 1 : i32
      %get3A_187 = arith.index_cast %get3A_186 : i32 to index
      %get3A_188 = arith.index_cast %add3A_185 : i32 to index
      %get3A_189 = tpu.vector_load %arg11[%get3A_187, %get3A_188] {strides = array<i32>} : memref<2x4096xf32, #tpu.memory_space<vmem>>, vector<16xf32>,
      %get3A_190 = arith.constant 1 : i32
      %get3A_191 = arith.index_cast %get3A_190 : i32 to index
      %get3A_192 = arith.index_cast %add3A_185 : i32 to index
      %get3A_193 = tpu.vector_load %arg12[%get3A_191, %get3A_192] {strides = array<i32>} : memref<2x4096xf32, #tpu.memory_space<vmem>>, vector<16xf32>,
      %mul3A_194 = arith.mulf %get3A_189, %get3A_193 : vector<16xf32>
      %add3A_195 = arith.addf %add3A_183, %mul3A_194 : vector<16xf32>
      %add3A_196 = arith.constant 384 : i32
      %add3A_197 = arith.addi %add3A_196, %mul3A_163 : i32
      %get3A_198 = arith.constant 1 : i32
      %get3A_199 = arith.index_cast %get3A_198 : i32 to index
      %get3A_200 = arith.index_cast %add3A_197 : i32 to index
      %get3A_201 = tpu.vector_load %arg11[%get3A_199, %get3A_200] {strides = array<i32>} : memref<2x4096xf32, #tpu.memory_space<vmem>>, vector<16xf32>,
      %get3A_202 = arith.constant 1 : i32
      %get3A_203 = arith.index_cast %get3A_202 : i32 to index
      %get3A_204 = arith.index_cast %add3A_197 : i32 to index
      %get3A_205 = tpu.vector_load %arg12[%get3A_203, %get3A_204] {strides = array<i32>} : memref<2x4096xf32, #tpu.memory_space<vmem>>, vector<16xf32>,
      %mul3A_206 = arith.mulf %get3A_201, %get3A_205 : vector<16xf32>
      %add3A_207 = arith.addf %add3A_195, %mul3A_206 : vector<16xf32>
      %add3A_208 = arith.constant 512 : i32
      %add3A_209 = arith.addi %add3A_208, %mul3A_163 : i32
      %get3A_210 = arith.constant 1 : i32
      %get3A_211 = arith.index_cast %get3A_210 : i32 to index
      %get3A_212 = arith.index_cast %add3A_209 : i32 to index
      %get3A_213 = tpu.vector_load %arg11[%get3A_211, %get3A_212] {strides = array<i32>} : memref<2x4096xf32, #tpu.memory_space<vmem>>, vector<16xf32>,
      %get3A_214 = arith.constant 1 : i32
      %get3A_215 = arith.index_cast %get3A_214 : i32 to index
      %get3A_216 = arith.index_cast %add3A_209 : i32 to index
      %get3A_217 = tpu.vector_load %arg12[%get3A_215, %get3A_216] {strides = array<i32>} : memref<2x4096xf32, #tpu.memory_space<vmem>>, vector<16xf32>,
      %mul3A_218 = arith.mulf %get3A_213, %get3A_217 : vector<16xf32>
      %add3A_219 = arith.addf %add3A_207, %mul3A_218 : vector<16xf32>
      %add3A_220 = arith.constant 640 : i32
      %add3A_221 = arith.addi %add3A_220, %mul3A_163 : i32
      %get3A_222 = arith.constant 1 : i32
      %get3A_223 = arith.index_cast %get3A_222 : i32 to index
      %get3A_224 = arith.index_cast %add3A_221 : i32 to index
      %get3A_225 = tpu.vector_load %arg11[%get3A_223, %get3A_224] {strides = array<i32>} : memref<2x4096xf32, #tpu.memory_space<vmem>>, vector<16xf32>,
      %get3A_226 = arith.constant 1 : i32
      %get3A_227 = arith.index_cast %get3A_226 : i32 to index
      %get3A_228 = arith.index_cast %add3A_221 : i32 to index
      %get3A_229 = tpu.vector_load %arg12[%get3A_227, %get3A_228] {strides = array<i32>} : memref<2x4096xf32, #tpu.memory_space<vmem>>, vector<16xf32>,
      %mul3A_230 = arith.mulf %get3A_225, %get3A_229 : vector<16xf32>
      %add3A_231 = arith.addf %add3A_219, %mul3A_230 : vector<16xf32>
      %add3A_232 = arith.constant 768 : i32
      %add3A_233 = arith.addi %add3A_232, %mul3A_163 : i32
      %get3A_234 = arith.constant 1 : i32
      %get3A_235 = arith.index_cast %get3A_234 : i32 to index
      %get3A_236 = arith.index_cast %add3A_233 : i32 to index
      %get3A_237 = tpu.vector_load %arg11[%get3A_235, %get3A_236] {strides = array<i32>} : memref<2x4096xf32, #tpu.memory_space<vmem>>, vector<16xf32>,
      %get3A_238 = arith.constant 1 : i32
      %get3A_239 = arith.index_cast %get3A_238 : i32 to index
      %get3A_240 = arith.index_cast %add3A_233 : i32 to index
      %get3A_241 = tpu.vector_load %arg12[%get3A_239, %get3A_240] {strides = array<i32>} : memref<2x4096xf32, #tpu.memory_space<vmem>>, vector<16xf32>,
      %mul3A_242 = arith.mulf %get3A_237, %get3A_241 : vector<16xf32>
      %add3A_243 = arith.addf %add3A_231, %mul3A_242 : vector<16xf32>
      %add3A_244 = arith.constant 896 : i32
      %add3A_245 = arith.addi %add3A_244, %mul3A_163 : i32
      %get3A_246 = arith.constant 1 : i32
      %get3A_247 = arith.index_cast %get3A_246 : i32 to index
      %get3A_248 = arith.index_cast %add3A_245 : i32 to index
      %get3A_249 = tpu.vector_load %arg11[%get3A_247, %get3A_248] {strides = array<i32>} : memref<2x4096xf32, #tpu.memory_space<vmem>>, vector<16xf32>,
      %get3A_250 = arith.constant 1 : i32
      %get3A_251 = arith.index_cast %get3A_250 : i32 to index
      %get3A_252 = arith.index_cast %add3A_245 : i32 to index
      %get3A_253 = tpu.vector_load %arg12[%get3A_251, %get3A_252] {strides = array<i32>} : memref<2x4096xf32, #tpu.memory_space<vmem>>, vector<16xf32>,
      %mul3A_254 = arith.mulf %get3A_249, %get3A_253 : vector<16xf32>
      %add3A_255 = arith.addf %add3A_243, %mul3A_254 : vector<16xf32>
      %add3A_256 = arith.constant 1024 : i32
      %add3A_257 = arith.addi %add3A_256, %mul3A_163 : i32
      %get3A_258 = arith.constant 1 : i32
      %get3A_259 = arith.index_cast %get3A_258 : i32 to index
      %get3A_260 = arith.index_cast %add3A_257 : i32 to index
      %get3A_261 = tpu.vector_load %arg11[%get3A_259, %get3A_260] {strides = array<i32>} : memref<2x4096xf32, #tpu.memory_space<vmem>>, vector<16xf32>,
      %get3A_262 = arith.constant 1 : i32
      %get3A_263 = arith.index_cast %get3A_262 : i32 to index
      %get3A_264 = arith.index_cast %add3A_257 : i32 to index
      %get3A_265 = tpu.vector_load %arg12[%get3A_263, %get3A_264] {strides = array<i32>} : memref<2x4096xf32, #tpu.memory_space<vmem>>, vector<16xf32>,
      %mul3A_266 = arith.mulf %get3A_261, %get3A_265 : vector<16xf32>
      %add3A_267 = arith.addf %add3A_255, %mul3A_266 : vector<16xf32>
      %add3A_268 = arith.constant 1152 : i32
      %add3A_269 = arith.addi %add3A_268, %mul3A_163 : i32
      %get3A_270 = arith.constant 1 : i32
      %get3A_271 = arith.index_cast %get3A_270 : i32 to index
      %get3A_272 = arith.index_cast %add3A_269 : i32 to index
      %get3A_273 = tpu.vector_load %arg11[%get3A_271, %get3A_272] {strides = array<i32>} : memref<2x4096xf32, #tpu.memory_space<vmem>>, vector<16xf32>,
      %get3A_274 = arith.constant 1 : i32
      %get3A_275 = arith.index_cast %get3A_274 : i32 to index
      %get3A_276 = arith.index_cast %add3A_269 : i32 to index
      %get3A_277 = tpu.vector_load %arg12[%get3A_275, %get3A_276] {strides = array<i32>} : memref<2x4096xf32, #tpu.memory_space<vmem>>, vector<16xf32>,
      %mul3A_278 = arith.mulf %get3A_273, %get3A_277 : vector<16xf32>
      %add3A_279 = arith.addf %add3A_267, %mul3A_278 : vector<16xf32>
      %add3A_280 = arith.constant 1280 : i32
      %add3A_281 = arith.addi %add3A_280, %mul3A_163 : i32
      %get3A_282 = arith.constant 1 : i32
      %get3A_283 = arith.index_cast %get3A_282 : i32 to index
      %get3A_284 = arith.index_cast %add3A_281 : i32 to index
      %get3A_285 = tpu.vector_load %arg11[%get3A_283, %get3A_284] {strides = array<i32>} : memref<2x4096xf32, #tpu.memory_space<vmem>>, vector<16xf32>,
      %get3A_286 = arith.constant 1 : i32
      %get3A_287 = arith.index_cast %get3A_286 : i32 to index
      %get3A_288 = arith.index_cast %add3A_281 : i32 to index
      %get3A_289 = tpu.vector_load %arg12[%get3A_287, %get3A_288] {strides = array<i32>} : memref<2x4096xf32, #tpu.memory_space<vmem>>, vector<16xf32>,
      %mul3A_290 = arith.mulf %get3A_285, %get3A_289 : vector<16xf32>
      %add3A_291 = arith.addf %add3A_279, %mul3A_290 : vector<16xf32>
      %add3A_292 = arith.constant 1408 : i32
      %add3A_293 = arith.addi %add3A_292, %mul3A_163 : i32
      %get3A_294 = arith.constant 1 : i32
      %get3A_295 = arith.index_cast %get3A_294 : i32 to index
      %get3A_296 = arith.index_cast %add3A_293 : i32 to index
      %get3A_297 = tpu.vector_load %arg11[%get3A_295, %get3A_296] {strides = array<i32>} : memref<2x4096xf32, #tpu.memory_space<vmem>>, vector<16xf32>,
      %get3A_298 = arith.constant 1 : i32
      %get3A_299 = arith.index_cast %get3A_298 : i32 to index
      %get3A_300 = arith.index_cast %add3A_293 : i32 to index
      %get3A_301 = tpu.vector_load %arg12[%get3A_299, %get3A_300] {strides = array<i32>} : memref<2x4096xf32, #tpu.memory_space<vmem>>, vector<16xf32>,
      %mul3A_302 = arith.mulf %get3A_297, %get3A_301 : vector<16xf32>
      %add3A_303 = arith.addf %add3A_291, %mul3A_302 : vector<16xf32>
      %add3A_304 = arith.constant 1536 : i32
      %add3A_305 = arith.addi %add3A_304, %mul3A_163 : i32
      %get3A_306 = arith.constant 1 : i32
      %get3A_307 = arith.index_cast %get3A_306 : i32 to index
      %get3A_308 = arith.index_cast %add3A_305 : i32 to index
      %get3A_309 = tpu.vector_load %arg11[%get3A_307, %get3A_308] {strides = array<i32>} : memref<2x4096xf32, #tpu.memory_space<vmem>>, vector<16xf32>,
      %get3A_310 = arith.constant 1 : i32
      %get3A_311 = arith.index_cast %get3A_310 : i32 to index
      %get3A_312 = arith.index_cast %add3A_305 : i32 to index
      %get3A_313 = tpu.vector_load %arg12[%get3A_311, %get3A_312] {strides = array<i32>} : memref<2x4096xf32, #tpu.memory_space<vmem>>, vector<16xf32>,
      %mul3A_314 = arith.mulf %get3A_309, %get3A_313 : vector<16xf32>
      %add3A_315 = arith.addf %add3A_303, %mul3A_314 : vector<16xf32>
      %add3A_316 = arith.constant 1664 : i32
      %add3A_317 = arith.addi %add3A_316, %mul3A_163 : i32
      %get3A_318 = arith.constant 1 : i32
      %get3A_319 = arith.index_cast %get3A_318 : i32 to index
      %get3A_320 = arith.index_cast %add3A_317 : i32 to index
      %get3A_321 = tpu.vector_load %arg11[%get3A_319, %get3A_320] {strides = array<i32>} : memref<2x4096xf32, #tpu.memory_space<vmem>>, vector<16xf32>,
      %get3A_322 = arith.constant 1 : i32
      %get3A_323 = arith.index_cast %get3A_322 : i32 to index
      %get3A_324 = arith.index_cast %add3A_317 : i32 to index
      %get3A_325 = tpu.vector_load %arg12[%get3A_323, %get3A_324] {strides = array<i32>} : memref<2x4096xf32, #tpu.memory_space<vmem>>, vector<16xf32>,
      %mul3A_326 = arith.mulf %get3A_321, %get3A_325 : vector<16xf32>
      %add3A_327 = arith.addf %add3A_315, %mul3A_326 : vector<16xf32>
      %add3A_328 = arith.constant 1792 : i32
      %add3A_329 = arith.addi %add3A_328, %mul3A_163 : i32
      %get3A_330 = arith.constant 1 : i32
      %get3A_331 = arith.index_cast %get3A_330 : i32 to index
      %get3A_332 = arith.index_cast %add3A_329 : i32 to index
      %get3A_333 = tpu.vector_load %arg11[%get3A_331, %get3A_332] {strides = array<i32>} : memref<2x4096xf32, #tpu.memory_space<vmem>>, vector<16xf32>,
      %get3A_334 = arith.constant 1 : i32
      %get3A_335 = arith.index_cast %get3A_334 : i32 to index
      %get3A_336 = arith.index_cast %add3A_329 : i32 to index
      %get3A_337 = tpu.vector_load %arg12[%get3A_335, %get3A_336] {strides = array<i32>} : memref<2x4096xf32, #tpu.memory_space<vmem>>, vector<16xf32>,
      %mul3A_338 = arith.mulf %get3A_333, %get3A_337 : vector<16xf32>
      %add3A_339 = arith.addf %add3A_327, %mul3A_338 : vector<16xf32>
      %add3A_340 = arith.constant 1920 : i32
      %add3A_341 = arith.addi %add3A_340, %mul3A_163 : i32
      %get3A_342 = arith.constant 1 : i32
      %get3A_343 = arith.index_cast %get3A_342 : i32 to index
      %get3A_344 = arith.index_cast %add3A_341 : i32 to index
      %get3A_345 = tpu.vector_load %arg11[%get3A_343, %get3A_344] {strides = array<i32>} : memref<2x4096xf32, #tpu.memory_space<vmem>>, vector<16xf32>,
      %get3A_346 = arith.constant 1 : i32
      %get3A_347 = arith.index_cast %get3A_346 : i32 to index
      %get3A_348 = arith.index_cast %add3A_341 : i32 to index
      %get3A_349 = tpu.vector_load %arg12[%get3A_347, %get3A_348] {strides = array<i32>} : memref<2x4096xf32, #tpu.memory_space<vmem>>, vector<16xf32>,
      %mul3A_350 = arith.mulf %get3A_345, %get3A_349 : vector<16xf32>
      %add3A_351 = arith.addf %add3A_339, %mul3A_350 : vector<16xf32>
      %add3A_352 = arith.constant 2048 : i32
      %add3A_353 = arith.addi %add3A_352, %mul3A_163 : i32
      %get3A_354 = arith.constant 1 : i32
      %get3A_355 = arith.index_cast %get3A_354 : i32 to index
      %get3A_356 = arith.index_cast %add3A_353 : i32 to index
      %get3A_357 = tpu.vector_load %arg11[%get3A_355, %get3A_356] {strides = array<i32>} : memref<2x4096xf32, #tpu.memory_space<vmem>>, vector<16xf32>,
      %get3A_358 = arith.constant 1 : i32
      %get3A_359 = arith.index_cast %get3A_358 : i32 to index
      %get3A_360 = arith.index_cast %add3A_353 : i32 to index
      %get3A_361 = tpu.vector_load %arg12[%get3A_359, %get3A_360] {strides = array<i32>} : memref<2x4096xf32, #tpu.memory_space<vmem>>, vector<16xf32>,
      %mul3A_362 = arith.mulf %get3A_357, %get3A_361 : vector<16xf32>
      %add3A_363 = arith.addf %add3A_351, %mul3A_362 : vector<16xf32>
      %add3A_364 = arith.constant 2176 : i32
      %add3A_365 = arith.addi %add3A_364, %mul3A_163 : i32
      %get3A_366 = arith.constant 1 : i32
      %get3A_367 = arith.index_cast %get3A_366 : i32 to index
      %get3A_368 = arith.index_cast %add3A_365 : i32 to index
      %get3A_369 = tpu.vector_load %arg11[%get3A_367, %get3A_368] {strides = array<i32>} : memref<2x4096xf32, #tpu.memory_space<vmem>>, vector<16xf32>,
      %get3A_370 = arith.constant 1 : i32
      %get3A_371 = arith.index_cast %get3A_370 : i32 to index
      %get3A_372 = arith.index_cast %add3A_365 : i32 to index
      %get3A_373 = tpu.vector_load %arg12[%get3A_371, %get3A_372] {strides = array<i32>} : memref<2x4096xf32, #tpu.memory_space<vmem>>, vector<16xf32>,
      %mul3A_374 = arith.mulf %get3A_369, %get3A_373 : vector<16xf32>
      %add3A_375 = arith.addf %add3A_363, %mul3A_374 : vector<16xf32>
      %add3A_376 = arith.constant 2304 : i32
      %add3A_377 = arith.addi %add3A_376, %mul3A_163 : i32
      %get3A_378 = arith.constant 1 : i32
      %get3A_379 = arith.index_cast %get3A_378 : i32 to index
      %get3A_380 = arith.index_cast %add3A_377 : i32 to index
      %get3A_381 = tpu.vector_load %arg11[%get3A_379, %get3A_380] {strides = array<i32>} : memref<2x4096xf32, #tpu.memory_space<vmem>>, vector<16xf32>,
      %get3A_382 = arith.constant 1 : i32
      %get3A_383 = arith.index_cast %get3A_382 : i32 to index
      %get3A_384 = arith.index_cast %add3A_377 : i32 to index
      %get3A_385 = tpu.vector_load %arg12[%get3A_383, %get3A_384] {strides = array<i32>} : memref<2x4096xf32, #tpu.memory_space<vmem>>, vector<16xf32>,
      %mul3A_386 = arith.mulf %get3A_381, %get3A_385 : vector<16xf32>
      %add3A_387 = arith.addf %add3A_375, %mul3A_386 : vector<16xf32>
      %add3A_388 = arith.constant 2432 : i32
      %add3A_389 = arith.addi %add3A_388, %mul3A_163 : i32
      %get3A_390 = arith.constant 1 : i32
      %get3A_391 = arith.index_cast %get3A_390 : i32 to index
      %get3A_392 = arith.index_cast %add3A_389 : i32 to index
      %get3A_393 = tpu.vector_load %arg11[%get3A_391, %get3A_392] {strides = array<i32>} : memref<2x4096xf32, #tpu.memory_space<vmem>>, vector<16xf32>,
      %get3A_394 = arith.constant 1 : i32
      %get3A_395 = arith.index_cast %get3A_394 : i32 to index
      %get3A_396 = arith.index_cast %add3A_389 : i32 to index
      %get3A_397 = tpu.vector_load %arg12[%get3A_395, %get3A_396] {strides = array<i32>} : memref<2x4096xf32, #tpu.memory_space<vmem>>, vector<16xf32>,
      %mul3A_398 = arith.mulf %get3A_393, %get3A_397 : vector<16xf32>
      %add3A_399 = arith.addf %add3A_387, %mul3A_398 : vector<16xf32>
      %add3A_400 = arith.constant 2560 : i32
      %add3A_401 = arith.addi %add3A_400, %mul3A_163 : i32
      %get3A_402 = arith.constant 1 : i32
      %get3A_403 = arith.index_cast %get3A_402 : i32 to index
      %get3A_404 = arith.index_cast %add3A_401 : i32 to index
      %get3A_405 = tpu.vector_load %arg11[%get3A_403, %get3A_404] {strides = array<i32>} : memref<2x4096xf32, #tpu.memory_space<vmem>>, vector<16xf32>,
      %get3A_406 = arith.constant 1 : i32
      %get3A_407 = arith.index_cast %get3A_406 : i32 to index
      %get3A_408 = arith.index_cast %add3A_401 : i32 to index
      %get3A_409 = tpu.vector_load %arg12[%get3A_407, %get3A_408] {strides = array<i32>} : memref<2x4096xf32, #tpu.memory_space<vmem>>, vector<16xf32>,
      %mul3A_410 = arith.mulf %get3A_405, %get3A_409 : vector<16xf32>
      %add3A_411 = arith.addf %add3A_399, %mul3A_410 : vector<16xf32>
      %add3A_412 = arith.constant 2688 : i32
      %add3A_413 = arith.addi %add3A_412, %mul3A_163 : i32
      %get3A_414 = arith.constant 1 : i32
      %get3A_415 = arith.index_cast %get3A_414 : i32 to index
      %get3A_416 = arith.index_cast %add3A_413 : i32 to index
      %get3A_417 = tpu.vector_load %arg11[%get3A_415, %get3A_416] {strides = array<i32>} : memref<2x4096xf32, #tpu.memory_space<vmem>>, vector<16xf32>,
      %get3A_418 = arith.constant 1 : i32
      %get3A_419 = arith.index_cast %get3A_418 : i32 to index
      %get3A_420 = arith.index_cast %add3A_413 : i32 to index
      %get3A_421 = tpu.vector_load %arg12[%get3A_419, %get3A_420] {strides = array<i32>} : memref<2x4096xf32, #tpu.memory_space<vmem>>, vector<16xf32>,
      %mul3A_422 = arith.mulf %get3A_417, %get3A_421 : vector<16xf32>
      %add3A_423 = arith.addf %add3A_411, %mul3A_422 : vector<16xf32>
      %add3A_424 = arith.constant 2816 : i32
      %add3A_425 = arith.addi %add3A_424, %mul3A_163 : i32
      %get3A_426 = arith.constant 1 : i32
      %get3A_427 = arith.index_cast %get3A_426 : i32 to index
      %get3A_428 = arith.index_cast %add3A_425 : i32 to index
      %get3A_429 = tpu.vector_load %arg11[%get3A_427, %get3A_428] {strides = array<i32>} : memref<2x4096xf32, #tpu.memory_space<vmem>>, vector<16xf32>,
      %get3A_430 = arith.constant 1 : i32
      %get3A_431 = arith.index_cast %get3A_430 : i32 to index
      %get3A_432 = arith.index_cast %add3A_425 : i32 to index
      %get3A_433 = tpu.vector_load %arg12[%get3A_431, %get3A_432] {strides = array<i32>} : memref<2x4096xf32, #tpu.memory_space<vmem>>, vector<16xf32>,
      %mul3A_434 = arith.mulf %get3A_429, %get3A_433 : vector<16xf32>
      %add3A_435 = arith.addf %add3A_423, %mul3A_434 : vector<16xf32>
      %add3A_436 = arith.constant 2944 : i32
      %add3A_437 = arith.addi %add3A_436, %mul3A_163 : i32
      %get3A_438 = arith.constant 1 : i32
      %get3A_439 = arith.index_cast %get3A_438 : i32 to index
      %get3A_440 = arith.index_cast %add3A_437 : i32 to index
      %get3A_441 = tpu.vector_load %arg11[%get3A_439, %get3A_440] {strides = array<i32>} : memref<2x4096xf32, #tpu.memory_space<vmem>>, vector<16xf32>,
      %get3A_442 = arith.constant 1 : i32
      %get3A_443 = arith.index_cast %get3A_442 : i32 to index
      %get3A_444 = arith.index_cast %add3A_437 : i32 to index
      %get3A_445 = tpu.vector_load %arg12[%get3A_443, %get3A_444] {strides = array<i32>} : memref<2x4096xf32, #tpu.memory_space<vmem>>, vector<16xf32>,
      %mul3A_446 = arith.mulf %get3A_441, %get3A_445 : vector<16xf32>
      %add3A_447 = arith.addf %add3A_435, %mul3A_446 : vector<16xf32>
      %add3A_448 = arith.constant 3072 : i32
      %add3A_449 = arith.addi %add3A_448, %mul3A_163 : i32
      %get3A_450 = arith.constant 1 : i32
      %get3A_451 = arith.index_cast %get3A_450 : i32 to index
      %get3A_452 = arith.index_cast %add3A_449 : i32 to index
      %get3A_453 = tpu.vector_load %arg11[%get3A_451, %get3A_452] {strides = array<i32>} : memref<2x4096xf32, #tpu.memory_space<vmem>>, vector<16xf32>,
      %get3A_454 = arith.constant 1 : i32
      %get3A_455 = arith.index_cast %get3A_454 : i32 to index
      %get3A_456 = arith.index_cast %add3A_449 : i32 to index
      %get3A_457 = tpu.vector_load %arg12[%get3A_455, %get3A_456] {strides = array<i32>} : memref<2x4096xf32, #tpu.memory_space<vmem>>, vector<16xf32>,
      %mul3A_458 = arith.mulf %get3A_453, %get3A_457 : vector<16xf32>
      %add3A_459 = arith.addf %add3A_447, %mul3A_458 : vector<16xf32>
      %add3A_460 = arith.constant 3200 : i32
      %add3A_461 = arith.addi %add3A_460, %mul3A_163 : i32
      %get3A_462 = arith.constant 1 : i32
      %get3A_463 = arith.index_cast %get3A_462 : i32 to index
      %get3A_464 = arith.index_cast %add3A_461 : i32 to index
      %get3A_465 = tpu.vector_load %arg11[%get3A_463, %get3A_464] {strides = array<i32>} : memref<2x4096xf32, #tpu.memory_space<vmem>>, vector<16xf32>,
      %get3A_466 = arith.constant 1 : i32
      %get3A_467 = arith.index_cast %get3A_466 : i32 to index
      %get3A_468 = arith.index_cast %add3A_461 : i32 to index
      %get3A_469 = tpu.vector_load %arg12[%get3A_467, %get3A_468] {strides = array<i32>} : memref<2x4096xf32, #tpu.memory_space<vmem>>, vector<16xf32>,
      %mul3A_470 = arith.mulf %get3A_465, %get3A_469 : vector<16xf32>
      %add3A_471 = arith.addf %add3A_459, %mul3A_470 : vector<16xf32>
      %add3A_472 = arith.constant 3328 : i32
      %add3A_473 = arith.addi %add3A_472, %mul3A_163 : i32
      %get3A_474 = arith.constant 1 : i32
      %get3A_475 = arith.index_cast %get3A_474 : i32 to index
      %get3A_476 = arith.index_cast %add3A_473 : i32 to index
      %get3A_477 = tpu.vector_load %arg11[%get3A_475, %get3A_476] {strides = array<i32>} : memref<2x4096xf32, #tpu.memory_space<vmem>>, vector<16xf32>,
      %get3A_478 = arith.constant 1 : i32
      %get3A_479 = arith.index_cast %get3A_478 : i32 to index
      %get3A_480 = arith.index_cast %add3A_473 : i32 to index
      %get3A_481 = tpu.vector_load %arg12[%get3A_479, %get3A_480] {strides = array<i32>} : memref<2x4096xf32, #tpu.memory_space<vmem>>, vector<16xf32>,
      %mul3A_482 = arith.mulf %get3A_477, %get3A_481 : vector<16xf32>
      %add3A_483 = arith.addf %add3A_471, %mul3A_482 : vector<16xf32>
      %add3A_484 = arith.constant 3456 : i32
      %add3A_485 = arith.addi %add3A_484, %mul3A_163 : i32
      %get3A_486 = arith.constant 1 : i32
      %get3A_487 = arith.index_cast %get3A_486 : i32 to index
      %get3A_488 = arith.index_cast %add3A_485 : i32 to index
      %get3A_489 = tpu.vector_load %arg11[%get3A_487, %get3A_488] {strides = array<i32>} : memref<2x4096xf32, #tpu.memory_space<vmem>>, vector<16xf32>,
      %get3A_490 = arith.constant 1 : i32
      %get3A_491 = arith.index_cast %get3A_490 : i32 to index
      %get3A_492 = arith.index_cast %add3A_485 : i32 to index
      %get3A_493 = tpu.vector_load %arg12[%get3A_491, %get3A_492] {strides = array<i32>} : memref<2x4096xf32, #tpu.memory_space<vmem>>, vector<16xf32>,
      %mul3A_494 = arith.mulf %get3A_489, %get3A_493 : vector<16xf32>
      %add3A_495 = arith.addf %add3A_483, %mul3A_494 : vector<16xf32>
      %add3A_496 = arith.constant 3584 : i32
      %add3A_497 = arith.addi %add3A_496, %mul3A_163 : i32
      %get3A_498 = arith.constant 1 : i32
      %get3A_499 = arith.index_cast %get3A_498 : i32 to index
      %get3A_500 = arith.index_cast %add3A_497 : i32 to index
      %get3A_501 = tpu.vector_load %arg11[%get3A_499, %get3A_500] {strides = array<i32>} : memref<2x4096xf32, #tpu.memory_space<vmem>>, vector<16xf32>,
      %get3A_502 = arith.constant 1 : i32
      %get3A_503 = arith.index_cast %get3A_502 : i32 to index
      %get3A_504 = arith.index_cast %add3A_497 : i32 to index
      %get3A_505 = tpu.vector_load %arg12[%get3A_503, %get3A_504] {strides = array<i32>} : memref<2x4096xf32, #tpu.memory_space<vmem>>, vector<16xf32>,
      %mul3A_506 = arith.mulf %get3A_501, %get3A_505 : vector<16xf32>
      %add3A_507 = arith.addf %add3A_495, %mul3A_506 : vector<16xf32>
      %add3A_508 = arith.constant 3712 : i32
      %add3A_509 = arith.addi %add3A_508, %mul3A_163 : i32
      %get3A_510 = arith.constant 1 : i32
      %get3A_511 = arith.index_cast %get3A_510 : i32 to index
      %get3A_512 = arith.index_cast %add3A_509 : i32 to index
      %get3A_513 = tpu.vector_load %arg11[%get3A_511, %get3A_512] {strides = array<i32>} : memref<2x4096xf32, #tpu.memory_space<vmem>>, vector<16xf32>,
      %get3A_514 = arith.constant 1 : i32
      %get3A_515 = arith.index_cast %get3A_514 : i32 to index
      %get3A_516 = arith.index_cast %add3A_509 : i32 to index
      %get3A_517 = tpu.vector_load %arg12[%get3A_515, %get3A_516] {strides = array<i32>} : memref<2x4096xf32, #tpu.memory_space<vmem>>, vector<16xf32>,
      %mul3A_518 = arith.mulf %get3A_513, %get3A_517 : vector<16xf32>
      %add3A_519 = arith.addf %add3A_507, %mul3A_518 : vector<16xf32>
      %add3A_520 = arith.constant 3840 : i32
      %add3A_521 = arith.addi %add3A_520, %mul3A_163 : i32
      %get3A_522 = arith.constant 1 : i32
      %get3A_523 = arith.index_cast %get3A_522 : i32 to index
      %get3A_524 = arith.index_cast %add3A_521 : i32 to index
      %get3A_525 = tpu.vector_load %arg11[%get3A_523, %get3A_524] {strides = array<i32>} : memref<2x4096xf32, #tpu.memory_space<vmem>>, vector<16xf32>,
      %get3A_526 = arith.constant 1 : i32
      %get3A_527 = arith.index_cast %get3A_526 : i32 to index
      %get3A_528 = arith.index_cast %add3A_521 : i32 to index
      %get3A_529 = tpu.vector_load %arg12[%get3A_527, %get3A_528] {strides = array<i32>} : memref<2x4096xf32, #tpu.memory_space<vmem>>, vector<16xf32>,
      %mul3A_530 = arith.mulf %get3A_525, %get3A_529 : vector<16xf32>
      %add3A_531 = arith.addf %add3A_519, %mul3A_530 : vector<16xf32>
      %add3A_532 = arith.constant 3968 : i32
      %add3A_533 = arith.addi %add3A_532, %mul3A_163 : i32
      %get3A_534 = arith.constant 1 : i32
      %get3A_535 = arith.index_cast %get3A_534 : i32 to index
      %get3A_536 = arith.index_cast %add3A_533 : i32 to index
      %get3A_537 = tpu.vector_load %arg11[%get3A_535, %get3A_536] {strides = array<i32>} : memref<2x4096xf32, #tpu.memory_space<vmem>>, vector<16xf32>,
      %get3A_538 = arith.constant 1 : i32
      %get3A_539 = arith.index_cast %get3A_538 : i32 to index
      %get3A_540 = arith.index_cast %add3A_533 : i32 to index
      %get3A_541 = tpu.vector_load %arg12[%get3A_539, %get3A_540] {strides = array<i32>} : memref<2x4096xf32, #tpu.memory_space<vmem>>, vector<16xf32>,
      %mul3A_542 = arith.mulf %get3A_537, %get3A_541 : vector<16xf32>
      %add3A_543 = arith.addf %add3A_531, %mul3A_542 : vector<16xf32>
      %add3A_544 = arith.constant 384 : i32
      %add3A_545 = arith.addi %add3A_544, %mul3A_163 : i32
      %swap3A = arith.index_cast %add3A_545 : i32 to index
      %swap3A_546 = tpu.vector_load %arg13[%swap3A] {strides = array<i32>} : memref<512xf32, #tpu.memory_space<vmem>>, vector<16xf32>,
      tpu.vector_store %arg13[%swap3A], %add3A_543 {strides = array<i32>} : memref<512xf32, #tpu.memory_space<vmem>>, vector<16xf32>,
    }
    %scan3A_160 = arith.constant 8 : i32
    "tpu.region"() ({
      %run_scoped3A = tpu.sem_alloc : memref<!tpu.dma_semaphore, #tpu.memory_space<semaphore_mem>>
      %dma_start3A = tpu.memref_slice %arg6[%mul3A_2] : memref<16384xf32, #tpu.memory_space<hbm>> -> memref<512xf32, #tpu.memory_space<hbm>>
      %dma_start3A_161 = tpu.memref_slice %arg6[%mul3A_2] : memref<16384xf32, #tpu.memory_space<hbm>> -> memref<512xf32, #tpu.memory_space<hbm>>
      tpu.enqueue_dma source(%arg13 : memref<512xf32, #tpu.memory_space<vmem>>) target(%dma_start3A_161 : memref<512xf32, #tpu.memory_space<hbm>>) target_semaphore(%run_scoped3A : memref<!tpu.dma_semaphore, #tpu.memory_space<semaphore_mem>>)
      %dma_wait3A_162 = tpu.memref_slice %arg6[%mul3A_2] : memref<16384xf32, #tpu.memory_space<hbm>> -> memref<512xf32, #tpu.memory_space<hbm>>
      %dma_wait3A_163 = tpu.memref_slice %arg6[%mul3A_2] : memref<16384xf32, #tpu.memory_space<hbm>> -> memref<512xf32, #tpu.memory_space<hbm>>
      tpu.wait_dma2 semaphore(%run_scoped3A : memref<!tpu.dma_semaphore, #tpu.memory_space<semaphore_mem>>) src(%arg13 : memref<512xf32, #tpu.memory_space<vmem>>) dst(%dma_wait3A_163 : memref<512xf32, #tpu.memory_space<hbm>>)
      tpu.yield
    }) : () -> ()
    return
  }
}

#map = affine_map<(d0, d1) -> (0, 0)>
#map1 = affine_map<(d0, d1) -> (0)>
module attributes {stable_mosaic.version = 14 : i64} {
  func.func @_bias_body(%arg0: i32, %arg1: i32, %arg2: memref<128x128xi32, #tpu.memory_space<hbm>>, %arg3: memref<128x128xi32, #tpu.memory_space<hbm>>, %arg4: memref<1000000xf32, #tpu.memory_space<hbm>>, %arg5: memref<1000000xf32, #tpu.memory_space<hbm>>, %arg6: memref<16384xf32, #tpu.memory_space<hbm>>, %arg7: memref<4x128xi32, #tpu.memory_space<vmem>>, %arg8: memref<4x128xi32, #tpu.memory_space<vmem>>, %arg9: memref<512xf32, #tpu.memory_space<vmem>>, %arg10: memref<512xf32, #tpu.memory_space<vmem>>, %arg11: memref<512xf32, #tpu.memory_space<vmem>>, %arg12: memref<!tpu.dma_semaphore, #tpu.memory_space<semaphore_mem>>) attributes {dimension_semantics = [#tpu.dimension_semantics<core_parallel>, #tpu.dimension_semantics<subcore_parallel>], iteration_bounds = array<i64: 2, 16>, scalar_prefetch = 0 : i64, scratch_operands = 6 : i64, tpu.core_type = #tpu.core_type<sc_vector_subcore>, window_params = [{transform_indices = #map}, {transform_indices = #map}, {transform_indices = #map1}, {transform_indices = #map1}, {transform_indices = #map1}]} {
    %mul3A = arith.constant 2 : i32
    %mul3A_0 = arith.muli %arg1, %mul3A : i32
    %add3A = arith.addi %mul3A_0, %arg0 : i32
    %mul3A_1 = arith.constant 4 : i32
    %mul3A_2 = arith.muli %add3A, %mul3A_1 : i32
    "tpu.region"() ({
      %run_scoped3A = tpu.sem_alloc : memref<!tpu.dma_semaphore, #tpu.memory_space<semaphore_mem>>
      %dma_start3A_355 = arith.constant 0 : i32
      %dma_start3A_356 = tpu.memref_slice %arg2[%mul3A_2, %dma_start3A_355] : memref<128x128xi32, #tpu.memory_space<hbm>> -> memref<4x128xi32, #tpu.memory_space<hbm>>
      %dma_start3A_357 = arith.constant 0 : i32
      %dma_start3A_358 = tpu.memref_slice %arg2[%mul3A_2, %dma_start3A_357] : memref<128x128xi32, #tpu.memory_space<hbm>> -> memref<4x128xi32, #tpu.memory_space<hbm>>
      tpu.enqueue_dma source(%dma_start3A_358 : memref<4x128xi32, #tpu.memory_space<hbm>>) target(%arg7 : memref<4x128xi32, #tpu.memory_space<vmem>>) target_semaphore(%run_scoped3A : memref<!tpu.dma_semaphore, #tpu.memory_space<semaphore_mem>>)
      %dma_wait3A_359 = arith.constant 0 : i32
      %dma_wait3A_360 = tpu.memref_slice %arg2[%mul3A_2, %dma_wait3A_359] : memref<128x128xi32, #tpu.memory_space<hbm>> -> memref<4x128xi32, #tpu.memory_space<hbm>>
      %dma_wait3A_361 = arith.constant 0 : i32
      %dma_wait3A_362 = tpu.memref_slice %arg2[%mul3A_2, %dma_wait3A_361] : memref<128x128xi32, #tpu.memory_space<hbm>> -> memref<4x128xi32, #tpu.memory_space<hbm>>
      tpu.wait_dma2 semaphore(%run_scoped3A : memref<!tpu.dma_semaphore, #tpu.memory_space<semaphore_mem>>) src(%dma_wait3A_362 : memref<4x128xi32, #tpu.memory_space<hbm>>) dst(%arg7 : memref<4x128xi32, #tpu.memory_space<vmem>>)
      tpu.yield
    }) : () -> ()
    %mul3A_3 = arith.constant 4 : i32
    %mul3A_4 = arith.muli %add3A, %mul3A_3 : i32
    "tpu.region"() ({
      %run_scoped3A = tpu.sem_alloc : memref<!tpu.dma_semaphore, #tpu.memory_space<semaphore_mem>>
      %dma_start3A_355 = arith.constant 0 : i32
      %dma_start3A_356 = tpu.memref_slice %arg3[%mul3A_4, %dma_start3A_355] : memref<128x128xi32, #tpu.memory_space<hbm>> -> memref<4x128xi32, #tpu.memory_space<hbm>>
      %dma_start3A_357 = arith.constant 0 : i32
      %dma_start3A_358 = tpu.memref_slice %arg3[%mul3A_4, %dma_start3A_357] : memref<128x128xi32, #tpu.memory_space<hbm>> -> memref<4x128xi32, #tpu.memory_space<hbm>>
      tpu.enqueue_dma source(%dma_start3A_358 : memref<4x128xi32, #tpu.memory_space<hbm>>) target(%arg8 : memref<4x128xi32, #tpu.memory_space<vmem>>) target_semaphore(%run_scoped3A : memref<!tpu.dma_semaphore, #tpu.memory_space<semaphore_mem>>)
      %dma_wait3A_359 = arith.constant 0 : i32
      %dma_wait3A_360 = tpu.memref_slice %arg3[%mul3A_4, %dma_wait3A_359] : memref<128x128xi32, #tpu.memory_space<hbm>> -> memref<4x128xi32, #tpu.memory_space<hbm>>
      %dma_wait3A_361 = arith.constant 0 : i32
      %dma_wait3A_362 = tpu.memref_slice %arg3[%mul3A_4, %dma_wait3A_361] : memref<128x128xi32, #tpu.memory_space<hbm>> -> memref<4x128xi32, #tpu.memory_space<hbm>>
      tpu.wait_dma2 semaphore(%run_scoped3A : memref<!tpu.dma_semaphore, #tpu.memory_space<semaphore_mem>>) src(%dma_wait3A_362 : memref<4x128xi32, #tpu.memory_space<hbm>>) dst(%arg8 : memref<4x128xi32, #tpu.memory_space<vmem>>)
      tpu.yield
    }) : () -> ()
    %dma_start3A = arith.constant 0 : i32
    %dma_start3A_5 = arith.constant 0 : i32
    %dma_start3A_6 = tpu.memref_slice %arg9[%dma_start3A_5] : memref<512xf32, #tpu.memory_space<vmem>> -> memref<128xf32, #tpu.memory_space<vmem>>
    %dma_start3A_7 = arith.constant 0 : i32
    %dma_start3A_8 = tpu.memref_slice %arg7[%dma_start3A, %dma_start3A_7] : memref<4x128xi32, #tpu.memory_space<vmem>> -> memref<1x128xi32, #tpu.memory_space<vmem>>
    %dma_start3A_9 = tpu.memref_squeeze %dma_start3A_8 : memref<1x128xi32, #tpu.memory_space<vmem>> -> memref<128xi32, #tpu.memory_space<vmem>>
    %dma_start3A_10 = arith.constant 0 : i32
    %dma_start3A_11 = tpu.memref_slice %arg4[%dma_start3A_10] : memref<1000000xf32, #tpu.memory_space<hbm>> -> memref<1000000xf32, #tpu.memory_space<hbm>>
    tpu.enqueue_indirect_dma source(%dma_start3A_11 : memref<1000000xf32, #tpu.memory_space<hbm>>) target(%dma_start3A_6 : memref<128xf32, #tpu.memory_space<vmem>>) offsets(%dma_start3A_9 : memref<128xi32, #tpu.memory_space<vmem>>) semaphore(%arg12 : memref<!tpu.dma_semaphore, #tpu.memory_space<semaphore_mem>>)
    %dma_start3A_12 = arith.constant 0 : i32
    %dma_start3A_13 = arith.constant 0 : i32
    %dma_start3A_14 = tpu.memref_slice %arg10[%dma_start3A_13] : memref<512xf32, #tpu.memory_space<vmem>> -> memref<128xf32, #tpu.memory_space<vmem>>
    %dma_start3A_15 = arith.constant 0 : i32
    %dma_start3A_16 = tpu.memref_slice %arg8[%dma_start3A_12, %dma_start3A_15] : memref<4x128xi32, #tpu.memory_space<vmem>> -> memref<1x128xi32, #tpu.memory_space<vmem>>
    %dma_start3A_17 = tpu.memref_squeeze %dma_start3A_16 : memref<1x128xi32, #tpu.memory_space<vmem>> -> memref<128xi32, #tpu.memory_space<vmem>>
    %dma_start3A_18 = arith.constant 0 : i32
    %dma_start3A_19 = tpu.memref_slice %arg5[%dma_start3A_18] : memref<1000000xf32, #tpu.memory_space<hbm>> -> memref<1000000xf32, #tpu.memory_space<hbm>>
    tpu.enqueue_indirect_dma source(%dma_start3A_19 : memref<1000000xf32, #tpu.memory_space<hbm>>) target(%dma_start3A_14 : memref<128xf32, #tpu.memory_space<vmem>>) offsets(%dma_start3A_17 : memref<128xi32, #tpu.memory_space<vmem>>) semaphore(%arg12 : memref<!tpu.dma_semaphore, #tpu.memory_space<semaphore_mem>>)
    %dma_start3A_20 = arith.constant 1 : i32
    %dma_start3A_21 = arith.constant 128 : i32
    %dma_start3A_22 = tpu.memref_slice %arg9[%dma_start3A_21] : memref<512xf32, #tpu.memory_space<vmem>> -> memref<128xf32, #tpu.memory_space<vmem>>
    %dma_start3A_23 = arith.constant 0 : i32
    %dma_start3A_24 = tpu.memref_slice %arg7[%dma_start3A_20, %dma_start3A_23] : memref<4x128xi32, #tpu.memory_space<vmem>> -> memref<1x128xi32, #tpu.memory_space<vmem>>
    %dma_start3A_25 = tpu.memref_squeeze %dma_start3A_24 : memref<1x128xi32, #tpu.memory_space<vmem>> -> memref<128xi32, #tpu.memory_space<vmem>>
    %dma_start3A_26 = arith.constant 0 : i32
    %dma_start3A_27 = tpu.memref_slice %arg4[%dma_start3A_26] : memref<1000000xf32, #tpu.memory_space<hbm>> -> memref<1000000xf32, #tpu.memory_space<hbm>>
    tpu.enqueue_indirect_dma source(%dma_start3A_27 : memref<1000000xf32, #tpu.memory_space<hbm>>) target(%dma_start3A_22 : memref<128xf32, #tpu.memory_space<vmem>>) offsets(%dma_start3A_25 : memref<128xi32, #tpu.memory_space<vmem>>) semaphore(%arg12 : memref<!tpu.dma_semaphore, #tpu.memory_space<semaphore_mem>>)
    %dma_start3A_28 = arith.constant 1 : i32
    %dma_start3A_29 = arith.constant 128 : i32
    %dma_start3A_30 = tpu.memref_slice %arg10[%dma_start3A_29] : memref<512xf32, #tpu.memory_space<vmem>> -> memref<128xf32, #tpu.memory_space<vmem>>
    %dma_start3A_31 = arith.constant 0 : i32
    %dma_start3A_32 = tpu.memref_slice %arg8[%dma_start3A_28, %dma_start3A_31] : memref<4x128xi32, #tpu.memory_space<vmem>> -> memref<1x128xi32, #tpu.memory_space<vmem>>
    %dma_start3A_33 = tpu.memref_squeeze %dma_start3A_32 : memref<1x128xi32, #tpu.memory_space<vmem>> -> memref<128xi32, #tpu.memory_space<vmem>>
    %dma_start3A_34 = arith.constant 0 : i32
    %dma_start3A_35 = tpu.memref_slice %arg5[%dma_start3A_34] : memref<1000000xf32, #tpu.memory_space<hbm>> -> memref<1000000xf32, #tpu.memory_space<hbm>>
    tpu.enqueue_indirect_dma source(%dma_start3A_35 : memref<1000000xf32, #tpu.memory_space<hbm>>) target(%dma_start3A_30 : memref<128xf32, #tpu.memory_space<vmem>>) offsets(%dma_start3A_33 : memref<128xi32, #tpu.memory_space<vmem>>) semaphore(%arg12 : memref<!tpu.dma_semaphore, #tpu.memory_space<semaphore_mem>>)
    %dma_start3A_36 = arith.constant 2 : i32
    %dma_start3A_37 = arith.constant 256 : i32
    %dma_start3A_38 = tpu.memref_slice %arg9[%dma_start3A_37] : memref<512xf32, #tpu.memory_space<vmem>> -> memref<128xf32, #tpu.memory_space<vmem>>
    %dma_start3A_39 = arith.constant 0 : i32
    %dma_start3A_40 = tpu.memref_slice %arg7[%dma_start3A_36, %dma_start3A_39] : memref<4x128xi32, #tpu.memory_space<vmem>> -> memref<1x128xi32, #tpu.memory_space<vmem>>
    %dma_start3A_41 = tpu.memref_squeeze %dma_start3A_40 : memref<1x128xi32, #tpu.memory_space<vmem>> -> memref<128xi32, #tpu.memory_space<vmem>>
    %dma_start3A_42 = arith.constant 0 : i32
    %dma_start3A_43 = tpu.memref_slice %arg4[%dma_start3A_42] : memref<1000000xf32, #tpu.memory_space<hbm>> -> memref<1000000xf32, #tpu.memory_space<hbm>>
    tpu.enqueue_indirect_dma source(%dma_start3A_43 : memref<1000000xf32, #tpu.memory_space<hbm>>) target(%dma_start3A_38 : memref<128xf32, #tpu.memory_space<vmem>>) offsets(%dma_start3A_41 : memref<128xi32, #tpu.memory_space<vmem>>) semaphore(%arg12 : memref<!tpu.dma_semaphore, #tpu.memory_space<semaphore_mem>>)
    %dma_start3A_44 = arith.constant 2 : i32
    %dma_start3A_45 = arith.constant 256 : i32
    %dma_start3A_46 = tpu.memref_slice %arg10[%dma_start3A_45] : memref<512xf32, #tpu.memory_space<vmem>> -> memref<128xf32, #tpu.memory_space<vmem>>
    %dma_start3A_47 = arith.constant 0 : i32
    %dma_start3A_48 = tpu.memref_slice %arg8[%dma_start3A_44, %dma_start3A_47] : memref<4x128xi32, #tpu.memory_space<vmem>> -> memref<1x128xi32, #tpu.memory_space<vmem>>
    %dma_start3A_49 = tpu.memref_squeeze %dma_start3A_48 : memref<1x128xi32, #tpu.memory_space<vmem>> -> memref<128xi32, #tpu.memory_space<vmem>>
    %dma_start3A_50 = arith.constant 0 : i32
    %dma_start3A_51 = tpu.memref_slice %arg5[%dma_start3A_50] : memref<1000000xf32, #tpu.memory_space<hbm>> -> memref<1000000xf32, #tpu.memory_space<hbm>>
    tpu.enqueue_indirect_dma source(%dma_start3A_51 : memref<1000000xf32, #tpu.memory_space<hbm>>) target(%dma_start3A_46 : memref<128xf32, #tpu.memory_space<vmem>>) offsets(%dma_start3A_49 : memref<128xi32, #tpu.memory_space<vmem>>) semaphore(%arg12 : memref<!tpu.dma_semaphore, #tpu.memory_space<semaphore_mem>>)
    %dma_start3A_52 = arith.constant 3 : i32
    %dma_start3A_53 = arith.constant 384 : i32
    %dma_start3A_54 = tpu.memref_slice %arg9[%dma_start3A_53] : memref<512xf32, #tpu.memory_space<vmem>> -> memref<128xf32, #tpu.memory_space<vmem>>
    %dma_start3A_55 = arith.constant 0 : i32
    %dma_start3A_56 = tpu.memref_slice %arg7[%dma_start3A_52, %dma_start3A_55] : memref<4x128xi32, #tpu.memory_space<vmem>> -> memref<1x128xi32, #tpu.memory_space<vmem>>
    %dma_start3A_57 = tpu.memref_squeeze %dma_start3A_56 : memref<1x128xi32, #tpu.memory_space<vmem>> -> memref<128xi32, #tpu.memory_space<vmem>>
    %dma_start3A_58 = arith.constant 0 : i32
    %dma_start3A_59 = tpu.memref_slice %arg4[%dma_start3A_58] : memref<1000000xf32, #tpu.memory_space<hbm>> -> memref<1000000xf32, #tpu.memory_space<hbm>>
    tpu.enqueue_indirect_dma source(%dma_start3A_59 : memref<1000000xf32, #tpu.memory_space<hbm>>) target(%dma_start3A_54 : memref<128xf32, #tpu.memory_space<vmem>>) offsets(%dma_start3A_57 : memref<128xi32, #tpu.memory_space<vmem>>) semaphore(%arg12 : memref<!tpu.dma_semaphore, #tpu.memory_space<semaphore_mem>>)
    %dma_start3A_60 = arith.constant 3 : i32
    %dma_start3A_61 = arith.constant 384 : i32
    %dma_start3A_62 = tpu.memref_slice %arg10[%dma_start3A_61] : memref<512xf32, #tpu.memory_space<vmem>> -> memref<128xf32, #tpu.memory_space<vmem>>
    %dma_start3A_63 = arith.constant 0 : i32
    %dma_start3A_64 = tpu.memref_slice %arg8[%dma_start3A_60, %dma_start3A_63] : memref<4x128xi32, #tpu.memory_space<vmem>> -> memref<1x128xi32, #tpu.memory_space<vmem>>
    %dma_start3A_65 = tpu.memref_squeeze %dma_start3A_64 : memref<1x128xi32, #tpu.memory_space<vmem>> -> memref<128xi32, #tpu.memory_space<vmem>>
    %dma_start3A_66 = arith.constant 0 : i32
    %dma_start3A_67 = tpu.memref_slice %arg5[%dma_start3A_66] : memref<1000000xf32, #tpu.memory_space<hbm>> -> memref<1000000xf32, #tpu.memory_space<hbm>>
    tpu.enqueue_indirect_dma source(%dma_start3A_67 : memref<1000000xf32, #tpu.memory_space<hbm>>) target(%dma_start3A_62 : memref<128xf32, #tpu.memory_space<vmem>>) offsets(%dma_start3A_65 : memref<128xi32, #tpu.memory_space<vmem>>) semaphore(%arg12 : memref<!tpu.dma_semaphore, #tpu.memory_space<semaphore_mem>>)
    %dma_wait3A = arith.constant 0 : i32
    %dma_wait3A_68 = arith.constant 0 : i32
    %dma_wait3A_69 = tpu.memref_slice %arg9[%dma_wait3A_68] : memref<512xf32, #tpu.memory_space<vmem>> -> memref<128xf32, #tpu.memory_space<vmem>>
    %dma_wait3A_70 = arith.constant 0 : i32
    %dma_wait3A_71 = tpu.memref_slice %arg7[%dma_wait3A, %dma_wait3A_70] : memref<4x128xi32, #tpu.memory_space<vmem>> -> memref<1x128xi32, #tpu.memory_space<vmem>>
    %dma_wait3A_72 = tpu.memref_squeeze %dma_wait3A_71 : memref<1x128xi32, #tpu.memory_space<vmem>> -> memref<128xi32, #tpu.memory_space<vmem>>
    %dma_wait3A_73 = arith.constant 0 : i32
    %dma_wait3A_74 = tpu.memref_slice %arg4[%dma_wait3A_73] : memref<1000000xf32, #tpu.memory_space<hbm>> -> memref<1000000xf32, #tpu.memory_space<hbm>>
    tpu.wait_indirect_dma semaphore(%arg12 : memref<!tpu.dma_semaphore, #tpu.memory_space<semaphore_mem>>) src(%dma_wait3A_74 : memref<1000000xf32, #tpu.memory_space<hbm>>) dst(%dma_wait3A_69 : memref<128xf32, #tpu.memory_space<vmem>>)
    %dma_wait3A_75 = arith.constant 0 : i32
    %dma_wait3A_76 = arith.constant 0 : i32
    %dma_wait3A_77 = tpu.memref_slice %arg10[%dma_wait3A_76] : memref<512xf32, #tpu.memory_space<vmem>> -> memref<128xf32, #tpu.memory_space<vmem>>
    %dma_wait3A_78 = arith.constant 0 : i32
    %dma_wait3A_79 = tpu.memref_slice %arg8[%dma_wait3A_75, %dma_wait3A_78] : memref<4x128xi32, #tpu.memory_space<vmem>> -> memref<1x128xi32, #tpu.memory_space<vmem>>
    %dma_wait3A_80 = tpu.memref_squeeze %dma_wait3A_79 : memref<1x128xi32, #tpu.memory_space<vmem>> -> memref<128xi32, #tpu.memory_space<vmem>>
    %dma_wait3A_81 = arith.constant 0 : i32
    %dma_wait3A_82 = tpu.memref_slice %arg5[%dma_wait3A_81] : memref<1000000xf32, #tpu.memory_space<hbm>> -> memref<1000000xf32, #tpu.memory_space<hbm>>
    tpu.wait_indirect_dma semaphore(%arg12 : memref<!tpu.dma_semaphore, #tpu.memory_space<semaphore_mem>>) src(%dma_wait3A_82 : memref<1000000xf32, #tpu.memory_space<hbm>>) dst(%dma_wait3A_77 : memref<128xf32, #tpu.memory_space<vmem>>)
    %dma_wait3A_83 = arith.constant 1 : i32
    %dma_wait3A_84 = arith.constant 128 : i32
    %dma_wait3A_85 = tpu.memref_slice %arg9[%dma_wait3A_84] : memref<512xf32, #tpu.memory_space<vmem>> -> memref<128xf32, #tpu.memory_space<vmem>>
    %dma_wait3A_86 = arith.constant 0 : i32
    %dma_wait3A_87 = tpu.memref_slice %arg7[%dma_wait3A_83, %dma_wait3A_86] : memref<4x128xi32, #tpu.memory_space<vmem>> -> memref<1x128xi32, #tpu.memory_space<vmem>>
    %dma_wait3A_88 = tpu.memref_squeeze %dma_wait3A_87 : memref<1x128xi32, #tpu.memory_space<vmem>> -> memref<128xi32, #tpu.memory_space<vmem>>
    %dma_wait3A_89 = arith.constant 0 : i32
    %dma_wait3A_90 = tpu.memref_slice %arg4[%dma_wait3A_89] : memref<1000000xf32, #tpu.memory_space<hbm>> -> memref<1000000xf32, #tpu.memory_space<hbm>>
    tpu.wait_indirect_dma semaphore(%arg12 : memref<!tpu.dma_semaphore, #tpu.memory_space<semaphore_mem>>) src(%dma_wait3A_90 : memref<1000000xf32, #tpu.memory_space<hbm>>) dst(%dma_wait3A_85 : memref<128xf32, #tpu.memory_space<vmem>>)
    %dma_wait3A_91 = arith.constant 1 : i32
    %dma_wait3A_92 = arith.constant 128 : i32
    %dma_wait3A_93 = tpu.memref_slice %arg10[%dma_wait3A_92] : memref<512xf32, #tpu.memory_space<vmem>> -> memref<128xf32, #tpu.memory_space<vmem>>
    %dma_wait3A_94 = arith.constant 0 : i32
    %dma_wait3A_95 = tpu.memref_slice %arg8[%dma_wait3A_91, %dma_wait3A_94] : memref<4x128xi32, #tpu.memory_space<vmem>> -> memref<1x128xi32, #tpu.memory_space<vmem>>
    %dma_wait3A_96 = tpu.memref_squeeze %dma_wait3A_95 : memref<1x128xi32, #tpu.memory_space<vmem>> -> memref<128xi32, #tpu.memory_space<vmem>>
    %dma_wait3A_97 = arith.constant 0 : i32
    %dma_wait3A_98 = tpu.memref_slice %arg5[%dma_wait3A_97] : memref<1000000xf32, #tpu.memory_space<hbm>> -> memref<1000000xf32, #tpu.memory_space<hbm>>
    tpu.wait_indirect_dma semaphore(%arg12 : memref<!tpu.dma_semaphore, #tpu.memory_space<semaphore_mem>>) src(%dma_wait3A_98 : memref<1000000xf32, #tpu.memory_space<hbm>>) dst(%dma_wait3A_93 : memref<128xf32, #tpu.memory_space<vmem>>)
    %dma_wait3A_99 = arith.constant 2 : i32
    %dma_wait3A_100 = arith.constant 256 : i32
    %dma_wait3A_101 = tpu.memref_slice %arg9[%dma_wait3A_100] : memref<512xf32, #tpu.memory_space<vmem>> -> memref<128xf32, #tpu.memory_space<vmem>>
    %dma_wait3A_102 = arith.constant 0 : i32
    %dma_wait3A_103 = tpu.memref_slice %arg7[%dma_wait3A_99, %dma_wait3A_102] : memref<4x128xi32, #tpu.memory_space<vmem>> -> memref<1x128xi32, #tpu.memory_space<vmem>>
    %dma_wait3A_104 = tpu.memref_squeeze %dma_wait3A_103 : memref<1x128xi32, #tpu.memory_space<vmem>> -> memref<128xi32, #tpu.memory_space<vmem>>
    %dma_wait3A_105 = arith.constant 0 : i32
    %dma_wait3A_106 = tpu.memref_slice %arg4[%dma_wait3A_105] : memref<1000000xf32, #tpu.memory_space<hbm>> -> memref<1000000xf32, #tpu.memory_space<hbm>>
    tpu.wait_indirect_dma semaphore(%arg12 : memref<!tpu.dma_semaphore, #tpu.memory_space<semaphore_mem>>) src(%dma_wait3A_106 : memref<1000000xf32, #tpu.memory_space<hbm>>) dst(%dma_wait3A_101 : memref<128xf32, #tpu.memory_space<vmem>>)
    %dma_wait3A_107 = arith.constant 2 : i32
    %dma_wait3A_108 = arith.constant 256 : i32
    %dma_wait3A_109 = tpu.memref_slice %arg10[%dma_wait3A_108] : memref<512xf32, #tpu.memory_space<vmem>> -> memref<128xf32, #tpu.memory_space<vmem>>
    %dma_wait3A_110 = arith.constant 0 : i32
    %dma_wait3A_111 = tpu.memref_slice %arg8[%dma_wait3A_107, %dma_wait3A_110] : memref<4x128xi32, #tpu.memory_space<vmem>> -> memref<1x128xi32, #tpu.memory_space<vmem>>
    %dma_wait3A_112 = tpu.memref_squeeze %dma_wait3A_111 : memref<1x128xi32, #tpu.memory_space<vmem>> -> memref<128xi32, #tpu.memory_space<vmem>>
    %dma_wait3A_113 = arith.constant 0 : i32
    %dma_wait3A_114 = tpu.memref_slice %arg5[%dma_wait3A_113] : memref<1000000xf32, #tpu.memory_space<hbm>> -> memref<1000000xf32, #tpu.memory_space<hbm>>
    tpu.wait_indirect_dma semaphore(%arg12 : memref<!tpu.dma_semaphore, #tpu.memory_space<semaphore_mem>>) src(%dma_wait3A_114 : memref<1000000xf32, #tpu.memory_space<hbm>>) dst(%dma_wait3A_109 : memref<128xf32, #tpu.memory_space<vmem>>)
    %dma_wait3A_115 = arith.constant 3 : i32
    %dma_wait3A_116 = arith.constant 384 : i32
    %dma_wait3A_117 = tpu.memref_slice %arg9[%dma_wait3A_116] : memref<512xf32, #tpu.memory_space<vmem>> -> memref<128xf32, #tpu.memory_space<vmem>>
    %dma_wait3A_118 = arith.constant 0 : i32
    %dma_wait3A_119 = tpu.memref_slice %arg7[%dma_wait3A_115, %dma_wait3A_118] : memref<4x128xi32, #tpu.memory_space<vmem>> -> memref<1x128xi32, #tpu.memory_space<vmem>>
    %dma_wait3A_120 = tpu.memref_squeeze %dma_wait3A_119 : memref<1x128xi32, #tpu.memory_space<vmem>> -> memref<128xi32, #tpu.memory_space<vmem>>
    %dma_wait3A_121 = arith.constant 0 : i32
    %dma_wait3A_122 = tpu.memref_slice %arg4[%dma_wait3A_121] : memref<1000000xf32, #tpu.memory_space<hbm>> -> memref<1000000xf32, #tpu.memory_space<hbm>>
    tpu.wait_indirect_dma semaphore(%arg12 : memref<!tpu.dma_semaphore, #tpu.memory_space<semaphore_mem>>) src(%dma_wait3A_122 : memref<1000000xf32, #tpu.memory_space<hbm>>) dst(%dma_wait3A_117 : memref<128xf32, #tpu.memory_space<vmem>>)
    %dma_wait3A_123 = arith.constant 3 : i32
    %dma_wait3A_124 = arith.constant 384 : i32
    %dma_wait3A_125 = tpu.memref_slice %arg10[%dma_wait3A_124] : memref<512xf32, #tpu.memory_space<vmem>> -> memref<128xf32, #tpu.memory_space<vmem>>
    %dma_wait3A_126 = arith.constant 0 : i32
    %dma_wait3A_127 = tpu.memref_slice %arg8[%dma_wait3A_123, %dma_wait3A_126] : memref<4x128xi32, #tpu.memory_space<vmem>> -> memref<1x128xi32, #tpu.memory_space<vmem>>
    %dma_wait3A_128 = tpu.memref_squeeze %dma_wait3A_127 : memref<1x128xi32, #tpu.memory_space<vmem>> -> memref<128xi32, #tpu.memory_space<vmem>>
    %dma_wait3A_129 = arith.constant 0 : i32
    %dma_wait3A_130 = tpu.memref_slice %arg5[%dma_wait3A_129] : memref<1000000xf32, #tpu.memory_space<hbm>> -> memref<1000000xf32, #tpu.memory_space<hbm>>
    tpu.wait_indirect_dma semaphore(%arg12 : memref<!tpu.dma_semaphore, #tpu.memory_space<semaphore_mem>>) src(%dma_wait3A_130 : memref<1000000xf32, #tpu.memory_space<hbm>>) dst(%dma_wait3A_125 : memref<128xf32, #tpu.memory_space<vmem>>)
    %get3A = arith.constant 0 : index
    %get3A_131 = tpu.vector_load %arg9[%get3A] {strides = array<i32>} : memref<512xf32, #tpu.memory_space<vmem>>, vector<16xf32>,
    %get3A_132 = arith.constant 0 : index
    %get3A_133 = tpu.vector_load %arg10[%get3A_132] {strides = array<i32>} : memref<512xf32, #tpu.memory_space<vmem>>, vector<16xf32>,
    %add3A_134 = arith.addf %get3A_131, %get3A_133 : vector<16xf32>
    %swap3A = arith.constant 0 : index
    %swap3A_135 = tpu.vector_load %arg11[%swap3A] {strides = array<i32>} : memref<512xf32, #tpu.memory_space<vmem>>, vector<16xf32>,
    tpu.vector_store %arg11[%swap3A], %add3A_134 {strides = array<i32>} : memref<512xf32, #tpu.memory_space<vmem>>, vector<16xf32>,
    %get3A_136 = arith.constant 16 : index
    %get3A_137 = tpu.vector_load %arg9[%get3A_136] {strides = array<i32>} : memref<512xf32, #tpu.memory_space<vmem>>, vector<16xf32>,
    %get3A_138 = arith.constant 16 : index
    %get3A_139 = tpu.vector_load %arg10[%get3A_138] {strides = array<i32>} : memref<512xf32, #tpu.memory_space<vmem>>, vector<16xf32>,
    %add3A_140 = arith.addf %get3A_137, %get3A_139 : vector<16xf32>
    %swap3A_141 = arith.constant 16 : index
    %swap3A_142 = tpu.vector_load %arg11[%swap3A_141] {strides = array<i32>} : memref<512xf32, #tpu.memory_space<vmem>>, vector<16xf32>,
    tpu.vector_store %arg11[%swap3A_141], %add3A_140 {strides = array<i32>} : memref<512xf32, #tpu.memory_space<vmem>>, vector<16xf32>,
    %get3A_143 = arith.constant 32 : index
    %get3A_144 = tpu.vector_load %arg9[%get3A_143] {strides = array<i32>} : memref<512xf32, #tpu.memory_space<vmem>>, vector<16xf32>,
    %get3A_145 = arith.constant 32 : index
    %get3A_146 = tpu.vector_load %arg10[%get3A_145] {strides = array<i32>} : memref<512xf32, #tpu.memory_space<vmem>>, vector<16xf32>,
    %add3A_147 = arith.addf %get3A_144, %get3A_146 : vector<16xf32>
    %swap3A_148 = arith.constant 32 : index
    %swap3A_149 = tpu.vector_load %arg11[%swap3A_148] {strides = array<i32>} : memref<512xf32, #tpu.memory_space<vmem>>, vector<16xf32>,
    tpu.vector_store %arg11[%swap3A_148], %add3A_147 {strides = array<i32>} : memref<512xf32, #tpu.memory_space<vmem>>, vector<16xf32>,
    %get3A_150 = arith.constant 48 : index
    %get3A_151 = tpu.vector_load %arg9[%get3A_150] {strides = array<i32>} : memref<512xf32, #tpu.memory_space<vmem>>, vector<16xf32>,
    %get3A_152 = arith.constant 48 : index
    %get3A_153 = tpu.vector_load %arg10[%get3A_152] {strides = array<i32>} : memref<512xf32, #tpu.memory_space<vmem>>, vector<16xf32>,
    %add3A_154 = arith.addf %get3A_151, %get3A_153 : vector<16xf32>
    %swap3A_155 = arith.constant 48 : index
    %swap3A_156 = tpu.vector_load %arg11[%swap3A_155] {strides = array<i32>} : memref<512xf32, #tpu.memory_space<vmem>>, vector<16xf32>,
    tpu.vector_store %arg11[%swap3A_155], %add3A_154 {strides = array<i32>} : memref<512xf32, #tpu.memory_space<vmem>>, vector<16xf32>,
    %get3A_157 = arith.constant 64 : index
    %get3A_158 = tpu.vector_load %arg9[%get3A_157] {strides = array<i32>} : memref<512xf32, #tpu.memory_space<vmem>>, vector<16xf32>,
    %get3A_159 = arith.constant 64 : index
    %get3A_160 = tpu.vector_load %arg10[%get3A_159] {strides = array<i32>} : memref<512xf32, #tpu.memory_space<vmem>>, vector<16xf32>,
    %add3A_161 = arith.addf %get3A_158, %get3A_160 : vector<16xf32>
    %swap3A_162 = arith.constant 64 : index
    %swap3A_163 = tpu.vector_load %arg11[%swap3A_162] {strides = array<i32>} : memref<512xf32, #tpu.memory_space<vmem>>, vector<16xf32>,
    tpu.vector_store %arg11[%swap3A_162], %add3A_161 {strides = array<i32>} : memref<512xf32, #tpu.memory_space<vmem>>, vector<16xf32>,
    %get3A_164 = arith.constant 80 : index
    %get3A_165 = tpu.vector_load %arg9[%get3A_164] {strides = array<i32>} : memref<512xf32, #tpu.memory_space<vmem>>, vector<16xf32>,
    %get3A_166 = arith.constant 80 : index
    %get3A_167 = tpu.vector_load %arg10[%get3A_166] {strides = array<i32>} : memref<512xf32, #tpu.memory_space<vmem>>, vector<16xf32>,
    %add3A_168 = arith.addf %get3A_165, %get3A_167 : vector<16xf32>
    %swap3A_169 = arith.constant 80 : index
    %swap3A_170 = tpu.vector_load %arg11[%swap3A_169] {strides = array<i32>} : memref<512xf32, #tpu.memory_space<vmem>>, vector<16xf32>,
    tpu.vector_store %arg11[%swap3A_169], %add3A_168 {strides = array<i32>} : memref<512xf32, #tpu.memory_space<vmem>>, vector<16xf32>,
    %get3A_171 = arith.constant 96 : index
    %get3A_172 = tpu.vector_load %arg9[%get3A_171] {strides = array<i32>} : memref<512xf32, #tpu.memory_space<vmem>>, vector<16xf32>,
    %get3A_173 = arith.constant 96 : index
    %get3A_174 = tpu.vector_load %arg10[%get3A_173] {strides = array<i32>} : memref<512xf32, #tpu.memory_space<vmem>>, vector<16xf32>,
    %add3A_175 = arith.addf %get3A_172, %get3A_174 : vector<16xf32>
    %swap3A_176 = arith.constant 96 : index
    %swap3A_177 = tpu.vector_load %arg11[%swap3A_176] {strides = array<i32>} : memref<512xf32, #tpu.memory_space<vmem>>, vector<16xf32>,
    tpu.vector_store %arg11[%swap3A_176], %add3A_175 {strides = array<i32>} : memref<512xf32, #tpu.memory_space<vmem>>, vector<16xf32>,
    %get3A_178 = arith.constant 112 : index
    %get3A_179 = tpu.vector_load %arg9[%get3A_178] {strides = array<i32>} : memref<512xf32, #tpu.memory_space<vmem>>, vector<16xf32>,
    %get3A_180 = arith.constant 112 : index
    %get3A_181 = tpu.vector_load %arg10[%get3A_180] {strides = array<i32>} : memref<512xf32, #tpu.memory_space<vmem>>, vector<16xf32>,
    %add3A_182 = arith.addf %get3A_179, %get3A_181 : vector<16xf32>
    %swap3A_183 = arith.constant 112 : index
    %swap3A_184 = tpu.vector_load %arg11[%swap3A_183] {strides = array<i32>} : memref<512xf32, #tpu.memory_space<vmem>>, vector<16xf32>,
    tpu.vector_store %arg11[%swap3A_183], %add3A_182 {strides = array<i32>} : memref<512xf32, #tpu.memory_space<vmem>>, vector<16xf32>,
    %get3A_185 = arith.constant 128 : index
    %get3A_186 = tpu.vector_load %arg9[%get3A_185] {strides = array<i32>} : memref<512xf32, #tpu.memory_space<vmem>>, vector<16xf32>,
    %get3A_187 = arith.constant 128 : index
    %get3A_188 = tpu.vector_load %arg10[%get3A_187] {strides = array<i32>} : memref<512xf32, #tpu.memory_space<vmem>>, vector<16xf32>,
    %add3A_189 = arith.addf %get3A_186, %get3A_188 : vector<16xf32>
    %swap3A_190 = arith.constant 128 : index
    %swap3A_191 = tpu.vector_load %arg11[%swap3A_190] {strides = array<i32>} : memref<512xf32, #tpu.memory_space<vmem>>, vector<16xf32>,
    tpu.vector_store %arg11[%swap3A_190], %add3A_189 {strides = array<i32>} : memref<512xf32, #tpu.memory_space<vmem>>, vector<16xf32>,
    %get3A_192 = arith.constant 144 : index
    %get3A_193 = tpu.vector_load %arg9[%get3A_192] {strides = array<i32>} : memref<512xf32, #tpu.memory_space<vmem>>, vector<16xf32>,
    %get3A_194 = arith.constant 144 : index
    %get3A_195 = tpu.vector_load %arg10[%get3A_194] {strides = array<i32>} : memref<512xf32, #tpu.memory_space<vmem>>, vector<16xf32>,
    %add3A_196 = arith.addf %get3A_193, %get3A_195 : vector<16xf32>
    %swap3A_197 = arith.constant 144 : index
    %swap3A_198 = tpu.vector_load %arg11[%swap3A_197] {strides = array<i32>} : memref<512xf32, #tpu.memory_space<vmem>>, vector<16xf32>,
    tpu.vector_store %arg11[%swap3A_197], %add3A_196 {strides = array<i32>} : memref<512xf32, #tpu.memory_space<vmem>>, vector<16xf32>,
    %get3A_199 = arith.constant 160 : index
    %get3A_200 = tpu.vector_load %arg9[%get3A_199] {strides = array<i32>} : memref<512xf32, #tpu.memory_space<vmem>>, vector<16xf32>,
    %get3A_201 = arith.constant 160 : index
    %get3A_202 = tpu.vector_load %arg10[%get3A_201] {strides = array<i32>} : memref<512xf32, #tpu.memory_space<vmem>>, vector<16xf32>,
    %add3A_203 = arith.addf %get3A_200, %get3A_202 : vector<16xf32>
    %swap3A_204 = arith.constant 160 : index
    %swap3A_205 = tpu.vector_load %arg11[%swap3A_204] {strides = array<i32>} : memref<512xf32, #tpu.memory_space<vmem>>, vector<16xf32>,
    tpu.vector_store %arg11[%swap3A_204], %add3A_203 {strides = array<i32>} : memref<512xf32, #tpu.memory_space<vmem>>, vector<16xf32>,
    %get3A_206 = arith.constant 176 : index
    %get3A_207 = tpu.vector_load %arg9[%get3A_206] {strides = array<i32>} : memref<512xf32, #tpu.memory_space<vmem>>, vector<16xf32>,
    %get3A_208 = arith.constant 176 : index
    %get3A_209 = tpu.vector_load %arg10[%get3A_208] {strides = array<i32>} : memref<512xf32, #tpu.memory_space<vmem>>, vector<16xf32>,
    %add3A_210 = arith.addf %get3A_207, %get3A_209 : vector<16xf32>
    %swap3A_211 = arith.constant 176 : index
    %swap3A_212 = tpu.vector_load %arg11[%swap3A_211] {strides = array<i32>} : memref<512xf32, #tpu.memory_space<vmem>>, vector<16xf32>,
    tpu.vector_store %arg11[%swap3A_211], %add3A_210 {strides = array<i32>} : memref<512xf32, #tpu.memory_space<vmem>>, vector<16xf32>,
    %get3A_213 = arith.constant 192 : index
    %get3A_214 = tpu.vector_load %arg9[%get3A_213] {strides = array<i32>} : memref<512xf32, #tpu.memory_space<vmem>>, vector<16xf32>,
    %get3A_215 = arith.constant 192 : index
    %get3A_216 = tpu.vector_load %arg10[%get3A_215] {strides = array<i32>} : memref<512xf32, #tpu.memory_space<vmem>>, vector<16xf32>,
    %add3A_217 = arith.addf %get3A_214, %get3A_216 : vector<16xf32>
    %swap3A_218 = arith.constant 192 : index
    %swap3A_219 = tpu.vector_load %arg11[%swap3A_218] {strides = array<i32>} : memref<512xf32, #tpu.memory_space<vmem>>, vector<16xf32>,
    tpu.vector_store %arg11[%swap3A_218], %add3A_217 {strides = array<i32>} : memref<512xf32, #tpu.memory_space<vmem>>, vector<16xf32>,
    %get3A_220 = arith.constant 208 : index
    %get3A_221 = tpu.vector_load %arg9[%get3A_220] {strides = array<i32>} : memref<512xf32, #tpu.memory_space<vmem>>, vector<16xf32>,
    %get3A_222 = arith.constant 208 : index
    %get3A_223 = tpu.vector_load %arg10[%get3A_222] {strides = array<i32>} : memref<512xf32, #tpu.memory_space<vmem>>, vector<16xf32>,
    %add3A_224 = arith.addf %get3A_221, %get3A_223 : vector<16xf32>
    %swap3A_225 = arith.constant 208 : index
    %swap3A_226 = tpu.vector_load %arg11[%swap3A_225] {strides = array<i32>} : memref<512xf32, #tpu.memory_space<vmem>>, vector<16xf32>,
    tpu.vector_store %arg11[%swap3A_225], %add3A_224 {strides = array<i32>} : memref<512xf32, #tpu.memory_space<vmem>>, vector<16xf32>,
    %get3A_227 = arith.constant 224 : index
    %get3A_228 = tpu.vector_load %arg9[%get3A_227] {strides = array<i32>} : memref<512xf32, #tpu.memory_space<vmem>>, vector<16xf32>,
    %get3A_229 = arith.constant 224 : index
    %get3A_230 = tpu.vector_load %arg10[%get3A_229] {strides = array<i32>} : memref<512xf32, #tpu.memory_space<vmem>>, vector<16xf32>,
    %add3A_231 = arith.addf %get3A_228, %get3A_230 : vector<16xf32>
    %swap3A_232 = arith.constant 224 : index
    %swap3A_233 = tpu.vector_load %arg11[%swap3A_232] {strides = array<i32>} : memref<512xf32, #tpu.memory_space<vmem>>, vector<16xf32>,
    tpu.vector_store %arg11[%swap3A_232], %add3A_231 {strides = array<i32>} : memref<512xf32, #tpu.memory_space<vmem>>, vector<16xf32>,
    %get3A_234 = arith.constant 240 : index
    %get3A_235 = tpu.vector_load %arg9[%get3A_234] {strides = array<i32>} : memref<512xf32, #tpu.memory_space<vmem>>, vector<16xf32>,
    %get3A_236 = arith.constant 240 : index
    %get3A_237 = tpu.vector_load %arg10[%get3A_236] {strides = array<i32>} : memref<512xf32, #tpu.memory_space<vmem>>, vector<16xf32>,
    %add3A_238 = arith.addf %get3A_235, %get3A_237 : vector<16xf32>
    %swap3A_239 = arith.constant 240 : index
    %swap3A_240 = tpu.vector_load %arg11[%swap3A_239] {strides = array<i32>} : memref<512xf32, #tpu.memory_space<vmem>>, vector<16xf32>,
    tpu.vector_store %arg11[%swap3A_239], %add3A_238 {strides = array<i32>} : memref<512xf32, #tpu.memory_space<vmem>>, vector<16xf32>,
    %get3A_241 = arith.constant 256 : index
    %get3A_242 = tpu.vector_load %arg9[%get3A_241] {strides = array<i32>} : memref<512xf32, #tpu.memory_space<vmem>>, vector<16xf32>,
    %get3A_243 = arith.constant 256 : index
    %get3A_244 = tpu.vector_load %arg10[%get3A_243] {strides = array<i32>} : memref<512xf32, #tpu.memory_space<vmem>>, vector<16xf32>,
    %add3A_245 = arith.addf %get3A_242, %get3A_244 : vector<16xf32>
    %swap3A_246 = arith.constant 256 : index
    %swap3A_247 = tpu.vector_load %arg11[%swap3A_246] {strides = array<i32>} : memref<512xf32, #tpu.memory_space<vmem>>, vector<16xf32>,
    tpu.vector_store %arg11[%swap3A_246], %add3A_245 {strides = array<i32>} : memref<512xf32, #tpu.memory_space<vmem>>, vector<16xf32>,
    %get3A_248 = arith.constant 272 : index
    %get3A_249 = tpu.vector_load %arg9[%get3A_248] {strides = array<i32>} : memref<512xf32, #tpu.memory_space<vmem>>, vector<16xf32>,
    %get3A_250 = arith.constant 272 : index
    %get3A_251 = tpu.vector_load %arg10[%get3A_250] {strides = array<i32>} : memref<512xf32, #tpu.memory_space<vmem>>, vector<16xf32>,
    %add3A_252 = arith.addf %get3A_249, %get3A_251 : vector<16xf32>
    %swap3A_253 = arith.constant 272 : index
    %swap3A_254 = tpu.vector_load %arg11[%swap3A_253] {strides = array<i32>} : memref<512xf32, #tpu.memory_space<vmem>>, vector<16xf32>,
    tpu.vector_store %arg11[%swap3A_253], %add3A_252 {strides = array<i32>} : memref<512xf32, #tpu.memory_space<vmem>>, vector<16xf32>,
    %get3A_255 = arith.constant 288 : index
    %get3A_256 = tpu.vector_load %arg9[%get3A_255] {strides = array<i32>} : memref<512xf32, #tpu.memory_space<vmem>>, vector<16xf32>,
    %get3A_257 = arith.constant 288 : index
    %get3A_258 = tpu.vector_load %arg10[%get3A_257] {strides = array<i32>} : memref<512xf32, #tpu.memory_space<vmem>>, vector<16xf32>,
    %add3A_259 = arith.addf %get3A_256, %get3A_258 : vector<16xf32>
    %swap3A_260 = arith.constant 288 : index
    %swap3A_261 = tpu.vector_load %arg11[%swap3A_260] {strides = array<i32>} : memref<512xf32, #tpu.memory_space<vmem>>, vector<16xf32>,
    tpu.vector_store %arg11[%swap3A_260], %add3A_259 {strides = array<i32>} : memref<512xf32, #tpu.memory_space<vmem>>, vector<16xf32>,
    %get3A_262 = arith.constant 304 : index
    %get3A_263 = tpu.vector_load %arg9[%get3A_262] {strides = array<i32>} : memref<512xf32, #tpu.memory_space<vmem>>, vector<16xf32>,
    %get3A_264 = arith.constant 304 : index
    %get3A_265 = tpu.vector_load %arg10[%get3A_264] {strides = array<i32>} : memref<512xf32, #tpu.memory_space<vmem>>, vector<16xf32>,
    %add3A_266 = arith.addf %get3A_263, %get3A_265 : vector<16xf32>
    %swap3A_267 = arith.constant 304 : index
    %swap3A_268 = tpu.vector_load %arg11[%swap3A_267] {strides = array<i32>} : memref<512xf32, #tpu.memory_space<vmem>>, vector<16xf32>,
    tpu.vector_store %arg11[%swap3A_267], %add3A_266 {strides = array<i32>} : memref<512xf32, #tpu.memory_space<vmem>>, vector<16xf32>,
    %get3A_269 = arith.constant 320 : index
    %get3A_270 = tpu.vector_load %arg9[%get3A_269] {strides = array<i32>} : memref<512xf32, #tpu.memory_space<vmem>>, vector<16xf32>,
    %get3A_271 = arith.constant 320 : index
    %get3A_272 = tpu.vector_load %arg10[%get3A_271] {strides = array<i32>} : memref<512xf32, #tpu.memory_space<vmem>>, vector<16xf32>,
    %add3A_273 = arith.addf %get3A_270, %get3A_272 : vector<16xf32>
    %swap3A_274 = arith.constant 320 : index
    %swap3A_275 = tpu.vector_load %arg11[%swap3A_274] {strides = array<i32>} : memref<512xf32, #tpu.memory_space<vmem>>, vector<16xf32>,
    tpu.vector_store %arg11[%swap3A_274], %add3A_273 {strides = array<i32>} : memref<512xf32, #tpu.memory_space<vmem>>, vector<16xf32>,
    %get3A_276 = arith.constant 336 : index
    %get3A_277 = tpu.vector_load %arg9[%get3A_276] {strides = array<i32>} : memref<512xf32, #tpu.memory_space<vmem>>, vector<16xf32>,
    %get3A_278 = arith.constant 336 : index
    %get3A_279 = tpu.vector_load %arg10[%get3A_278] {strides = array<i32>} : memref<512xf32, #tpu.memory_space<vmem>>, vector<16xf32>,
    %add3A_280 = arith.addf %get3A_277, %get3A_279 : vector<16xf32>
    %swap3A_281 = arith.constant 336 : index
    %swap3A_282 = tpu.vector_load %arg11[%swap3A_281] {strides = array<i32>} : memref<512xf32, #tpu.memory_space<vmem>>, vector<16xf32>,
    tpu.vector_store %arg11[%swap3A_281], %add3A_280 {strides = array<i32>} : memref<512xf32, #tpu.memory_space<vmem>>, vector<16xf32>,
    %get3A_283 = arith.constant 352 : index
    %get3A_284 = tpu.vector_load %arg9[%get3A_283] {strides = array<i32>} : memref<512xf32, #tpu.memory_space<vmem>>, vector<16xf32>,
    %get3A_285 = arith.constant 352 : index
    %get3A_286 = tpu.vector_load %arg10[%get3A_285] {strides = array<i32>} : memref<512xf32, #tpu.memory_space<vmem>>, vector<16xf32>,
    %add3A_287 = arith.addf %get3A_284, %get3A_286 : vector<16xf32>
    %swap3A_288 = arith.constant 352 : index
    %swap3A_289 = tpu.vector_load %arg11[%swap3A_288] {strides = array<i32>} : memref<512xf32, #tpu.memory_space<vmem>>, vector<16xf32>,
    tpu.vector_store %arg11[%swap3A_288], %add3A_287 {strides = array<i32>} : memref<512xf32, #tpu.memory_space<vmem>>, vector<16xf32>,
    %get3A_290 = arith.constant 368 : index
    %get3A_291 = tpu.vector_load %arg9[%get3A_290] {strides = array<i32>} : memref<512xf32, #tpu.memory_space<vmem>>, vector<16xf32>,
    %get3A_292 = arith.constant 368 : index
    %get3A_293 = tpu.vector_load %arg10[%get3A_292] {strides = array<i32>} : memref<512xf32, #tpu.memory_space<vmem>>, vector<16xf32>,
    %add3A_294 = arith.addf %get3A_291, %get3A_293 : vector<16xf32>
    %swap3A_295 = arith.constant 368 : index
    %swap3A_296 = tpu.vector_load %arg11[%swap3A_295] {strides = array<i32>} : memref<512xf32, #tpu.memory_space<vmem>>, vector<16xf32>,
    tpu.vector_store %arg11[%swap3A_295], %add3A_294 {strides = array<i32>} : memref<512xf32, #tpu.memory_space<vmem>>, vector<16xf32>,
    %get3A_297 = arith.constant 384 : index
    %get3A_298 = tpu.vector_load %arg9[%get3A_297] {strides = array<i32>} : memref<512xf32, #tpu.memory_space<vmem>>, vector<16xf32>,
    %get3A_299 = arith.constant 384 : index
    %get3A_300 = tpu.vector_load %arg10[%get3A_299] {strides = array<i32>} : memref<512xf32, #tpu.memory_space<vmem>>, vector<16xf32>,
    %add3A_301 = arith.addf %get3A_298, %get3A_300 : vector<16xf32>
    %swap3A_302 = arith.constant 384 : index
    %swap3A_303 = tpu.vector_load %arg11[%swap3A_302] {strides = array<i32>} : memref<512xf32, #tpu.memory_space<vmem>>, vector<16xf32>,
    tpu.vector_store %arg11[%swap3A_302], %add3A_301 {strides = array<i32>} : memref<512xf32, #tpu.memory_space<vmem>>, vector<16xf32>,
    %get3A_304 = arith.constant 400 : index
    %get3A_305 = tpu.vector_load %arg9[%get3A_304] {strides = array<i32>} : memref<512xf32, #tpu.memory_space<vmem>>, vector<16xf32>,
    %get3A_306 = arith.constant 400 : index
    %get3A_307 = tpu.vector_load %arg10[%get3A_306] {strides = array<i32>} : memref<512xf32, #tpu.memory_space<vmem>>, vector<16xf32>,
    %add3A_308 = arith.addf %get3A_305, %get3A_307 : vector<16xf32>
    %swap3A_309 = arith.constant 400 : index
    %swap3A_310 = tpu.vector_load %arg11[%swap3A_309] {strides = array<i32>} : memref<512xf32, #tpu.memory_space<vmem>>, vector<16xf32>,
    tpu.vector_store %arg11[%swap3A_309], %add3A_308 {strides = array<i32>} : memref<512xf32, #tpu.memory_space<vmem>>, vector<16xf32>,
    %get3A_311 = arith.constant 416 : index
    %get3A_312 = tpu.vector_load %arg9[%get3A_311] {strides = array<i32>} : memref<512xf32, #tpu.memory_space<vmem>>, vector<16xf32>,
    %get3A_313 = arith.constant 416 : index
    %get3A_314 = tpu.vector_load %arg10[%get3A_313] {strides = array<i32>} : memref<512xf32, #tpu.memory_space<vmem>>, vector<16xf32>,
    %add3A_315 = arith.addf %get3A_312, %get3A_314 : vector<16xf32>
    %swap3A_316 = arith.constant 416 : index
    %swap3A_317 = tpu.vector_load %arg11[%swap3A_316] {strides = array<i32>} : memref<512xf32, #tpu.memory_space<vmem>>, vector<16xf32>,
    tpu.vector_store %arg11[%swap3A_316], %add3A_315 {strides = array<i32>} : memref<512xf32, #tpu.memory_space<vmem>>, vector<16xf32>,
    %get3A_318 = arith.constant 432 : index
    %get3A_319 = tpu.vector_load %arg9[%get3A_318] {strides = array<i32>} : memref<512xf32, #tpu.memory_space<vmem>>, vector<16xf32>,
    %get3A_320 = arith.constant 432 : index
    %get3A_321 = tpu.vector_load %arg10[%get3A_320] {strides = array<i32>} : memref<512xf32, #tpu.memory_space<vmem>>, vector<16xf32>,
    %add3A_322 = arith.addf %get3A_319, %get3A_321 : vector<16xf32>
    %swap3A_323 = arith.constant 432 : index
    %swap3A_324 = tpu.vector_load %arg11[%swap3A_323] {strides = array<i32>} : memref<512xf32, #tpu.memory_space<vmem>>, vector<16xf32>,
    tpu.vector_store %arg11[%swap3A_323], %add3A_322 {strides = array<i32>} : memref<512xf32, #tpu.memory_space<vmem>>, vector<16xf32>,
    %get3A_325 = arith.constant 448 : index
    %get3A_326 = tpu.vector_load %arg9[%get3A_325] {strides = array<i32>} : memref<512xf32, #tpu.memory_space<vmem>>, vector<16xf32>,
    %get3A_327 = arith.constant 448 : index
    %get3A_328 = tpu.vector_load %arg10[%get3A_327] {strides = array<i32>} : memref<512xf32, #tpu.memory_space<vmem>>, vector<16xf32>,
    %add3A_329 = arith.addf %get3A_326, %get3A_328 : vector<16xf32>
    %swap3A_330 = arith.constant 448 : index
    %swap3A_331 = tpu.vector_load %arg11[%swap3A_330] {strides = array<i32>} : memref<512xf32, #tpu.memory_space<vmem>>, vector<16xf32>,
    tpu.vector_store %arg11[%swap3A_330], %add3A_329 {strides = array<i32>} : memref<512xf32, #tpu.memory_space<vmem>>, vector<16xf32>,
    %get3A_332 = arith.constant 464 : index
    %get3A_333 = tpu.vector_load %arg9[%get3A_332] {strides = array<i32>} : memref<512xf32, #tpu.memory_space<vmem>>, vector<16xf32>,
    %get3A_334 = arith.constant 464 : index
    %get3A_335 = tpu.vector_load %arg10[%get3A_334] {strides = array<i32>} : memref<512xf32, #tpu.memory_space<vmem>>, vector<16xf32>,
    %add3A_336 = arith.addf %get3A_333, %get3A_335 : vector<16xf32>
    %swap3A_337 = arith.constant 464 : index
    %swap3A_338 = tpu.vector_load %arg11[%swap3A_337] {strides = array<i32>} : memref<512xf32, #tpu.memory_space<vmem>>, vector<16xf32>,
    tpu.vector_store %arg11[%swap3A_337], %add3A_336 {strides = array<i32>} : memref<512xf32, #tpu.memory_space<vmem>>, vector<16xf32>,
    %get3A_339 = arith.constant 480 : index
    %get3A_340 = tpu.vector_load %arg9[%get3A_339] {strides = array<i32>} : memref<512xf32, #tpu.memory_space<vmem>>, vector<16xf32>,
    %get3A_341 = arith.constant 480 : index
    %get3A_342 = tpu.vector_load %arg10[%get3A_341] {strides = array<i32>} : memref<512xf32, #tpu.memory_space<vmem>>, vector<16xf32>,
    %add3A_343 = arith.addf %get3A_340, %get3A_342 : vector<16xf32>
    %swap3A_344 = arith.constant 480 : index
    %swap3A_345 = tpu.vector_load %arg11[%swap3A_344] {strides = array<i32>} : memref<512xf32, #tpu.memory_space<vmem>>, vector<16xf32>,
    tpu.vector_store %arg11[%swap3A_344], %add3A_343 {strides = array<i32>} : memref<512xf32, #tpu.memory_space<vmem>>, vector<16xf32>,
    %get3A_346 = arith.constant 496 : index
    %get3A_347 = tpu.vector_load %arg9[%get3A_346] {strides = array<i32>} : memref<512xf32, #tpu.memory_space<vmem>>, vector<16xf32>,
    %get3A_348 = arith.constant 496 : index
    %get3A_349 = tpu.vector_load %arg10[%get3A_348] {strides = array<i32>} : memref<512xf32, #tpu.memory_space<vmem>>, vector<16xf32>,
    %add3A_350 = arith.addf %get3A_347, %get3A_349 : vector<16xf32>
    %swap3A_351 = arith.constant 496 : index
    %swap3A_352 = tpu.vector_load %arg11[%swap3A_351] {strides = array<i32>} : memref<512xf32, #tpu.memory_space<vmem>>, vector<16xf32>,
    tpu.vector_store %arg11[%swap3A_351], %add3A_350 {strides = array<i32>} : memref<512xf32, #tpu.memory_space<vmem>>, vector<16xf32>,
    %mul3A_353 = arith.constant 512 : i32
    %mul3A_354 = arith.muli %add3A, %mul3A_353 : i32
    "tpu.region"() ({
      %run_scoped3A = tpu.sem_alloc : memref<!tpu.dma_semaphore, #tpu.memory_space<semaphore_mem>>
      %dma_start3A_355 = tpu.memref_slice %arg6[%mul3A_354] : memref<16384xf32, #tpu.memory_space<hbm>> -> memref<512xf32, #tpu.memory_space<hbm>>
      %dma_start3A_356 = tpu.memref_slice %arg6[%mul3A_354] : memref<16384xf32, #tpu.memory_space<hbm>> -> memref<512xf32, #tpu.memory_space<hbm>>
      tpu.enqueue_dma source(%arg11 : memref<512xf32, #tpu.memory_space<vmem>>) target(%dma_start3A_356 : memref<512xf32, #tpu.memory_space<hbm>>) target_semaphore(%run_scoped3A : memref<!tpu.dma_semaphore, #tpu.memory_space<semaphore_mem>>)
      %dma_wait3A_357 = tpu.memref_slice %arg6[%mul3A_354] : memref<16384xf32, #tpu.memory_space<hbm>> -> memref<512xf32, #tpu.memory_space<hbm>>
      %dma_wait3A_358 = tpu.memref_slice %arg6[%mul3A_354] : memref<16384xf32, #tpu.memory_space<hbm>> -> memref<512xf32, #tpu.memory_space<hbm>>
      tpu.wait_dma2 semaphore(%run_scoped3A : memref<!tpu.dma_semaphore, #tpu.memory_space<semaphore_mem>>) src(%arg11 : memref<512xf32, #tpu.memory_space<vmem>>) dst(%dma_wait3A_358 : memref<512xf32, #tpu.memory_space<hbm>>)
      tpu.yield
    }) : () -> ()
    return
  }
}

</mosaic_0001>

<sc_bundles>
// kernel: kernel.4.cloned.1.call-start
scs
__scs_entry_jumppad:
0x0: {  	(pc) =	sbr.rel $0x88, $3  }
0x1: {  	(tag) =	ssettag $0x0;
	lr =	simm.s32 $0x1  }
0x2: {  	[smem:$0x3F9B] =	sst lr;
	_ =	strace $0xD0000000  }
0x3: {  	_ = 	snop  }
0x4: {  	_ = 	snop  }
0x5: {  	_ = 	snop  }
0x6: {  	_ = 	snop  }
0x7: {  	_ = 	snop  }
__scs_overlays_trampoline_lowered:
0x8: {  	[smem:$0x3FAA] =	sst s0  }
0x9: {  	[smem:$0x3FAB] =	sst s1  }
0xa: {  	[smem:$0x3FAC] =	sst s2  }
0xb: {  	[smem:$0x3FAD] =	sst s3  }
0xc: {  	[smem:$0x3FAE] =	sst s4  }
0xd: {  	[smem:$0x3FAF] =	sst s5  }
0xe: {  	[smem:$0x3FB0] =	sst s6  }
0xf: {  	[smem:$0x3FB1] =	sst s7  }
0x10: {  	[smem:$0x3FB2] =	sst s8  }
0x11: {  	[smem:$0x3FB3] =	sst s9;
	s0 =	simm.s32 @!p0 $0x0  }
0x12: {  	s1 =	sld [smem:$0x3F99];
	s0 =	simm.s32 @p0 $0x1  }
0x13: {  	[smem:$0x3FB4] =	sst s0;
	s0 =	simm.s32 @!p1 $0x0  }
0x14: {  	s2 =	sld [smem:$0x3F98];
	s0 =	simm.s32 @p1 $0x1  }
0x15: {  	[smem:$0x3FB5] =	sst s0;
	s0 =	simm.s32 @!p2 $0x0  }
0x16: {  	s3 =	sld [smem:$0x3FDB];
	s0 =	simm.s32 @p2 $0x1  }
0x17: {  	s4 =	simm.s32 $0x1BF5;
	[smem:$0x3FB7] =	sst s0  }
0x18: {  	s0 =	sld [smem:$0x3F9A];
	_ =	swait.ge [sflag:s4], $0x0  }
0x19: {  	s7 =	sld [smem:$0x3F9B]  }
0x1a: {  	s8 =	sadd.s32 $0xFFFFE003, lr  }
0x1b: {  	s9 =	sadd.s32 $0xFFFFFEF7, lr;
	s5 =	simm.s32 $0xFFFFFFFF;
	p2 =	slt.u32 s8, $0xFFFFF086  }
0x1c: {  	p1 =	slt.u32 s9, $0xF7A;
	s5 =	simm.s32 @!p2 $0x0  }
0x1d: {  	s5 =	simm.s32 @p1 $0x1;
	p0 =	seq.s32 s7, s2  }
0x1e: {  	s7 =	smul.u32 @!p0 $0xF7A, s2;
	p2 =	seq.s32 @!p0 s5, $0x0  }
0x1f: {  	s9 =	smul.u32 $0xF7A, s1;
	s8 =	simm.s32 @!p0 $0x1BF5;
	p2 =	por !p2, p0  }
0x20: {  	[sflag:s8] =	ssyncset.s32 @!p0 $0xFFFFF086;
	s6 =	sadd.s32 @!p0 s3, s7;
	s7 =	simm.s32 @!p0 $0x108  }
0x21: {  	s3 =	sadd.s32 s3, s9;
	s6 =	sadd.s32 @!p0 $0x88, s6;
	s7 =	simm.s32 @p2 $0x1082  }
0x22: {  	[simem:s7], [sflag:s8] =	dma.local @!p0 [hbm:s6], $0xF7A  }
0x23: {  	s9 =	sor.u32 $0xD0000000, s2;
	s6 =	simm.s32 $0x108;
	_ =	swait.ge @!p0 [sflag:s8], $0x0  }
0x24: {  	s3 =	sadd.s32 $0x88, s3;
	s6 =	simm.s32 @!p1 $0x1082;
	[sflag:s4] =	ssyncset.s32 $0xFFFFF086  }
0x25: {  	[simem:s6], [sflag:s4] =	dma.local [hbm:s3], $0xF7A  }
0x26: {  	[smem:$0x3F9B] =	sst s1;
	(tag) =	ssettag s2;
	_ =	strace s9  }
0x27: {  	s1 =	sld [smem:$0x3FAB]  }
0x28: {  	s2 =	sld [smem:$0x3FAC]  }
0x29: {  	s4 =	sld [smem:$0x3FAE]  }
0x2a: {  	p0 =	seq.s32 s5, $0x0;
	s5 =	sld [smem:$0x3FAF]  }
0x2b: {  	s6 =	sld [smem:$0x3FB0]  }
0x2c: {  	s7 =	sld [smem:$0x3FB1]  }
0x2d: {  	s3 =	simm.s32 $0x108;
	s8 =	sld [smem:$0x3FB2]  }
0x2e: {  	s3 =	simm.s32 @!p0 $0x1082;
	s9 =	sld [smem:$0x3FB3]  }
0x2f: {  	lr =	sadd.s32 s0, s3;
	s0 =	sld [smem:$0x3FAA]  }
0x30: {  	s3 =	sld [smem:$0x3FAD]  }
0x31: {  	[smem:$0x3FB6] =	sst s10  }
0x32: {  	s10 =	sld [smem:$0x3FB4];
	_ =	sdelay $0x3  }
0x33: {  	p0 =	seq.s32 s10, $0x1;
	s10 =	sld [smem:$0x3FB6];
	_ =	sdelay $0x3  }
0x34: {  	[smem:$0x3FB6] =	sst s10  }
0x35: {  	s10 =	sld [smem:$0x3FB5];
	_ =	sdelay $0x3  }
0x36: {  	p1 =	seq.s32 s10, $0x1;
	s10 =	sld [smem:$0x3FB6];
	_ =	sdelay $0x3  }
0x37: {  	[smem:$0x3FB6] =	sst s10  }
0x38: {  	s10 =	sld [smem:$0x3FB7]  }
0x39: {  	_ = 	snop;
	(pc) =	sbr.ind lr, $3  }
0x3a: {  	_ = 	snop  }
0x3b: {  	_ = 	snop  }
0x3c: {  	p2 =	seq.s32 s10, $0x1;
	s10 =	sld [smem:$0x3FB6]  }
0x3d: {  	_ =	shalt  }
0x3e: {  	_ =	shalt  }
0x3f: {  	_ =	shalt  }
0x40: {  	_ =	shalt  }
0x41: {  	_ =	shalt  }
0x42: {  	_ =	shalt  }
0x43: {  	_ =	shalt  }
0x44: {  	_ =	shalt  }
0x45: {  	_ =	shalt  }
0x46: {  	_ =	shalt  }
0x47: {  	_ =	shalt  }
0x48: {  	_ =	shalt  }
0x49: {  	_ =	shalt  }
0x4a: {  	_ =	shalt  }
0x4b: {  	_ =	shalt  }
0x4c: {  	_ =	shalt  }
0x4d: {  	_ =	shalt  }
0x4e: {  	_ =	shalt  }
0x4f: {  	_ =	shalt  }
0x50: {  	_ =	shalt  }
0x51: {  	_ =	shalt  }
0x52: {  	_ =	shalt  }
0x53: {  	_ =	shalt  }
0x54: {  	_ =	shalt  }
0x55: {  	_ =	shalt  }
0x56: {  	_ =	shalt  }
0x57: {  	_ =	shalt  }
0x58: {  	_ =	shalt  }
0x59: {  	_ =	shalt  }
0x5a: {  	_ =	shalt  }
0x5b: {  	_ =	shalt  }
0x5c: {  	_ =	shalt  }
0x5d: {  	_ =	shalt  }
0x5e: {  	_ =	shalt  }
0x5f: {  	_ =	shalt  }
0x60: {  	_ =	shalt  }
0x61: {  	_ =	shalt  }
0x62: {  	_ =	shalt  }
0x63: {  	_ =	shalt  }
0x64: {  	_ =	shalt  }
0x65: {  	_ =	shalt  }
0x66: {  	_ =	shalt  }
0x67: {  	_ =	shalt  }
0x68: {  	_ =	shalt  }
0x69: {  	_ =	shalt  }
0x6a: {  	_ =	shalt  }
0x6b: {  	_ =	shalt  }
0x6c: {  	_ =	shalt  }
0x6d: {  	_ =	shalt  }
0x6e: {  	_ =	shalt  }
0x6f: {  	_ =	shalt  }
0x70: {  	_ =	shalt  }
0x71: {  	_ =	shalt  }
0x72: {  	_ =	shalt  }
0x73: {  	_ =	shalt  }
0x74: {  	_ =	shalt  }
0x75: {  	_ =	shalt  }
0x76: {  	_ =	shalt  }
0x77: {  	_ =	shalt  }
0x78: {  	_ =	shalt  }
0x79: {  	_ =	shalt  }
0x7a: {  	_ =	shalt  }
0x7b: {  	_ =	shalt  }
0x7c: {  	_ =	shalt  }
0x7d: {  	_ =	shalt  }
0x7e: {  	_ =	shalt  }
0x7f: {  	_ =	shalt  }
0x80: {  	_ =	shalt  }
0x81: {  	_ =	shalt  }
0x82: {  	_ =	shalt  }
0x83: {  	_ =	shalt  }
0x84: {  	_ =	shalt  }
0x85: {  	_ =	shalt  }
0x86: {  	_ =	shalt  }
0x87: {  	_ =	shalt  }
.Lfunc_end0:
.L_simem_size_0:
called_computation_lowered:
.L_overlay_start_0:
0x88: {  	s2 =	sld [smem:$0x3FD9]  }
0x89: {  	s3 =	sld [smem:$0x3FFE];
	_ =	sdelay $0x1  }
0x8a: {  	s1 =	srdreg.scid  }
0x8b: {  	s0 =	sand.u32 $0x1, s1  }
0x8c: {  	s17 =	sshll.u32 s0, $0xA;
	s2 =	sadd.s32 s3, s2  }
0x8d: {  	s2 =	sadd.s32 s2, s17  }
0x8e: {  	[smem:$0x3FC2] =	sst s2  }
0x8f: {  	_ = 	snop  }
0x90: {  	s2 =	sld [smem:$0x3FC9]  }
0x91: {  	s18 =	sld [smem:$0x3FC8];
	(tm) =	ssettm $0x1  }
0x92: {  	s4 =	sld [smem:$0x3FFB];
	_ =	sdelay $0x3  }
0x93: {  	_ =	strace s4  }
0x94: {  	s4 =	sld [smem:$0x3FFC];
	_ =	sdelay $0x3  }
0x95: {  	_ =	strace s4  }
0x96: {  	s4 =	sld [smem:$0x3FFD];
	_ =	sdelay $0x3  }
0x97: {  	_ =	strace s4  }
0x98: {  	_ =	strace $0x8FFFFFFF  }
0x99: {  	s19 =	sld [smem:$0x3FDB];
	_ =	sdelay $0x1  }
0x9a: {  	s5 =	simm.s32 $_scs_section_size  }
0x9b: {  	s6 =	simm.s32 $_size__tile_overlayer_lowered;
	s7 =	simm.s32 $_tile_overlayer_lowered  }
0x9c: {  	s22 =	simm.s32 $0x1BFF;
	s21 =	sshll.u32 s7, $0x1;
	s4 =	sadd.s32 s5, s19  }
0x9d: {  	s8 =	simm.s32 $0x0;
	s20 =	sshll.u32 s6, $0x1;
	s6 =	sadd.s32 s21, s4  }
0x9e: {  	[timem:s8], [sflag:s22] =	dma.local [hbm:s6], s20  }
0x9f: {  	_ =	swait.ge [sflag:s22], s20  }
0xa0: {  	s5 =	ssub.s32 $0x0, s20;
	[sflag:s22] =	ssyncset.done $0x0  }
0xa1: {  	[sflag:s22] =	ssyncadd.s32 s5;
	_ =	sdelay $0x1  }
0xa2: {  	s23 =	simm.s32 $0x1B8B  }
0xa3: {  	_ =	swait.ge [sflag:s23], $0x1  }
0xa4: {  	[sflag:s23] =	ssyncset.done $0x0  }
0xa5: {  	s25 =	simm.s32 $0x1B8E;
	s24 =	sld [smem:$0x3FFE];
	[sflag:s23] =	ssyncadd.s32 $0xFFFFFFFF  }
0xa6: {  	s26 =	simm.s32 $execute0_lowered;
	[smem:$0x3FD2] =	sst s25  }
0xa7: {  	s6 =	sshll.u32 s26, $0x1;
	_ =	strace $0x80000046;
	[dreg:$0x1] =	wrdreg $0xFFFFFFFF  }
0xa8: {  	s28 =	simm.s32 $_size_execute0_lowered;
	s4 =	sadd.s32 s4, s6;
	[dreg:$0x0] =	wrdreg $0x0  }
0xa9: {  	s6 =	sshll.u32 s28, $0x1;
	[dreg:$0x2] =	wrdreg s4  }
0xaa: {  	[dreg:$0x3] =	wrdreg s6  }
0xab: {  	[dreg:$0x4] =	wrdreg $0xC0  }
0xac: {  	_ =	task [dreg:s8], $0x5FFFF  }
0xad: {  	[dreg:$0x1] =	wrdreg $0xFFFFFFFF  }
0xae: {  	[dreg:$0x0] =	wrdreg $0x60  }
0xaf: {  	[dreg:$0x2] =	wrdreg s2  }
0xb0: {  	[dreg:$0x3] =	wrdreg s18  }
0xb1: {  	[dreg:$0x4] =	wrdreg s24  }
0xb2: {  	[dreg:$0x5] =	wrdreg $0x9  }
0xb3: {  	_ =	task.clear_ibuf [dreg:s8], $0x6FFFF;
	_ =	strace $0x90000046  }
0xb4: {  	s29 =	simm.s32 $0x9;
	_ =	strace $0x80000048  }
0xb5: {  	_ =	swait.ge [sflag:s29], $0x1  }
0xb6: {  	[sflag:s29] =	ssyncadd.s32 $0xFFFFFFFF  }
0xb7: {  	_ =	strace $0x90000048  }
0xb8: {  	_ =	sfence  }
0xb9: {  	s30 =	sld [smem:$0x0];
	_ =	sdelay $0x2  }
0xba: {  	s31 =	sshll.u32 s1, $0xD;
	s1 =	sshrl.u32 s1, $0x2  }
0xbb: {  	s3 =	sand.u32 $0x4000, s31;
	s1 =	sadd.s32 s1, s30  }
0xbc: {  	s0 =	sor.u32 s3, s0;
	s1 =	sshll.u32 s1, $0x11  }
0xbd: {  	s0 =	sor.u32 s1, s0  }
0xbe: {  	s0 =	sadd.s32 $0x8F2B, s0  }
0xbf: {  	[sflag:s0] =	ssyncadd.remote.s32 $0x1  }
0xc0: {  	_ =	sfence.sel $0xFFFF  }
0xc1: {  	[dreg:$0x0] =	wrdreg $0xFFFFFFFF;
	(pc) =	sbr.abs _section_cstart, $3  }
0xc2: {  	[dreg:$0x1] =	wrdreg $0xFFFFFFFF  }
0xc3: {  	_ =	task.clear_ibuf [dreg:s8], $0x2FFFF;
	_ =	strace $0x9FFFFFFF  }
0xc4: {  	(tm) =	ssettm $0x7FFFFFFF  }
0xc5: {  	_ =	shalt  }
tec
execute0_lowered:
.L_overlay_start_1:
0x0: {  	(tag) =	ssettag $0x1  }
0x1: {  	s5 =	rddreg [dreg:$0x0]  }
0x2: {  	s6 =	rddreg [dreg:$0x1]  }
0x3: {  	s7 =	rddreg [dreg:$0x2]  }
0x4: {  	s0 =	rddreg [dreg:$0x3];
	s1 =	simm.s32 $0x0  }
0x5: {  	s4 =	srdreg.scid;
	s2 =	stileid.u32;
	s11 =	simm.s32 $0x80  }
0x6: {  	s12 =	simm.s32 $0x1;
	s13 =	simm.s32 $0x3;
	s14 =	simm.s32 $0x2  }
0x7: {  	s15 =	simm.s32 $0x4;
	s16 =	simm.s32 $0x8400;
	s17 =	simm.s32 $0x0  }
0x8: {  	[smem:$0x7FF] =	sst s1;
	s3 =	sadd.s32 $0x1313000, s7;
	s4 =	sand.u32 $0x1, s4  }
0x9: {  	s8 =	sshll.u32 s2, $0x7;
	s9 =	sshll.u32 s4, $0x6;
	s10 =	ssub.s32 $0x2, s4  }
0xa: {  	_ =	strace $0x80000047;
	s8 =	sor.u32 s9, s8;
	s31 =	sshrl.u32 s10, $0x1  }
0xb: {  	s4 =	sadd.s32 $0xF42600, s7;
	s7 =	sadd.s32 s8, s7;
	s9 =	ssub.s32 s10, s31  }
0xc: {  	s5 =	sadd.s32 s5, s8;
	s6 =	sadd.s32 s6, s8;
	s10 =	simm.s32 $0x200  }
0xd: {  	s7 =	sadd.s32 $0x200, s7;
	s8 =	smax.u32 s9, $0x1;
	s9 =	simm.s32 $0x5  }
.LBB2_1:
0xe: {  	[tilespmem:s1], [sflag:$0x5] =	stream.linear.gather [hbm4b:s5+s1], $0x200, $0x38;
	[tilespmem:$0x8600] =	vst v63  }
0xf: {  	_ =	swait.ge [sflag:s9], $0x200  }
0x10: {  	[sflag:s9] =	ssyncset.done $0x0  }
0x11: {  	[sflag:s9] =	ssyncadd.s32 $0xFFFFFE00  }
0x12: {  	[tilespmem:s10], [sflag:$0x5] =	stream.linear.gather [hbm4b:s6+s1], $0x200, $0x38;
	[tilespmem:$0x8600] =	vst v63  }
0x13: {  	_ =	swait.ge [sflag:s9], $0x200  }
0x14: {  	[sflag:s9] =	ssyncset.done $0x0  }
0x15: {  	[sflag:s9] =	ssyncadd.s32 $0xFFFFFE00  }
0x16: {  	v0 =	vld [tilespmem:$0x0];
	_ =	sdelay $0x4  }
0x17: {  	v0 =	vshll.u32 v0, $0x5  }
0x18: {  	s18 =	simm.s32 $0x440;
	v0 =	vadd.s32 s1, v0  }
0x19: {  	[tilespmem:s18+$0xFFFFFFC0] =	vst v0  }
0x1a: {  	v0 =	vld [tilespmem:$0x200];
	_ =	sdelay $0x4  }
0x1b: {  	v0 =	vshll.u32 v0, $0x5  }
0x1c: {  	s19 =	simm.s32 $0x2440;
	v0 =	vadd.s32 s1, v0  }
0x1d: {  	[tilespmem:s19+$0xFFFFFFC0] =	vst v0  }
0x1e: {  	v0 =	vld [tilespmem:$0x10];
	_ =	sdelay $0x4  }
0x1f: {  	v0 =	vshll.u32 v0, $0x5  }
0x20: {  	v0 =	vadd.s32 s1, v0  }
0x21: {  	[tilespmem:s18+$0xFFFFFFD0] =	vst v0  }
0x22: {  	v0 =	vld [tilespmem:$0x210];
	_ =	sdelay $0x4  }
0x23: {  	v0 =	vshll.u32 v0, $0x5  }
0x24: {  	v0 =	vadd.s32 s1, v0  }
0x25: {  	[tilespmem:s19+$0xFFFFFFD0] =	vst v0  }
0x26: {  	v0 =	vld [tilespmem:$0x20];
	_ =	sdelay $0x4  }
0x27: {  	v0 =	vshll.u32 v0, $0x5  }
0x28: {  	v0 =	vadd.s32 s1, v0  }
0x29: {  	[tilespmem:s18+$0xFFFFFFE0] =	vst v0  }
0x2a: {  	v0 =	vld [tilespmem:$0x220];
	_ =	sdelay $0x4  }
0x2b: {  	v0 =	vshll.u32 v0, $0x5  }
0x2c: {  	v0 =	vadd.s32 s1, v0  }
0x2d: {  	[tilespmem:s19+$0xFFFFFFE0] =	vst v0  }
0x2e: {  	v0 =	vld [tilespmem:$0x30];
	_ =	sdelay $0x4  }
0x2f: {  	v0 =	vshll.u32 v0, $0x5  }
0x30: {  	v0 =	vadd.s32 s1, v0  }
0x31: {  	[tilespmem:s18+$0xFFFFFFF0] =	vst v0  }
0x32: {  	v0 =	vld [tilespmem:$0x230];
	_ =	sdelay $0x4  }
0x33: {  	v0 =	vshll.u32 v0, $0x5  }
0x34: {  	v0 =	vadd.s32 s1, v0  }
0x35: {  	[tilespmem:s19+$0xFFFFFFF0] =	vst v0  }
0x36: {  	v0 =	vld [tilespmem:$0x40];
	_ =	sdelay $0x4  }
0x37: {  	v0 =	vshll.u32 v0, $0x5  }
0x38: {  	v0 =	vadd.s32 s1, v0  }
0x39: {  	[tilespmem:s18+$0x0] =	vst v0  }
0x3a: {  	v0 =	vld [tilespmem:$0x240];
	_ =	sdelay $0x4  }
0x3b: {  	v0 =	vshll.u32 v0, $0x5  }
0x3c: {  	v0 =	vadd.s32 s1, v0  }
0x3d: {  	[tilespmem:s19+$0x0] =	vst v0  }
0x3e: {  	v0 =	vld [tilespmem:$0x50];
	_ =	sdelay $0x4  }
0x3f: {  	v0 =	vshll.u32 v0, $0x5  }
0x40: {  	v0 =	vadd.s32 s1, v0  }
0x41: {  	[tilespmem:s18+$0x10] =	vst v0  }
0x42: {  	v0 =	vld [tilespmem:$0x250];
	_ =	sdelay $0x4  }
0x43: {  	v0 =	vshll.u32 v0, $0x5  }
0x44: {  	v0 =	vadd.s32 s1, v0  }
0x45: {  	[tilespmem:s19+$0x10] =	vst v0  }
0x46: {  	v0 =	vld [tilespmem:$0x60];
	_ =	sdelay $0x4  }
0x47: {  	v0 =	vshll.u32 v0, $0x5  }
0x48: {  	v0 =	vadd.s32 s1, v0  }
0x49: {  	[tilespmem:s18+$0x20] =	vst v0  }
0x4a: {  	v0 =	vld [tilespmem:$0x260];
	_ =	sdelay $0x4  }
0x4b: {  	v0 =	vshll.u32 v0, $0x5  }
0x4c: {  	v0 =	vadd.s32 s1, v0  }
0x4d: {  	[tilespmem:s19+$0x20] =	vst v0  }
0x4e: {  	v0 =	vld [tilespmem:$0x70];
	_ =	sdelay $0x4  }
0x4f: {  	v0 =	vshll.u32 v0, $0x5  }
0x50: {  	v0 =	vadd.s32 s1, v0  }
0x51: {  	[tilespmem:s18+$0x30] =	vst v0  }
0x52: {  	v0 =	vld [tilespmem:$0x270];
	_ =	sdelay $0x4  }
0x53: {  	v0 =	vshll.u32 v0, $0x5  }
0x54: {  	s20 =	simm.s32 $0x1;
	v0 =	vadd.s32 s1, v0  }
.LBB2_2:
0x55: {  	p0 =	sne.s32 s20, $0x1F;
	[tilespmem:s19+$0x30] =	vst v0;
	s18 =	sadd.s32 $0x80, s18;
	s19 =	sadd.s32 $0x80, s19  }
0x56: {  	s21 =	smov.u32 s20;
	s20 =	sadd.s32 $0x1, s20;
	v0 =	vld [tilespmem:$0x0];
	_ =	sdelay $0x4  }
0x57: {  	v0 =	vshll.u32 v0, $0x5  }
0x58: {  	v0 =	vadd.s32 s21, v0  }
0x59: {  	[tilespmem:s18+$0xFFFFFFC0] =	vst v0  }
0x5a: {  	v0 =	vld [tilespmem:$0x200];
	_ =	sdelay $0x4  }
0x5b: {  	v0 =	vshll.u32 v0, $0x5  }
0x5c: {  	v0 =	vadd.s32 s21, v0  }
0x5d: {  	[tilespmem:s19+$0xFFFFFFC0] =	vst v0  }
0x5e: {  	v0 =	vld [tilespmem:$0x10];
	_ =	sdelay $0x4  }
0x5f: {  	v0 =	vshll.u32 v0, $0x5  }
0x60: {  	v0 =	vadd.s32 s21, v0  }
0x61: {  	[tilespmem:s18+$0xFFFFFFD0] =	vst v0  }
0x62: {  	v0 =	vld [tilespmem:$0x210];
	_ =	sdelay $0x4  }
0x63: {  	v0 =	vshll.u32 v0, $0x5  }
0x64: {  	v0 =	vadd.s32 s21, v0  }
0x65: {  	[tilespmem:s19+$0xFFFFFFD0] =	vst v0  }
0x66: {  	v0 =	vld [tilespmem:$0x20];
	_ =	sdelay $0x4  }
0x67: {  	v0 =	vshll.u32 v0, $0x5  }
0x68: {  	v0 =	vadd.s32 s21, v0  }
0x69: {  	[tilespmem:s18+$0xFFFFFFE0] =	vst v0  }
0x6a: {  	v0 =	vld [tilespmem:$0x220];
	_ =	sdelay $0x4  }
0x6b: {  	v0 =	vshll.u32 v0, $0x5  }
0x6c: {  	v0 =	vadd.s32 s21, v0  }
0x6d: {  	[tilespmem:s19+$0xFFFFFFE0] =	vst v0  }
0x6e: {  	v0 =	vld [tilespmem:$0x30];
	_ =	sdelay $0x4  }
0x6f: {  	v0 =	vshll.u32 v0, $0x5  }
0x70: {  	v0 =	vadd.s32 s21, v0  }
0x71: {  	[tilespmem:s18+$0xFFFFFFF0] =	vst v0  }
0x72: {  	v0 =	vld [tilespmem:$0x230];
	_ =	sdelay $0x4  }
0x73: {  	v0 =	vshll.u32 v0, $0x5  }
0x74: {  	v0 =	vadd.s32 s21, v0  }
0x75: {  	[tilespmem:s19+$0xFFFFFFF0] =	vst v0  }
0x76: {  	v0 =	vld [tilespmem:$0x40];
	_ =	sdelay $0x4  }
0x77: {  	v0 =	vshll.u32 v0, $0x5  }
0x78: {  	v0 =	vadd.s32 s21, v0  }
0x79: {  	[tilespmem:s18+$0x0] =	vst v0  }
0x7a: {  	v0 =	vld [tilespmem:$0x240];
	_ =	sdelay $0x4  }
0x7b: {  	v0 =	vshll.u32 v0, $0x5  }
0x7c: {  	v0 =	vadd.s32 s21, v0  }
0x7d: {  	[tilespmem:s19+$0x0] =	vst v0  }
0x7e: {  	v0 =	vld [tilespmem:$0x50];
	_ =	sdelay $0x4  }
0x7f: {  	v0 =	vshll.u32 v0, $0x5  }
0x80: {  	v0 =	vadd.s32 s21, v0  }
0x81: {  	[tilespmem:s18+$0x10] =	vst v0  }
0x82: {  	v0 =	vld [tilespmem:$0x250];
	_ =	sdelay $0x4  }
0x83: {  	v0 =	vshll.u32 v0, $0x5  }
0x84: {  	v0 =	vadd.s32 s21, v0  }
0x85: {  	[tilespmem:s19+$0x10] =	vst v0  }
0x86: {  	v0 =	vld [tilespmem:$0x60];
	_ =	sdelay $0x4  }
0x87: {  	v0 =	vshll.u32 v0, $0x5  }
0x88: {  	v0 =	vadd.s32 s21, v0  }
0x89: {  	[tilespmem:s18+$0x20] =	vst v0  }
0x8a: {  	v0 =	vld [tilespmem:$0x260];
	_ =	sdelay $0x4  }
0x8b: {  	v0 =	vshll.u32 v0, $0x5  }
0x8c: {  	v0 =	vadd.s32 s21, v0  }
0x8d: {  	[tilespmem:s19+$0x20] =	vst v0  }
0x8e: {  	v0 =	vld [tilespmem:$0x70];
	_ =	sdelay $0x4  }
0x8f: {  	v0 =	vshll.u32 v0, $0x5  }
0x90: {  	v0 =	vadd.s32 s21, v0  }
0x91: {  	[tilespmem:s18+$0x30] =	vst v0  }
0x92: {  	v0 =	vld [tilespmem:$0x270];
	_ =	sdelay $0x1  }
.Ltmp0:
0x93: {  	(pc) =	sbr.rel @p0 .LBB2_2-.Ltmp0, $3  }
0x94: {  	_ =	sdelay $0x1  }
0x95: {  	v0 =	vshll.u32 v0, $0x5  }
0x96: {  	v0 =	vadd.s32 s21, v0;
	s21 =	simm.s32 $0x0  }
0x97: {  	[tilespmem:s19+$0x30] =	vst v0;
	s18 =	simm.s32 $0x4400;
	s31 =	simm.s32 $0x400  }
0x98: {  	[tilespmem:s18], [sflag:$0x1] =	stream.indirect.gather [hbm4b:s3+s11], $0x1, s31, s11, $0xb8;
	[tilespmem:$0x8600] =	vst v63  }
0x99: {  	s19 =	simm.s32 $0x6400;
	s20 =	simm.s32 $0x2400;
	s18 =	simm.s32 $0x200  }
.LBB2_4:
0x9a: {  	[tilespmem:s19], [sflag:$0x3] =	stream.indirect.gather [hbm4b:s4+s11], $0x1, s20, s11, $0xb8;
	[tilespmem:$0x8600] =	vst v63  }
0x9b: {  	s19 =	smov.u32 s18;
	p0 =	sne.s32 s18, $0x3E00  }
.Ltmp1:
0x9c: {  	s18 =	sadd.s32 $0x200, s18;
	(pc) =	sbr.rel @p0 .LBB2_4-.Ltmp1, $4  }
0x9d: {  	s20 =	sshra.s32 s19, $0x2  }
0x9e: {  	s19 =	sadd.s32 $0x4400, s20;
	s22 =	sadd.s32 $0x400, s20  }
0x9f: {  	[tilespmem:s19], [sflag:$0x1] =	stream.indirect.gather [hbm4b:s3+s11], $0x1, s22, s11, $0xb8;
	[tilespmem:$0x8600] =	vst v63  }
0xa0: {  	s19 =	sadd.s32 $0x6400, s20;
	s20 =	sadd.s32 $0x2400, s20  }
0xa1: {  	[tilespmem:s19], [sflag:$0x3] =	stream.indirect.gather [hbm4b:s4+s11], $0x1, s20, s11, $0xb8;
	[tilespmem:$0x8600] =	vst v63  }
0xa2: {  	v0 =	vld [tilespmem:$0x80];
	_ =	sdelay $0x4  }
0xa3: {  	v0 =	vshll.u32 v0, $0x5  }
0xa4: {  	s18 =	simm.s32 $0x1470;
	v0 =	vadd.s32 s21, v0  }
0xa5: {  	[tilespmem:s18+$0xFFFFFF90] =	vst v0  }
0xa6: {  	v0 =	vld [tilespmem:$0x280];
	_ =	sdelay $0x4  }
0xa7: {  	v0 =	vshll.u32 v0, $0x5  }
0xa8: {  	s19 =	simm.s32 $0x3470;
	v0 =	vadd.s32 s21, v0  }
0xa9: {  	[tilespmem:s19+$0xFFFFFF90] =	vst v0  }
0xaa: {  	v0 =	vld [tilespmem:$0x90];
	_ =	sdelay $0x4  }
0xab: {  	v0 =	vshll.u32 v0, $0x5  }
0xac: {  	v0 =	vadd.s32 s21, v0  }
0xad: {  	[tilespmem:s18+$0xFFFFFFA0] =	vst v0  }
0xae: {  	v0 =	vld [tilespmem:$0x290];
	_ =	sdelay $0x4  }
0xaf: {  	v0 =	vshll.u32 v0, $0x5  }
0xb0: {  	v0 =	vadd.s32 s21, v0  }
0xb1: {  	[tilespmem:s19+$0xFFFFFFA0] =	vst v0  }
0xb2: {  	v0 =	vld [tilespmem:$0xA0];
	_ =	sdelay $0x4  }
0xb3: {  	v0 =	vshll.u32 v0, $0x5  }
0xb4: {  	v0 =	vadd.s32 s21, v0  }
0xb5: {  	[tilespmem:s18+$0xFFFFFFB0] =	vst v0  }
0xb6: {  	v0 =	vld [tilespmem:$0x2A0];
	_ =	sdelay $0x4  }
0xb7: {  	v0 =	vshll.u32 v0, $0x5  }
0xb8: {  	v0 =	vadd.s32 s21, v0  }
0xb9: {  	[tilespmem:s19+$0xFFFFFFB0] =	vst v0  }
0xba: {  	v0 =	vld [tilespmem:$0xB0];
	_ =	sdelay $0x4  }
0xbb: {  	v0 =	vshll.u32 v0, $0x5  }
0xbc: {  	v0 =	vadd.s32 s21, v0  }
0xbd: {  	[tilespmem:s18+$0xFFFFFFC0] =	vst v0  }
0xbe: {  	v0 =	vld [tilespmem:$0x2B0];
	_ =	sdelay $0x4  }
0xbf: {  	v0 =	vshll.u32 v0, $0x5  }
0xc0: {  	v0 =	vadd.s32 s21, v0  }
0xc1: {  	[tilespmem:s19+$0xFFFFFFC0] =	vst v0  }
0xc2: {  	v0 =	vld [tilespmem:$0xC0];
	_ =	sdelay $0x4  }
0xc3: {  	v0 =	vshll.u32 v0, $0x5  }
0xc4: {  	v0 =	vadd.s32 s21, v0  }
0xc5: {  	[tilespmem:s18+$0xFFFFFFD0] =	vst v0  }
0xc6: {  	v0 =	vld [tilespmem:$0x2C0];
	_ =	sdelay $0x4  }
0xc7: {  	v0 =	vshll.u32 v0, $0x5  }
0xc8: {  	v0 =	vadd.s32 s21, v0  }
0xc9: {  	[tilespmem:s19+$0xFFFFFFD0] =	vst v0  }
0xca: {  	v0 =	vld [tilespmem:$0xD0];
	_ =	sdelay $0x4  }
0xcb: {  	v0 =	vshll.u32 v0, $0x5  }
0xcc: {  	v0 =	vadd.s32 s21, v0  }
0xcd: {  	[tilespmem:s18+$0xFFFFFFE0] =	vst v0  }
0xce: {  	v0 =	vld [tilespmem:$0x2D0];
	_ =	sdelay $0x4  }
0xcf: {  	v0 =	vshll.u32 v0, $0x5  }
0xd0: {  	v0 =	vadd.s32 s21, v0  }
0xd1: {  	[tilespmem:s19+$0xFFFFFFE0] =	vst v0  }
0xd2: {  	v0 =	vld [tilespmem:$0xE0];
	_ =	sdelay $0x4  }
0xd3: {  	v0 =	vshll.u32 v0, $0x5  }
0xd4: {  	v0 =	vadd.s32 s21, v0  }
0xd5: {  	[tilespmem:s18+$0xFFFFFFF0] =	vst v0  }
0xd6: {  	v0 =	vld [tilespmem:$0x2E0];
	_ =	sdelay $0x4  }
0xd7: {  	v0 =	vshll.u32 v0, $0x5  }
0xd8: {  	v0 =	vadd.s32 s21, v0  }
0xd9: {  	[tilespmem:s19+$0xFFFFFFF0] =	vst v0  }
0xda: {  	v0 =	vld [tilespmem:$0xF0];
	_ =	sdelay $0x4  }
0xdb: {  	v0 =	vshll.u32 v0, $0x5  }
0xdc: {  	v0 =	vadd.s32 s21, v0  }
0xdd: {  	[tilespmem:s18+$0x0] =	vst v0  }
0xde: {  	v0 =	vld [tilespmem:$0x2F0];
	_ =	sdelay $0x4  }
0xdf: {  	v0 =	vshll.u32 v0, $0x5  }
0xe0: {  	s20 =	simm.s32 $0x1;
	v0 =	vadd.s32 s21, v0  }
.LBB2_6:
0xe1: {  	p0 =	sne.s32 s20, $0x1F;
	[tilespmem:s19+$0x0] =	vst v0;
	s19 =	sadd.s32 $0x80, s19;
	s18 =	sadd.s32 $0x80, s18  }
0xe2: {  	s21 =	smov.u32 s20;
	s20 =	sadd.s32 $0x1, s20;
	v0 =	vld [tilespmem:$0x80];
	_ =	sdelay $0x4  }
0xe3: {  	v0 =	vshll.u32 v0, $0x5  }
0xe4: {  	v0 =	vadd.s32 s21, v0  }
0xe5: {  	[tilespmem:s18+$0xFFFFFF90] =	vst v0  }
0xe6: {  	v0 =	vld [tilespmem:$0x280];
	_ =	sdelay $0x4  }
0xe7: {  	v0 =	vshll.u32 v0, $0x5  }
0xe8: {  	v0 =	vadd.s32 s21, v0  }
0xe9: {  	[tilespmem:s19+$0xFFFFFF90] =	vst v0  }
0xea: {  	v0 =	vld [tilespmem:$0x90];
	_ =	sdelay $0x4  }
0xeb: {  	v0 =	vshll.u32 v0, $0x5  }
0xec: {  	v0 =	vadd.s32 s21, v0  }
0xed: {  	[tilespmem:s18+$0xFFFFFFA0] =	vst v0  }
0xee: {  	v0 =	vld [tilespmem:$0x290];
	_ =	sdelay $0x4  }
0xef: {  	v0 =	vshll.u32 v0, $0x5  }
0xf0: {  	v0 =	vadd.s32 s21, v0  }
0xf1: {  	[tilespmem:s19+$0xFFFFFFA0] =	vst v0  }
0xf2: {  	v0 =	vld [tilespmem:$0xA0];
	_ =	sdelay $0x4  }
0xf3: {  	v0 =	vshll.u32 v0, $0x5  }
0xf4: {  	v0 =	vadd.s32 s21, v0  }
0xf5: {  	[tilespmem:s18+$0xFFFFFFB0] =	vst v0  }
0xf6: {  	v0 =	vld [tilespmem:$0x2A0];
	_ =	sdelay $0x4  }
0xf7: {  	v0 =	vshll.u32 v0, $0x5  }
0xf8: {  	v0 =	vadd.s32 s21, v0  }
0xf9: {  	[tilespmem:s19+$0xFFFFFFB0] =	vst v0  }
0xfa: {  	v0 =	vld [tilespmem:$0xB0];
	_ =	sdelay $0x4  }
0xfb: {  	v0 =	vshll.u32 v0, $0x5  }
0xfc: {  	v0 =	vadd.s32 s21, v0  }
0xfd: {  	[tilespmem:s18+$0xFFFFFFC0] =	vst v0  }
0xfe: {  	v0 =	vld [tilespmem:$0x2B0];
	_ =	sdelay $0x4  }
0xff: {  	v0 =	vshll.u32 v0, $0x5  }
0x100: {  	v0 =	vadd.s32 s21, v0  }
0x101: {  	[tilespmem:s19+$0xFFFFFFC0] =	vst v0  }
0x102: {  	v0 =	vld [tilespmem:$0xC0];
	_ =	sdelay $0x4  }
0x103: {  	v0 =	vshll.u32 v0, $0x5  }
0x104: {  	v0 =	vadd.s32 s21, v0  }
0x105: {  	[tilespmem:s18+$0xFFFFFFD0] =	vst v0  }
0x106: {  	v0 =	vld [tilespmem:$0x2C0];
	_ =	sdelay $0x4  }
0x107: {  	v0 =	vshll.u32 v0, $0x5  }
0x108: {  	v0 =	vadd.s32 s21, v0  }
0x109: {  	[tilespmem:s19+$0xFFFFFFD0] =	vst v0  }
0x10a: {  	v0 =	vld [tilespmem:$0xD0];
	_ =	sdelay $0x4  }
0x10b: {  	v0 =	vshll.u32 v0, $0x5  }
0x10c: {  	v0 =	vadd.s32 s21, v0  }
0x10d: {  	[tilespmem:s18+$0xFFFFFFE0] =	vst v0  }
0x10e: {  	v0 =	vld [tilespmem:$0x2D0];
	_ =	sdelay $0x4  }
0x10f: {  	v0 =	vshll.u32 v0, $0x5  }
0x110: {  	v0 =	vadd.s32 s21, v0  }
0x111: {  	[tilespmem:s19+$0xFFFFFFE0] =	vst v0  }
0x112: {  	v0 =	vld [tilespmem:$0xE0];
	_ =	sdelay $0x4  }
0x113: {  	v0 =	vshll.u32 v0, $0x5  }
0x114: {  	v0 =	vadd.s32 s21, v0  }
0x115: {  	[tilespmem:s18+$0xFFFFFFF0] =	vst v0  }
0x116: {  	v0 =	vld [tilespmem:$0x2E0];
	_ =	sdelay $0x4  }
0x117: {  	v0 =	vshll.u32 v0, $0x5  }
0x118: {  	v0 =	vadd.s32 s21, v0  }
0x119: {  	[tilespmem:s19+$0xFFFFFFF0] =	vst v0  }
0x11a: {  	v0 =	vld [tilespmem:$0xF0];
	_ =	sdelay $0x4  }
0x11b: {  	v0 =	vshll.u32 v0, $0x5  }
0x11c: {  	v0 =	vadd.s32 s21, v0  }
0x11d: {  	[tilespmem:s18+$0x0] =	vst v0  }
0x11e: {  	v0 =	vld [tilespmem:$0x2F0];
	_ =	sdelay $0x1  }
.Ltmp2:
0x11f: {  	(pc) =	sbr.rel @p0 .LBB2_6-.Ltmp2, $3  }
0x120: {  	_ =	sdelay $0x1  }
0x121: {  	v0 =	vshll.u32 v0, $0x5  }
0x122: {  	v0 =	vadd.s32 s21, v0  }
0x123: {  	[tilespmem:s19+$0x0] =	vst v0;
	s18 =	simm.s32 $0x5400;
	s31 =	simm.s32 $0x1400  }
0x124: {  	[tilespmem:s18], [sflag:$0x2] =	stream.indirect.gather [hbm4b:s3+s11], $0x1, s31, s11, $0xb8;
	[tilespmem:$0x8600] =	vst v63  }
0x125: {  	s19 =	simm.s32 $0x7400;
	s20 =	simm.s32 $0x3400;
	s18 =	simm.s32 $0x200  }
.LBB2_8:
0x126: {  	[tilespmem:s19], [sflag:$0x4] =	stream.indirect.gather [hbm4b:s4+s11], $0x1, s20, s11, $0xb8;
	[tilespmem:$0x8600] =	vst v63  }
0x127: {  	s19 =	smov.u32 s18;
	p0 =	sne.s32 s18, $0x3E00  }
.Ltmp3:
0x128: {  	s18 =	sadd.s32 $0x200, s18;
	(pc) =	sbr.rel @p0 .LBB2_8-.Ltmp3, $4  }
0x129: {  	s20 =	sshra.s32 s19, $0x2  }
0x12a: {  	s19 =	sadd.s32 $0x5400, s20;
	s21 =	sadd.s32 $0x1400, s20  }
0x12b: {  	[tilespmem:s19], [sflag:$0x2] =	stream.indirect.gather [hbm4b:s3+s11], $0x1, s21, s11, $0xb8;
	[tilespmem:$0x8600] =	vst v63  }
0x12c: {  	s19 =	sadd.s32 $0x7400, s20;
	s20 =	sadd.s32 $0x3400, s20  }
0x12d: {  	[tilespmem:s19], [sflag:$0x4] =	stream.indirect.gather [hbm4b:s4+s11], $0x1, s20, s11, $0xb8;
	[tilespmem:$0x8600] =	vst v63  }
0x12e: {  	_ =	swait.ge [sflag:s12], $0x1000  }
0x12f: {  	[sflag:s12] =	ssyncset.done $0x0  }
0x130: {  	[sflag:s12] =	ssyncadd.s32 $0xFFFFF000  }
0x131: {  	_ =	swait.ge [sflag:s13], $0x1000  }
0x132: {  	[sflag:s13] =	ssyncset.done $0x0  }
0x133: {  	s19 =	simm.s32 $0x0;
	[sflag:s13] =	ssyncadd.s32 $0xFFFFF000  }
0x134: {  	v0 =	vld [tilespmem:s19+$0x4400]  }
0x135: {  	v1 =	vld [tilespmem:s19+$0x6400]  }
0x136: {  	v2 =	vld [tilespmem:s19+$0x4480]  }
0x137: {  	v3 =	vld [tilespmem:s19+$0x6480]  }
0x138: {  	v4 =	vld [tilespmem:s19+$0x4500]  }
0x139: {  	v5 =	vld [tilespmem:s19+$0x6500]  }
0x13a: {  	v6 =	vld [tilespmem:s19+$0x4580]  }
0x13b: {  	v7 =	vld [tilespmem:s19+$0x6580]  }
0x13c: {  	v0 =	vmul.f32 v1, v0;
	v1 =	vmul.f32 v3, v2;
	v2 =	vld [tilespmem:s19+$0x4600]  }
0x13d: {  	v3 =	vld [tilespmem:s19+$0x6600]  }
0x13e: {  	v0 =	vadd.f32 v1, v0;
	v1 =	vmul.f32 v5, v4;
	v4 =	vld [tilespmem:s19+$0x4680]  }
0x13f: {  	v5 =	vld [tilespmem:s19+$0x6680]  }
0x140: {  	v0 =	vadd.f32 v1, v0;
	v1 =	vmul.f32 v7, v6;
	v6 =	vld [tilespmem:s19+$0x4700]  }
0x141: {  	v7 =	vld [tilespmem:s19+$0x6700]  }
0x142: {  	v0 =	vadd.f32 v1, v0;
	v1 =	vmul.f32 v3, v2;
	v2 =	vld [tilespmem:s19+$0x4780]  }
0x143: {  	v3 =	vld [tilespmem:s19+$0x6780]  }
0x144: {  	v0 =	vadd.f32 v1, v0;
	v1 =	vmul.f32 v5, v4;
	v4 =	vld [tilespmem:s19+$0x4800]  }
0x145: {  	v5 =	vld [tilespmem:s19+$0x6800]  }
0x146: {  	v0 =	vadd.f32 v1, v0;
	v1 =	vmul.f32 v7, v6;
	v6 =	vld [tilespmem:s19+$0x4880]  }
0x147: {  	v7 =	vld [tilespmem:s19+$0x6880]  }
0x148: {  	v0 =	vadd.f32 v1, v0;
	v1 =	vmul.f32 v3, v2;
	v2 =	vld [tilespmem:s19+$0x4900]  }
0x149: {  	v3 =	vld [tilespmem:s19+$0x6900]  }
0x14a: {  	v0 =	vadd.f32 v1, v0;
	v1 =	vmul.f32 v5, v4;
	v4 =	vld [tilespmem:s19+$0x4980]  }
0x14b: {  	v5 =	vld [tilespmem:s19+$0x6980]  }
0x14c: {  	v0 =	vadd.f32 v1, v0;
	v1 =	vmul.f32 v7, v6;
	v6 =	vld [tilespmem:s19+$0x4A00]  }
0x14d: {  	v7 =	vld [tilespmem:s19+$0x6A00]  }
0x14e: {  	v0 =	vadd.f32 v1, v0;
	v1 =	vmul.f32 v3, v2;
	v2 =	vld [tilespmem:s19+$0x4A80]  }
0x14f: {  	v3 =	vld [tilespmem:s19+$0x6A80]  }
0x150: {  	v0 =	vadd.f32 v1, v0;
	v1 =	vmul.f32 v5, v4;
	v4 =	vld [tilespmem:s19+$0x4B00]  }
0x151: {  	v5 =	vld [tilespmem:s19+$0x6B00]  }
0x152: {  	v0 =	vadd.f32 v1, v0;
	v1 =	vmul.f32 v7, v6;
	v6 =	vld [tilespmem:s19+$0x4B80]  }
0x153: {  	v7 =	vld [tilespmem:s19+$0x6B80]  }
0x154: {  	v0 =	vadd.f32 v1, v0;
	v1 =	vmul.f32 v3, v2;
	v2 =	vld [tilespmem:s19+$0x4C00]  }
0x155: {  	v3 =	vld [tilespmem:s19+$0x6C00]  }
0x156: {  	v0 =	vadd.f32 v1, v0;
	v1 =	vmul.f32 v5, v4;
	v4 =	vld [tilespmem:s19+$0x4C80]  }
0x157: {  	v5 =	vld [tilespmem:s19+$0x6C80]  }
0x158: {  	v0 =	vadd.f32 v1, v0;
	v1 =	vmul.f32 v7, v6;
	v6 =	vld [tilespmem:s19+$0x4D00]  }
0x159: {  	v7 =	vld [tilespmem:s19+$0x6D00]  }
0x15a: {  	v0 =	vadd.f32 v1, v0;
	v1 =	vmul.f32 v3, v2;
	v2 =	vld [tilespmem:s19+$0x4D80]  }
0x15b: {  	v3 =	vld [tilespmem:s19+$0x6D80]  }
0x15c: {  	v0 =	vadd.f32 v1, v0;
	v1 =	vmul.f32 v5, v4;
	v4 =	vld [tilespmem:s19+$0x4E00]  }
0x15d: {  	v5 =	vld [tilespmem:s19+$0x6E00]  }
0x15e: {  	v0 =	vadd.f32 v1, v0;
	v1 =	vmul.f32 v7, v6;
	v6 =	vld [tilespmem:s19+$0x4E80]  }
0x15f: {  	v7 =	vld [tilespmem:s19+$0x6E80]  }
0x160: {  	v0 =	vadd.f32 v1, v0;
	v1 =	vmul.f32 v3, v2;
	v2 =	vld [tilespmem:s19+$0x4F00]  }
0x161: {  	v3 =	vld [tilespmem:s19+$0x6F00]  }
0x162: {  	v0 =	vadd.f32 v1, v0;
	v1 =	vmul.f32 v5, v4;
	v4 =	vld [tilespmem:s19+$0x4F80]  }
0x163: {  	v5 =	vld [tilespmem:s19+$0x6F80]  }
0x164: {  	v0 =	vadd.f32 v1, v0;
	v1 =	vmul.f32 v7, v6;
	v6 =	vld [tilespmem:s19+$0x5000]  }
0x165: {  	v7 =	vld [tilespmem:s19+$0x7000]  }
0x166: {  	v0 =	vadd.f32 v1, v0;
	v1 =	vmul.f32 v3, v2;
	v2 =	vld [tilespmem:s19+$0x5080]  }
0x167: {  	v3 =	vld [tilespmem:s19+$0x7080]  }
0x168: {  	v0 =	vadd.f32 v1, v0;
	v1 =	vmul.f32 v5, v4;
	v4 =	vld [tilespmem:s19+$0x5100]  }
0x169: {  	v5 =	vld [tilespmem:s19+$0x7100]  }
0x16a: {  	v0 =	vadd.f32 v1, v0;
	v1 =	vmul.f32 v7, v6;
	v6 =	vld [tilespmem:s19+$0x5180]  }
0x16b: {  	v7 =	vld [tilespmem:s19+$0x7180]  }
0x16c: {  	v0 =	vadd.f32 v1, v0;
	v1 =	vmul.f32 v3, v2;
	v2 =	vld [tilespmem:s19+$0x5200]  }
0x16d: {  	v3 =	vld [tilespmem:s19+$0x7200]  }
0x16e: {  	v8 =	vld [tilespmem:s19+$0x7280];
	v0 =	vadd.f32 v1, v0;
	v1 =	vmul.f32 v5, v4  }
0x16f: {  	v5 =	vld [tilespmem:s19+$0x5280]  }
0x170: {  	v0 =	vadd.f32 v1, v0;
	v1 =	vmul.f32 v7, v6;
	v6 =	vld [tilespmem:s19+$0x5300]  }
0x171: {  	v7 =	vld [tilespmem:s19+$0x7300]  }
0x172: {  	v4 =	vld [tilespmem:s19+$0x7380];
	v2 =	vmul.f32 v3, v2;
	v9 =	vadd.f32 v1, v0  }
0x173: {  	s21 =	simm.s32 $0x10;
	v1 =	vld [tilespmem:s19+$0x5380]  }
0x174: {  	v3 =	vld [tilespmem:s21+$0x4480];
	v5 =	vmul.f32 v8, v5;
	v9 =	vadd.f32 v2, v9  }
0x175: {  	v0 =	vld [tilespmem:s21+$0x4400]  }
0x176: {  	s18 =	simm.s32 $0x0;
	s20 =	simm.s32 $0x80;
	v2 =	vld [tilespmem:s21+$0x6400];
	v6 =	vmul.f32 v7, v6;
	v5 =	vadd.f32 v5, v9  }
.LBB2_10:
0x177: {  	p0 =	sne.s32 s20, $0x1C0;
	v7 =	vld [tilespmem:s21+$0x6480]  }
0x178: {  	v8 =	vld [tilespmem:s21+$0x4500];
	v5 =	vadd.f32 v6, v5;
	v1 =	vmul.f32 v4, v1  }
0x179: {  	v4 =	vld [tilespmem:s21+$0x6500]  }
0x17a: {  	v6 =	vld [tilespmem:s21+$0x4580];
	v1 =	vadd.f32 v1, v5  }
0x17b: {  	v5 =	vld [tilespmem:s21+$0x6580]  }
0x17c: {  	v0 =	vmul.f32 v2, v0;
	v2 =	vmul.f32 v7, v3;
	v3 =	vld [tilespmem:s21+$0x4600];
	[tilespmem:s19+$0x8400] =	vst v1;
	s19 =	smov.u32 s21  }
0x17d: {  	v1 =	vld [tilespmem:s19+$0x6600]  }
0x17e: {  	v0 =	vadd.f32 v2, v0;
	v2 =	vmul.f32 v4, v8;
	v4 =	vld [tilespmem:s19+$0x4680]  }
0x17f: {  	v7 =	vld [tilespmem:s19+$0x6680]  }
0x180: {  	v0 =	vadd.f32 v2, v0;
	v2 =	vmul.f32 v5, v6;
	v5 =	vld [tilespmem:s19+$0x4700]  }
0x181: {  	v6 =	vld [tilespmem:s19+$0x6700]  }
0x182: {  	v0 =	vadd.f32 v2, v0;
	v1 =	vmul.f32 v1, v3;
	v2 =	vld [tilespmem:s19+$0x4780]  }
0x183: {  	v3 =	vld [tilespmem:s19+$0x6780]  }
0x184: {  	v0 =	vadd.f32 v1, v0;
	v1 =	vmul.f32 v7, v4;
	v4 =	vld [tilespmem:s19+$0x4800]  }
0x185: {  	v7 =	vld [tilespmem:s19+$0x6800]  }
0x186: {  	v0 =	vadd.f32 v1, v0;
	v1 =	vmul.f32 v6, v5;
	v5 =	vld [tilespmem:s19+$0x4880]  }
0x187: {  	v6 =	vld [tilespmem:s19+$0x6880]  }
0x188: {  	v0 =	vadd.f32 v1, v0;
	v1 =	vmul.f32 v3, v2;
	v2 =	vld [tilespmem:s19+$0x4900]  }
0x189: {  	v3 =	vld [tilespmem:s19+$0x6900]  }
0x18a: {  	v0 =	vadd.f32 v1, v0;
	v1 =	vmul.f32 v7, v4;
	v4 =	vld [tilespmem:s19+$0x4980]  }
0x18b: {  	v7 =	vld [tilespmem:s19+$0x6980]  }
0x18c: {  	v0 =	vadd.f32 v1, v0;
	v1 =	vmul.f32 v6, v5;
	v5 =	vld [tilespmem:s19+$0x4A00]  }
0x18d: {  	v6 =	vld [tilespmem:s19+$0x6A00]  }
0x18e: {  	v0 =	vadd.f32 v1, v0;
	v1 =	vmul.f32 v3, v2;
	v2 =	vld [tilespmem:s19+$0x4A80]  }
0x18f: {  	v3 =	vld [tilespmem:s19+$0x6A80]  }
0x190: {  	v0 =	vadd.f32 v1, v0;
	v1 =	vmul.f32 v7, v4;
	v4 =	vld [tilespmem:s19+$0x4B00]  }
0x191: {  	v7 =	vld [tilespmem:s19+$0x6B00]  }
0x192: {  	v0 =	vadd.f32 v1, v0;
	v1 =	vmul.f32 v6, v5;
	v5 =	vld [tilespmem:s19+$0x4B80]  }
0x193: {  	v6 =	vld [tilespmem:s19+$0x6B80]  }
0x194: {  	v0 =	vadd.f32 v1, v0;
	v1 =	vmul.f32 v3, v2;
	v2 =	vld [tilespmem:s19+$0x4C00]  }
0x195: {  	v3 =	vld [tilespmem:s19+$0x6C00]  }
0x196: {  	v0 =	vadd.f32 v1, v0;
	v1 =	vmul.f32 v7, v4;
	v4 =	vld [tilespmem:s19+$0x4C80]  }
0x197: {  	v7 =	vld [tilespmem:s19+$0x6C80]  }
0x198: {  	v0 =	vadd.f32 v1, v0;
	v1 =	vmul.f32 v6, v5;
	v5 =	vld [tilespmem:s19+$0x4D00]  }
0x199: {  	v6 =	vld [tilespmem:s19+$0x6D00]  }
0x19a: {  	v0 =	vadd.f32 v1, v0;
	v1 =	vmul.f32 v3, v2;
	v2 =	vld [tilespmem:s19+$0x4D80]  }
0x19b: {  	v3 =	vld [tilespmem:s19+$0x6D80]  }
0x19c: {  	v0 =	vadd.f32 v1, v0;
	v1 =	vmul.f32 v7, v4;
	v4 =	vld [tilespmem:s19+$0x4E00]  }
0x19d: {  	v7 =	vld [tilespmem:s19+$0x6E00]  }
0x19e: {  	v0 =	vadd.f32 v1, v0;
	v1 =	vmul.f32 v6, v5;
	v5 =	vld [tilespmem:s19+$0x4E80]  }
0x19f: {  	v6 =	vld [tilespmem:s19+$0x6E80]  }
0x1a0: {  	v0 =	vadd.f32 v1, v0;
	v1 =	vmul.f32 v3, v2;
	v2 =	vld [tilespmem:s19+$0x4F00]  }
0x1a1: {  	v3 =	vld [tilespmem:s19+$0x6F00]  }
0x1a2: {  	v0 =	vadd.f32 v1, v0;
	v1 =	vmul.f32 v7, v4;
	v4 =	vld [tilespmem:s19+$0x4F80]  }
0x1a3: {  	v7 =	vld [tilespmem:s19+$0x6F80]  }
0x1a4: {  	v0 =	vadd.f32 v1, v0;
	v1 =	vmul.f32 v6, v5;
	v5 =	vld [tilespmem:s19+$0x5000]  }
0x1a5: {  	v6 =	vld [tilespmem:s19+$0x7000]  }
0x1a6: {  	v0 =	vadd.f32 v1, v0;
	v1 =	vmul.f32 v3, v2;
	v2 =	vld [tilespmem:s19+$0x5080]  }
0x1a7: {  	v3 =	vld [tilespmem:s19+$0x7080]  }
0x1a8: {  	v0 =	vadd.f32 v1, v0;
	v1 =	vmul.f32 v7, v4;
	v4 =	vld [tilespmem:s19+$0x5100]  }
0x1a9: {  	v7 =	vld [tilespmem:s19+$0x7100]  }
0x1aa: {  	v0 =	vadd.f32 v1, v0;
	v1 =	vmul.f32 v6, v5;
	v5 =	vld [tilespmem:s19+$0x5180]  }
0x1ab: {  	v6 =	vld [tilespmem:s19+$0x7180]  }
0x1ac: {  	v0 =	vadd.f32 v1, v0;
	v1 =	vmul.f32 v3, v2;
	v2 =	vld [tilespmem:s19+$0x5200]  }
0x1ad: {  	v3 =	vld [tilespmem:s19+$0x7200]  }
0x1ae: {  	v0 =	vadd.f32 v1, v0;
	v1 =	vmul.f32 v7, v4;
	v7 =	vld [tilespmem:s19+$0x5280]  }
0x1af: {  	v8 =	vld [tilespmem:s19+$0x7280]  }
0x1b0: {  	v0 =	vadd.f32 v1, v0;
	v1 =	vmul.f32 v6, v5;
	v6 =	vld [tilespmem:s19+$0x5300]  }
0x1b1: {  	v9 =	vld [tilespmem:s19+$0x7300]  }
.Ltmp4:
0x1b2: {  	v5 =	vadd.f32 v1, v0;
	v2 =	vmul.f32 v3, v2;
	v1 =	vld [tilespmem:s19+$0x5380];
	(pc) =	sbr.rel @p0 .LBB2_10-.Ltmp4, $4  }
0x1b3: {  	s21 =	sshra.s32 s20, $0x2;
	v4 =	vld [tilespmem:s19+$0x7380]  }
0x1b4: {  	v0 =	vld [tilespmem:s21+$0x4400];
	v5 =	vadd.f32 v2, v5;
	v7 =	vmul.f32 v8, v7  }
0x1b5: {  	v2 =	vld [tilespmem:s21+$0x6400]  }
0x1b6: {  	s20 =	sadd.s32 $0x40, s20;
	v3 =	vld [tilespmem:s21+$0x4480];
	v5 =	vadd.f32 v7, v5;
	v6 =	vmul.f32 v9, v6  }
0x1b7: {  	v7 =	vld [tilespmem:s21+$0x6480]  }
0x1b8: {  	v8 =	vld [tilespmem:s21+$0x4500];
	v5 =	vadd.f32 v6, v5;
	v1 =	vmul.f32 v4, v1  }
0x1b9: {  	v25 =	vld [tilespmem:s21+$0x6500]  }
0x1ba: {  	v26 =	vld [tilespmem:s21+$0x4580];
	v1 =	vadd.f32 v1, v5  }
0x1bb: {  	v27 =	vld [tilespmem:s21+$0x6580]  }
0x1bc: {  	v9 =	vld [tilespmem:s21+$0x4600];
	v0 =	vmul.f32 v2, v0;
	v2 =	vmul.f32 v7, v3;
	[tilespmem:s19+$0x8400] =	vst v1  }
0x1bd: {  	v1 =	vld [tilespmem:s21+$0x6600]  }
0x1be: {  	v3 =	vld [tilespmem:s21+$0x4680];
	v0 =	vadd.f32 v2, v0;
	v2 =	vmul.f32 v25, v8  }
0x1bf: {  	v28 =	vld [tilespmem:s21+$0x6680]  }
0x1c0: {  	v29 =	vld [tilespmem:s21+$0x4700];
	v0 =	vadd.f32 v2, v0;
	v2 =	vmul.f32 v27, v26  }
0x1c1: {  	v30 =	vld [tilespmem:s21+$0x6700]  }
0x1c2: {  	v31 =	vld [tilespmem:s21+$0x6780];
	v0 =	vadd.f32 v2, v0;
	v1 =	vmul.f32 v1, v9  }
0x1c3: {  	v2 =	vld [tilespmem:s21+$0x4780]  }
0x1c4: {  	v32 =	vld [tilespmem:s21+$0x6800];
	v0 =	vadd.f32 v1, v0;
	v1 =	vmul.f32 v28, v3  }
0x1c5: {  	v3 =	vld [tilespmem:s21+$0x4800]  }
0x1c6: {  	v33 =	vld [tilespmem:s21+$0x4880];
	v0 =	vadd.f32 v1, v0;
	v1 =	vmul.f32 v30, v29  }
0x1c7: {  	v34 =	vld [tilespmem:s21+$0x6880]  }
0x1c8: {  	v35 =	vld [tilespmem:s21+$0x6900];
	v0 =	vadd.f32 v1, v0;
	v1 =	vmul.f32 v31, v2  }
0x1c9: {  	v2 =	vld [tilespmem:s21+$0x4900]  }
0x1ca: {  	v36 =	vld [tilespmem:s21+$0x6980];
	v0 =	vadd.f32 v1, v0;
	v1 =	vmul.f32 v32, v3  }
0x1cb: {  	v3 =	vld [tilespmem:s21+$0x4980]  }
0x1cc: {  	v37 =	vld [tilespmem:s21+$0x4A00];
	v0 =	vadd.f32 v1, v0;
	v1 =	vmul.f32 v34, v33  }
0x1cd: {  	v38 =	vld [tilespmem:s21+$0x6A00]  }
0x1ce: {  	v39 =	vld [tilespmem:s21+$0x6A80];
	v0 =	vadd.f32 v1, v0;
	v1 =	vmul.f32 v35, v2  }
0x1cf: {  	v2 =	vld [tilespmem:s21+$0x4A80]  }
0x1d0: {  	v40 =	vld [tilespmem:s21+$0x6B00];
	v0 =	vadd.f32 v1, v0;
	v1 =	vmul.f32 v36, v3  }
0x1d1: {  	v3 =	vld [tilespmem:s21+$0x4B00]  }
0x1d2: {  	v41 =	vld [tilespmem:s21+$0x4B80];
	v0 =	vadd.f32 v1, v0;
	v1 =	vmul.f32 v38, v37  }
0x1d3: {  	v42 =	vld [tilespmem:s21+$0x6B80]  }
0x1d4: {  	v43 =	vld [tilespmem:s21+$0x6C00];
	v0 =	vadd.f32 v1, v0;
	v1 =	vmul.f32 v39, v2  }
0x1d5: {  	v2 =	vld [tilespmem:s21+$0x4C00]  }
0x1d6: {  	v44 =	vld [tilespmem:s21+$0x6C80];
	v0 =	vadd.f32 v1, v0;
	v1 =	vmul.f32 v40, v3  }
0x1d7: {  	v3 =	vld [tilespmem:s21+$0x4C80]  }
0x1d8: {  	v45 =	vld [tilespmem:s21+$0x4D00];
	v0 =	vadd.f32 v1, v0;
	v1 =	vmul.f32 v42, v41  }
0x1d9: {  	v46 =	vld [tilespmem:s21+$0x6D00]  }
0x1da: {  	v47 =	vld [tilespmem:s21+$0x6D80];
	v0 =	vadd.f32 v1, v0;
	v1 =	vmul.f32 v43, v2  }
0x1db: {  	v2 =	vld [tilespmem:s21+$0x4D80]  }
0x1dc: {  	v48 =	vld [tilespmem:s21+$0x6E00];
	v0 =	vadd.f32 v1, v0;
	v1 =	vmul.f32 v44, v3  }
0x1dd: {  	v3 =	vld [tilespmem:s21+$0x4E00]  }
0x1de: {  	v49 =	vld [tilespmem:s21+$0x4E80];
	v0 =	vadd.f32 v1, v0;
	v1 =	vmul.f32 v46, v45  }
0x1df: {  	v50 =	vld [tilespmem:s21+$0x6E80]  }
0x1e0: {  	v51 =	vld [tilespmem:s21+$0x6F00];
	v0 =	vadd.f32 v1, v0;
	v1 =	vmul.f32 v47, v2  }
0x1e1: {  	v2 =	vld [tilespmem:s21+$0x4F00]  }
0x1e2: {  	v52 =	vld [tilespmem:s21+$0x6F80];
	v0 =	vadd.f32 v1, v0;
	v1 =	vmul.f32 v48, v3  }
0x1e3: {  	v3 =	vld [tilespmem:s21+$0x4F80]  }
0x1e4: {  	v53 =	vld [tilespmem:s21+$0x5000];
	v0 =	vadd.f32 v1, v0;
	v1 =	vmul.f32 v50, v49  }
0x1e5: {  	v54 =	vld [tilespmem:s21+$0x7000]  }
0x1e6: {  	v55 =	vld [tilespmem:s21+$0x7080];
	v0 =	vadd.f32 v1, v0;
	v1 =	vmul.f32 v51, v2  }
0x1e7: {  	v2 =	vld [tilespmem:s21+$0x5080]  }
0x1e8: {  	v56 =	vld [tilespmem:s21+$0x7100];
	v0 =	vadd.f32 v1, v0;
	v1 =	vmul.f32 v52, v3  }
0x1e9: {  	v3 =	vld [tilespmem:s21+$0x5100]  }
0x1ea: {  	v57 =	vld [tilespmem:s21+$0x5180];
	v0 =	vadd.f32 v1, v0;
	v1 =	vmul.f32 v54, v53  }
0x1eb: {  	v58 =	vld [tilespmem:s21+$0x7180]  }
0x1ec: {  	v59 =	vld [tilespmem:s21+$0x7200];
	v0 =	vadd.f32 v1, v0;
	v1 =	vmul.f32 v55, v2  }
0x1ed: {  	v2 =	vld [tilespmem:s21+$0x5200]  }
0x1ee: {  	v60 =	vld [tilespmem:s21+$0x7280];
	v0 =	vadd.f32 v1, v0;
	v1 =	vmul.f32 v56, v3  }
0x1ef: {  	v3 =	vld [tilespmem:s21+$0x5280]  }
0x1f0: {  	v61 =	vld [tilespmem:s21+$0x5300];
	v0 =	vadd.f32 v1, v0;
	v1 =	vmul.f32 v58, v57  }
0x1f1: {  	v62 =	vld [tilespmem:s21+$0x7300]  }
0x1f2: {  	v63 =	vld [tilespmem:s21+$0x7380];
	v0 =	vadd.f32 v1, v0;
	v1 =	vmul.f32 v59, v2  }
0x1f3: {  	v2 =	vld [tilespmem:s21+$0x5380]  }
0x1f4: {  	v0 =	vadd.f32 v1, v0;
	v1 =	vmul.f32 v60, v3;
	_ =	sdelay $0x1  }
0x1f5: {  	v0 =	vadd.f32 v1, v0;
	v1 =	vmul.f32 v62, v61;
	_ =	sdelay $0x1  }
0x1f6: {  	v0 =	vadd.f32 v1, v0;
	v1 =	vmul.f32 v63, v2;
	_ =	sdelay $0x1  }
0x1f7: {  	v0 =	vadd.f32 v1, v0;
	_ =	sdelay $0x1  }
0x1f8: {  	[tilespmem:s21+$0x8400] =	vst v0  }
0x1f9: {  	v0 =	vld [tilespmem:$0x100];
	_ =	sdelay $0x4  }
0x1fa: {  	v0 =	vshll.u32 v0, $0x5  }
0x1fb: {  	s19 =	simm.s32 $0x440;
	v0 =	vadd.s32 s18, v0  }
0x1fc: {  	[tilespmem:s19+$0xFFFFFFC0] =	vst v0  }
0x1fd: {  	v0 =	vld [tilespmem:$0x300];
	_ =	sdelay $0x4  }
0x1fe: {  	v0 =	vshll.u32 v0, $0x5  }
0x1ff: {  	s20 =	simm.s32 $0x2440;
	v0 =	vadd.s32 s18, v0  }
0x200: {  	[tilespmem:s20+$0xFFFFFFC0] =	vst v0  }
0x201: {  	v0 =	vld [tilespmem:$0x110];
	_ =	sdelay $0x4  }
0x202: {  	v0 =	vshll.u32 v0, $0x5  }
0x203: {  	v0 =	vadd.s32 s18, v0  }
0x204: {  	[tilespmem:s19+$0xFFFFFFD0] =	vst v0  }
0x205: {  	v0 =	vld [tilespmem:$0x310];
	_ =	sdelay $0x4  }
0x206: {  	v0 =	vshll.u32 v0, $0x5  }
0x207: {  	v0 =	vadd.s32 s18, v0  }
0x208: {  	[tilespmem:s20+$0xFFFFFFD0] =	vst v0  }
0x209: {  	v0 =	vld [tilespmem:$0x120];
	_ =	sdelay $0x4  }
0x20a: {  	v0 =	vshll.u32 v0, $0x5  }
0x20b: {  	v0 =	vadd.s32 s18, v0  }
0x20c: {  	[tilespmem:s19+$0xFFFFFFE0] =	vst v0  }
0x20d: {  	v0 =	vld [tilespmem:$0x320];
	_ =	sdelay $0x4  }
0x20e: {  	v0 =	vshll.u32 v0, $0x5  }
0x20f: {  	v0 =	vadd.s32 s18, v0  }
0x210: {  	[tilespmem:s20+$0xFFFFFFE0] =	vst v0  }
0x211: {  	v0 =	vld [tilespmem:$0x130];
	_ =	sdelay $0x4  }
0x212: {  	v0 =	vshll.u32 v0, $0x5  }
0x213: {  	v0 =	vadd.s32 s18, v0  }
0x214: {  	[tilespmem:s19+$0xFFFFFFF0] =	vst v0  }
0x215: {  	v0 =	vld [tilespmem:$0x330];
	_ =	sdelay $0x4  }
0x216: {  	v0 =	vshll.u32 v0, $0x5  }
0x217: {  	v0 =	vadd.s32 s18, v0  }
0x218: {  	[tilespmem:s20+$0xFFFFFFF0] =	vst v0  }
0x219: {  	v0 =	vld [tilespmem:$0x140];
	_ =	sdelay $0x4  }
0x21a: {  	v0 =	vshll.u32 v0, $0x5  }
0x21b: {  	v0 =	vadd.s32 s18, v0  }
0x21c: {  	[tilespmem:s19+$0x0] =	vst v0  }
0x21d: {  	v0 =	vld [tilespmem:$0x340];
	_ =	sdelay $0x4  }
0x21e: {  	v0 =	vshll.u32 v0, $0x5  }
0x21f: {  	v0 =	vadd.s32 s18, v0  }
0x220: {  	[tilespmem:s20+$0x0] =	vst v0  }
0x221: {  	v0 =	vld [tilespmem:$0x150];
	_ =	sdelay $0x4  }
0x222: {  	v0 =	vshll.u32 v0, $0x5  }
0x223: {  	v0 =	vadd.s32 s18, v0  }
0x224: {  	[tilespmem:s19+$0x10] =	vst v0  }
0x225: {  	v0 =	vld [tilespmem:$0x350];
	_ =	sdelay $0x4  }
0x226: {  	v0 =	vshll.u32 v0, $0x5  }
0x227: {  	v0 =	vadd.s32 s18, v0  }
0x228: {  	[tilespmem:s20+$0x10] =	vst v0  }
0x229: {  	v0 =	vld [tilespmem:$0x160];
	_ =	sdelay $0x4  }
0x22a: {  	v0 =	vshll.u32 v0, $0x5  }
0x22b: {  	v0 =	vadd.s32 s18, v0  }
0x22c: {  	[tilespmem:s19+$0x20] =	vst v0  }
0x22d: {  	v0 =	vld [tilespmem:$0x360];
	_ =	sdelay $0x4  }
0x22e: {  	v0 =	vshll.u32 v0, $0x5  }
0x22f: {  	v0 =	vadd.s32 s18, v0  }
0x230: {  	[tilespmem:s20+$0x20] =	vst v0  }
0x231: {  	v0 =	vld [tilespmem:$0x170];
	_ =	sdelay $0x4  }
0x232: {  	v0 =	vshll.u32 v0, $0x5  }
0x233: {  	v0 =	vadd.s32 s18, v0  }
0x234: {  	[tilespmem:s19+$0x30] =	vst v0  }
0x235: {  	v0 =	vld [tilespmem:$0x370];
	_ =	sdelay $0x4  }
0x236: {  	v0 =	vshll.u32 v0, $0x5  }
0x237: {  	s21 =	simm.s32 $0x1;
	v0 =	vadd.s32 s18, v0  }
.LBB2_12:
0x238: {  	p0 =	sne.s32 s21, $0x1F;
	[tilespmem:s20+$0x30] =	vst v0;
	s19 =	sadd.s32 $0x80, s19;
	s20 =	sadd.s32 $0x80, s20  }
0x239: {  	s18 =	smov.u32 s21;
	s21 =	sadd.s32 $0x1, s21;
	v0 =	vld [tilespmem:$0x100];
	_ =	sdelay $0x4  }
0x23a: {  	v0 =	vshll.u32 v0, $0x5  }
0x23b: {  	v0 =	vadd.s32 s18, v0  }
0x23c: {  	[tilespmem:s19+$0xFFFFFFC0] =	vst v0  }
0x23d: {  	v0 =	vld [tilespmem:$0x300];
	_ =	sdelay $0x4  }
0x23e: {  	v0 =	vshll.u32 v0, $0x5  }
0x23f: {  	v0 =	vadd.s32 s18, v0  }
0x240: {  	[tilespmem:s20+$0xFFFFFFC0] =	vst v0  }
0x241: {  	v0 =	vld [tilespmem:$0x110];
	_ =	sdelay $0x4  }
0x242: {  	v0 =	vshll.u32 v0, $0x5  }
0x243: {  	v0 =	vadd.s32 s18, v0  }
0x244: {  	[tilespmem:s19+$0xFFFFFFD0] =	vst v0  }
0x245: {  	v0 =	vld [tilespmem:$0x310];
	_ =	sdelay $0x4  }
0x246: {  	v0 =	vshll.u32 v0, $0x5  }
0x247: {  	v0 =	vadd.s32 s18, v0  }
0x248: {  	[tilespmem:s20+$0xFFFFFFD0] =	vst v0  }
0x249: {  	v0 =	vld [tilespmem:$0x120];
	_ =	sdelay $0x4  }
0x24a: {  	v0 =	vshll.u32 v0, $0x5  }
0x24b: {  	v0 =	vadd.s32 s18, v0  }
0x24c: {  	[tilespmem:s19+$0xFFFFFFE0] =	vst v0  }
0x24d: {  	v0 =	vld [tilespmem:$0x320];
	_ =	sdelay $0x4  }
0x24e: {  	v0 =	vshll.u32 v0, $0x5  }
0x24f: {  	v0 =	vadd.s32 s18, v0  }
0x250: {  	[tilespmem:s20+$0xFFFFFFE0] =	vst v0  }
0x251: {  	v0 =	vld [tilespmem:$0x130];
	_ =	sdelay $0x4  }
0x252: {  	v0 =	vshll.u32 v0, $0x5  }
0x253: {  	v0 =	vadd.s32 s18, v0  }
0x254: {  	[tilespmem:s19+$0xFFFFFFF0] =	vst v0  }
0x255: {  	v0 =	vld [tilespmem:$0x330];
	_ =	sdelay $0x4  }
0x256: {  	v0 =	vshll.u32 v0, $0x5  }
0x257: {  	v0 =	vadd.s32 s18, v0  }
0x258: {  	[tilespmem:s20+$0xFFFFFFF0] =	vst v0  }
0x259: {  	v0 =	vld [tilespmem:$0x140];
	_ =	sdelay $0x4  }
0x25a: {  	v0 =	vshll.u32 v0, $0x5  }
0x25b: {  	v0 =	vadd.s32 s18, v0  }
0x25c: {  	[tilespmem:s19+$0x0] =	vst v0  }
0x25d: {  	v0 =	vld [tilespmem:$0x340];
	_ =	sdelay $0x4  }
0x25e: {  	v0 =	vshll.u32 v0, $0x5  }
0x25f: {  	v0 =	vadd.s32 s18, v0  }
0x260: {  	[tilespmem:s20+$0x0] =	vst v0  }
0x261: {  	v0 =	vld [tilespmem:$0x150];
	_ =	sdelay $0x4  }
0x262: {  	v0 =	vshll.u32 v0, $0x5  }
0x263: {  	v0 =	vadd.s32 s18, v0  }
0x264: {  	[tilespmem:s19+$0x10] =	vst v0  }
0x265: {  	v0 =	vld [tilespmem:$0x350];
	_ =	sdelay $0x4  }
0x266: {  	v0 =	vshll.u32 v0, $0x5  }
0x267: {  	v0 =	vadd.s32 s18, v0  }
0x268: {  	[tilespmem:s20+$0x10] =	vst v0  }
0x269: {  	v0 =	vld [tilespmem:$0x160];
	_ =	sdelay $0x4  }
0x26a: {  	v0 =	vshll.u32 v0, $0x5  }
0x26b: {  	v0 =	vadd.s32 s18, v0  }
0x26c: {  	[tilespmem:s19+$0x20] =	vst v0  }
0x26d: {  	v0 =	vld [tilespmem:$0x360];
	_ =	sdelay $0x4  }
0x26e: {  	v0 =	vshll.u32 v0, $0x5  }
0x26f: {  	v0 =	vadd.s32 s18, v0  }
0x270: {  	[tilespmem:s20+$0x20] =	vst v0  }
0x271: {  	v0 =	vld [tilespmem:$0x170];
	_ =	sdelay $0x4  }
0x272: {  	v0 =	vshll.u32 v0, $0x5  }
0x273: {  	v0 =	vadd.s32 s18, v0  }
0x274: {  	[tilespmem:s19+$0x30] =	vst v0  }
0x275: {  	v0 =	vld [tilespmem:$0x370];
	_ =	sdelay $0x1  }
.Ltmp5:
0x276: {  	(pc) =	sbr.rel @p0 .LBB2_12-.Ltmp5, $3  }
0x277: {  	_ =	sdelay $0x1  }
0x278: {  	v0 =	vshll.u32 v0, $0x5  }
0x279: {  	v0 =	vadd.s32 s18, v0  }
0x27a: {  	[tilespmem:s20+$0x30] =	vst v0;
	s18 =	simm.s32 $0x4400;
	s19 =	simm.s32 $0x400  }
0x27b: {  	[tilespmem:s18], [sflag:$0x1] =	stream.indirect.gather [hbm4b:s3+s11], $0x1, s19, s11, $0xb8;
	[tilespmem:$0x8600] =	vst v63  }
0x27c: {  	s20 =	simm.s32 $0x2400;
	s18 =	simm.s32 $0x200;
	s19 =	simm.s32 $0x6400  }
.LBB2_14:
0x27d: {  	[tilespmem:s19], [sflag:$0x3] =	stream.indirect.gather [hbm4b:s4+s11], $0x1, s20, s11, $0xb8;
	[tilespmem:$0x8600] =	vst v63  }
0x27e: {  	s19 =	smov.u32 s18;
	p0 =	sne.s32 s18, $0x3E00  }
.Ltmp6:
0x27f: {  	s18 =	sadd.s32 $0x200, s18;
	(pc) =	sbr.rel @p0 .LBB2_14-.Ltmp6, $4  }
0x280: {  	s20 =	sshra.s32 s19, $0x2  }
0x281: {  	s19 =	sadd.s32 $0x4400, s20;
	s21 =	sadd.s32 $0x400, s20  }
0x282: {  	[tilespmem:s19], [sflag:$0x1] =	stream.indirect.gather [hbm4b:s3+s11], $0x1, s21, s11, $0xb8;
	[tilespmem:$0x8600] =	vst v63  }
0x283: {  	s19 =	sadd.s32 $0x6400, s20;
	s20 =	sadd.s32 $0x2400, s20  }
0x284: {  	[tilespmem:s19], [sflag:$0x3] =	stream.indirect.gather [hbm4b:s4+s11], $0x1, s20, s11, $0xb8;
	[tilespmem:$0x8600] =	vst v63  }
0x285: {  	_ =	swait.ge [sflag:s14], $0x1000  }
0x286: {  	[sflag:s14] =	ssyncset.done $0x0  }
0x287: {  	[sflag:s14] =	ssyncadd.s32 $0xFFFFF000  }
0x288: {  	_ =	swait.ge [sflag:s15], $0x1000  }
0x289: {  	[sflag:s15] =	ssyncset.done $0x0  }
0x28a: {  	s19 =	simm.s32 $0x0;
	[sflag:s15] =	ssyncadd.s32 $0xFFFFF000  }
0x28b: {  	v0 =	vld [tilespmem:s19+$0x5400]  }
0x28c: {  	v1 =	vld [tilespmem:s19+$0x7400]  }
0x28d: {  	v2 =	vld [tilespmem:s19+$0x5480]  }
0x28e: {  	v3 =	vld [tilespmem:s19+$0x7480]  }
0x28f: {  	v4 =	vld [tilespmem:s19+$0x5500]  }
0x290: {  	v5 =	vld [tilespmem:s19+$0x7500]  }
0x291: {  	v6 =	vld [tilespmem:s19+$0x5580]  }
0x292: {  	v7 =	vld [tilespmem:s19+$0x7580]  }
0x293: {  	v0 =	vmul.f32 v1, v0;
	v1 =	vmul.f32 v3, v2;
	v2 =	vld [tilespmem:s19+$0x5600]  }
0x294: {  	v3 =	vld [tilespmem:s19+$0x7600]  }
0x295: {  	v0 =	vadd.f32 v1, v0;
	v1 =	vmul.f32 v5, v4;
	v4 =	vld [tilespmem:s19+$0x5680]  }
0x296: {  	v5 =	vld [tilespmem:s19+$0x7680]  }
0x297: {  	v0 =	vadd.f32 v1, v0;
	v1 =	vmul.f32 v7, v6;
	v6 =	vld [tilespmem:s19+$0x5700]  }
0x298: {  	v7 =	vld [tilespmem:s19+$0x7700]  }
0x299: {  	v0 =	vadd.f32 v1, v0;
	v1 =	vmul.f32 v3, v2;
	v2 =	vld [tilespmem:s19+$0x5780]  }
0x29a: {  	v3 =	vld [tilespmem:s19+$0x7780]  }
0x29b: {  	v0 =	vadd.f32 v1, v0;
	v1 =	vmul.f32 v5, v4;
	v4 =	vld [tilespmem:s19+$0x5800]  }
0x29c: {  	v5 =	vld [tilespmem:s19+$0x7800]  }
0x29d: {  	v0 =	vadd.f32 v1, v0;
	v1 =	vmul.f32 v7, v6;
	v6 =	vld [tilespmem:s19+$0x5880]  }
0x29e: {  	v7 =	vld [tilespmem:s19+$0x7880]  }
0x29f: {  	v0 =	vadd.f32 v1, v0;
	v1 =	vmul.f32 v3, v2;
	v2 =	vld [tilespmem:s19+$0x5900]  }
0x2a0: {  	v3 =	vld [tilespmem:s19+$0x7900]  }
0x2a1: {  	v0 =	vadd.f32 v1, v0;
	v1 =	vmul.f32 v5, v4;
	v4 =	vld [tilespmem:s19+$0x5980]  }
0x2a2: {  	v5 =	vld [tilespmem:s19+$0x7980]  }
0x2a3: {  	v0 =	vadd.f32 v1, v0;
	v1 =	vmul.f32 v7, v6;
	v6 =	vld [tilespmem:s19+$0x5A00]  }
0x2a4: {  	v7 =	vld [tilespmem:s19+$0x7A00]  }
0x2a5: {  	v0 =	vadd.f32 v1, v0;
	v1 =	vmul.f32 v3, v2;
	v2 =	vld [tilespmem:s19+$0x5A80]  }
0x2a6: {  	v3 =	vld [tilespmem:s19+$0x7A80]  }
0x2a7: {  	v0 =	vadd.f32 v1, v0;
	v1 =	vmul.f32 v5, v4;
	v4 =	vld [tilespmem:s19+$0x5B00]  }
0x2a8: {  	v5 =	vld [tilespmem:s19+$0x7B00]  }
0x2a9: {  	v0 =	vadd.f32 v1, v0;
	v1 =	vmul.f32 v7, v6;
	v6 =	vld [tilespmem:s19+$0x5B80]  }
0x2aa: {  	v7 =	vld [tilespmem:s19+$0x7B80]  }
0x2ab: {  	v0 =	vadd.f32 v1, v0;
	v1 =	vmul.f32 v3, v2;
	v2 =	vld [tilespmem:s19+$0x5C00]  }
0x2ac: {  	v3 =	vld [tilespmem:s19+$0x7C00]  }
0x2ad: {  	v0 =	vadd.f32 v1, v0;
	v1 =	vmul.f32 v5, v4;
	v4 =	vld [tilespmem:s19+$0x5C80]  }
0x2ae: {  	v5 =	vld [tilespmem:s19+$0x7C80]  }
0x2af: {  	v0 =	vadd.f32 v1, v0;
	v1 =	vmul.f32 v7, v6;
	v6 =	vld [tilespmem:s19+$0x5D00]  }
0x2b0: {  	v7 =	vld [tilespmem:s19+$0x7D00]  }
0x2b1: {  	v0 =	vadd.f32 v1, v0;
	v1 =	vmul.f32 v3, v2;
	v2 =	vld [tilespmem:s19+$0x5D80]  }
0x2b2: {  	v3 =	vld [tilespmem:s19+$0x7D80]  }
0x2b3: {  	v0 =	vadd.f32 v1, v0;
	v1 =	vmul.f32 v5, v4;
	v4 =	vld [tilespmem:s19+$0x5E00]  }
0x2b4: {  	v5 =	vld [tilespmem:s19+$0x7E00]  }
0x2b5: {  	v0 =	vadd.f32 v1, v0;
	v1 =	vmul.f32 v7, v6;
	v6 =	vld [tilespmem:s19+$0x5E80]  }
0x2b6: {  	v7 =	vld [tilespmem:s19+$0x7E80]  }
0x2b7: {  	v0 =	vadd.f32 v1, v0;
	v1 =	vmul.f32 v3, v2;
	v2 =	vld [tilespmem:s19+$0x5F00]  }
0x2b8: {  	v3 =	vld [tilespmem:s19+$0x7F00]  }
0x2b9: {  	v0 =	vadd.f32 v1, v0;
	v1 =	vmul.f32 v5, v4;
	v4 =	vld [tilespmem:s19+$0x5F80]  }
0x2ba: {  	v5 =	vld [tilespmem:s19+$0x7F80]  }
0x2bb: {  	v0 =	vadd.f32 v1, v0;
	v1 =	vmul.f32 v7, v6;
	v6 =	vld [tilespmem:s19+$0x6000]  }
0x2bc: {  	v7 =	vld [tilespmem:s19+$0x8000]  }
0x2bd: {  	v0 =	vadd.f32 v1, v0;
	v1 =	vmul.f32 v3, v2;
	v2 =	vld [tilespmem:s19+$0x6080]  }
0x2be: {  	v3 =	vld [tilespmem:s19+$0x8080]  }
0x2bf: {  	v0 =	vadd.f32 v1, v0;
	v1 =	vmul.f32 v5, v4;
	v4 =	vld [tilespmem:s19+$0x6100]  }
0x2c0: {  	v5 =	vld [tilespmem:s19+$0x8100]  }
0x2c1: {  	v0 =	vadd.f32 v1, v0;
	v1 =	vmul.f32 v7, v6;
	v6 =	vld [tilespmem:s19+$0x6180]  }
0x2c2: {  	v7 =	vld [tilespmem:s19+$0x8180]  }
0x2c3: {  	v0 =	vadd.f32 v1, v0;
	v1 =	vmul.f32 v3, v2;
	v2 =	vld [tilespmem:s19+$0x6200]  }
0x2c4: {  	v3 =	vld [tilespmem:s19+$0x8200]  }
0x2c5: {  	v8 =	vld [tilespmem:s19+$0x8280];
	v0 =	vadd.f32 v1, v0;
	v1 =	vmul.f32 v5, v4  }
0x2c6: {  	v5 =	vld [tilespmem:s19+$0x6280]  }
0x2c7: {  	v0 =	vadd.f32 v1, v0;
	v1 =	vmul.f32 v7, v6;
	v6 =	vld [tilespmem:s19+$0x6300]  }
0x2c8: {  	v7 =	vld [tilespmem:s19+$0x8300]  }
0x2c9: {  	v4 =	vld [tilespmem:s19+$0x8380];
	v2 =	vmul.f32 v3, v2;
	v9 =	vadd.f32 v1, v0  }
0x2ca: {  	s21 =	simm.s32 $0x10;
	v1 =	vld [tilespmem:s19+$0x6380]  }
0x2cb: {  	v3 =	vld [tilespmem:s21+$0x5480];
	v5 =	vmul.f32 v8, v5;
	v9 =	vadd.f32 v2, v9  }
0x2cc: {  	v0 =	vld [tilespmem:s21+$0x5400]  }
0x2cd: {  	s18 =	simm.s32 $0x0;
	s20 =	simm.s32 $0x80;
	v2 =	vld [tilespmem:s21+$0x7400];
	v6 =	vmul.f32 v7, v6;
	v5 =	vadd.f32 v5, v9  }
.LBB2_16:
0x2ce: {  	p0 =	sne.s32 s20, $0x1C0;
	v7 =	vld [tilespmem:s21+$0x7480]  }
0x2cf: {  	v8 =	vld [tilespmem:s21+$0x5500];
	v5 =	vadd.f32 v6, v5;
	v1 =	vmul.f32 v4, v1  }
0x2d0: {  	v4 =	vld [tilespmem:s21+$0x7500]  }
0x2d1: {  	v6 =	vld [tilespmem:s21+$0x5580];
	v1 =	vadd.f32 v1, v5  }
0x2d2: {  	v5 =	vld [tilespmem:s21+$0x7580]  }
0x2d3: {  	v0 =	vmul.f32 v2, v0;
	v2 =	vmul.f32 v7, v3;
	v3 =	vld [tilespmem:s21+$0x5600];
	[tilespmem:s19+$0x8480] =	vst v1;
	s19 =	smov.u32 s21  }
0x2d4: {  	v1 =	vld [tilespmem:s19+$0x7600]  }
0x2d5: {  	v0 =	vadd.f32 v2, v0;
	v2 =	vmul.f32 v4, v8;
	v4 =	vld [tilespmem:s19+$0x5680]  }
0x2d6: {  	v7 =	vld [tilespmem:s19+$0x7680]  }
0x2d7: {  	v0 =	vadd.f32 v2, v0;
	v2 =	vmul.f32 v5, v6;
	v5 =	vld [tilespmem:s19+$0x5700]  }
0x2d8: {  	v6 =	vld [tilespmem:s19+$0x7700]  }
0x2d9: {  	v0 =	vadd.f32 v2, v0;
	v1 =	vmul.f32 v1, v3;
	v2 =	vld [tilespmem:s19+$0x5780]  }
0x2da: {  	v3 =	vld [tilespmem:s19+$0x7780]  }
0x2db: {  	v0 =	vadd.f32 v1, v0;
	v1 =	vmul.f32 v7, v4;
	v4 =	vld [tilespmem:s19+$0x5800]  }
0x2dc: {  	v7 =	vld [tilespmem:s19+$0x7800]  }
0x2dd: {  	v0 =	vadd.f32 v1, v0;
	v1 =	vmul.f32 v6, v5;
	v5 =	vld [tilespmem:s19+$0x5880]  }
0x2de: {  	v6 =	vld [tilespmem:s19+$0x7880]  }
0x2df: {  	v0 =	vadd.f32 v1, v0;
	v1 =	vmul.f32 v3, v2;
	v2 =	vld [tilespmem:s19+$0x5900]  }
0x2e0: {  	v3 =	vld [tilespmem:s19+$0x7900]  }
0x2e1: {  	v0 =	vadd.f32 v1, v0;
	v1 =	vmul.f32 v7, v4;
	v4 =	vld [tilespmem:s19+$0x5980]  }
0x2e2: {  	v7 =	vld [tilespmem:s19+$0x7980]  }
0x2e3: {  	v0 =	vadd.f32 v1, v0;
	v1 =	vmul.f32 v6, v5;
	v5 =	vld [tilespmem:s19+$0x5A00]  }
0x2e4: {  	v6 =	vld [tilespmem:s19+$0x7A00]  }
0x2e5: {  	v0 =	vadd.f32 v1, v0;
	v1 =	vmul.f32 v3, v2;
	v2 =	vld [tilespmem:s19+$0x5A80]  }
0x2e6: {  	v3 =	vld [tilespmem:s19+$0x7A80]  }
0x2e7: {  	v0 =	vadd.f32 v1, v0;
	v1 =	vmul.f32 v7, v4;
	v4 =	vld [tilespmem:s19+$0x5B00]  }
0x2e8: {  	v7 =	vld [tilespmem:s19+$0x7B00]  }
0x2e9: {  	v0 =	vadd.f32 v1, v0;
	v1 =	vmul.f32 v6, v5;
	v5 =	vld [tilespmem:s19+$0x5B80]  }
0x2ea: {  	v6 =	vld [tilespmem:s19+$0x7B80]  }
0x2eb: {  	v0 =	vadd.f32 v1, v0;
	v1 =	vmul.f32 v3, v2;
	v2 =	vld [tilespmem:s19+$0x5C00]  }
0x2ec: {  	v3 =	vld [tilespmem:s19+$0x7C00]  }
0x2ed: {  	v0 =	vadd.f32 v1, v0;
	v1 =	vmul.f32 v7, v4;
	v4 =	vld [tilespmem:s19+$0x5C80]  }
0x2ee: {  	v7 =	vld [tilespmem:s19+$0x7C80]  }
0x2ef: {  	v0 =	vadd.f32 v1, v0;
	v1 =	vmul.f32 v6, v5;
	v5 =	vld [tilespmem:s19+$0x5D00]  }
0x2f0: {  	v6 =	vld [tilespmem:s19+$0x7D00]  }
0x2f1: {  	v0 =	vadd.f32 v1, v0;
	v1 =	vmul.f32 v3, v2;
	v2 =	vld [tilespmem:s19+$0x5D80]  }
0x2f2: {  	v3 =	vld [tilespmem:s19+$0x7D80]  }
0x2f3: {  	v0 =	vadd.f32 v1, v0;
	v1 =	vmul.f32 v7, v4;
	v4 =	vld [tilespmem:s19+$0x5E00]  }
0x2f4: {  	v7 =	vld [tilespmem:s19+$0x7E00]  }
0x2f5: {  	v0 =	vadd.f32 v1, v0;
	v1 =	vmul.f32 v6, v5;
	v5 =	vld [tilespmem:s19+$0x5E80]  }
0x2f6: {  	v6 =	vld [tilespmem:s19+$0x7E80]  }
0x2f7: {  	v0 =	vadd.f32 v1, v0;
	v1 =	vmul.f32 v3, v2;
	v2 =	vld [tilespmem:s19+$0x5F00]  }
0x2f8: {  	v3 =	vld [tilespmem:s19+$0x7F00]  }
0x2f9: {  	v0 =	vadd.f32 v1, v0;
	v1 =	vmul.f32 v7, v4;
	v4 =	vld [tilespmem:s19+$0x5F80]  }
0x2fa: {  	v7 =	vld [tilespmem:s19+$0x7F80]  }
0x2fb: {  	v0 =	vadd.f32 v1, v0;
	v1 =	vmul.f32 v6, v5;
	v5 =	vld [tilespmem:s19+$0x6000]  }
0x2fc: {  	v6 =	vld [tilespmem:s19+$0x8000]  }
0x2fd: {  	v0 =	vadd.f32 v1, v0;
	v1 =	vmul.f32 v3, v2;
	v2 =	vld [tilespmem:s19+$0x6080]  }
0x2fe: {  	v3 =	vld [tilespmem:s19+$0x8080]  }
0x2ff: {  	v0 =	vadd.f32 v1, v0;
	v1 =	vmul.f32 v7, v4;
	v4 =	vld [tilespmem:s19+$0x6100]  }
0x300: {  	v7 =	vld [tilespmem:s19+$0x8100]  }
0x301: {  	v0 =	vadd.f32 v1, v0;
	v1 =	vmul.f32 v6, v5;
	v5 =	vld [tilespmem:s19+$0x6180]  }
0x302: {  	v6 =	vld [tilespmem:s19+$0x8180]  }
0x303: {  	v0 =	vadd.f32 v1, v0;
	v1 =	vmul.f32 v3, v2;
	v2 =	vld [tilespmem:s19+$0x6200]  }
0x304: {  	v3 =	vld [tilespmem:s19+$0x8200]  }
0x305: {  	v0 =	vadd.f32 v1, v0;
	v1 =	vmul.f32 v7, v4;
	v7 =	vld [tilespmem:s19+$0x6280]  }
0x306: {  	v8 =	vld [tilespmem:s19+$0x8280]  }
0x307: {  	v0 =	vadd.f32 v1, v0;
	v1 =	vmul.f32 v6, v5;
	v6 =	vld [tilespmem:s19+$0x6300]  }
0x308: {  	v9 =	vld [tilespmem:s19+$0x8300]  }
.Ltmp7:
0x309: {  	v5 =	vadd.f32 v1, v0;
	v2 =	vmul.f32 v3, v2;
	v1 =	vld [tilespmem:s19+$0x6380];
	(pc) =	sbr.rel @p0 .LBB2_16-.Ltmp7, $4  }
0x30a: {  	s21 =	sshra.s32 s20, $0x2;
	v4 =	vld [tilespmem:s19+$0x8380]  }
0x30b: {  	v0 =	vld [tilespmem:s21+$0x5400];
	v5 =	vadd.f32 v2, v5;
	v7 =	vmul.f32 v8, v7  }
0x30c: {  	v2 =	vld [tilespmem:s21+$0x7400]  }
0x30d: {  	s20 =	sadd.s32 $0x40, s20;
	v3 =	vld [tilespmem:s21+$0x5480];
	v5 =	vadd.f32 v7, v5;
	v6 =	vmul.f32 v9, v6  }
0x30e: {  	v7 =	vld [tilespmem:s21+$0x7480]  }
0x30f: {  	v8 =	vld [tilespmem:s21+$0x5500];
	v5 =	vadd.f32 v6, v5;
	v1 =	vmul.f32 v4, v1  }
0x310: {  	v25 =	vld [tilespmem:s21+$0x7500]  }
0x311: {  	v26 =	vld [tilespmem:s21+$0x5580];
	v1 =	vadd.f32 v1, v5  }
0x312: {  	v27 =	vld [tilespmem:s21+$0x7580]  }
0x313: {  	v9 =	vld [tilespmem:s21+$0x5600];
	v0 =	vmul.f32 v2, v0;
	v2 =	vmul.f32 v7, v3;
	[tilespmem:s19+$0x8480] =	vst v1  }
0x314: {  	v1 =	vld [tilespmem:s21+$0x7600]  }
0x315: {  	v3 =	vld [tilespmem:s21+$0x5680];
	v0 =	vadd.f32 v2, v0;
	v2 =	vmul.f32 v25, v8  }
0x316: {  	v28 =	vld [tilespmem:s21+$0x7680]  }
0x317: {  	v29 =	vld [tilespmem:s21+$0x5700];
	v0 =	vadd.f32 v2, v0;
	v2 =	vmul.f32 v27, v26  }
0x318: {  	v30 =	vld [tilespmem:s21+$0x7700]  }
0x319: {  	v31 =	vld [tilespmem:s21+$0x7780];
	v0 =	vadd.f32 v2, v0;
	v1 =	vmul.f32 v1, v9  }
0x31a: {  	v2 =	vld [tilespmem:s21+$0x5780]  }
0x31b: {  	v32 =	vld [tilespmem:s21+$0x7800];
	v0 =	vadd.f32 v1, v0;
	v1 =	vmul.f32 v28, v3  }
0x31c: {  	v3 =	vld [tilespmem:s21+$0x5800]  }
0x31d: {  	v33 =	vld [tilespmem:s21+$0x5880];
	v0 =	vadd.f32 v1, v0;
	v1 =	vmul.f32 v30, v29  }
0x31e: {  	v34 =	vld [tilespmem:s21+$0x7880]  }
0x31f: {  	v35 =	vld [tilespmem:s21+$0x7900];
	v0 =	vadd.f32 v1, v0;
	v1 =	vmul.f32 v31, v2  }
0x320: {  	v2 =	vld [tilespmem:s21+$0x5900]  }
0x321: {  	v36 =	vld [tilespmem:s21+$0x7980];
	v0 =	vadd.f32 v1, v0;
	v1 =	vmul.f32 v32, v3  }
0x322: {  	v3 =	vld [tilespmem:s21+$0x5980]  }
0x323: {  	v37 =	vld [tilespmem:s21+$0x5A00];
	v0 =	vadd.f32 v1, v0;
	v1 =	vmul.f32 v34, v33  }
0x324: {  	v38 =	vld [tilespmem:s21+$0x7A00]  }
0x325: {  	v39 =	vld [tilespmem:s21+$0x7A80];
	v0 =	vadd.f32 v1, v0;
	v1 =	vmul.f32 v35, v2  }
0x326: {  	v2 =	vld [tilespmem:s21+$0x5A80]  }
0x327: {  	v40 =	vld [tilespmem:s21+$0x7B00];
	v0 =	vadd.f32 v1, v0;
	v1 =	vmul.f32 v36, v3  }
0x328: {  	v3 =	vld [tilespmem:s21+$0x5B00]  }
0x329: {  	v41 =	vld [tilespmem:s21+$0x5B80];
	v0 =	vadd.f32 v1, v0;
	v1 =	vmul.f32 v38, v37  }
0x32a: {  	v42 =	vld [tilespmem:s21+$0x7B80]  }
0x32b: {  	v43 =	vld [tilespmem:s21+$0x7C00];
	v0 =	vadd.f32 v1, v0;
	v1 =	vmul.f32 v39, v2  }
0x32c: {  	v2 =	vld [tilespmem:s21+$0x5C00]  }
0x32d: {  	v44 =	vld [tilespmem:s21+$0x7C80];
	v0 =	vadd.f32 v1, v0;
	v1 =	vmul.f32 v40, v3  }
0x32e: {  	v3 =	vld [tilespmem:s21+$0x5C80]  }
0x32f: {  	v45 =	vld [tilespmem:s21+$0x5D00];
	v0 =	vadd.f32 v1, v0;
	v1 =	vmul.f32 v42, v41  }
0x330: {  	v46 =	vld [tilespmem:s21+$0x7D00]  }
0x331: {  	v47 =	vld [tilespmem:s21+$0x7D80];
	v0 =	vadd.f32 v1, v0;
	v1 =	vmul.f32 v43, v2  }
0x332: {  	v2 =	vld [tilespmem:s21+$0x5D80]  }
0x333: {  	v48 =	vld [tilespmem:s21+$0x7E00];
	v0 =	vadd.f32 v1, v0;
	v1 =	vmul.f32 v44, v3  }
0x334: {  	v3 =	vld [tilespmem:s21+$0x5E00]  }
0x335: {  	v49 =	vld [tilespmem:s21+$0x5E80];
	v0 =	vadd.f32 v1, v0;
	v1 =	vmul.f32 v46, v45  }
0x336: {  	v50 =	vld [tilespmem:s21+$0x7E80]  }
0x337: {  	v51 =	vld [tilespmem:s21+$0x7F00];
	v0 =	vadd.f32 v1, v0;
	v1 =	vmul.f32 v47, v2  }
0x338: {  	v2 =	vld [tilespmem:s21+$0x5F00]  }
0x339: {  	v52 =	vld [tilespmem:s21+$0x7F80];
	v0 =	vadd.f32 v1, v0;
	v1 =	vmul.f32 v48, v3  }
0x33a: {  	v3 =	vld [tilespmem:s21+$0x5F80]  }
0x33b: {  	v53 =	vld [tilespmem:s21+$0x6000];
	v0 =	vadd.f32 v1, v0;
	v1 =	vmul.f32 v50, v49  }
0x33c: {  	v54 =	vld [tilespmem:s21+$0x8000]  }
0x33d: {  	v55 =	vld [tilespmem:s21+$0x8080];
	v0 =	vadd.f32 v1, v0;
	v1 =	vmul.f32 v51, v2  }
0x33e: {  	v2 =	vld [tilespmem:s21+$0x6080]  }
0x33f: {  	v56 =	vld [tilespmem:s21+$0x8100];
	v0 =	vadd.f32 v1, v0;
	v1 =	vmul.f32 v52, v3  }
0x340: {  	v3 =	vld [tilespmem:s21+$0x6100]  }
0x341: {  	v57 =	vld [tilespmem:s21+$0x6180];
	v0 =	vadd.f32 v1, v0;
	v1 =	vmul.f32 v54, v53  }
0x342: {  	v58 =	vld [tilespmem:s21+$0x8180]  }
0x343: {  	v59 =	vld [tilespmem:s21+$0x8200];
	v0 =	vadd.f32 v1, v0;
	v1 =	vmul.f32 v55, v2  }
0x344: {  	v2 =	vld [tilespmem:s21+$0x6200]  }
0x345: {  	v60 =	vld [tilespmem:s21+$0x8280];
	v0 =	vadd.f32 v1, v0;
	v1 =	vmul.f32 v56, v3  }
0x346: {  	v3 =	vld [tilespmem:s21+$0x6280]  }
0x347: {  	v61 =	vld [tilespmem:s21+$0x6300];
	v0 =	vadd.f32 v1, v0;
	v1 =	vmul.f32 v58, v57  }
0x348: {  	v62 =	vld [tilespmem:s21+$0x8300]  }
0x349: {  	v63 =	vld [tilespmem:s21+$0x8380];
	v0 =	vadd.f32 v1, v0;
	v1 =	vmul.f32 v59, v2  }
0x34a: {  	v2 =	vld [tilespmem:s21+$0x6380]  }
0x34b: {  	v0 =	vadd.f32 v1, v0;
	v1 =	vmul.f32 v60, v3;
	_ =	sdelay $0x1  }
0x34c: {  	v0 =	vadd.f32 v1, v0;
	v1 =	vmul.f32 v62, v61;
	_ =	sdelay $0x1  }
0x34d: {  	v0 =	vadd.f32 v1, v0;
	v1 =	vmul.f32 v63, v2;
	_ =	sdelay $0x1  }
0x34e: {  	v0 =	vadd.f32 v1, v0;
	_ =	sdelay $0x1  }
0x34f: {  	[tilespmem:s21+$0x8480] =	vst v0  }
0x350: {  	v0 =	vld [tilespmem:$0x180];
	_ =	sdelay $0x4  }
0x351: {  	v0 =	vshll.u32 v0, $0x5  }
0x352: {  	s19 =	simm.s32 $0x1470;
	v0 =	vadd.s32 s18, v0  }
0x353: {  	[tilespmem:s19+$0xFFFFFF90] =	vst v0  }
0x354: {  	v0 =	vld [tilespmem:$0x380];
	_ =	sdelay $0x4  }
0x355: {  	v0 =	vshll.u32 v0, $0x5  }
0x356: {  	s20 =	simm.s32 $0x3470;
	v0 =	vadd.s32 s18, v0  }
0x357: {  	[tilespmem:s20+$0xFFFFFF90] =	vst v0  }
0x358: {  	v0 =	vld [tilespmem:$0x190];
	_ =	sdelay $0x4  }
0x359: {  	v0 =	vshll.u32 v0, $0x5  }
0x35a: {  	v0 =	vadd.s32 s18, v0  }
0x35b: {  	[tilespmem:s19+$0xFFFFFFA0] =	vst v0  }
0x35c: {  	v0 =	vld [tilespmem:$0x390];
	_ =	sdelay $0x4  }
0x35d: {  	v0 =	vshll.u32 v0, $0x5  }
0x35e: {  	v0 =	vadd.s32 s18, v0  }
0x35f: {  	[tilespmem:s20+$0xFFFFFFA0] =	vst v0  }
0x360: {  	v0 =	vld [tilespmem:$0x1A0];
	_ =	sdelay $0x4  }
0x361: {  	v0 =	vshll.u32 v0, $0x5  }
0x362: {  	v0 =	vadd.s32 s18, v0  }
0x363: {  	[tilespmem:s19+$0xFFFFFFB0] =	vst v0  }
0x364: {  	v0 =	vld [tilespmem:$0x3A0];
	_ =	sdelay $0x4  }
0x365: {  	v0 =	vshll.u32 v0, $0x5  }
0x366: {  	v0 =	vadd.s32 s18, v0  }
0x367: {  	[tilespmem:s20+$0xFFFFFFB0] =	vst v0  }
0x368: {  	v0 =	vld [tilespmem:$0x1B0];
	_ =	sdelay $0x4  }
0x369: {  	v0 =	vshll.u32 v0, $0x5  }
0x36a: {  	v0 =	vadd.s32 s18, v0  }
0x36b: {  	[tilespmem:s19+$0xFFFFFFC0] =	vst v0  }
0x36c: {  	v0 =	vld [tilespmem:$0x3B0];
	_ =	sdelay $0x4  }
0x36d: {  	v0 =	vshll.u32 v0, $0x5  }
0x36e: {  	v0 =	vadd.s32 s18, v0  }
0x36f: {  	[tilespmem:s20+$0xFFFFFFC0] =	vst v0  }
0x370: {  	v0 =	vld [tilespmem:$0x1C0];
	_ =	sdelay $0x4  }
0x371: {  	v0 =	vshll.u32 v0, $0x5  }
0x372: {  	v0 =	vadd.s32 s18, v0  }
0x373: {  	[tilespmem:s19+$0xFFFFFFD0] =	vst v0  }
0x374: {  	v0 =	vld [tilespmem:$0x3C0];
	_ =	sdelay $0x4  }
0x375: {  	v0 =	vshll.u32 v0, $0x5  }
0x376: {  	v0 =	vadd.s32 s18, v0  }
0x377: {  	[tilespmem:s20+$0xFFFFFFD0] =	vst v0  }
0x378: {  	v0 =	vld [tilespmem:$0x1D0];
	_ =	sdelay $0x4  }
0x379: {  	v0 =	vshll.u32 v0, $0x5  }
0x37a: {  	v0 =	vadd.s32 s18, v0  }
0x37b: {  	[tilespmem:s19+$0xFFFFFFE0] =	vst v0  }
0x37c: {  	v0 =	vld [tilespmem:$0x3D0];
	_ =	sdelay $0x4  }
0x37d: {  	v0 =	vshll.u32 v0, $0x5  }
0x37e: {  	v0 =	vadd.s32 s18, v0  }
0x37f: {  	[tilespmem:s20+$0xFFFFFFE0] =	vst v0  }
0x380: {  	v0 =	vld [tilespmem:$0x1E0];
	_ =	sdelay $0x4  }
0x381: {  	v0 =	vshll.u32 v0, $0x5  }
0x382: {  	v0 =	vadd.s32 s18, v0  }
0x383: {  	[tilespmem:s19+$0xFFFFFFF0] =	vst v0  }
0x384: {  	v0 =	vld [tilespmem:$0x3E0];
	_ =	sdelay $0x4  }
0x385: {  	v0 =	vshll.u32 v0, $0x5  }
0x386: {  	v0 =	vadd.s32 s18, v0  }
0x387: {  	[tilespmem:s20+$0xFFFFFFF0] =	vst v0  }
0x388: {  	v0 =	vld [tilespmem:$0x1F0];
	_ =	sdelay $0x4  }
0x389: {  	v0 =	vshll.u32 v0, $0x5  }
0x38a: {  	v0 =	vadd.s32 s18, v0  }
0x38b: {  	[tilespmem:s19+$0x0] =	vst v0  }
0x38c: {  	v0 =	vld [tilespmem:$0x3F0];
	_ =	sdelay $0x4  }
0x38d: {  	v0 =	vshll.u32 v0, $0x5  }
0x38e: {  	s21 =	simm.s32 $0x1;
	v0 =	vadd.s32 s18, v0  }
.LBB2_18:
0x38f: {  	p0 =	sne.s32 s21, $0x1F;
	[tilespmem:s20+$0x0] =	vst v0;
	s20 =	sadd.s32 $0x80, s20;
	s19 =	sadd.s32 $0x80, s19  }
0x390: {  	s18 =	smov.u32 s21;
	s21 =	sadd.s32 $0x1, s21;
	v0 =	vld [tilespmem:$0x180];
	_ =	sdelay $0x4  }
0x391: {  	v0 =	vshll.u32 v0, $0x5  }
0x392: {  	v0 =	vadd.s32 s18, v0  }
0x393: {  	[tilespmem:s19+$0xFFFFFF90] =	vst v0  }
0x394: {  	v0 =	vld [tilespmem:$0x380];
	_ =	sdelay $0x4  }
0x395: {  	v0 =	vshll.u32 v0, $0x5  }
0x396: {  	v0 =	vadd.s32 s18, v0  }
0x397: {  	[tilespmem:s20+$0xFFFFFF90] =	vst v0  }
0x398: {  	v0 =	vld [tilespmem:$0x190];
	_ =	sdelay $0x4  }
0x399: {  	v0 =	vshll.u32 v0, $0x5  }
0x39a: {  	v0 =	vadd.s32 s18, v0  }
0x39b: {  	[tilespmem:s19+$0xFFFFFFA0] =	vst v0  }
0x39c: {  	v0 =	vld [tilespmem:$0x390];
	_ =	sdelay $0x4  }
0x39d: {  	v0 =	vshll.u32 v0, $0x5  }
0x39e: {  	v0 =	vadd.s32 s18, v0  }
0x39f: {  	[tilespmem:s20+$0xFFFFFFA0] =	vst v0  }
0x3a0: {  	v0 =	vld [tilespmem:$0x1A0];
	_ =	sdelay $0x4  }
0x3a1: {  	v0 =	vshll.u32 v0, $0x5  }
0x3a2: {  	v0 =	vadd.s32 s18, v0  }
0x3a3: {  	[tilespmem:s19+$0xFFFFFFB0] =	vst v0  }
0x3a4: {  	v0 =	vld [tilespmem:$0x3A0];
	_ =	sdelay $0x4  }
0x3a5: {  	v0 =	vshll.u32 v0, $0x5  }
0x3a6: {  	v0 =	vadd.s32 s18, v0  }
0x3a7: {  	[tilespmem:s20+$0xFFFFFFB0] =	vst v0  }
0x3a8: {  	v0 =	vld [tilespmem:$0x1B0];
	_ =	sdelay $0x4  }
0x3a9: {  	v0 =	vshll.u32 v0, $0x5  }
0x3aa: {  	v0 =	vadd.s32 s18, v0  }
0x3ab: {  	[tilespmem:s19+$0xFFFFFFC0] =	vst v0  }
0x3ac: {  	v0 =	vld [tilespmem:$0x3B0];
	_ =	sdelay $0x4  }
0x3ad: {  	v0 =	vshll.u32 v0, $0x5  }
0x3ae: {  	v0 =	vadd.s32 s18, v0  }
0x3af: {  	[tilespmem:s20+$0xFFFFFFC0] =	vst v0  }
0x3b0: {  	v0 =	vld [tilespmem:$0x1C0];
	_ =	sdelay $0x4  }
0x3b1: {  	v0 =	vshll.u32 v0, $0x5  }
0x3b2: {  	v0 =	vadd.s32 s18, v0  }
0x3b3: {  	[tilespmem:s19+$0xFFFFFFD0] =	vst v0  }
0x3b4: {  	v0 =	vld [tilespmem:$0x3C0];
	_ =	sdelay $0x4  }
0x3b5: {  	v0 =	vshll.u32 v0, $0x5  }
0x3b6: {  	v0 =	vadd.s32 s18, v0  }
0x3b7: {  	[tilespmem:s20+$0xFFFFFFD0] =	vst v0  }
0x3b8: {  	v0 =	vld [tilespmem:$0x1D0];
	_ =	sdelay $0x4  }
0x3b9: {  	v0 =	vshll.u32 v0, $0x5  }
0x3ba: {  	v0 =	vadd.s32 s18, v0  }
0x3bb: {  	[tilespmem:s19+$0xFFFFFFE0] =	vst v0  }
0x3bc: {  	v0 =	vld [tilespmem:$0x3D0];
	_ =	sdelay $0x4  }
0x3bd: {  	v0 =	vshll.u32 v0, $0x5  }
0x3be: {  	v0 =	vadd.s32 s18, v0  }
0x3bf: {  	[tilespmem:s20+$0xFFFFFFE0] =	vst v0  }
0x3c0: {  	v0 =	vld [tilespmem:$0x1E0];
	_ =	sdelay $0x4  }
0x3c1: {  	v0 =	vshll.u32 v0, $0x5  }
0x3c2: {  	v0 =	vadd.s32 s18, v0  }
0x3c3: {  	[tilespmem:s19+$0xFFFFFFF0] =	vst v0  }
0x3c4: {  	v0 =	vld [tilespmem:$0x3E0];
	_ =	sdelay $0x4  }
0x3c5: {  	v0 =	vshll.u32 v0, $0x5  }
0x3c6: {  	v0 =	vadd.s32 s18, v0  }
0x3c7: {  	[tilespmem:s20+$0xFFFFFFF0] =	vst v0  }
0x3c8: {  	v0 =	vld [tilespmem:$0x1F0];
	_ =	sdelay $0x4  }
0x3c9: {  	v0 =	vshll.u32 v0, $0x5  }
0x3ca: {  	v0 =	vadd.s32 s18, v0  }
0x3cb: {  	[tilespmem:s19+$0x0] =	vst v0  }
0x3cc: {  	v0 =	vld [tilespmem:$0x3F0];
	_ =	sdelay $0x1  }
.Ltmp8:
0x3cd: {  	(pc) =	sbr.rel @p0 .LBB2_18-.Ltmp8, $3  }
0x3ce: {  	_ =	sdelay $0x1  }
0x3cf: {  	v0 =	vshll.u32 v0, $0x5  }
0x3d0: {  	v0 =	vadd.s32 s18, v0  }
0x3d1: {  	[tilespmem:s20+$0x0] =	vst v0;
	s18 =	simm.s32 $0x5400;
	s19 =	simm.s32 $0x1400  }
0x3d2: {  	[tilespmem:s18], [sflag:$0x2] =	stream.indirect.gather [hbm4b:s3+s11], $0x1, s19, s11, $0xb8;
	[tilespmem:$0x8600] =	vst v63  }
0x3d3: {  	s20 =	simm.s32 $0x3400;
	s18 =	simm.s32 $0x200;
	s19 =	simm.s32 $0x7400  }
.LBB2_20:
0x3d4: {  	[tilespmem:s19], [sflag:$0x4] =	stream.indirect.gather [hbm4b:s4+s11], $0x1, s20, s11, $0xb8;
	[tilespmem:$0x8600] =	vst v63  }
0x3d5: {  	s19 =	smov.u32 s18;
	p0 =	sne.s32 s18, $0x3E00  }
.Ltmp9:
0x3d6: {  	s18 =	sadd.s32 $0x200, s18;
	(pc) =	sbr.rel @p0 .LBB2_20-.Ltmp9, $4  }
0x3d7: {  	s20 =	sshra.s32 s19, $0x2  }
0x3d8: {  	s19 =	sadd.s32 $0x5400, s20;
	s21 =	sadd.s32 $0x1400, s20  }
0x3d9: {  	[tilespmem:s19], [sflag:$0x2] =	stream.indirect.gather [hbm4b:s3+s11], $0x1, s21, s11, $0xb8;
	[tilespmem:$0x8600] =	vst v63  }
0x3da: {  	s19 =	sadd.s32 $0x7400, s20;
	s20 =	sadd.s32 $0x3400, s20  }
0x3db: {  	[tilespmem:s19], [sflag:$0x4] =	stream.indirect.gather [hbm4b:s4+s11], $0x1, s20, s11, $0xb8;
	[tilespmem:$0x8600] =	vst v63  }
0x3dc: {  	_ =	swait.ge [sflag:s12], $0x1000  }
0x3dd: {  	[sflag:s12] =	ssyncset.done $0x0  }
0x3de: {  	[sflag:s12] =	ssyncadd.s32 $0xFFFFF000  }
0x3df: {  	_ =	swait.ge [sflag:s13], $0x1000  }
0x3e0: {  	[sflag:s13] =	ssyncset.done $0x0  }
0x3e1: {  	s18 =	simm.s32 $0x0;
	[sflag:s13] =	ssyncadd.s32 $0xFFFFF000  }
0x3e2: {  	v0 =	vld [tilespmem:s18+$0x4400]  }
0x3e3: {  	v1 =	vld [tilespmem:s18+$0x6400]  }
0x3e4: {  	v2 =	vld [tilespmem:s18+$0x4480]  }
0x3e5: {  	v3 =	vld [tilespmem:s18+$0x6480]  }
0x3e6: {  	v4 =	vld [tilespmem:s18+$0x4500]  }
0x3e7: {  	v5 =	vld [tilespmem:s18+$0x6500]  }
0x3e8: {  	v6 =	vld [tilespmem:s18+$0x4580]  }
0x3e9: {  	v7 =	vld [tilespmem:s18+$0x6580]  }
0x3ea: {  	v0 =	vmul.f32 v1, v0;
	v1 =	vmul.f32 v3, v2;
	v2 =	vld [tilespmem:s18+$0x4600]  }
0x3eb: {  	v3 =	vld [tilespmem:s18+$0x6600]  }
0x3ec: {  	v0 =	vadd.f32 v1, v0;
	v1 =	vmul.f32 v5, v4;
	v4 =	vld [tilespmem:s18+$0x4680]  }
0x3ed: {  	v5 =	vld [tilespmem:s18+$0x6680]  }
0x3ee: {  	v0 =	vadd.f32 v1, v0;
	v1 =	vmul.f32 v7, v6;
	v6 =	vld [tilespmem:s18+$0x4700]  }
0x3ef: {  	v7 =	vld [tilespmem:s18+$0x6700]  }
0x3f0: {  	v0 =	vadd.f32 v1, v0;
	v1 =	vmul.f32 v3, v2;
	v2 =	vld [tilespmem:s18+$0x4780]  }
0x3f1: {  	v3 =	vld [tilespmem:s18+$0x6780]  }
0x3f2: {  	v0 =	vadd.f32 v1, v0;
	v1 =	vmul.f32 v5, v4;
	v4 =	vld [tilespmem:s18+$0x4800]  }
0x3f3: {  	v5 =	vld [tilespmem:s18+$0x6800]  }
0x3f4: {  	v0 =	vadd.f32 v1, v0;
	v1 =	vmul.f32 v7, v6;
	v6 =	vld [tilespmem:s18+$0x4880]  }
0x3f5: {  	v7 =	vld [tilespmem:s18+$0x6880]  }
0x3f6: {  	v0 =	vadd.f32 v1, v0;
	v1 =	vmul.f32 v3, v2;
	v2 =	vld [tilespmem:s18+$0x4900]  }
0x3f7: {  	v3 =	vld [tilespmem:s18+$0x6900]  }
0x3f8: {  	v0 =	vadd.f32 v1, v0;
	v1 =	vmul.f32 v5, v4;
	v4 =	vld [tilespmem:s18+$0x4980]  }
0x3f9: {  	v5 =	vld [tilespmem:s18+$0x6980]  }
0x3fa: {  	v0 =	vadd.f32 v1, v0;
	v1 =	vmul.f32 v7, v6;
	v6 =	vld [tilespmem:s18+$0x4A00]  }
0x3fb: {  	v7 =	vld [tilespmem:s18+$0x6A00]  }
0x3fc: {  	v0 =	vadd.f32 v1, v0;
	v1 =	vmul.f32 v3, v2;
	v2 =	vld [tilespmem:s18+$0x4A80]  }
0x3fd: {  	v3 =	vld [tilespmem:s18+$0x6A80]  }
0x3fe: {  	v0 =	vadd.f32 v1, v0;
	v1 =	vmul.f32 v5, v4;
	v4 =	vld [tilespmem:s18+$0x4B00]  }
0x3ff: {  	v5 =	vld [tilespmem:s18+$0x6B00]  }
0x400: {  	v0 =	vadd.f32 v1, v0;
	v1 =	vmul.f32 v7, v6;
	v6 =	vld [tilespmem:s18+$0x4B80]  }
0x401: {  	v7 =	vld [tilespmem:s18+$0x6B80]  }
0x402: {  	v0 =	vadd.f32 v1, v0;
	v1 =	vmul.f32 v3, v2;
	v2 =	vld [tilespmem:s18+$0x4C00]  }
0x403: {  	v3 =	vld [tilespmem:s18+$0x6C00]  }
0x404: {  	v0 =	vadd.f32 v1, v0;
	v1 =	vmul.f32 v5, v4;
	v4 =	vld [tilespmem:s18+$0x4C80]  }
0x405: {  	v5 =	vld [tilespmem:s18+$0x6C80]  }
0x406: {  	v0 =	vadd.f32 v1, v0;
	v1 =	vmul.f32 v7, v6;
	v6 =	vld [tilespmem:s18+$0x4D00]  }
0x407: {  	v7 =	vld [tilespmem:s18+$0x6D00]  }
0x408: {  	v0 =	vadd.f32 v1, v0;
	v1 =	vmul.f32 v3, v2;
	v2 =	vld [tilespmem:s18+$0x4D80]  }
0x409: {  	v3 =	vld [tilespmem:s18+$0x6D80]  }
0x40a: {  	v0 =	vadd.f32 v1, v0;
	v1 =	vmul.f32 v5, v4;
	v4 =	vld [tilespmem:s18+$0x4E00]  }
0x40b: {  	v5 =	vld [tilespmem:s18+$0x6E00]  }
0x40c: {  	v0 =	vadd.f32 v1, v0;
	v1 =	vmul.f32 v7, v6;
	v6 =	vld [tilespmem:s18+$0x4E80]  }
0x40d: {  	v7 =	vld [tilespmem:s18+$0x6E80]  }
0x40e: {  	v0 =	vadd.f32 v1, v0;
	v1 =	vmul.f32 v3, v2;
	v2 =	vld [tilespmem:s18+$0x4F00]  }
0x40f: {  	v3 =	vld [tilespmem:s18+$0x6F00]  }
0x410: {  	v0 =	vadd.f32 v1, v0;
	v1 =	vmul.f32 v5, v4;
	v4 =	vld [tilespmem:s18+$0x4F80]  }
0x411: {  	v5 =	vld [tilespmem:s18+$0x6F80]  }
0x412: {  	v0 =	vadd.f32 v1, v0;
	v1 =	vmul.f32 v7, v6;
	v6 =	vld [tilespmem:s18+$0x5000]  }
0x413: {  	v7 =	vld [tilespmem:s18+$0x7000]  }
0x414: {  	v0 =	vadd.f32 v1, v0;
	v1 =	vmul.f32 v3, v2;
	v2 =	vld [tilespmem:s18+$0x5080]  }
0x415: {  	v3 =	vld [tilespmem:s18+$0x7080]  }
0x416: {  	v0 =	vadd.f32 v1, v0;
	v1 =	vmul.f32 v5, v4;
	v4 =	vld [tilespmem:s18+$0x5100]  }
0x417: {  	v5 =	vld [tilespmem:s18+$0x7100]  }
0x418: {  	v0 =	vadd.f32 v1, v0;
	v1 =	vmul.f32 v7, v6;
	v6 =	vld [tilespmem:s18+$0x5180]  }
0x419: {  	v7 =	vld [tilespmem:s18+$0x7180]  }
0x41a: {  	v0 =	vadd.f32 v1, v0;
	v1 =	vmul.f32 v3, v2;
	v2 =	vld [tilespmem:s18+$0x5200]  }
0x41b: {  	v3 =	vld [tilespmem:s18+$0x7200]  }
0x41c: {  	v8 =	vld [tilespmem:s18+$0x7280];
	v0 =	vadd.f32 v1, v0;
	v1 =	vmul.f32 v5, v4  }
0x41d: {  	v5 =	vld [tilespmem:s18+$0x5280]  }
0x41e: {  	v0 =	vadd.f32 v1, v0;
	v1 =	vmul.f32 v7, v6;
	v6 =	vld [tilespmem:s18+$0x5300]  }
0x41f: {  	v7 =	vld [tilespmem:s18+$0x7300]  }
0x420: {  	v4 =	vld [tilespmem:s18+$0x7380];
	v2 =	vmul.f32 v3, v2;
	v9 =	vadd.f32 v1, v0  }
0x421: {  	s20 =	simm.s32 $0x10;
	v1 =	vld [tilespmem:s18+$0x5380]  }
0x422: {  	v3 =	vld [tilespmem:s20+$0x4480];
	v5 =	vmul.f32 v8, v5;
	v9 =	vadd.f32 v2, v9  }
0x423: {  	v0 =	vld [tilespmem:s20+$0x4400]  }
0x424: {  	s19 =	simm.s32 $0x80;
	v2 =	vld [tilespmem:s20+$0x6400];
	v6 =	vmul.f32 v7, v6;
	v5 =	vadd.f32 v5, v9  }
.LBB2_22:
0x425: {  	p0 =	sne.s32 s19, $0x1C0;
	v7 =	vld [tilespmem:s20+$0x6480]  }
0x426: {  	v8 =	vld [tilespmem:s20+$0x4500];
	v5 =	vadd.f32 v6, v5;
	v1 =	vmul.f32 v4, v1  }
0x427: {  	v4 =	vld [tilespmem:s20+$0x6500]  }
0x428: {  	v6 =	vld [tilespmem:s20+$0x4580];
	v1 =	vadd.f32 v1, v5  }
0x429: {  	v5 =	vld [tilespmem:s20+$0x6580]  }
0x42a: {  	v0 =	vmul.f32 v2, v0;
	v2 =	vmul.f32 v7, v3;
	v3 =	vld [tilespmem:s20+$0x4600];
	[tilespmem:s18+$0x8500] =	vst v1;
	s18 =	smov.u32 s20  }
0x42b: {  	v1 =	vld [tilespmem:s18+$0x6600]  }
0x42c: {  	v0 =	vadd.f32 v2, v0;
	v2 =	vmul.f32 v4, v8;
	v4 =	vld [tilespmem:s18+$0x4680]  }
0x42d: {  	v7 =	vld [tilespmem:s18+$0x6680]  }
0x42e: {  	v0 =	vadd.f32 v2, v0;
	v2 =	vmul.f32 v5, v6;
	v5 =	vld [tilespmem:s18+$0x4700]  }
0x42f: {  	v6 =	vld [tilespmem:s18+$0x6700]  }
0x430: {  	v0 =	vadd.f32 v2, v0;
	v1 =	vmul.f32 v1, v3;
	v2 =	vld [tilespmem:s18+$0x4780]  }
0x431: {  	v3 =	vld [tilespmem:s18+$0x6780]  }
0x432: {  	v0 =	vadd.f32 v1, v0;
	v1 =	vmul.f32 v7, v4;
	v4 =	vld [tilespmem:s18+$0x4800]  }
0x433: {  	v7 =	vld [tilespmem:s18+$0x6800]  }
0x434: {  	v0 =	vadd.f32 v1, v0;
	v1 =	vmul.f32 v6, v5;
	v5 =	vld [tilespmem:s18+$0x4880]  }
0x435: {  	v6 =	vld [tilespmem:s18+$0x6880]  }
0x436: {  	v0 =	vadd.f32 v1, v0;
	v1 =	vmul.f32 v3, v2;
	v2 =	vld [tilespmem:s18+$0x4900]  }
0x437: {  	v3 =	vld [tilespmem:s18+$0x6900]  }
0x438: {  	v0 =	vadd.f32 v1, v0;
	v1 =	vmul.f32 v7, v4;
	v4 =	vld [tilespmem:s18+$0x4980]  }
0x439: {  	v7 =	vld [tilespmem:s18+$0x6980]  }
0x43a: {  	v0 =	vadd.f32 v1, v0;
	v1 =	vmul.f32 v6, v5;
	v5 =	vld [tilespmem:s18+$0x4A00]  }
0x43b: {  	v6 =	vld [tilespmem:s18+$0x6A00]  }
0x43c: {  	v0 =	vadd.f32 v1, v0;
	v1 =	vmul.f32 v3, v2;
	v2 =	vld [tilespmem:s18+$0x4A80]  }
0x43d: {  	v3 =	vld [tilespmem:s18+$0x6A80]  }
0x43e: {  	v0 =	vadd.f32 v1, v0;
	v1 =	vmul.f32 v7, v4;
	v4 =	vld [tilespmem:s18+$0x4B00]  }
0x43f: {  	v7 =	vld [tilespmem:s18+$0x6B00]  }
0x440: {  	v0 =	vadd.f32 v1, v0;
	v1 =	vmul.f32 v6, v5;
	v5 =	vld [tilespmem:s18+$0x4B80]  }
0x441: {  	v6 =	vld [tilespmem:s18+$0x6B80]  }
0x442: {  	v0 =	vadd.f32 v1, v0;
	v1 =	vmul.f32 v3, v2;
	v2 =	vld [tilespmem:s18+$0x4C00]  }
0x443: {  	v3 =	vld [tilespmem:s18+$0x6C00]  }
0x444: {  	v0 =	vadd.f32 v1, v0;
	v1 =	vmul.f32 v7, v4;
	v4 =	vld [tilespmem:s18+$0x4C80]  }
0x445: {  	v7 =	vld [tilespmem:s18+$0x6C80]  }
0x446: {  	v0 =	vadd.f32 v1, v0;
	v1 =	vmul.f32 v6, v5;
	v5 =	vld [tilespmem:s18+$0x4D00]  }
0x447: {  	v6 =	vld [tilespmem:s18+$0x6D00]  }
0x448: {  	v0 =	vadd.f32 v1, v0;
	v1 =	vmul.f32 v3, v2;
	v2 =	vld [tilespmem:s18+$0x4D80]  }
0x449: {  	v3 =	vld [tilespmem:s18+$0x6D80]  }
0x44a: {  	v0 =	vadd.f32 v1, v0;
	v1 =	vmul.f32 v7, v4;
	v4 =	vld [tilespmem:s18+$0x4E00]  }
0x44b: {  	v7 =	vld [tilespmem:s18+$0x6E00]  }
0x44c: {  	v0 =	vadd.f32 v1, v0;
	v1 =	vmul.f32 v6, v5;
	v5 =	vld [tilespmem:s18+$0x4E80]  }
0x44d: {  	v6 =	vld [tilespmem:s18+$0x6E80]  }
0x44e: {  	v0 =	vadd.f32 v1, v0;
	v1 =	vmul.f32 v3, v2;
	v2 =	vld [tilespmem:s18+$0x4F00]  }
0x44f: {  	v3 =	vld [tilespmem:s18+$0x6F00]  }
0x450: {  	v0 =	vadd.f32 v1, v0;
	v1 =	vmul.f32 v7, v4;
	v4 =	vld [tilespmem:s18+$0x4F80]  }
0x451: {  	v7 =	vld [tilespmem:s18+$0x6F80]  }
0x452: {  	v0 =	vadd.f32 v1, v0;
	v1 =	vmul.f32 v6, v5;
	v5 =	vld [tilespmem:s18+$0x5000]  }
0x453: {  	v6 =	vld [tilespmem:s18+$0x7000]  }
0x454: {  	v0 =	vadd.f32 v1, v0;
	v1 =	vmul.f32 v3, v2;
	v2 =	vld [tilespmem:s18+$0x5080]  }
0x455: {  	v3 =	vld [tilespmem:s18+$0x7080]  }
0x456: {  	v0 =	vadd.f32 v1, v0;
	v1 =	vmul.f32 v7, v4;
	v4 =	vld [tilespmem:s18+$0x5100]  }
0x457: {  	v7 =	vld [tilespmem:s18+$0x7100]  }
0x458: {  	v0 =	vadd.f32 v1, v0;
	v1 =	vmul.f32 v6, v5;
	v5 =	vld [tilespmem:s18+$0x5180]  }
0x459: {  	v6 =	vld [tilespmem:s18+$0x7180]  }
0x45a: {  	v0 =	vadd.f32 v1, v0;
	v1 =	vmul.f32 v3, v2;
	v2 =	vld [tilespmem:s18+$0x5200]  }
0x45b: {  	v3 =	vld [tilespmem:s18+$0x7200]  }
0x45c: {  	v0 =	vadd.f32 v1, v0;
	v1 =	vmul.f32 v7, v4;
	v7 =	vld [tilespmem:s18+$0x5280]  }
0x45d: {  	v8 =	vld [tilespmem:s18+$0x7280]  }
0x45e: {  	v0 =	vadd.f32 v1, v0;
	v1 =	vmul.f32 v6, v5;
	v6 =	vld [tilespmem:s18+$0x5300]  }
0x45f: {  	v9 =	vld [tilespmem:s18+$0x7300]  }
.Ltmp10:
0x460: {  	v5 =	vadd.f32 v1, v0;
	v2 =	vmul.f32 v3, v2;
	v1 =	vld [tilespmem:s18+$0x5380];
	(pc) =	sbr.rel @p0 .LBB2_22-.Ltmp10, $4  }
0x461: {  	s20 =	sshra.s32 s19, $0x2;
	v4 =	vld [tilespmem:s18+$0x7380]  }
0x462: {  	v0 =	vld [tilespmem:s20+$0x4400];
	v5 =	vadd.f32 v2, v5;
	v7 =	vmul.f32 v8, v7  }
0x463: {  	v2 =	vld [tilespmem:s20+$0x6400]  }
0x464: {  	s19 =	sadd.s32 $0x40, s19;
	v3 =	vld [tilespmem:s20+$0x4480];
	v5 =	vadd.f32 v7, v5;
	v6 =	vmul.f32 v9, v6  }
0x465: {  	v7 =	vld [tilespmem:s20+$0x6480]  }
0x466: {  	v8 =	vld [tilespmem:s20+$0x4500];
	v5 =	vadd.f32 v6, v5;
	v1 =	vmul.f32 v4, v1  }
0x467: {  	v4 =	vld [tilespmem:s20+$0x6500]  }
0x468: {  	v6 =	vld [tilespmem:s20+$0x4580];
	v1 =	vadd.f32 v1, v5  }
0x469: {  	v5 =	vld [tilespmem:s20+$0x6580]  }
0x46a: {  	v9 =	vld [tilespmem:s20+$0x4600];
	v0 =	vmul.f32 v2, v0;
	v2 =	vmul.f32 v7, v3;
	[tilespmem:s18+$0x8500] =	vst v1  }
0x46b: {  	v1 =	vld [tilespmem:s20+$0x6600]  }
0x46c: {  	v3 =	vld [tilespmem:s20+$0x4680];
	v0 =	vadd.f32 v2, v0;
	v2 =	vmul.f32 v4, v8  }
0x46d: {  	v4 =	vld [tilespmem:s20+$0x6680]  }
0x46e: {  	v0 =	vadd.f32 v2, v0;
	v2 =	vmul.f32 v5, v6;
	v5 =	vld [tilespmem:s20+$0x4700]  }
0x46f: {  	v6 =	vld [tilespmem:s20+$0x6700]  }
0x470: {  	v7 =	vld [tilespmem:s20+$0x6780];
	v0 =	vadd.f32 v2, v0;
	v1 =	vmul.f32 v1, v9  }
0x471: {  	v2 =	vld [tilespmem:s20+$0x4780]  }
0x472: {  	v0 =	vadd.f32 v1, v0;
	v1 =	vmul.f32 v4, v3;
	v3 =	vld [tilespmem:s20+$0x4800]  }
0x473: {  	v4 =	vld [tilespmem:s20+$0x6800]  }
0x474: {  	v0 =	vadd.f32 v1, v0;
	v1 =	vmul.f32 v6, v5;
	v5 =	vld [tilespmem:s20+$0x4880]  }
0x475: {  	v6 =	vld [tilespmem:s20+$0x6880]  }
0x476: {  	v0 =	vadd.f32 v1, v0;
	v1 =	vmul.f32 v7, v2;
	v2 =	vld [tilespmem:s20+$0x4900]  }
0x477: {  	v7 =	vld [tilespmem:s20+$0x6900]  }
0x478: {  	v0 =	vadd.f32 v1, v0;
	v1 =	vmul.f32 v4, v3;
	v3 =	vld [tilespmem:s20+$0x4980]  }
0x479: {  	v4 =	vld [tilespmem:s20+$0x6980]  }
0x47a: {  	v0 =	vadd.f32 v1, v0;
	v1 =	vmul.f32 v6, v5;
	v5 =	vld [tilespmem:s20+$0x4A00]  }
0x47b: {  	v6 =	vld [tilespmem:s20+$0x6A00]  }
0x47c: {  	v0 =	vadd.f32 v1, v0;
	v1 =	vmul.f32 v7, v2;
	v2 =	vld [tilespmem:s20+$0x4A80]  }
0x47d: {  	v7 =	vld [tilespmem:s20+$0x6A80]  }
0x47e: {  	v0 =	vadd.f32 v1, v0;
	v1 =	vmul.f32 v4, v3;
	v3 =	vld [tilespmem:s20+$0x4B00]  }
0x47f: {  	v4 =	vld [tilespmem:s20+$0x6B00]  }
0x480: {  	v0 =	vadd.f32 v1, v0;
	v1 =	vmul.f32 v6, v5;
	v5 =	vld [tilespmem:s20+$0x4B80]  }
0x481: {  	v6 =	vld [tilespmem:s20+$0x6B80]  }
0x482: {  	v0 =	vadd.f32 v1, v0;
	v1 =	vmul.f32 v7, v2;
	v2 =	vld [tilespmem:s20+$0x4C00]  }
0x483: {  	v7 =	vld [tilespmem:s20+$0x6C00]  }
0x484: {  	v0 =	vadd.f32 v1, v0;
	v1 =	vmul.f32 v4, v3;
	v3 =	vld [tilespmem:s20+$0x4C80]  }
0x485: {  	v4 =	vld [tilespmem:s20+$0x6C80]  }
0x486: {  	v0 =	vadd.f32 v1, v0;
	v1 =	vmul.f32 v6, v5;
	v5 =	vld [tilespmem:s20+$0x4D00]  }
0x487: {  	v6 =	vld [tilespmem:s20+$0x6D00]  }
0x488: {  	v0 =	vadd.f32 v1, v0;
	v1 =	vmul.f32 v7, v2;
	v2 =	vld [tilespmem:s20+$0x4D80]  }
0x489: {  	v7 =	vld [tilespmem:s20+$0x6D80]  }
0x48a: {  	v0 =	vadd.f32 v1, v0;
	v1 =	vmul.f32 v4, v3;
	v3 =	vld [tilespmem:s20+$0x4E00]  }
0x48b: {  	v4 =	vld [tilespmem:s20+$0x6E00]  }
0x48c: {  	v0 =	vadd.f32 v1, v0;
	v1 =	vmul.f32 v6, v5;
	v5 =	vld [tilespmem:s20+$0x4E80]  }
0x48d: {  	v6 =	vld [tilespmem:s20+$0x6E80]  }
0x48e: {  	v0 =	vadd.f32 v1, v0;
	v1 =	vmul.f32 v7, v2;
	v2 =	vld [tilespmem:s20+$0x4F00]  }
0x48f: {  	v7 =	vld [tilespmem:s20+$0x6F00]  }
0x490: {  	v0 =	vadd.f32 v1, v0;
	v1 =	vmul.f32 v4, v3;
	v3 =	vld [tilespmem:s20+$0x4F80]  }
0x491: {  	v4 =	vld [tilespmem:s20+$0x6F80]  }
0x492: {  	v0 =	vadd.f32 v1, v0;
	v1 =	vmul.f32 v6, v5;
	v5 =	vld [tilespmem:s20+$0x5000]  }
0x493: {  	v6 =	vld [tilespmem:s20+$0x7000]  }
0x494: {  	v0 =	vadd.f32 v1, v0;
	v1 =	vmul.f32 v7, v2;
	v2 =	vld [tilespmem:s20+$0x5080]  }
0x495: {  	v7 =	vld [tilespmem:s20+$0x7080]  }
0x496: {  	v0 =	vadd.f32 v1, v0;
	v1 =	vmul.f32 v4, v3;
	v3 =	vld [tilespmem:s20+$0x5100]  }
0x497: {  	v4 =	vld [tilespmem:s20+$0x7100]  }
0x498: {  	v0 =	vadd.f32 v1, v0;
	v1 =	vmul.f32 v6, v5;
	v5 =	vld [tilespmem:s20+$0x5180]  }
0x499: {  	v6 =	vld [tilespmem:s20+$0x7180]  }
0x49a: {  	v0 =	vadd.f32 v1, v0;
	v1 =	vmul.f32 v7, v2;
	v2 =	vld [tilespmem:s20+$0x5200]  }
0x49b: {  	v7 =	vld [tilespmem:s20+$0x7200]  }
0x49c: {  	v0 =	vadd.f32 v1, v0;
	v1 =	vmul.f32 v4, v3;
	v3 =	vld [tilespmem:s20+$0x5280]  }
0x49d: {  	v4 =	vld [tilespmem:s20+$0x7280]  }
0x49e: {  	v0 =	vadd.f32 v1, v0;
	v1 =	vmul.f32 v6, v5;
	v5 =	vld [tilespmem:s20+$0x5300]  }
0x49f: {  	v6 =	vld [tilespmem:s20+$0x7300]  }
0x4a0: {  	v0 =	vadd.f32 v1, v0;
	v1 =	vmul.f32 v7, v2;
	v2 =	vld [tilespmem:s20+$0x5380]  }
0x4a1: {  	v7 =	vld [tilespmem:s20+$0x7380]  }
0x4a2: {  	v0 =	vadd.f32 v1, v0;
	v1 =	vmul.f32 v4, v3;
	_ =	sdelay $0x1  }
0x4a3: {  	v0 =	vadd.f32 v1, v0;
	v1 =	vmul.f32 v6, v5;
	_ =	sdelay $0x1  }
0x4a4: {  	v0 =	vadd.f32 v1, v0;
	v1 =	vmul.f32 v7, v2;
	_ =	sdelay $0x1  }
0x4a5: {  	v0 =	vadd.f32 v1, v0;
	_ =	sdelay $0x1  }
0x4a6: {  	[tilespmem:s20+$0x8500] =	vst v0  }
0x4a7: {  	_ =	swait.ge [sflag:s14], $0x1000  }
0x4a8: {  	[sflag:s14] =	ssyncset.done $0x0  }
0x4a9: {  	[sflag:s14] =	ssyncadd.s32 $0xFFFFF000  }
0x4aa: {  	_ =	swait.ge [sflag:s15], $0x1000  }
0x4ab: {  	[sflag:s15] =	ssyncset.done $0x0  }
0x4ac: {  	s18 =	simm.s32 $0x0;
	[sflag:s15] =	ssyncadd.s32 $0xFFFFF000  }
0x4ad: {  	v0 =	vld [tilespmem:s18+$0x5400]  }
0x4ae: {  	v1 =	vld [tilespmem:s18+$0x7400]  }
0x4af: {  	v2 =	vld [tilespmem:s18+$0x5480]  }
0x4b0: {  	v3 =	vld [tilespmem:s18+$0x7480]  }
0x4b1: {  	v4 =	vld [tilespmem:s18+$0x5500]  }
0x4b2: {  	v5 =	vld [tilespmem:s18+$0x7500]  }
0x4b3: {  	v6 =	vld [tilespmem:s18+$0x5580]  }
0x4b4: {  	v7 =	vld [tilespmem:s18+$0x7580]  }
0x4b5: {  	v0 =	vmul.f32 v1, v0;
	v1 =	vmul.f32 v3, v2;
	v2 =	vld [tilespmem:s18+$0x5600]  }
0x4b6: {  	v3 =	vld [tilespmem:s18+$0x7600]  }
0x4b7: {  	v0 =	vadd.f32 v1, v0;
	v1 =	vmul.f32 v5, v4;
	v4 =	vld [tilespmem:s18+$0x5680]  }
0x4b8: {  	v5 =	vld [tilespmem:s18+$0x7680]  }
0x4b9: {  	v0 =	vadd.f32 v1, v0;
	v1 =	vmul.f32 v7, v6;
	v6 =	vld [tilespmem:s18+$0x5700]  }
0x4ba: {  	v7 =	vld [tilespmem:s18+$0x7700]  }
0x4bb: {  	v0 =	vadd.f32 v1, v0;
	v1 =	vmul.f32 v3, v2;
	v2 =	vld [tilespmem:s18+$0x5780]  }
0x4bc: {  	v3 =	vld [tilespmem:s18+$0x7780]  }
0x4bd: {  	v0 =	vadd.f32 v1, v0;
	v1 =	vmul.f32 v5, v4;
	v4 =	vld [tilespmem:s18+$0x5800]  }
0x4be: {  	v5 =	vld [tilespmem:s18+$0x7800]  }
0x4bf: {  	v0 =	vadd.f32 v1, v0;
	v1 =	vmul.f32 v7, v6;
	v6 =	vld [tilespmem:s18+$0x5880]  }
0x4c0: {  	v7 =	vld [tilespmem:s18+$0x7880]  }
0x4c1: {  	v0 =	vadd.f32 v1, v0;
	v1 =	vmul.f32 v3, v2;
	v2 =	vld [tilespmem:s18+$0x5900]  }
0x4c2: {  	v3 =	vld [tilespmem:s18+$0x7900]  }
0x4c3: {  	v0 =	vadd.f32 v1, v0;
	v1 =	vmul.f32 v5, v4;
	v4 =	vld [tilespmem:s18+$0x5980]  }
0x4c4: {  	v5 =	vld [tilespmem:s18+$0x7980]  }
0x4c5: {  	v0 =	vadd.f32 v1, v0;
	v1 =	vmul.f32 v7, v6;
	v6 =	vld [tilespmem:s18+$0x5A00]  }
0x4c6: {  	v7 =	vld [tilespmem:s18+$0x7A00]  }
0x4c7: {  	v0 =	vadd.f32 v1, v0;
	v1 =	vmul.f32 v3, v2;
	v2 =	vld [tilespmem:s18+$0x5A80]  }
0x4c8: {  	v3 =	vld [tilespmem:s18+$0x7A80]  }
0x4c9: {  	v0 =	vadd.f32 v1, v0;
	v1 =	vmul.f32 v5, v4;
	v4 =	vld [tilespmem:s18+$0x5B00]  }
0x4ca: {  	v5 =	vld [tilespmem:s18+$0x7B00]  }
0x4cb: {  	v0 =	vadd.f32 v1, v0;
	v1 =	vmul.f32 v7, v6;
	v6 =	vld [tilespmem:s18+$0x5B80]  }
0x4cc: {  	v7 =	vld [tilespmem:s18+$0x7B80]  }
0x4cd: {  	v0 =	vadd.f32 v1, v0;
	v1 =	vmul.f32 v3, v2;
	v2 =	vld [tilespmem:s18+$0x5C00]  }
0x4ce: {  	v3 =	vld [tilespmem:s18+$0x7C00]  }
0x4cf: {  	v0 =	vadd.f32 v1, v0;
	v1 =	vmul.f32 v5, v4;
	v4 =	vld [tilespmem:s18+$0x5C80]  }
0x4d0: {  	v5 =	vld [tilespmem:s18+$0x7C80]  }
0x4d1: {  	v0 =	vadd.f32 v1, v0;
	v1 =	vmul.f32 v7, v6;
	v6 =	vld [tilespmem:s18+$0x5D00]  }
0x4d2: {  	v7 =	vld [tilespmem:s18+$0x7D00]  }
0x4d3: {  	v0 =	vadd.f32 v1, v0;
	v1 =	vmul.f32 v3, v2;
	v2 =	vld [tilespmem:s18+$0x5D80]  }
0x4d4: {  	v3 =	vld [tilespmem:s18+$0x7D80]  }
0x4d5: {  	v0 =	vadd.f32 v1, v0;
	v1 =	vmul.f32 v5, v4;
	v4 =	vld [tilespmem:s18+$0x5E00]  }
0x4d6: {  	v5 =	vld [tilespmem:s18+$0x7E00]  }
0x4d7: {  	v0 =	vadd.f32 v1, v0;
	v1 =	vmul.f32 v7, v6;
	v6 =	vld [tilespmem:s18+$0x5E80]  }
0x4d8: {  	v7 =	vld [tilespmem:s18+$0x7E80]  }
0x4d9: {  	v0 =	vadd.f32 v1, v0;
	v1 =	vmul.f32 v3, v2;
	v2 =	vld [tilespmem:s18+$0x5F00]  }
0x4da: {  	v3 =	vld [tilespmem:s18+$0x7F00]  }
0x4db: {  	v0 =	vadd.f32 v1, v0;
	v1 =	vmul.f32 v5, v4;
	v4 =	vld [tilespmem:s18+$0x5F80]  }
0x4dc: {  	v5 =	vld [tilespmem:s18+$0x7F80]  }
0x4dd: {  	v0 =	vadd.f32 v1, v0;
	v1 =	vmul.f32 v7, v6;
	v6 =	vld [tilespmem:s18+$0x6000]  }
0x4de: {  	v7 =	vld [tilespmem:s18+$0x8000]  }
0x4df: {  	v0 =	vadd.f32 v1, v0;
	v1 =	vmul.f32 v3, v2;
	v2 =	vld [tilespmem:s18+$0x6080]  }
0x4e0: {  	v3 =	vld [tilespmem:s18+$0x8080]  }
0x4e1: {  	v0 =	vadd.f32 v1, v0;
	v1 =	vmul.f32 v5, v4;
	v4 =	vld [tilespmem:s18+$0x6100]  }
0x4e2: {  	v5 =	vld [tilespmem:s18+$0x8100]  }
0x4e3: {  	v0 =	vadd.f32 v1, v0;
	v1 =	vmul.f32 v7, v6;
	v6 =	vld [tilespmem:s18+$0x6180]  }
0x4e4: {  	v7 =	vld [tilespmem:s18+$0x8180]  }
0x4e5: {  	v0 =	vadd.f32 v1, v0;
	v1 =	vmul.f32 v3, v2;
	v2 =	vld [tilespmem:s18+$0x6200]  }
0x4e6: {  	v3 =	vld [tilespmem:s18+$0x8200]  }
0x4e7: {  	v8 =	vld [tilespmem:s18+$0x8280];
	v0 =	vadd.f32 v1, v0;
	v1 =	vmul.f32 v5, v4  }
0x4e8: {  	v5 =	vld [tilespmem:s18+$0x6280]  }
0x4e9: {  	v0 =	vadd.f32 v1, v0;
	v1 =	vmul.f32 v7, v6;
	v6 =	vld [tilespmem:s18+$0x6300]  }
0x4ea: {  	v7 =	vld [tilespmem:s18+$0x8300]  }
0x4eb: {  	v4 =	vld [tilespmem:s18+$0x8380];
	v2 =	vmul.f32 v3, v2;
	v63 =	vadd.f32 v1, v0  }
0x4ec: {  	s20 =	simm.s32 $0x10;
	v1 =	vld [tilespmem:s18+$0x6380]  }
0x4ed: {  	v3 =	vld [tilespmem:s20+$0x5480];
	v5 =	vmul.f32 v8, v5;
	v9 =	vadd.f32 v2, v63  }
0x4ee: {  	v0 =	vld [tilespmem:s20+$0x5400]  }
0x4ef: {  	s19 =	simm.s32 $0x80;
	v2 =	vld [tilespmem:s20+$0x7400];
	v6 =	vmul.f32 v7, v6;
	v5 =	vadd.f32 v5, v9  }
.LBB2_24:
0x4f0: {  	p0 =	sne.s32 s19, $0x1C0;
	v7 =	vld [tilespmem:s20+$0x7480]  }
0x4f1: {  	v8 =	vld [tilespmem:s20+$0x5500];
	v5 =	vadd.f32 v6, v5;
	v1 =	vmul.f32 v4, v1  }
0x4f2: {  	v4 =	vld [tilespmem:s20+$0x7500]  }
0x4f3: {  	v6 =	vld [tilespmem:s20+$0x5580];
	v1 =	vadd.f32 v1, v5  }
0x4f4: {  	v5 =	vld [tilespmem:s20+$0x7580]  }
0x4f5: {  	v0 =	vmul.f32 v2, v0;
	v2 =	vmul.f32 v7, v3;
	v3 =	vld [tilespmem:s20+$0x5600];
	[tilespmem:s18+$0x8580] =	vst v1;
	s18 =	smov.u32 s20  }
0x4f6: {  	v1 =	vld [tilespmem:s18+$0x7600]  }
0x4f7: {  	v0 =	vadd.f32 v2, v0;
	v2 =	vmul.f32 v4, v8;
	v4 =	vld [tilespmem:s18+$0x5680]  }
0x4f8: {  	v7 =	vld [tilespmem:s18+$0x7680]  }
0x4f9: {  	v0 =	vadd.f32 v2, v0;
	v2 =	vmul.f32 v5, v6;
	v5 =	vld [tilespmem:s18+$0x5700]  }
0x4fa: {  	v6 =	vld [tilespmem:s18+$0x7700]  }
0x4fb: {  	v0 =	vadd.f32 v2, v0;
	v1 =	vmul.f32 v1, v3;
	v2 =	vld [tilespmem:s18+$0x5780]  }
0x4fc: {  	v3 =	vld [tilespmem:s18+$0x7780]  }
0x4fd: {  	v0 =	vadd.f32 v1, v0;
	v1 =	vmul.f32 v7, v4;
	v4 =	vld [tilespmem:s18+$0x5800]  }
0x4fe: {  	v7 =	vld [tilespmem:s18+$0x7800]  }
0x4ff: {  	v0 =	vadd.f32 v1, v0;
	v1 =	vmul.f32 v6, v5;
	v5 =	vld [tilespmem:s18+$0x5880]  }
0x500: {  	v6 =	vld [tilespmem:s18+$0x7880]  }
0x501: {  	v0 =	vadd.f32 v1, v0;
	v1 =	vmul.f32 v3, v2;
	v2 =	vld [tilespmem:s18+$0x5900]  }
0x502: {  	v3 =	vld [tilespmem:s18+$0x7900]  }
0x503: {  	v0 =	vadd.f32 v1, v0;
	v1 =	vmul.f32 v7, v4;
	v4 =	vld [tilespmem:s18+$0x5980]  }
0x504: {  	v7 =	vld [tilespmem:s18+$0x7980]  }
0x505: {  	v0 =	vadd.f32 v1, v0;
	v1 =	vmul.f32 v6, v5;
	v5 =	vld [tilespmem:s18+$0x5A00]  }
0x506: {  	v6 =	vld [tilespmem:s18+$0x7A00]  }
0x507: {  	v0 =	vadd.f32 v1, v0;
	v1 =	vmul.f32 v3, v2;
	v2 =	vld [tilespmem:s18+$0x5A80]  }
0x508: {  	v3 =	vld [tilespmem:s18+$0x7A80]  }
0x509: {  	v0 =	vadd.f32 v1, v0;
	v1 =	vmul.f32 v7, v4;
	v4 =	vld [tilespmem:s18+$0x5B00]  }
0x50a: {  	v7 =	vld [tilespmem:s18+$0x7B00]  }
0x50b: {  	v0 =	vadd.f32 v1, v0;
	v1 =	vmul.f32 v6, v5;
	v5 =	vld [tilespmem:s18+$0x5B80]  }
0x50c: {  	v6 =	vld [tilespmem:s18+$0x7B80]  }
0x50d: {  	v0 =	vadd.f32 v1, v0;
	v1 =	vmul.f32 v3, v2;
	v2 =	vld [tilespmem:s18+$0x5C00]  }
0x50e: {  	v3 =	vld [tilespmem:s18+$0x7C00]  }
0x50f: {  	v0 =	vadd.f32 v1, v0;
	v1 =	vmul.f32 v7, v4;
	v4 =	vld [tilespmem:s18+$0x5C80]  }
0x510: {  	v7 =	vld [tilespmem:s18+$0x7C80]  }
0x511: {  	v0 =	vadd.f32 v1, v0;
	v1 =	vmul.f32 v6, v5;
	v5 =	vld [tilespmem:s18+$0x5D00]  }
0x512: {  	v6 =	vld [tilespmem:s18+$0x7D00]  }
0x513: {  	v0 =	vadd.f32 v1, v0;
	v1 =	vmul.f32 v3, v2;
	v2 =	vld [tilespmem:s18+$0x5D80]  }
0x514: {  	v3 =	vld [tilespmem:s18+$0x7D80]  }
0x515: {  	v0 =	vadd.f32 v1, v0;
	v1 =	vmul.f32 v7, v4;
	v4 =	vld [tilespmem:s18+$0x5E00]  }
0x516: {  	v7 =	vld [tilespmem:s18+$0x7E00]  }
0x517: {  	v0 =	vadd.f32 v1, v0;
	v1 =	vmul.f32 v6, v5;
	v5 =	vld [tilespmem:s18+$0x5E80]  }
0x518: {  	v6 =	vld [tilespmem:s18+$0x7E80]  }
0x519: {  	v0 =	vadd.f32 v1, v0;
	v1 =	vmul.f32 v3, v2;
	v2 =	vld [tilespmem:s18+$0x5F00]  }
0x51a: {  	v3 =	vld [tilespmem:s18+$0x7F00]  }
0x51b: {  	v0 =	vadd.f32 v1, v0;
	v1 =	vmul.f32 v7, v4;
	v4 =	vld [tilespmem:s18+$0x5F80]  }
0x51c: {  	v7 =	vld [tilespmem:s18+$0x7F80]  }
0x51d: {  	v0 =	vadd.f32 v1, v0;
	v1 =	vmul.f32 v6, v5;
	v5 =	vld [tilespmem:s18+$0x6000]  }
0x51e: {  	v6 =	vld [tilespmem:s18+$0x8000]  }
0x51f: {  	v0 =	vadd.f32 v1, v0;
	v1 =	vmul.f32 v3, v2;
	v2 =	vld [tilespmem:s18+$0x6080]  }
0x520: {  	v3 =	vld [tilespmem:s18+$0x8080]  }
0x521: {  	v0 =	vadd.f32 v1, v0;
	v1 =	vmul.f32 v7, v4;
	v4 =	vld [tilespmem:s18+$0x6100]  }
0x522: {  	v7 =	vld [tilespmem:s18+$0x8100]  }
0x523: {  	v0 =	vadd.f32 v1, v0;
	v1 =	vmul.f32 v6, v5;
	v5 =	vld [tilespmem:s18+$0x6180]  }
0x524: {  	v6 =	vld [tilespmem:s18+$0x8180]  }
0x525: {  	v0 =	vadd.f32 v1, v0;
	v1 =	vmul.f32 v3, v2;
	v2 =	vld [tilespmem:s18+$0x6200]  }
0x526: {  	v3 =	vld [tilespmem:s18+$0x8200]  }
0x527: {  	v0 =	vadd.f32 v1, v0;
	v1 =	vmul.f32 v7, v4;
	v7 =	vld [tilespmem:s18+$0x6280]  }
0x528: {  	v8 =	vld [tilespmem:s18+$0x8280]  }
0x529: {  	v0 =	vadd.f32 v1, v0;
	v1 =	vmul.f32 v6, v5;
	v6 =	vld [tilespmem:s18+$0x6300]  }
0x52a: {  	v9 =	vld [tilespmem:s18+$0x8300]  }
.Ltmp11:
0x52b: {  	v5 =	vadd.f32 v1, v0;
	v2 =	vmul.f32 v3, v2;
	v1 =	vld [tilespmem:s18+$0x6380];
	(pc) =	sbr.rel @p0 .LBB2_24-.Ltmp11, $4  }
0x52c: {  	s20 =	sshra.s32 s19, $0x2;
	v4 =	vld [tilespmem:s18+$0x8380]  }
0x52d: {  	v0 =	vld [tilespmem:s20+$0x5400];
	v5 =	vadd.f32 v2, v5;
	v7 =	vmul.f32 v8, v7  }
0x52e: {  	v2 =	vld [tilespmem:s20+$0x7400]  }
0x52f: {  	s19 =	sadd.s32 $0x40, s19;
	v3 =	vld [tilespmem:s20+$0x5480];
	v5 =	vadd.f32 v7, v5;
	v6 =	vmul.f32 v9, v6  }
0x530: {  	v7 =	vld [tilespmem:s20+$0x7480]  }
0x531: {  	v8 =	vld [tilespmem:s20+$0x5500];
	v5 =	vadd.f32 v6, v5;
	v1 =	vmul.f32 v4, v1  }
0x532: {  	v32 =	vld [tilespmem:s20+$0x7500]  }
0x533: {  	v33 =	vld [tilespmem:s20+$0x5580];
	v1 =	vadd.f32 v1, v5  }
0x534: {  	v34 =	vld [tilespmem:s20+$0x7580]  }
0x535: {  	v9 =	vld [tilespmem:s20+$0x5600];
	v0 =	vmul.f32 v2, v0;
	v35 =	vmul.f32 v7, v3;
	[tilespmem:s18+$0x8580] =	vst v1  }
0x536: {  	v1 =	vld [tilespmem:s20+$0x7600]  }
0x537: {  	v36 =	vmul.f32 v32, v8;
	v37 =	vld [tilespmem:s20+$0x5680];
	v0 =	vadd.f32 v35, v0  }
0x538: {  	v38 =	vld [tilespmem:s20+$0x7680]  }
0x539: {  	v39 =	vmul.f32 v34, v33;
	v40 =	vld [tilespmem:s20+$0x5700];
	v0 =	vadd.f32 v36, v0  }
0x53a: {  	v41 =	vld [tilespmem:s20+$0x7700]  }
0x53b: {  	v42 =	vld [tilespmem:s20+$0x5780];
	v0 =	vadd.f32 v39, v0;
	v1 =	vmul.f32 v1, v9  }
0x53c: {  	v43 =	vld [tilespmem:s20+$0x7780]  }
0x53d: {  	v45 =	vld [tilespmem:s20+$0x5800];
	v44 =	vmul.f32 v38, v37;
	v0 =	vadd.f32 v1, v0  }
0x53e: {  	v46 =	vld [tilespmem:s20+$0x7800]  }
0x53f: {  	v48 =	vld [tilespmem:s20+$0x5880];
	v47 =	vmul.f32 v41, v40;
	v0 =	vadd.f32 v44, v0  }
0x540: {  	v49 =	vld [tilespmem:s20+$0x7880]  }
0x541: {  	v51 =	vld [tilespmem:s20+$0x5900];
	v50 =	vmul.f32 v43, v42;
	v0 =	vadd.f32 v47, v0  }
0x542: {  	v52 =	vld [tilespmem:s20+$0x7900]  }
0x543: {  	v54 =	vld [tilespmem:s20+$0x5980];
	v53 =	vmul.f32 v46, v45;
	v0 =	vadd.f32 v50, v0  }
0x544: {  	v55 =	vld [tilespmem:s20+$0x7980]  }
0x545: {  	v57 =	vld [tilespmem:s20+$0x5A00];
	v56 =	vmul.f32 v49, v48;
	v0 =	vadd.f32 v53, v0  }
0x546: {  	v58 =	vld [tilespmem:s20+$0x7A00]  }
0x547: {  	v60 =	vld [tilespmem:s20+$0x5A80];
	v59 =	vmul.f32 v52, v51;
	v0 =	vadd.f32 v56, v0  }
0x548: {  	v61 =	vld [tilespmem:s20+$0x7A80]  }
0x549: {  	v63 =	vld [tilespmem:s20+$0x5B00];
	v62 =	vmul.f32 v55, v54;
	v0 =	vadd.f32 v59, v0  }
0x54a: {  	v9 =	vld [tilespmem:s20+$0x7B00]  }
0x54b: {  	v11 =	vld [tilespmem:s20+$0x5B80];
	v10 =	vmul.f32 v58, v57;
	v0 =	vadd.f32 v62, v0  }
0x54c: {  	v12 =	vld [tilespmem:s20+$0x7B80]  }
0x54d: {  	v14 =	vld [tilespmem:s20+$0x5C00];
	v13 =	vmul.f32 v61, v60;
	v0 =	vadd.f32 v10, v0  }
0x54e: {  	v15 =	vld [tilespmem:s20+$0x7C00]  }
0x54f: {  	v17 =	vld [tilespmem:s20+$0x5C80];
	v16 =	vmul.f32 v9, v63;
	v0 =	vadd.f32 v13, v0  }
0x550: {  	v18 =	vld [tilespmem:s20+$0x7C80]  }
0x551: {  	v20 =	vld [tilespmem:s20+$0x5D00];
	v19 =	vmul.f32 v12, v11;
	v0 =	vadd.f32 v16, v0  }
0x552: {  	v21 =	vld [tilespmem:s20+$0x7D00]  }
0x553: {  	v23 =	vld [tilespmem:s20+$0x5D80];
	v22 =	vmul.f32 v15, v14;
	v0 =	vadd.f32 v19, v0  }
0x554: {  	v24 =	vld [tilespmem:s20+$0x7D80]  }
0x555: {  	v26 =	vld [tilespmem:s20+$0x5E00];
	v25 =	vmul.f32 v18, v17;
	v0 =	vadd.f32 v22, v0  }
0x556: {  	v27 =	vld [tilespmem:s20+$0x7E00]  }
0x557: {  	v29 =	vld [tilespmem:s20+$0x5E80];
	v28 =	vmul.f32 v21, v20;
	v0 =	vadd.f32 v25, v0  }
0x558: {  	v30 =	vld [tilespmem:s20+$0x7E80]  }
0x559: {  	v32 =	vld [tilespmem:s20+$0x5F00];
	v31 =	vmul.f32 v24, v23;
	v0 =	vadd.f32 v28, v0  }
0x55a: {  	v33 =	vld [tilespmem:s20+$0x7F00]  }
0x55b: {  	v35 =	vld [tilespmem:s20+$0x5F80];
	v34 =	vmul.f32 v27, v26;
	v0 =	vadd.f32 v31, v0  }
0x55c: {  	v36 =	vld [tilespmem:s20+$0x7F80]  }
0x55d: {  	v37 =	vmul.f32 v30, v29;
	v38 =	vld [tilespmem:s20+$0x6000];
	v0 =	vadd.f32 v34, v0  }
0x55e: {  	v39 =	vld [tilespmem:s20+$0x8000]  }
0x55f: {  	v40 =	vmul.f32 v33, v32;
	v41 =	vld [tilespmem:s20+$0x6080];
	v0 =	vadd.f32 v37, v0  }
0x560: {  	v42 =	vld [tilespmem:s20+$0x8080]  }
0x561: {  	v45 =	vld [tilespmem:s20+$0x8100];
	v43 =	vmul.f32 v36, v35;
	v0 =	vadd.f32 v40, v0  }
0x562: {  	v44 =	vld [tilespmem:s20+$0x6100]  }
0x563: {  	v48 =	vld [tilespmem:s20+$0x8180];
	v46 =	vmul.f32 v39, v38;
	v0 =	vadd.f32 v43, v0  }
0x564: {  	v47 =	vld [tilespmem:s20+$0x6180]  }
0x565: {  	v51 =	vld [tilespmem:s20+$0x8200];
	v49 =	vmul.f32 v42, v41;
	v0 =	vadd.f32 v46, v0  }
0x566: {  	v50 =	vld [tilespmem:s20+$0x6200]  }
0x567: {  	v54 =	vld [tilespmem:s20+$0x8280];
	v52 =	vmul.f32 v45, v44;
	v0 =	vadd.f32 v49, v0  }
0x568: {  	v53 =	vld [tilespmem:s20+$0x6280]  }
0x569: {  	v57 =	vld [tilespmem:s20+$0x8300];
	v55 =	vmul.f32 v48, v47;
	v0 =	vadd.f32 v52, v0  }
0x56a: {  	v56 =	vld [tilespmem:s20+$0x6300]  }
0x56b: {  	v60 =	vld [tilespmem:s20+$0x8380];
	v58 =	vmul.f32 v51, v50;
	v0 =	vadd.f32 v55, v0  }
0x56c: {  	v59 =	vld [tilespmem:s20+$0x6380]  }
0x56d: {  	v61 =	vmul.f32 v54, v53;
	v0 =	vadd.f32 v58, v0;
	_ =	sdelay $0x1  }
0x56e: {  	v62 =	vmul.f32 v57, v56;
	v0 =	vadd.f32 v61, v0;
	_ =	sdelay $0x1  }
0x56f: {  	v63 =	vmul.f32 v60, v59;
	v0 =	vadd.f32 v62, v0;
	_ =	sdelay $0x1  }
0x570: {  	s17 =	sadd.s32 $0x1, s17;
	v0 =	vadd.f32 v63, v0  }
0x571: {  	p0 =	sne.s32 s17, s8  }
.Ltmp12:
0x572: {  	[tilespmem:s20+$0x8580] =	vst v0;
	(pc) =	sbr.rel @p0 .LBB2_1-.Ltmp12, $4  }
0x573: {  	[hbm4b:s7+s1] =	stream.linear.scatter [tilespmem:s16], [sflag:$0x5], $0x200, $0x38;
	[tilespmem:$0x8600] =	vst v63  }
0x574: {  	_ =	swait.ge [sflag:s9], $0x200  }
0x575: {  	[sflag:s9] =	ssyncset.done $0x0  }
0x576: {  	[sflag:s9] =	ssyncadd.s32 $0xFFFFFE00  }
0x577: {  	_ =	sfence.sel $0x180000  }
0x578: {  	[bflag:$0x0] =	sbarrier.arrive $0xFFFF  }
0x579: {  	p0 =	sne.s32 s2, $0x0;
	_ =	strace $0x90000047  }
0x57a: {  	s0 =	sadd.s32 @!p0 $0x100000, s0;
	[bflag:$0x2] =	sbarrier.arrive $0xFFFF  }
0x57b: {  	[sflag:s0] =	ssyncadd.tile.s32 @!p0 $0x1;
	_ =	shalt  }
.Lfunc_end2:
_tile_overlayer_lowered:
.L_overlay_start_2:
0x57c: {  	(tag) =	ssettag $0x2  }
0x57d: {  	s0 =	rddreg [dreg:$0x0];
	s2 =	stileid.u32  }
0x57e: {  	s1 =	rddreg [dreg:$0x1];
	p0 =	sne.s32 s2, $0x0  }
0x57f: {  	s3 =	rddreg [dreg:$0x2];
	[bflag:$0x3] =	sbarrier.arrive $0xFFFF;
	s2 =	simm.s32 @!p0 $0x1C05  }
0x580: {  	[timem:s3], [sflag:s2] =	dma.local @!p0 [hbm:s0], s1  }
0x581: {  	s0 =	simm.s32 @!p0 $0x5  }
0x582: {  	_ =	swait.ge @!p0 [sflag:s0], s1  }
0x583: {  	s1 =	ssub.s32 @!p0 $0x0, s1;
	[sflag:s0] =	ssyncset.done @!p0 $0x0  }
0x584: {  	[sflag:s0] =	ssyncadd.s32 @!p0 s1  }
0x585: {  	[bflag:$0x3] =	sbarrier.arrive $0xFFFF  }
0x586: {  	_ =	shalt  }

// kernel: kernel.7.cloned.1.call-start
scs
__scs_entry_jumppad:
0x0: {  	(pc) =	sbr.rel $0x88, $3  }
0x1: {  	(tag) =	ssettag $0x0;
	lr =	simm.s32 $0x1  }
0x2: {  	[smem:$0x3F9B] =	sst lr;
	_ =	strace $0xD0000000  }
0x3: {  	_ = 	snop  }
0x4: {  	_ = 	snop  }
0x5: {  	_ = 	snop  }
0x6: {  	_ = 	snop  }
0x7: {  	_ = 	snop  }
__scs_overlays_trampoline_lowered:
0x8: {  	[smem:$0x3FAA] =	sst s0  }
0x9: {  	[smem:$0x3FAB] =	sst s1  }
0xa: {  	[smem:$0x3FAC] =	sst s2  }
0xb: {  	[smem:$0x3FAD] =	sst s3  }
0xc: {  	[smem:$0x3FAE] =	sst s4  }
0xd: {  	[smem:$0x3FAF] =	sst s5  }
0xe: {  	[smem:$0x3FB0] =	sst s6  }
0xf: {  	[smem:$0x3FB1] =	sst s7  }
0x10: {  	[smem:$0x3FB2] =	sst s8  }
0x11: {  	[smem:$0x3FB3] =	sst s9;
	s0 =	simm.s32 @!p0 $0x0  }
0x12: {  	s1 =	sld [smem:$0x3F99];
	s0 =	simm.s32 @p0 $0x1  }
0x13: {  	[smem:$0x3FB4] =	sst s0;
	s0 =	simm.s32 @!p1 $0x0  }
0x14: {  	s2 =	sld [smem:$0x3F98];
	s0 =	simm.s32 @p1 $0x1  }
0x15: {  	[smem:$0x3FB5] =	sst s0;
	s0 =	simm.s32 @!p2 $0x0  }
0x16: {  	s3 =	sld [smem:$0x3FDB];
	s0 =	simm.s32 @p2 $0x1  }
0x17: {  	s4 =	simm.s32 $0x1BF5;
	[smem:$0x3FB7] =	sst s0  }
0x18: {  	s0 =	sld [smem:$0x3F9A];
	_ =	swait.ge [sflag:s4], $0x0  }
0x19: {  	s7 =	sld [smem:$0x3F9B]  }
0x1a: {  	s8 =	sadd.s32 $0xFFFFE003, lr  }
0x1b: {  	s9 =	sadd.s32 $0xFFFFFEF7, lr;
	s5 =	simm.s32 $0xFFFFFFFF;
	p2 =	slt.u32 s8, $0xFFFFF086  }
0x1c: {  	p1 =	slt.u32 s9, $0xF7A;
	s5 =	simm.s32 @!p2 $0x0  }
0x1d: {  	s5 =	simm.s32 @p1 $0x1;
	p0 =	seq.s32 s7, s2  }
0x1e: {  	s7 =	smul.u32 @!p0 $0xF7A, s2;
	p2 =	seq.s32 @!p0 s5, $0x0  }
0x1f: {  	s9 =	smul.u32 $0xF7A, s1;
	s8 =	simm.s32 @!p0 $0x1BF5;
	p2 =	por !p2, p0  }
0x20: {  	[sflag:s8] =	ssyncset.s32 @!p0 $0xFFFFF086;
	s6 =	sadd.s32 @!p0 s3, s7;
	s7 =	simm.s32 @!p0 $0x108  }
0x21: {  	s3 =	sadd.s32 s3, s9;
	s6 =	sadd.s32 @!p0 $0x88, s6;
	s7 =	simm.s32 @p2 $0x1082  }
0x22: {  	[simem:s7], [sflag:s8] =	dma.local @!p0 [hbm:s6], $0xF7A  }
0x23: {  	s9 =	sor.u32 $0xD0000000, s2;
	s6 =	simm.s32 $0x108;
	_ =	swait.ge @!p0 [sflag:s8], $0x0  }
0x24: {  	s3 =	sadd.s32 $0x88, s3;
	s6 =	simm.s32 @!p1 $0x1082;
	[sflag:s4] =	ssyncset.s32 $0xFFFFF086  }
0x25: {  	[simem:s6], [sflag:s4] =	dma.local [hbm:s3], $0xF7A  }
0x26: {  	[smem:$0x3F9B] =	sst s1;
	(tag) =	ssettag s2;
	_ =	strace s9  }
0x27: {  	s1 =	sld [smem:$0x3FAB]  }
0x28: {  	s2 =	sld [smem:$0x3FAC]  }
0x29: {  	s4 =	sld [smem:$0x3FAE]  }
0x2a: {  	p0 =	seq.s32 s5, $0x0;
	s5 =	sld [smem:$0x3FAF]  }
0x2b: {  	s6 =	sld [smem:$0x3FB0]  }
0x2c: {  	s7 =	sld [smem:$0x3FB1]  }
0x2d: {  	s3 =	simm.s32 $0x108;
	s8 =	sld [smem:$0x3FB2]  }
0x2e: {  	s3 =	simm.s32 @!p0 $0x1082;
	s9 =	sld [smem:$0x3FB3]  }
0x2f: {  	lr =	sadd.s32 s0, s3;
	s0 =	sld [smem:$0x3FAA]  }
0x30: {  	s3 =	sld [smem:$0x3FAD]  }
0x31: {  	[smem:$0x3FB6] =	sst s10  }
0x32: {  	s10 =	sld [smem:$0x3FB4];
	_ =	sdelay $0x3  }
0x33: {  	p0 =	seq.s32 s10, $0x1;
	s10 =	sld [smem:$0x3FB6];
	_ =	sdelay $0x3  }
0x34: {  	[smem:$0x3FB6] =	sst s10  }
0x35: {  	s10 =	sld [smem:$0x3FB5];
	_ =	sdelay $0x3  }
0x36: {  	p1 =	seq.s32 s10, $0x1;
	s10 =	sld [smem:$0x3FB6];
	_ =	sdelay $0x3  }
0x37: {  	[smem:$0x3FB6] =	sst s10  }
0x38: {  	s10 =	sld [smem:$0x3FB7]  }
0x39: {  	_ = 	snop;
	(pc) =	sbr.ind lr, $3  }
0x3a: {  	_ = 	snop  }
0x3b: {  	_ = 	snop  }
0x3c: {  	p2 =	seq.s32 s10, $0x1;
	s10 =	sld [smem:$0x3FB6]  }
0x3d: {  	_ =	shalt  }
0x3e: {  	_ =	shalt  }
0x3f: {  	_ =	shalt  }
0x40: {  	_ =	shalt  }
0x41: {  	_ =	shalt  }
0x42: {  	_ =	shalt  }
0x43: {  	_ =	shalt  }
0x44: {  	_ =	shalt  }
0x45: {  	_ =	shalt  }
0x46: {  	_ =	shalt  }
0x47: {  	_ =	shalt  }
0x48: {  	_ =	shalt  }
0x49: {  	_ =	shalt  }
0x4a: {  	_ =	shalt  }
0x4b: {  	_ =	shalt  }
0x4c: {  	_ =	shalt  }
0x4d: {  	_ =	shalt  }
0x4e: {  	_ =	shalt  }
0x4f: {  	_ =	shalt  }
0x50: {  	_ =	shalt  }
0x51: {  	_ =	shalt  }
0x52: {  	_ =	shalt  }
0x53: {  	_ =	shalt  }
0x54: {  	_ =	shalt  }
0x55: {  	_ =	shalt  }
0x56: {  	_ =	shalt  }
0x57: {  	_ =	shalt  }
0x58: {  	_ =	shalt  }
0x59: {  	_ =	shalt  }
0x5a: {  	_ =	shalt  }
0x5b: {  	_ =	shalt  }
0x5c: {  	_ =	shalt  }
0x5d: {  	_ =	shalt  }
0x5e: {  	_ =	shalt  }
0x5f: {  	_ =	shalt  }
0x60: {  	_ =	shalt  }
0x61: {  	_ =	shalt  }
0x62: {  	_ =	shalt  }
0x63: {  	_ =	shalt  }
0x64: {  	_ =	shalt  }
0x65: {  	_ =	shalt  }
0x66: {  	_ =	shalt  }
0x67: {  	_ =	shalt  }
0x68: {  	_ =	shalt  }
0x69: {  	_ =	shalt  }
0x6a: {  	_ =	shalt  }
0x6b: {  	_ =	shalt  }
0x6c: {  	_ =	shalt  }
0x6d: {  	_ =	shalt  }
0x6e: {  	_ =	shalt  }
0x6f: {  	_ =	shalt  }
0x70: {  	_ =	shalt  }
0x71: {  	_ =	shalt  }
0x72: {  	_ =	shalt  }
0x73: {  	_ =	shalt  }
0x74: {  	_ =	shalt  }
0x75: {  	_ =	shalt  }
0x76: {  	_ =	shalt  }
0x77: {  	_ =	shalt  }
0x78: {  	_ =	shalt  }
0x79: {  	_ =	shalt  }
0x7a: {  	_ =	shalt  }
0x7b: {  	_ =	shalt  }
0x7c: {  	_ =	shalt  }
0x7d: {  	_ =	shalt  }
0x7e: {  	_ =	shalt  }
0x7f: {  	_ =	shalt  }
0x80: {  	_ =	shalt  }
0x81: {  	_ =	shalt  }
0x82: {  	_ =	shalt  }
0x83: {  	_ =	shalt  }
0x84: {  	_ =	shalt  }
0x85: {  	_ =	shalt  }
0x86: {  	_ =	shalt  }
0x87: {  	_ =	shalt  }
.Lfunc_end0:
.L_simem_size_0:
called_computation.1_lowered:
.L_overlay_start_0:
0x88: {  	s2 =	sld [smem:$0x3FD9]  }
0x89: {  	s3 =	sld [smem:$0x3FFE];
	_ =	sdelay $0x1  }
0x8a: {  	s1 =	srdreg.scid  }
0x8b: {  	s0 =	sand.u32 $0x1, s1  }
0x8c: {  	s17 =	sshll.u32 s0, $0xA;
	s2 =	sadd.s32 s3, s2  }
0x8d: {  	s2 =	sadd.s32 s2, s17  }
0x8e: {  	[smem:$0x3FC2] =	sst s2  }
0x8f: {  	_ = 	snop  }
0x90: {  	s4 =	sld [smem:$0x3FC9]  }
0x91: {  	s5 =	sld [smem:$0x3FC8]  }
0x92: {  	s18 =	sld [smem:$0x3FD0];
	(tm) =	ssettm $0x1  }
0x93: {  	s19 =	sld [smem:$0x3FFB];
	_ =	sdelay $0x3  }
0x94: {  	_ =	strace s19  }
0x95: {  	s2 =	sld [smem:$0x3FFC];
	_ =	sdelay $0x3  }
0x96: {  	_ =	strace s2  }
0x97: {  	s2 =	sld [smem:$0x3FFD];
	_ =	sdelay $0x3  }
0x98: {  	_ =	strace s2  }
0x99: {  	_ =	strace $0x8FFFFFFF  }
0x9a: {  	s20 =	sld [smem:$0x3FDB];
	_ =	sdelay $0x1  }
0x9b: {  	s6 =	simm.s32 $_scs_section_size  }
0x9c: {  	s7 =	simm.s32 $_size__tile_overlayer_lowered;
	s8 =	simm.s32 $_tile_overlayer_lowered  }
0x9d: {  	s9 =	simm.s32 $0x1BFF;
	s21 =	sshll.u32 s8, $0x1;
	s6 =	sadd.s32 s6, s20  }
0x9e: {  	s22 =	simm.s32 $0x0;
	s7 =	sshll.u32 s7, $0x1;
	s8 =	sadd.s32 s21, s6  }
0x9f: {  	[timem:s22], [sflag:s9] =	dma.local [hbm:s8], s7  }
0xa0: {  	_ =	swait.ge [sflag:s9], s7  }
0xa1: {  	s7 =	ssub.s32 $0x0, s7;
	[sflag:s9] =	ssyncset.done $0x0  }
0xa2: {  	[sflag:s9] =	ssyncadd.s32 s7;
	_ =	sdelay $0x1  }
0xa3: {  	s23 =	simm.s32 $0x1B8B  }
0xa4: {  	_ =	swait.ge [sflag:s23], $0x1  }
0xa5: {  	[sflag:s23] =	ssyncset.done $0x0  }
0xa6: {  	[sflag:s23] =	ssyncadd.s32 $0xFFFFFFFF  }
0xa7: {  	s7 =	sld [smem:$0x0]  }
0xa8: {  	s8 =	sand.u32 $0xFFFFFFFE, s1  }
0xa9: {  	p0 =	sne.s32 s1, s8  }
0xaa: {  	s8 =	sshll.u32 @p0 s8, $0xE  }
0xab: {  	s8 =	sadd.s32 @p0 $0x11B8D, s8;
	s9 =	sshll.u32 @p0 s7, $0x11  }
0xac: {  	s8 =	sor.u32 @p0 s9, s8  }
0xad: {  	[sflag:s8] =	ssyncadd.remote.s32 @p0 $0x1;
	_ =	sdelay $0x1  }
0xae: {  	s8 =	simm.s32 @p0 $0x1B8D  }
0xaf: {  	_ =	swait.eq @p0 [sflag:s8], $0x1  }
0xb0: {  	[sflag:s8] =	ssyncadd.s32 @p0 $0xFFFFFFFF  }
0xb1: {  	s9 =	sshll.u32 @!p0 s1, $0xE  }
0xb2: {  	s9 =	sor.u32 @!p0 $0x4000, s9;
	s8 =	simm.s32 @!p0 $0x1B8D  }
0xb3: {  	s7 =	sshll.u32 @!p0 s7, $0x11;
	s9 =	sadd.s32 @!p0 $0x11B8D, s9;
	_ =	swait.eq @!p0 [sflag:s8], $0x1  }
0xb4: {  	s7 =	sor.u32 @!p0 s7, s9;
	[sflag:s8] =	ssyncadd.s32 @!p0 $0xFFFFFFFF  }
0xb5: {  	s25 =	simm.s32 $0x1B8E;
	s24 =	sld [smem:$0x3FFE];
	[sflag:s7] =	ssyncadd.remote.s32 @!p0 $0x1  }
0xb6: {  	s26 =	simm.s32 $execute0_lowered;
	[smem:$0x3FD2] =	sst s25  }
0xb7: {  	s8 =	sshll.u32 s26, $0x1;
	_ =	strace $0x80000049;
	[dreg:$0x1] =	wrdreg $0xFFFFFFFF  }
0xb8: {  	s28 =	simm.s32 $_size_execute0_lowered;
	s6 =	sadd.s32 s6, s8;
	[dreg:$0x0] =	wrdreg $0x0  }
0xb9: {  	s8 =	sshll.u32 s28, $0x1;
	[dreg:$0x2] =	wrdreg s6  }
0xba: {  	[dreg:$0x3] =	wrdreg s8  }
0xbb: {  	[dreg:$0x4] =	wrdreg $0xC0  }
0xbc: {  	_ =	task [dreg:s22], $0x5FFFF  }
0xbd: {  	[dreg:$0x1] =	wrdreg $0xFFFFFFFF  }
0xbe: {  	[dreg:$0x0] =	wrdreg $0x60  }
0xbf: {  	[dreg:$0x2] =	wrdreg s4  }
0xc0: {  	[dreg:$0x3] =	wrdreg s5  }
0xc1: {  	[dreg:$0x4] =	wrdreg s24  }
0xc2: {  	[dreg:$0x5] =	wrdreg s18  }
0xc3: {  	[dreg:$0x6] =	wrdreg $0xA  }
0xc4: {  	_ =	task.clear_ibuf [dreg:s22], $0x7FFFF;
	_ =	strace $0x90000049  }
0xc5: {  	s29 =	simm.s32 $0xA;
	_ =	strace $0x8000004B  }
0xc6: {  	_ =	swait.ge [sflag:s29], $0x1  }
0xc7: {  	[sflag:s29] =	ssyncadd.s32 $0xFFFFFFFF  }
0xc8: {  	_ =	strace $0x9000004B  }
0xc9: {  	_ =	sfence  }
0xca: {  	s30 =	sld [smem:$0x0];
	_ =	sdelay $0x2  }
0xcb: {  	s31 =	sshll.u32 s1, $0xD;
	s1 =	sshrl.u32 s1, $0x2  }
0xcc: {  	s4 =	sand.u32 $0x4000, s31;
	s1 =	sadd.s32 s1, s30  }
0xcd: {  	s0 =	sor.u32 s4, s0;
	s1 =	sshll.u32 s1, $0x11  }
0xce: {  	s0 =	sor.u32 s1, s0  }
0xcf: {  	s0 =	sadd.s32 $0x8F2B, s0  }
0xd0: {  	[sflag:s0] =	ssyncadd.remote.s32 $0x1  }
0xd1: {  	_ =	sfence.sel $0xFFFF  }
0xd2: {  	[dreg:$0x0] =	wrdreg $0xFFFFFFFF;
	(pc) =	sbr.abs _section_cstart, $3  }
0xd3: {  	[dreg:$0x1] =	wrdreg $0xFFFFFFFF  }
0xd4: {  	_ =	task.clear_ibuf [dreg:s22], $0x2FFFF;
	_ =	strace $0x9FFFFFFF  }
0xd5: {  	(tm) =	ssettm $0x7FFFFFFF  }
tec
execute0_lowered:
.L_overlay_start_1:
0x0: {  	(tag) =	ssettag $0x1  }
0x1: {  	s5 =	rddreg [dreg:$0x0]  }
0x2: {  	s6 =	rddreg [dreg:$0x1]  }
0x3: {  	s4 =	rddreg [dreg:$0x2]  }
0x4: {  	s7 =	rddreg [dreg:$0x3]  }
0x5: {  	s0 =	rddreg [dreg:$0x4]  }
0x6: {  	s2 =	simm.s32 $0x0;
	s3 =	srdreg.scid;
	s1 =	stileid.u32  }
0x7: {  	s12 =	simm.s32 $0x400;
	s13 =	simm.s32 $0x600;
	s14 =	simm.s32 $0x480  }
0x8: {  	s15 =	simm.s32 $0x280;
	s16 =	simm.s32 $0x680;
	s17 =	simm.s32 $0x100  }
0x9: {  	s18 =	simm.s32 $0x500;
	s19 =	simm.s32 $0x300;
	s20 =	simm.s32 $0x700  }
0xa: {  	s21 =	simm.s32 $0x180;
	s22 =	simm.s32 $0x580;
	s23 =	simm.s32 $0x380  }
0xb: {  	s24 =	simm.s32 $0x780;
	s25 =	simm.s32 $0x1;
	s26 =	simm.s32 $0x800  }
0xc: {  	[smem:$0x7FF] =	sst s2;
	s3 =	sand.u32 $0x1, s3;
	s9 =	sshll.u32 s1, $0x7  }
0xd: {  	_ =	strace $0x8000004A;
	s8 =	ssub.s32 $0x2, s3;
	s10 =	sshll.u32 s3, $0x6  }
0xe: {  	s3 =	sadd.s32 $0x1F400, s4;
	s4 =	sadd.s32 $0xA00, s4;
	s11 =	sshrl.u32 s8, $0x1  }
0xf: {  	s9 =	sor.u32 s10, s9;
	s10 =	simm.s32 $0x200;
	s8 =	ssub.s32 s8, s11  }
0x10: {  	s5 =	sadd.s32 s5, s9;
	s6 =	sadd.s32 s6, s9;
	s7 =	sadd.s32 s7, s9  }
0x11: {  	s9 =	simm.s32 $0x2;
	s11 =	simm.s32 $0x80;
	s8 =	smax.u32 s8, $0x1  }
.LBB2_1:
0x12: {  	[tilespmem:s2], [sflag:$0x2] =	stream.linear.gather [hbm4b:s5+s2], $0x200, $0x38;
	[tilespmem:$0xA00] =	vst v63  }
0x13: {  	_ =	swait.ge [sflag:s9], $0x200  }
0x14: {  	[sflag:s9] =	ssyncset.done $0x0  }
0x15: {  	[sflag:s9] =	ssyncadd.s32 $0xFFFFFE00  }
0x16: {  	[tilespmem:s10], [sflag:$0x2] =	stream.linear.gather [hbm4b:s6+s2], $0x200, $0x38;
	[tilespmem:$0xA00] =	vst v63  }
0x17: {  	_ =	swait.ge [sflag:s9], $0x200  }
0x18: {  	[sflag:s9] =	ssyncset.done $0x0  }
0x19: {  	[sflag:s9] =	ssyncadd.s32 $0xFFFFFE00  }
0x1a: {  	[tilespmem:s12], [sflag:$0x1] =	stream.indirect.gather [hbm4b:s3+s11], $0x1, s2, s11, $0xb8;
	[tilespmem:$0xA00] =	vst v63  }
0x1b: {  	_ = 	snop  }
0x1c: {  	[tilespmem:s13], [sflag:$0x1] =	stream.indirect.gather [hbm4b:s4+s11], $0x1, s10, s11, $0xb8;
	[tilespmem:$0xA00] =	vst v63  }
0x1d: {  	_ = 	snop  }
0x1e: {  	[tilespmem:s14], [sflag:$0x1] =	stream.indirect.gather [hbm4b:s3+s11], $0x1, s11, s11, $0xb8;
	[tilespmem:$0xA00] =	vst v63  }
0x1f: {  	_ = 	snop  }
0x20: {  	[tilespmem:s16], [sflag:$0x1] =	stream.indirect.gather [hbm4b:s4+s11], $0x1, s15, s11, $0xb8;
	[tilespmem:$0xA00] =	vst v63  }
0x21: {  	_ = 	snop  }
0x22: {  	[tilespmem:s18], [sflag:$0x1] =	stream.indirect.gather [hbm4b:s3+s11], $0x1, s17, s11, $0xb8;
	[tilespmem:$0xA00] =	vst v63  }
0x23: {  	_ = 	snop  }
0x24: {  	[tilespmem:s20], [sflag:$0x1] =	stream.indirect.gather [hbm4b:s4+s11], $0x1, s19, s11, $0xb8;
	[tilespmem:$0xA00] =	vst v63  }
0x25: {  	_ = 	snop  }
0x26: {  	[tilespmem:s22], [sflag:$0x1] =	stream.indirect.gather [hbm4b:s3+s11], $0x1, s21, s11, $0xb8;
	[tilespmem:$0xA00] =	vst v63  }
0x27: {  	_ = 	snop  }
0x28: {  	[tilespmem:s24], [sflag:$0x1] =	stream.indirect.gather [hbm4b:s4+s11], $0x1, s23, s11, $0xb8;
	[tilespmem:$0xA00] =	vst v63  }
0x29: {  	_ =	swait.ge [sflag:s25], $0x80  }
0x2a: {  	[sflag:s25] =	ssyncset.done $0x0  }
0x2b: {  	[sflag:s25] =	ssyncadd.s32 $0xFFFFFF80  }
0x2c: {  	_ =	swait.ge [sflag:s25], $0x80  }
0x2d: {  	[sflag:s25] =	ssyncset.done $0x0  }
0x2e: {  	[sflag:s25] =	ssyncadd.s32 $0xFFFFFF80  }
0x2f: {  	_ =	swait.ge [sflag:s25], $0x80  }
0x30: {  	[sflag:s25] =	ssyncset.done $0x0  }
0x31: {  	[sflag:s25] =	ssyncadd.s32 $0xFFFFFF80  }
0x32: {  	_ =	swait.ge [sflag:s25], $0x80  }
0x33: {  	[sflag:s25] =	ssyncset.done $0x0  }
0x34: {  	[sflag:s25] =	ssyncadd.s32 $0xFFFFFF80  }
0x35: {  	_ =	swait.ge [sflag:s25], $0x80  }
0x36: {  	[sflag:s25] =	ssyncset.done $0x0  }
0x37: {  	[sflag:s25] =	ssyncadd.s32 $0xFFFFFF80  }
0x38: {  	_ =	swait.ge [sflag:s25], $0x80  }
0x39: {  	[sflag:s25] =	ssyncset.done $0x0  }
0x3a: {  	[sflag:s25] =	ssyncadd.s32 $0xFFFFFF80  }
0x3b: {  	_ =	swait.ge [sflag:s25], $0x80  }
0x3c: {  	[sflag:s25] =	ssyncset.done $0x0  }
0x3d: {  	[sflag:s25] =	ssyncadd.s32 $0xFFFFFF80  }
0x3e: {  	_ =	swait.ge [sflag:s25], $0x80  }
0x3f: {  	[sflag:s25] =	ssyncset.done $0x0  }
0x40: {  	[sflag:s25] =	ssyncadd.s32 $0xFFFFFF80  }
0x41: {  	v0 =	vld [tilespmem:$0x400]  }
0x42: {  	v1 =	vld [tilespmem:$0x600]  }
0x43: {  	v2 =	vld [tilespmem:$0x410]  }
0x44: {  	v3 =	vld [tilespmem:$0x610]  }
0x45: {  	v4 =	vld [tilespmem:$0x420]  }
0x46: {  	v5 =	vld [tilespmem:$0x620]  }
0x47: {  	v6 =	vld [tilespmem:$0x430]  }
0x48: {  	v7 =	vld [tilespmem:$0x630]  }
0x49: {  	v8 =	vld [tilespmem:$0x440]  }
0x4a: {  	v9 =	vld [tilespmem:$0x640]  }
0x4b: {  	v10 =	vld [tilespmem:$0x450]  }
0x4c: {  	v11 =	vld [tilespmem:$0x650]  }
0x4d: {  	v12 =	vld [tilespmem:$0x460]  }
0x4e: {  	v13 =	vld [tilespmem:$0x660]  }
0x4f: {  	v14 =	vld [tilespmem:$0x470]  }
0x50: {  	v15 =	vld [tilespmem:$0x670]  }
0x51: {  	v16 =	vld [tilespmem:$0x480]  }
0x52: {  	v17 =	vld [tilespmem:$0x680]  }
0x53: {  	v18 =	vld [tilespmem:$0x490]  }
0x54: {  	v19 =	vld [tilespmem:$0x690]  }
0x55: {  	v20 =	vld [tilespmem:$0x4A0]  }
0x56: {  	v21 =	vld [tilespmem:$0x6A0]  }
0x57: {  	v22 =	vld [tilespmem:$0x4B0]  }
0x58: {  	v23 =	vld [tilespmem:$0x6B0]  }
0x59: {  	v24 =	vld [tilespmem:$0x4C0]  }
0x5a: {  	v25 =	vld [tilespmem:$0x6C0]  }
0x5b: {  	v26 =	vld [tilespmem:$0x4D0]  }
0x5c: {  	v27 =	vld [tilespmem:$0x6D0]  }
0x5d: {  	v28 =	vld [tilespmem:$0x4E0]  }
0x5e: {  	v29 =	vld [tilespmem:$0x6E0]  }
0x5f: {  	v30 =	vld [tilespmem:$0x4F0]  }
0x60: {  	v31 =	vld [tilespmem:$0x6F0]  }
0x61: {  	v32 =	vld [tilespmem:$0x500]  }
0x62: {  	v33 =	vld [tilespmem:$0x700]  }
0x63: {  	v34 =	vld [tilespmem:$0x510]  }
0x64: {  	v35 =	vld [tilespmem:$0x710]  }
0x65: {  	v36 =	vld [tilespmem:$0x520]  }
0x66: {  	v46 =	vld [tilespmem:$0x720];
	v0 =	vadd.f32 v1, v0  }
0x67: {  	v47 =	vld [tilespmem:$0x530];
	v2 =	vadd.f32 v3, v2  }
0x68: {  	v49 =	vld [tilespmem:$0x730];
	v48 =	vadd.f32 v5, v4;
	[tilespmem:$0x800] =	vst v0  }
0x69: {  	v51 =	vld [tilespmem:$0x540];
	v50 =	vadd.f32 v7, v6;
	[tilespmem:$0x810] =	vst v2  }
0x6a: {  	v53 =	vld [tilespmem:$0x740];
	v52 =	vadd.f32 v9, v8;
	[tilespmem:$0x820] =	vst v48  }
0x6b: {  	v55 =	vld [tilespmem:$0x550];
	v54 =	vadd.f32 v11, v10;
	[tilespmem:$0x830] =	vst v50  }
0x6c: {  	v57 =	vld [tilespmem:$0x750];
	v56 =	vadd.f32 v13, v12;
	[tilespmem:$0x840] =	vst v52  }
0x6d: {  	v59 =	vld [tilespmem:$0x560];
	v58 =	vadd.f32 v15, v14;
	[tilespmem:$0x850] =	vst v54  }
0x6e: {  	v61 =	vld [tilespmem:$0x760];
	v60 =	vadd.f32 v17, v16;
	[tilespmem:$0x860] =	vst v56  }
0x6f: {  	v63 =	vld [tilespmem:$0x570];
	v62 =	vadd.f32 v19, v18;
	[tilespmem:$0x870] =	vst v58  }
0x70: {  	v37 =	vld [tilespmem:$0x5A0];
	v20 =	vadd.f32 v21, v20;
	[tilespmem:$0x880] =	vst v60  }
0x71: {  	v39 =	vld [tilespmem:$0x7A0];
	v22 =	vadd.f32 v23, v22;
	[tilespmem:$0x890] =	vst v62  }
0x72: {  	v41 =	vld [tilespmem:$0x5B0];
	v24 =	vadd.f32 v25, v24;
	[tilespmem:$0x8A0] =	vst v20  }
0x73: {  	v43 =	vld [tilespmem:$0x7B0];
	v26 =	vadd.f32 v27, v26;
	[tilespmem:$0x8B0] =	vst v22  }
0x74: {  	v45 =	vld [tilespmem:$0x5C0];
	v28 =	vadd.f32 v29, v28;
	[tilespmem:$0x8C0] =	vst v24  }
0x75: {  	v21 =	vld [tilespmem:$0x770];
	v31 =	vadd.f32 v31, v30;
	[tilespmem:$0x8D0] =	vst v26  }
0x76: {  	v23 =	vld [tilespmem:$0x580];
	v38 =	vadd.f32 v33, v32;
	[tilespmem:$0x8E0] =	vst v28  }
0x77: {  	v25 =	vld [tilespmem:$0x780];
	v40 =	vadd.f32 v35, v34;
	[tilespmem:$0x8F0] =	vst v31  }
0x78: {  	v27 =	vld [tilespmem:$0x590];
	v42 =	vadd.f32 v46, v36;
	[tilespmem:$0x900] =	vst v38  }
0x79: {  	v29 =	vld [tilespmem:$0x790];
	v44 =	vadd.f32 v49, v47;
	[tilespmem:$0x910] =	vst v40  }
0x7a: {  	v46 =	vadd.f32 v53, v51;
	v47 =	vld [tilespmem:$0x7C0];
	[tilespmem:$0x920] =	vst v42  }
0x7b: {  	v49 =	vld [tilespmem:$0x5D0];
	v1 =	vadd.f32 v43, v41;
	[tilespmem:$0x930] =	vst v44  }
0x7c: {  	v51 =	vld [tilespmem:$0x7D0];
	v48 =	vadd.f32 v57, v55;
	[tilespmem:$0x940] =	vst v46  }
0x7d: {  	v53 =	vld [tilespmem:$0x5E0];
	v50 =	vadd.f32 v61, v59;
	[tilespmem:$0x9B0] =	vst v1  }
0x7e: {  	v55 =	vld [tilespmem:$0x7E0];
	v58 =	vadd.f32 v39, v37;
	[tilespmem:$0x950] =	vst v48  }
0x7f: {  	v57 =	vld [tilespmem:$0x5F0];
	[tilespmem:$0x960] =	vst v50;
	v52 =	vadd.f32 v21, v63  }
0x80: {  	v59 =	vld [tilespmem:$0x7F0];
	[tilespmem:$0x9A0] =	vst v58;
	v54 =	vadd.f32 v25, v23  }
0x81: {  	v56 =	vadd.f32 v29, v27;
	[tilespmem:$0x970] =	vst v52  }
0x82: {  	v60 =	vadd.f32 v47, v45;
	[tilespmem:$0x980] =	vst v54  }
0x83: {  	v61 =	vadd.f32 v51, v49;
	[tilespmem:$0x990] =	vst v56  }
0x84: {  	[tilespmem:$0x9C0] =	vst v60;
	v62 =	vadd.f32 v55, v53  }
0x85: {  	[tilespmem:$0x9D0] =	vst v61;
	v63 =	vadd.f32 v59, v57  }
0x86: {  	p0 =	sne.s32 s8, $0x1;
	[tilespmem:$0x9E0] =	vst v62  }
.Ltmp0:
0x87: {  	[tilespmem:$0x9F0] =	vst v63;
	(pc) =	sbr.rel @p0 .LBB2_1-.Ltmp0, $4  }
0x88: {  	[hbm4b:s7+s2] =	stream.linear.scatter [tilespmem:s26], [sflag:$0x2], $0x200, $0x38;
	[tilespmem:$0xA00] =	vst v63  }
0x89: {  	_ =	swait.ge [sflag:s9], $0x200  }
0x8a: {  	[sflag:s9] =	ssyncset.done $0x0  }
0x8b: {  	s8 =	sadd.s32 $0xFFFFFFFF, s8;
	[sflag:s9] =	ssyncadd.s32 $0xFFFFFE00  }
0x8c: {  	_ =	sfence.sel $0x180000  }
0x8d: {  	[bflag:$0x0] =	sbarrier.arrive $0xFFFF  }
0x8e: {  	p0 =	sne.s32 s1, $0x0;
	_ =	strace $0x9000004A  }
0x8f: {  	s0 =	sadd.s32 @!p0 $0x100000, s0;
	[bflag:$0x2] =	sbarrier.arrive $0xFFFF  }
0x90: {  	[sflag:s0] =	ssyncadd.tile.s32 @!p0 $0x1;
	_ =	shalt  }
.Lfunc_end2:
_tile_overlayer_lowered:
.L_overlay_start_2:
0x91: {  	(tag) =	ssettag $0x2  }
0x92: {  	s0 =	rddreg [dreg:$0x0];
	s2 =	stileid.u32  }
0x93: {  	s1 =	rddreg [dreg:$0x1];
	p0 =	sne.s32 s2, $0x0  }
0x94: {  	s3 =	rddreg [dreg:$0x2];
	[bflag:$0x3] =	sbarrier.arrive $0xFFFF;
	s2 =	simm.s32 @!p0 $0x1C02  }
0x95: {  	[timem:s3], [sflag:s2] =	dma.local @!p0 [hbm:s0], s1  }
0x96: {  	s0 =	simm.s32 @!p0 $0x2  }
0x97: {  	_ =	swait.ge @!p0 [sflag:s0], s1  }
0x98: {  	s1 =	ssub.s32 @!p0 $0x0, s1;
	[sflag:s0] =	ssyncset.done @!p0 $0x0  }
0x99: {  	[sflag:s0] =	ssyncadd.s32 @!p0 s1  }
0x9a: {  	[bflag:$0x3] =	sbarrier.arrive $0xFFFF  }
0x9b: {  	_ =	shalt  }

</sc_bundles>
